<compile_context>
chip_gen: v7x
topology: tpu7x:2x2x1
jax: 0.10.2.dev20260603
libtpu: 0.0.44.dev20260713+nightly
codegen_flags: <defaults>
</compile_context>

<pallas_src>
import jax
import jax.numpy as jnp
from jax import lax
from jax.experimental import pallas as pl
from jax.experimental.pallas import tpu as pltpu
from jax.experimental.pallas import tpu_sc as plsc

NC = 2
NS = 16
L = 16
NW = NC * NS

B = 16384
D = 16
BPW = B // NW
ICH = 128
NCH = BPW // ICH
NG = BPW // L


def _mf_kernel(user_hbm, item_hbm, bias_hbm, utab_t_hbm, itab_t_hbm,
               xui_hbm, beta_hbm, gu_t_hbm, gi_t_hbm,
               idx_u, idx_i, bufs_u, bufs_i, cols_u, cols_i, beta_v, xui_v,
               sem_u, sem_i, sem_b):
    wid = lax.axis_index("s") * NC + lax.axis_index("c")
    base = wid * BPW
    lanes = lax.iota(jnp.int32, L)

    for j in range(NCH):
        s = pl.ds(base + j * ICH, ICH)
        pltpu.sync_copy(user_hbm.at[s], idx_u.at[j])
        pltpu.sync_copy(item_hbm.at[s], idx_i.at[j])

    bias_cps = [
        pltpu.async_copy(bias_hbm.at[idx_i.at[j]],
                         beta_v.at[pl.ds(j * ICH, ICH)], sem_b)
        for j in range(NCH)
    ]
    for cp in bias_cps:
        cp.wait()

    def group(g, _):
        vec_u = idx_u[g // 8, pl.ds((g % 8) * L, L)]
        vec_i = idx_i[g // 8, pl.ds((g % 8) * L, L)]
        cps = []
        for l in range(L):
            ju = pl.multiple_of((vec_u[l] // 128) * 128, 128)
            ji = pl.multiple_of((vec_i[l] // 128) * 128, 128)
            cps.append(pltpu.async_copy(
                utab_t_hbm.at[:, pl.ds(ju, 128)], bufs_u.at[l], sem_u))
            cps.append(pltpu.async_copy(
                itab_t_hbm.at[:, pl.ds(ji, 128)], bufs_i.at[l], sem_i))
        for cp in cps:
            cp.wait()
        for l in range(L):
            col = jnp.full((L,), g * L + l, jnp.int32)
            rm_u = jnp.full((L,), vec_u[l] % 128, jnp.int32)
            rm_i = jnp.full((L,), vec_i[l] % 128, jnp.int32)
            plsc.store_scatter(cols_u, [lanes, col],
                               plsc.load_gather(bufs_u.at[l], [lanes, rm_u]))
            plsc.store_scatter(cols_i, [lanes, col],
                               plsc.load_gather(bufs_i.at[l], [lanes, rm_i]))
        s = pl.ds(g * L, L)
        acc = beta_v[s]
        for c in range(D):
            acc = acc + cols_u[c, s] * cols_i[c, s]
        xui_v[s] = acc
        return _
    lax.fori_loop(0, NG, group, 0)

    pltpu.sync_copy(cols_u, gu_t_hbm.at[:, pl.ds(base, BPW)])
    pltpu.sync_copy(cols_i, gi_t_hbm.at[:, pl.ds(base, BPW)])
    pltpu.sync_copy(beta_v, beta_hbm.at[pl.ds(base, BPW)])
    pltpu.sync_copy(xui_v, xui_hbm.at[pl.ds(base, BPW)])


@jax.jit
def _mf(user, item, bias_item, user_mf_embedding, item_mf_embedding):
    mesh = plsc.VectorSubcoreMesh(core_axis_name="c", subcore_axis_name="s")
    out_type = (
        jax.ShapeDtypeStruct((B,), jnp.float32),
        jax.ShapeDtypeStruct((B,), jnp.float32),
        jax.ShapeDtypeStruct((D, B), jnp.float32),
        jax.ShapeDtypeStruct((D, B), jnp.float32),
    )
    scratch = [
        pltpu.VMEM((NCH, ICH), jnp.int32),
        pltpu.VMEM((NCH, ICH), jnp.int32),
        pltpu.VMEM((L, D, 128), jnp.float32),
        pltpu.VMEM((L, D, 128), jnp.float32),
        pltpu.VMEM((D, BPW), jnp.float32),
        pltpu.VMEM((D, BPW), jnp.float32),
        pltpu.VMEM((BPW,), jnp.float32),
        pltpu.VMEM((BPW,), jnp.float32),
        pltpu.SemaphoreType.DMA,
        pltpu.SemaphoreType.DMA,
        pltpu.SemaphoreType.DMA,
    ]
    run = pl.kernel(_mf_kernel, out_type=out_type, mesh=mesh,
                    scratch_types=scratch,
                    compiler_params=pltpu.CompilerParams(
                        needs_layout_passes=False,
                        use_tc_tiling_on_sc=True))
    xui, beta_i, gu_t, gi_t = run(user, item, bias_item,
                                  user_mf_embedding.T, item_mf_embedding.T)
    return xui, beta_i, gu_t.T, gi_t.T


def kernel(user, item, bias_item, user_mf_embedding, item_mf_embedding):
    return _mf(user, item, bias_item, user_mf_embedding, item_mf_embedding)

# --- scband reference (transcript-rebuilt; emitter-appended) ---
"""Pipeline reference for scband-adversarial-matrix-factorization-model-60464549593473 (READ-ONLY COPY).

The authoritative reference and input builder live on the scoring server;
editing this copy changes nothing except your own understanding.
"""

import jax, jax.numpy as jnp
import numpy as np

NUM_USERS = 1000000
NUM_ITEMS = 1000000
EMBED = 16
BATCH = 16384

def setup_inputs(seed: int = 0) -> dict:
    key = jax.random.key(seed)
    k1, k2, k3, k4 = jax.random.split(key, 4)
    user = jax.random.randint(k1, (BATCH,), 0, NUM_USERS, dtype=jnp.int64 if jax.config.jax_enable_x64 else jnp.int32).astype(jnp.int32)
    item = jax.random.randint(k2, (BATCH,), 0, NUM_ITEMS, dtype=jnp.int32)
    # parameters (GlorotUniform for embeddings, zeros for item bias)
    limit = np.sqrt(6.0 / (NUM_USERS + EMBED))
    user_mf_embedding = jax.random.uniform(k3, (NUM_USERS, EMBED), minval=-limit, maxval=limit, dtype=jnp.float32)
    limit_i = np.sqrt(6.0 / (NUM_ITEMS + EMBED))
    item_mf_embedding = jax.random.uniform(k4, (NUM_ITEMS, EMBED), minval=-limit_i, maxval=limit_i, dtype=jnp.float32)
    bias_item = jnp.zeros((NUM_ITEMS,), dtype=jnp.float32)
    return {"user": user, "item": item, "bias_item": bias_item, "user_mf_embedding": user_mf_embedding, "item_mf_embedding": item_mf_embedding}

def reference(user, item, bias_item, user_mf_embedding, item_mf_embedding):
    # non-adversarial forward path (adversarial=False): delta embeddings are zero-initialized
    beta_i = jnp.take(bias_item, item, axis=0)
    gamma_u = jnp.take(user_mf_embedding, user, axis=0)
    gamma_i = jnp.take(item_mf_embedding, item, axis=0)
    xui = beta_i + jnp.sum(gamma_u * gamma_i, axis=1)
    return (xui, beta_i, gamma_u, gamma_i)

if __name__ == "__main__":
    import jax
    _d = setup_inputs()
    print(jax.jit(kernel)(*tuple(_d.values())))

</pallas_src>

<mosaic_0001>
#map = affine_map<(d0, d1) -> (0)>
#map1 = affine_map<(d0, d1) -> (0, 0)>
module attributes {stable_mosaic.version = 14 : i64} {
  func.func @_mf_kernel(%arg0: i32, %arg1: i32, %arg2: memref<16384xi32, #tpu.memory_space<hbm>>, %arg3: memref<16384xi32, #tpu.memory_space<hbm>>, %arg4: memref<1000000xf32, #tpu.memory_space<hbm>>, %arg5: memref<16x1000000xf32, #tpu.memory_space<hbm>>, %arg6: memref<16x1000000xf32, #tpu.memory_space<hbm>>, %arg7: memref<16384xf32, #tpu.memory_space<hbm>>, %arg8: memref<16384xf32, #tpu.memory_space<hbm>>, %arg9: memref<16x16384xf32, #tpu.memory_space<hbm>>, %arg10: memref<16x16384xf32, #tpu.memory_space<hbm>>, %arg11: memref<4x128xi32, #tpu.memory_space<vmem>>, %arg12: memref<4x128xi32, #tpu.memory_space<vmem>>, %arg13: memref<16x16x128xf32, #tpu.memory_space<vmem>>, %arg14: memref<16x16x128xf32, #tpu.memory_space<vmem>>, %arg15: memref<16x512xf32, #tpu.memory_space<vmem>>, %arg16: memref<16x512xf32, #tpu.memory_space<vmem>>, %arg17: memref<512xf32, #tpu.memory_space<vmem>>, %arg18: memref<512xf32, #tpu.memory_space<vmem>>, %arg19: memref<!tpu.dma_semaphore, #tpu.memory_space<semaphore_mem>>, %arg20: memref<!tpu.dma_semaphore, #tpu.memory_space<semaphore_mem>>, %arg21: memref<!tpu.dma_semaphore, #tpu.memory_space<semaphore_mem>>) attributes {dimension_semantics = [#tpu.dimension_semantics<core_parallel>, #tpu.dimension_semantics<subcore_parallel>], iteration_bounds = array<i64: 2, 16>, scalar_prefetch = 0 : i64, scratch_operands = 11 : i64, tpu.core_type = #tpu.core_type<sc_vector_subcore>, window_params = [{transform_indices = #map}, {transform_indices = #map}, {transform_indices = #map}, {transform_indices = #map1}, {transform_indices = #map1}, {transform_indices = #map}, {transform_indices = #map}, {transform_indices = #map1}, {transform_indices = #map1}]} {
    %mul3A = arith.constant 2 : i32
    %mul3A_0 = arith.muli %arg1, %mul3A : i32
    %add3A = arith.addi %mul3A_0, %arg0 : i32
    %mul3A_1 = arith.constant 512 : i32
    %mul3A_2 = arith.muli %add3A, %mul3A_1 : i32
    %iota3A = tpu.iota {dimensions = array<i32: 0>} : vector<16xi32>
    %add3A_3 = arith.constant 0 : i32
    %add3A_4 = arith.addi %mul3A_2, %add3A_3 : i32
    %run_scoped3A = arith.constant 0 : i32
    "tpu.region"() ({
      %run_scoped3A_85 = tpu.sem_alloc : memref<!tpu.dma_semaphore, #tpu.memory_space<semaphore_mem>>
      %dma_start3A_86 = arith.constant 0 : i32
      %dma_start3A_87 = tpu.memref_slice %arg11[%run_scoped3A, %dma_start3A_86] : memref<4x128xi32, #tpu.memory_space<vmem>> -> memref<1x128xi32, #tpu.memory_space<vmem>>
      %dma_start3A_88 = tpu.memref_squeeze %dma_start3A_87 : memref<1x128xi32, #tpu.memory_space<vmem>> -> memref<128xi32, #tpu.memory_space<vmem>>
      %dma_start3A_89 = tpu.memref_slice %arg2[%add3A_4] : memref<16384xi32, #tpu.memory_space<hbm>> -> memref<128xi32, #tpu.memory_space<hbm>>
      %dma_start3A_90 = arith.constant 0 : i32
      %dma_start3A_91 = tpu.memref_slice %arg11[%run_scoped3A, %dma_start3A_90] : memref<4x128xi32, #tpu.memory_space<vmem>> -> memref<1x128xi32, #tpu.memory_space<vmem>>
      %dma_start3A_92 = tpu.memref_squeeze %dma_start3A_91 : memref<1x128xi32, #tpu.memory_space<vmem>> -> memref<128xi32, #tpu.memory_space<vmem>>
      %dma_start3A_93 = tpu.memref_slice %arg2[%add3A_4] : memref<16384xi32, #tpu.memory_space<hbm>> -> memref<128xi32, #tpu.memory_space<hbm>>
      tpu.enqueue_dma source(%dma_start3A_93 : memref<128xi32, #tpu.memory_space<hbm>>) target(%dma_start3A_92 : memref<128xi32, #tpu.memory_space<vmem>>) target_semaphore(%run_scoped3A_85 : memref<!tpu.dma_semaphore, #tpu.memory_space<semaphore_mem>>)
      %dma_wait3A_94 = arith.constant 0 : i32
      %dma_wait3A_95 = tpu.memref_slice %arg11[%run_scoped3A, %dma_wait3A_94] : memref<4x128xi32, #tpu.memory_space<vmem>> -> memref<1x128xi32, #tpu.memory_space<vmem>>
      %dma_wait3A_96 = tpu.memref_squeeze %dma_wait3A_95 : memref<1x128xi32, #tpu.memory_space<vmem>> -> memref<128xi32, #tpu.memory_space<vmem>>
      %dma_wait3A_97 = tpu.memref_slice %arg2[%add3A_4] : memref<16384xi32, #tpu.memory_space<hbm>> -> memref<128xi32, #tpu.memory_space<hbm>>
      %dma_wait3A_98 = arith.constant 0 : i32
      %dma_wait3A_99 = tpu.memref_slice %arg11[%run_scoped3A, %dma_wait3A_98] : memref<4x128xi32, #tpu.memory_space<vmem>> -> memref<1x128xi32, #tpu.memory_space<vmem>>
      %dma_wait3A_100 = tpu.memref_squeeze %dma_wait3A_99 : memref<1x128xi32, #tpu.memory_space<vmem>> -> memref<128xi32, #tpu.memory_space<vmem>>
      %dma_wait3A_101 = tpu.memref_slice %arg2[%add3A_4] : memref<16384xi32, #tpu.memory_space<hbm>> -> memref<128xi32, #tpu.memory_space<hbm>>
      tpu.wait_dma2 semaphore(%run_scoped3A_85 : memref<!tpu.dma_semaphore, #tpu.memory_space<semaphore_mem>>) src(%dma_wait3A_101 : memref<128xi32, #tpu.memory_space<hbm>>) dst(%dma_wait3A_100 : memref<128xi32, #tpu.memory_space<vmem>>)
      tpu.yield
    }) : () -> ()
    %run_scoped3A_5 = arith.constant 0 : i32
    "tpu.region"() ({
      %run_scoped3A_85 = tpu.sem_alloc : memref<!tpu.dma_semaphore, #tpu.memory_space<semaphore_mem>>
      %dma_start3A_86 = arith.constant 0 : i32
      %dma_start3A_87 = tpu.memref_slice %arg12[%run_scoped3A_5, %dma_start3A_86] : memref<4x128xi32, #tpu.memory_space<vmem>> -> memref<1x128xi32, #tpu.memory_space<vmem>>
      %dma_start3A_88 = tpu.memref_squeeze %dma_start3A_87 : memref<1x128xi32, #tpu.memory_space<vmem>> -> memref<128xi32, #tpu.memory_space<vmem>>
      %dma_start3A_89 = tpu.memref_slice %arg3[%add3A_4] : memref<16384xi32, #tpu.memory_space<hbm>> -> memref<128xi32, #tpu.memory_space<hbm>>
      %dma_start3A_90 = arith.constant 0 : i32
      %dma_start3A_91 = tpu.memref_slice %arg12[%run_scoped3A_5, %dma_start3A_90] : memref<4x128xi32, #tpu.memory_space<vmem>> -> memref<1x128xi32, #tpu.memory_space<vmem>>
      %dma_start3A_92 = tpu.memref_squeeze %dma_start3A_91 : memref<1x128xi32, #tpu.memory_space<vmem>> -> memref<128xi32, #tpu.memory_space<vmem>>
      %dma_start3A_93 = tpu.memref_slice %arg3[%add3A_4] : memref<16384xi32, #tpu.memory_space<hbm>> -> memref<128xi32, #tpu.memory_space<hbm>>
      tpu.enqueue_dma source(%dma_start3A_93 : memref<128xi32, #tpu.memory_space<hbm>>) target(%dma_start3A_92 : memref<128xi32, #tpu.memory_space<vmem>>) target_semaphore(%run_scoped3A_85 : memref<!tpu.dma_semaphore, #tpu.memory_space<semaphore_mem>>)
      %dma_wait3A_94 = arith.constant 0 : i32
      %dma_wait3A_95 = tpu.memref_slice %arg12[%run_scoped3A_5, %dma_wait3A_94] : memref<4x128xi32, #tpu.memory_space<vmem>> -> memref<1x128xi32, #tpu.memory_space<vmem>>
      %dma_wait3A_96 = tpu.memref_squeeze %dma_wait3A_95 : memref<1x128xi32, #tpu.memory_space<vmem>> -> memref<128xi32, #tpu.memory_space<vmem>>
      %dma_wait3A_97 = tpu.memref_slice %arg3[%add3A_4] : memref<16384xi32, #tpu.memory_space<hbm>> -> memref<128xi32, #tpu.memory_space<hbm>>
      %dma_wait3A_98 = arith.constant 0 : i32
      %dma_wait3A_99 = tpu.memref_slice %arg12[%run_scoped3A_5, %dma_wait3A_98] : memref<4x128xi32, #tpu.memory_space<vmem>> -> memref<1x128xi32, #tpu.memory_space<vmem>>
      %dma_wait3A_100 = tpu.memref_squeeze %dma_wait3A_99 : memref<1x128xi32, #tpu.memory_space<vmem>> -> memref<128xi32, #tpu.memory_space<vmem>>
      %dma_wait3A_101 = tpu.memref_slice %arg3[%add3A_4] : memref<16384xi32, #tpu.memory_space<hbm>> -> memref<128xi32, #tpu.memory_space<hbm>>
      tpu.wait_dma2 semaphore(%run_scoped3A_85 : memref<!tpu.dma_semaphore, #tpu.memory_space<semaphore_mem>>) src(%dma_wait3A_101 : memref<128xi32, #tpu.memory_space<hbm>>) dst(%dma_wait3A_100 : memref<128xi32, #tpu.memory_space<vmem>>)
      tpu.yield
    }) : () -> ()
    %add3A_6 = arith.constant 128 : i32
    %add3A_7 = arith.addi %mul3A_2, %add3A_6 : i32
    %run_scoped3A_8 = arith.constant 1 : i32
    "tpu.region"() ({
      %run_scoped3A_85 = tpu.sem_alloc : memref<!tpu.dma_semaphore, #tpu.memory_space<semaphore_mem>>
      %dma_start3A_86 = arith.constant 0 : i32
      %dma_start3A_87 = tpu.memref_slice %arg11[%run_scoped3A_8, %dma_start3A_86] : memref<4x128xi32, #tpu.memory_space<vmem>> -> memref<1x128xi32, #tpu.memory_space<vmem>>
      %dma_start3A_88 = tpu.memref_squeeze %dma_start3A_87 : memref<1x128xi32, #tpu.memory_space<vmem>> -> memref<128xi32, #tpu.memory_space<vmem>>
      %dma_start3A_89 = tpu.memref_slice %arg2[%add3A_7] : memref<16384xi32, #tpu.memory_space<hbm>> -> memref<128xi32, #tpu.memory_space<hbm>>
      %dma_start3A_90 = arith.constant 0 : i32
      %dma_start3A_91 = tpu.memref_slice %arg11[%run_scoped3A_8, %dma_start3A_90] : memref<4x128xi32, #tpu.memory_space<vmem>> -> memref<1x128xi32, #tpu.memory_space<vmem>>
      %dma_start3A_92 = tpu.memref_squeeze %dma_start3A_91 : memref<1x128xi32, #tpu.memory_space<vmem>> -> memref<128xi32, #tpu.memory_space<vmem>>
      %dma_start3A_93 = tpu.memref_slice %arg2[%add3A_7] : memref<16384xi32, #tpu.memory_space<hbm>> -> memref<128xi32, #tpu.memory_space<hbm>>
      tpu.enqueue_dma source(%dma_start3A_93 : memref<128xi32, #tpu.memory_space<hbm>>) target(%dma_start3A_92 : memref<128xi32, #tpu.memory_space<vmem>>) target_semaphore(%run_scoped3A_85 : memref<!tpu.dma_semaphore, #tpu.memory_space<semaphore_mem>>)
      %dma_wait3A_94 = arith.constant 0 : i32
      %dma_wait3A_95 = tpu.memref_slice %arg11[%run_scoped3A_8, %dma_wait3A_94] : memref<4x128xi32, #tpu.memory_space<vmem>> -> memref<1x128xi32, #tpu.memory_space<vmem>>
      %dma_wait3A_96 = tpu.memref_squeeze %dma_wait3A_95 : memref<1x128xi32, #tpu.memory_space<vmem>> -> memref<128xi32, #tpu.memory_space<vmem>>
      %dma_wait3A_97 = tpu.memref_slice %arg2[%add3A_7] : memref<16384xi32, #tpu.memory_space<hbm>> -> memref<128xi32, #tpu.memory_space<hbm>>
      %dma_wait3A_98 = arith.constant 0 : i32
      %dma_wait3A_99 = tpu.memref_slice %arg11[%run_scoped3A_8, %dma_wait3A_98] : memref<4x128xi32, #tpu.memory_space<vmem>> -> memref<1x128xi32, #tpu.memory_space<vmem>>
      %dma_wait3A_100 = tpu.memref_squeeze %dma_wait3A_99 : memref<1x128xi32, #tpu.memory_space<vmem>> -> memref<128xi32, #tpu.memory_space<vmem>>
      %dma_wait3A_101 = tpu.memref_slice %arg2[%add3A_7] : memref<16384xi32, #tpu.memory_space<hbm>> -> memref<128xi32, #tpu.memory_space<hbm>>
      tpu.wait_dma2 semaphore(%run_scoped3A_85 : memref<!tpu.dma_semaphore, #tpu.memory_space<semaphore_mem>>) src(%dma_wait3A_101 : memref<128xi32, #tpu.memory_space<hbm>>) dst(%dma_wait3A_100 : memref<128xi32, #tpu.memory_space<vmem>>)
      tpu.yield
    }) : () -> ()
    %run_scoped3A_9 = arith.constant 1 : i32
    "tpu.region"() ({
      %run_scoped3A_85 = tpu.sem_alloc : memref<!tpu.dma_semaphore, #tpu.memory_space<semaphore_mem>>
      %dma_start3A_86 = arith.constant 0 : i32
      %dma_start3A_87 = tpu.memref_slice %arg12[%run_scoped3A_9, %dma_start3A_86] : memref<4x128xi32, #tpu.memory_space<vmem>> -> memref<1x128xi32, #tpu.memory_space<vmem>>
      %dma_start3A_88 = tpu.memref_squeeze %dma_start3A_87 : memref<1x128xi32, #tpu.memory_space<vmem>> -> memref<128xi32, #tpu.memory_space<vmem>>
      %dma_start3A_89 = tpu.memref_slice %arg3[%add3A_7] : memref<16384xi32, #tpu.memory_space<hbm>> -> memref<128xi32, #tpu.memory_space<hbm>>
      %dma_start3A_90 = arith.constant 0 : i32
      %dma_start3A_91 = tpu.memref_slice %arg12[%run_scoped3A_9, %dma_start3A_90] : memref<4x128xi32, #tpu.memory_space<vmem>> -> memref<1x128xi32, #tpu.memory_space<vmem>>
      %dma_start3A_92 = tpu.memref_squeeze %dma_start3A_91 : memref<1x128xi32, #tpu.memory_space<vmem>> -> memref<128xi32, #tpu.memory_space<vmem>>
      %dma_start3A_93 = tpu.memref_slice %arg3[%add3A_7] : memref<16384xi32, #tpu.memory_space<hbm>> -> memref<128xi32, #tpu.memory_space<hbm>>
      tpu.enqueue_dma source(%dma_start3A_93 : memref<128xi32, #tpu.memory_space<hbm>>) target(%dma_start3A_92 : memref<128xi32, #tpu.memory_space<vmem>>) target_semaphore(%run_scoped3A_85 : memref<!tpu.dma_semaphore, #tpu.memory_space<semaphore_mem>>)
      %dma_wait3A_94 = arith.constant 0 : i32
      %dma_wait3A_95 = tpu.memref_slice %arg12[%run_scoped3A_9, %dma_wait3A_94] : memref<4x128xi32, #tpu.memory_space<vmem>> -> memref<1x128xi32, #tpu.memory_space<vmem>>
      %dma_wait3A_96 = tpu.memref_squeeze %dma_wait3A_95 : memref<1x128xi32, #tpu.memory_space<vmem>> -> memref<128xi32, #tpu.memory_space<vmem>>
      %dma_wait3A_97 = tpu.memref_slice %arg3[%add3A_7] : memref<16384xi32, #tpu.memory_space<hbm>> -> memref<128xi32, #tpu.memory_space<hbm>>
      %dma_wait3A_98 = arith.constant 0 : i32
      %dma_wait3A_99 = tpu.memref_slice %arg12[%run_scoped3A_9, %dma_wait3A_98] : memref<4x128xi32, #tpu.memory_space<vmem>> -> memref<1x128xi32, #tpu.memory_space<vmem>>
      %dma_wait3A_100 = tpu.memref_squeeze %dma_wait3A_99 : memref<1x128xi32, #tpu.memory_space<vmem>> -> memref<128xi32, #tpu.memory_space<vmem>>
      %dma_wait3A_101 = tpu.memref_slice %arg3[%add3A_7] : memref<16384xi32, #tpu.memory_space<hbm>> -> memref<128xi32, #tpu.memory_space<hbm>>
      tpu.wait_dma2 semaphore(%run_scoped3A_85 : memref<!tpu.dma_semaphore, #tpu.memory_space<semaphore_mem>>) src(%dma_wait3A_101 : memref<128xi32, #tpu.memory_space<hbm>>) dst(%dma_wait3A_100 : memref<128xi32, #tpu.memory_space<vmem>>)
      tpu.yield
    }) : () -> ()
    %add3A_10 = arith.constant 256 : i32
    %add3A_11 = arith.addi %mul3A_2, %add3A_10 : i32
    %run_scoped3A_12 = arith.constant 2 : i32
    "tpu.region"() ({
      %run_scoped3A_85 = tpu.sem_alloc : memref<!tpu.dma_semaphore, #tpu.memory_space<semaphore_mem>>
      %dma_start3A_86 = arith.constant 0 : i32
      %dma_start3A_87 = tpu.memref_slice %arg11[%run_scoped3A_12, %dma_start3A_86] : memref<4x128xi32, #tpu.memory_space<vmem>> -> memref<1x128xi32, #tpu.memory_space<vmem>>
      %dma_start3A_88 = tpu.memref_squeeze %dma_start3A_87 : memref<1x128xi32, #tpu.memory_space<vmem>> -> memref<128xi32, #tpu.memory_space<vmem>>
      %dma_start3A_89 = tpu.memref_slice %arg2[%add3A_11] : memref<16384xi32, #tpu.memory_space<hbm>> -> memref<128xi32, #tpu.memory_space<hbm>>
      %dma_start3A_90 = arith.constant 0 : i32
      %dma_start3A_91 = tpu.memref_slice %arg11[%run_scoped3A_12, %dma_start3A_90] : memref<4x128xi32, #tpu.memory_space<vmem>> -> memref<1x128xi32, #tpu.memory_space<vmem>>
      %dma_start3A_92 = tpu.memref_squeeze %dma_start3A_91 : memref<1x128xi32, #tpu.memory_space<vmem>> -> memref<128xi32, #tpu.memory_space<vmem>>
      %dma_start3A_93 = tpu.memref_slice %arg2[%add3A_11] : memref<16384xi32, #tpu.memory_space<hbm>> -> memref<128xi32, #tpu.memory_space<hbm>>
      tpu.enqueue_dma source(%dma_start3A_93 : memref<128xi32, #tpu.memory_space<hbm>>) target(%dma_start3A_92 : memref<128xi32, #tpu.memory_space<vmem>>) target_semaphore(%run_scoped3A_85 : memref<!tpu.dma_semaphore, #tpu.memory_space<semaphore_mem>>)
      %dma_wait3A_94 = arith.constant 0 : i32
      %dma_wait3A_95 = tpu.memref_slice %arg11[%run_scoped3A_12, %dma_wait3A_94] : memref<4x128xi32, #tpu.memory_space<vmem>> -> memref<1x128xi32, #tpu.memory_space<vmem>>
      %dma_wait3A_96 = tpu.memref_squeeze %dma_wait3A_95 : memref<1x128xi32, #tpu.memory_space<vmem>> -> memref<128xi32, #tpu.memory_space<vmem>>
      %dma_wait3A_97 = tpu.memref_slice %arg2[%add3A_11] : memref<16384xi32, #tpu.memory_space<hbm>> -> memref<128xi32, #tpu.memory_space<hbm>>
      %dma_wait3A_98 = arith.constant 0 : i32
      %dma_wait3A_99 = tpu.memref_slice %arg11[%run_scoped3A_12, %dma_wait3A_98] : memref<4x128xi32, #tpu.memory_space<vmem>> -> memref<1x128xi32, #tpu.memory_space<vmem>>
      %dma_wait3A_100 = tpu.memref_squeeze %dma_wait3A_99 : memref<1x128xi32, #tpu.memory_space<vmem>> -> memref<128xi32, #tpu.memory_space<vmem>>
      %dma_wait3A_101 = tpu.memref_slice %arg2[%add3A_11] : memref<16384xi32, #tpu.memory_space<hbm>> -> memref<128xi32, #tpu.memory_space<hbm>>
      tpu.wait_dma2 semaphore(%run_scoped3A_85 : memref<!tpu.dma_semaphore, #tpu.memory_space<semaphore_mem>>) src(%dma_wait3A_101 : memref<128xi32, #tpu.memory_space<hbm>>) dst(%dma_wait3A_100 : memref<128xi32, #tpu.memory_space<vmem>>)
      tpu.yield
    }) : () -> ()
    %run_scoped3A_13 = arith.constant 2 : i32
    "tpu.region"() ({
      %run_scoped3A_85 = tpu.sem_alloc : memref<!tpu.dma_semaphore, #tpu.memory_space<semaphore_mem>>
      %dma_start3A_86 = arith.constant 0 : i32
      %dma_start3A_87 = tpu.memref_slice %arg12[%run_scoped3A_13, %dma_start3A_86] : memref<4x128xi32, #tpu.memory_space<vmem>> -> memref<1x128xi32, #tpu.memory_space<vmem>>
      %dma_start3A_88 = tpu.memref_squeeze %dma_start3A_87 : memref<1x128xi32, #tpu.memory_space<vmem>> -> memref<128xi32, #tpu.memory_space<vmem>>
      %dma_start3A_89 = tpu.memref_slice %arg3[%add3A_11] : memref<16384xi32, #tpu.memory_space<hbm>> -> memref<128xi32, #tpu.memory_space<hbm>>
      %dma_start3A_90 = arith.constant 0 : i32
      %dma_start3A_91 = tpu.memref_slice %arg12[%run_scoped3A_13, %dma_start3A_90] : memref<4x128xi32, #tpu.memory_space<vmem>> -> memref<1x128xi32, #tpu.memory_space<vmem>>
      %dma_start3A_92 = tpu.memref_squeeze %dma_start3A_91 : memref<1x128xi32, #tpu.memory_space<vmem>> -> memref<128xi32, #tpu.memory_space<vmem>>
      %dma_start3A_93 = tpu.memref_slice %arg3[%add3A_11] : memref<16384xi32, #tpu.memory_space<hbm>> -> memref<128xi32, #tpu.memory_space<hbm>>
      tpu.enqueue_dma source(%dma_start3A_93 : memref<128xi32, #tpu.memory_space<hbm>>) target(%dma_start3A_92 : memref<128xi32, #tpu.memory_space<vmem>>) target_semaphore(%run_scoped3A_85 : memref<!tpu.dma_semaphore, #tpu.memory_space<semaphore_mem>>)
      %dma_wait3A_94 = arith.constant 0 : i32
      %dma_wait3A_95 = tpu.memref_slice %arg12[%run_scoped3A_13, %dma_wait3A_94] : memref<4x128xi32, #tpu.memory_space<vmem>> -> memref<1x128xi32, #tpu.memory_space<vmem>>
      %dma_wait3A_96 = tpu.memref_squeeze %dma_wait3A_95 : memref<1x128xi32, #tpu.memory_space<vmem>> -> memref<128xi32, #tpu.memory_space<vmem>>
      %dma_wait3A_97 = tpu.memref_slice %arg3[%add3A_11] : memref<16384xi32, #tpu.memory_space<hbm>> -> memref<128xi32, #tpu.memory_space<hbm>>
      %dma_wait3A_98 = arith.constant 0 : i32
      %dma_wait3A_99 = tpu.memref_slice %arg12[%run_scoped3A_13, %dma_wait3A_98] : memref<4x128xi32, #tpu.memory_space<vmem>> -> memref<1x128xi32, #tpu.memory_space<vmem>>
      %dma_wait3A_100 = tpu.memref_squeeze %dma_wait3A_99 : memref<1x128xi32, #tpu.memory_space<vmem>> -> memref<128xi32, #tpu.memory_space<vmem>>
      %dma_wait3A_101 = tpu.memref_slice %arg3[%add3A_11] : memref<16384xi32, #tpu.memory_space<hbm>> -> memref<128xi32, #tpu.memory_space<hbm>>
      tpu.wait_dma2 semaphore(%run_scoped3A_85 : memref<!tpu.dma_semaphore, #tpu.memory_space<semaphore_mem>>) src(%dma_wait3A_101 : memref<128xi32, #tpu.memory_space<hbm>>) dst(%dma_wait3A_100 : memref<128xi32, #tpu.memory_space<vmem>>)
      tpu.yield
    }) : () -> ()
    %add3A_14 = arith.constant 384 : i32
    %add3A_15 = arith.addi %mul3A_2, %add3A_14 : i32
    %run_scoped3A_16 = arith.constant 3 : i32
    "tpu.region"() ({
      %run_scoped3A_85 = tpu.sem_alloc : memref<!tpu.dma_semaphore, #tpu.memory_space<semaphore_mem>>
      %dma_start3A_86 = arith.constant 0 : i32
      %dma_start3A_87 = tpu.memref_slice %arg11[%run_scoped3A_16, %dma_start3A_86] : memref<4x128xi32, #tpu.memory_space<vmem>> -> memref<1x128xi32, #tpu.memory_space<vmem>>
      %dma_start3A_88 = tpu.memref_squeeze %dma_start3A_87 : memref<1x128xi32, #tpu.memory_space<vmem>> -> memref<128xi32, #tpu.memory_space<vmem>>
      %dma_start3A_89 = tpu.memref_slice %arg2[%add3A_15] : memref<16384xi32, #tpu.memory_space<hbm>> -> memref<128xi32, #tpu.memory_space<hbm>>
      %dma_start3A_90 = arith.constant 0 : i32
      %dma_start3A_91 = tpu.memref_slice %arg11[%run_scoped3A_16, %dma_start3A_90] : memref<4x128xi32, #tpu.memory_space<vmem>> -> memref<1x128xi32, #tpu.memory_space<vmem>>
      %dma_start3A_92 = tpu.memref_squeeze %dma_start3A_91 : memref<1x128xi32, #tpu.memory_space<vmem>> -> memref<128xi32, #tpu.memory_space<vmem>>
      %dma_start3A_93 = tpu.memref_slice %arg2[%add3A_15] : memref<16384xi32, #tpu.memory_space<hbm>> -> memref<128xi32, #tpu.memory_space<hbm>>
      tpu.enqueue_dma source(%dma_start3A_93 : memref<128xi32, #tpu.memory_space<hbm>>) target(%dma_start3A_92 : memref<128xi32, #tpu.memory_space<vmem>>) target_semaphore(%run_scoped3A_85 : memref<!tpu.dma_semaphore, #tpu.memory_space<semaphore_mem>>)
      %dma_wait3A_94 = arith.constant 0 : i32
      %dma_wait3A_95 = tpu.memref_slice %arg11[%run_scoped3A_16, %dma_wait3A_94] : memref<4x128xi32, #tpu.memory_space<vmem>> -> memref<1x128xi32, #tpu.memory_space<vmem>>
      %dma_wait3A_96 = tpu.memref_squeeze %dma_wait3A_95 : memref<1x128xi32, #tpu.memory_space<vmem>> -> memref<128xi32, #tpu.memory_space<vmem>>
      %dma_wait3A_97 = tpu.memref_slice %arg2[%add3A_15] : memref<16384xi32, #tpu.memory_space<hbm>> -> memref<128xi32, #tpu.memory_space<hbm>>
      %dma_wait3A_98 = arith.constant 0 : i32
      %dma_wait3A_99 = tpu.memref_slice %arg11[%run_scoped3A_16, %dma_wait3A_98] : memref<4x128xi32, #tpu.memory_space<vmem>> -> memref<1x128xi32, #tpu.memory_space<vmem>>
      %dma_wait3A_100 = tpu.memref_squeeze %dma_wait3A_99 : memref<1x128xi32, #tpu.memory_space<vmem>> -> memref<128xi32, #tpu.memory_space<vmem>>
      %dma_wait3A_101 = tpu.memref_slice %arg2[%add3A_15] : memref<16384xi32, #tpu.memory_space<hbm>> -> memref<128xi32, #tpu.memory_space<hbm>>
      tpu.wait_dma2 semaphore(%run_scoped3A_85 : memref<!tpu.dma_semaphore, #tpu.memory_space<semaphore_mem>>) src(%dma_wait3A_101 : memref<128xi32, #tpu.memory_space<hbm>>) dst(%dma_wait3A_100 : memref<128xi32, #tpu.memory_space<vmem>>)
      tpu.yield
    }) : () -> ()
    %run_scoped3A_17 = arith.constant 3 : i32
    "tpu.region"() ({
      %run_scoped3A_85 = tpu.sem_alloc : memref<!tpu.dma_semaphore, #tpu.memory_space<semaphore_mem>>
      %dma_start3A_86 = arith.constant 0 : i32
      %dma_start3A_87 = tpu.memref_slice %arg12[%run_scoped3A_17, %dma_start3A_86] : memref<4x128xi32, #tpu.memory_space<vmem>> -> memref<1x128xi32, #tpu.memory_space<vmem>>
      %dma_start3A_88 = tpu.memref_squeeze %dma_start3A_87 : memref<1x128xi32, #tpu.memory_space<vmem>> -> memref<128xi32, #tpu.memory_space<vmem>>
      %dma_start3A_89 = tpu.memref_slice %arg3[%add3A_15] : memref<16384xi32, #tpu.memory_space<hbm>> -> memref<128xi32, #tpu.memory_space<hbm>>
      %dma_start3A_90 = arith.constant 0 : i32
      %dma_start3A_91 = tpu.memref_slice %arg12[%run_scoped3A_17, %dma_start3A_90] : memref<4x128xi32, #tpu.memory_space<vmem>> -> memref<1x128xi32, #tpu.memory_space<vmem>>
      %dma_start3A_92 = tpu.memref_squeeze %dma_start3A_91 : memref<1x128xi32, #tpu.memory_space<vmem>> -> memref<128xi32, #tpu.memory_space<vmem>>
      %dma_start3A_93 = tpu.memref_slice %arg3[%add3A_15] : memref<16384xi32, #tpu.memory_space<hbm>> -> memref<128xi32, #tpu.memory_space<hbm>>
      tpu.enqueue_dma source(%dma_start3A_93 : memref<128xi32, #tpu.memory_space<hbm>>) target(%dma_start3A_92 : memref<128xi32, #tpu.memory_space<vmem>>) target_semaphore(%run_scoped3A_85 : memref<!tpu.dma_semaphore, #tpu.memory_space<semaphore_mem>>)
      %dma_wait3A_94 = arith.constant 0 : i32
      %dma_wait3A_95 = tpu.memref_slice %arg12[%run_scoped3A_17, %dma_wait3A_94] : memref<4x128xi32, #tpu.memory_space<vmem>> -> memref<1x128xi32, #tpu.memory_space<vmem>>
      %dma_wait3A_96 = tpu.memref_squeeze %dma_wait3A_95 : memref<1x128xi32, #tpu.memory_space<vmem>> -> memref<128xi32, #tpu.memory_space<vmem>>
      %dma_wait3A_97 = tpu.memref_slice %arg3[%add3A_15] : memref<16384xi32, #tpu.memory_space<hbm>> -> memref<128xi32, #tpu.memory_space<hbm>>
      %dma_wait3A_98 = arith.constant 0 : i32
      %dma_wait3A_99 = tpu.memref_slice %arg12[%run_scoped3A_17, %dma_wait3A_98] : memref<4x128xi32, #tpu.memory_space<vmem>> -> memref<1x128xi32, #tpu.memory_space<vmem>>
      %dma_wait3A_100 = tpu.memref_squeeze %dma_wait3A_99 : memref<1x128xi32, #tpu.memory_space<vmem>> -> memref<128xi32, #tpu.memory_space<vmem>>
      %dma_wait3A_101 = tpu.memref_slice %arg3[%add3A_15] : memref<16384xi32, #tpu.memory_space<hbm>> -> memref<128xi32, #tpu.memory_space<hbm>>
      tpu.wait_dma2 semaphore(%run_scoped3A_85 : memref<!tpu.dma_semaphore, #tpu.memory_space<semaphore_mem>>) src(%dma_wait3A_101 : memref<128xi32, #tpu.memory_space<hbm>>) dst(%dma_wait3A_100 : memref<128xi32, #tpu.memory_space<vmem>>)
      tpu.yield
    }) : () -> ()
    %dma_start3A = arith.constant 0 : i32
    %dma_start3A_18 = arith.constant 0 : i32
    %dma_start3A_19 = tpu.memref_slice %arg17[%dma_start3A_18] : memref<512xf32, #tpu.memory_space<vmem>> -> memref<128xf32, #tpu.memory_space<vmem>>
    %dma_start3A_20 = arith.constant 0 : i32
    %dma_start3A_21 = tpu.memref_slice %arg12[%dma_start3A, %dma_start3A_20] : memref<4x128xi32, #tpu.memory_space<vmem>> -> memref<1x128xi32, #tpu.memory_space<vmem>>
    %dma_start3A_22 = tpu.memref_squeeze %dma_start3A_21 : memref<1x128xi32, #tpu.memory_space<vmem>> -> memref<128xi32, #tpu.memory_space<vmem>>
    %dma_start3A_23 = arith.constant 0 : i32
    %dma_start3A_24 = tpu.memref_slice %arg4[%dma_start3A_23] : memref<1000000xf32, #tpu.memory_space<hbm>> -> memref<1000000xf32, #tpu.memory_space<hbm>>
    tpu.enqueue_indirect_dma source(%dma_start3A_24 : memref<1000000xf32, #tpu.memory_space<hbm>>) target(%dma_start3A_19 : memref<128xf32, #tpu.memory_space<vmem>>) offsets(%dma_start3A_22 : memref<128xi32, #tpu.memory_space<vmem>>) semaphore(%arg21 : memref<!tpu.dma_semaphore, #tpu.memory_space<semaphore_mem>>)
    %dma_start3A_25 = arith.constant 1 : i32
    %dma_start3A_26 = arith.constant 128 : i32
    %dma_start3A_27 = tpu.memref_slice %arg17[%dma_start3A_26] : memref<512xf32, #tpu.memory_space<vmem>> -> memref<128xf32, #tpu.memory_space<vmem>>
    %dma_start3A_28 = arith.constant 0 : i32
    %dma_start3A_29 = tpu.memref_slice %arg12[%dma_start3A_25, %dma_start3A_28] : memref<4x128xi32, #tpu.memory_space<vmem>> -> memref<1x128xi32, #tpu.memory_space<vmem>>
    %dma_start3A_30 = tpu.memref_squeeze %dma_start3A_29 : memref<1x128xi32, #tpu.memory_space<vmem>> -> memref<128xi32, #tpu.memory_space<vmem>>
    %dma_start3A_31 = arith.constant 0 : i32
    %dma_start3A_32 = tpu.memref_slice %arg4[%dma_start3A_31] : memref<1000000xf32, #tpu.memory_space<hbm>> -> memref<1000000xf32, #tpu.memory_space<hbm>>
    tpu.enqueue_indirect_dma source(%dma_start3A_32 : memref<1000000xf32, #tpu.memory_space<hbm>>) target(%dma_start3A_27 : memref<128xf32, #tpu.memory_space<vmem>>) offsets(%dma_start3A_30 : memref<128xi32, #tpu.memory_space<vmem>>) semaphore(%arg21 : memref<!tpu.dma_semaphore, #tpu.memory_space<semaphore_mem>>)
    %dma_start3A_33 = arith.constant 2 : i32
    %dma_start3A_34 = arith.constant 256 : i32
    %dma_start3A_35 = tpu.memref_slice %arg17[%dma_start3A_34] : memref<512xf32, #tpu.memory_space<vmem>> -> memref<128xf32, #tpu.memory_space<vmem>>
    %dma_start3A_36 = arith.constant 0 : i32
    %dma_start3A_37 = tpu.memref_slice %arg12[%dma_start3A_33, %dma_start3A_36] : memref<4x128xi32, #tpu.memory_space<vmem>> -> memref<1x128xi32, #tpu.memory_space<vmem>>
    %dma_start3A_38 = tpu.memref_squeeze %dma_start3A_37 : memref<1x128xi32, #tpu.memory_space<vmem>> -> memref<128xi32, #tpu.memory_space<vmem>>
    %dma_start3A_39 = arith.constant 0 : i32
    %dma_start3A_40 = tpu.memref_slice %arg4[%dma_start3A_39] : memref<1000000xf32, #tpu.memory_space<hbm>> -> memref<1000000xf32, #tpu.memory_space<hbm>>
    tpu.enqueue_indirect_dma source(%dma_start3A_40 : memref<1000000xf32, #tpu.memory_space<hbm>>) target(%dma_start3A_35 : memref<128xf32, #tpu.memory_space<vmem>>) offsets(%dma_start3A_38 : memref<128xi32, #tpu.memory_space<vmem>>) semaphore(%arg21 : memref<!tpu.dma_semaphore, #tpu.memory_space<semaphore_mem>>)
    %dma_start3A_41 = arith.constant 3 : i32
    %dma_start3A_42 = arith.constant 384 : i32
    %dma_start3A_43 = tpu.memref_slice %arg17[%dma_start3A_42] : memref<512xf32, #tpu.memory_space<vmem>> -> memref<128xf32, #tpu.memory_space<vmem>>
    %dma_start3A_44 = arith.constant 0 : i32
    %dma_start3A_45 = tpu.memref_slice %arg12[%dma_start3A_41, %dma_start3A_44] : memref<4x128xi32, #tpu.memory_space<vmem>> -> memref<1x128xi32, #tpu.memory_space<vmem>>
    %dma_start3A_46 = tpu.memref_squeeze %dma_start3A_45 : memref<1x128xi32, #tpu.memory_space<vmem>> -> memref<128xi32, #tpu.memory_space<vmem>>
    %dma_start3A_47 = arith.constant 0 : i32
    %dma_start3A_48 = tpu.memref_slice %arg4[%dma_start3A_47] : memref<1000000xf32, #tpu.memory_space<hbm>> -> memref<1000000xf32, #tpu.memory_space<hbm>>
    tpu.enqueue_indirect_dma source(%dma_start3A_48 : memref<1000000xf32, #tpu.memory_space<hbm>>) target(%dma_start3A_43 : memref<128xf32, #tpu.memory_space<vmem>>) offsets(%dma_start3A_46 : memref<128xi32, #tpu.memory_space<vmem>>) semaphore(%arg21 : memref<!tpu.dma_semaphore, #tpu.memory_space<semaphore_mem>>)
    %dma_wait3A = arith.constant 0 : i32
    %dma_wait3A_49 = arith.constant 0 : i32
    %dma_wait3A_50 = tpu.memref_slice %arg17[%dma_wait3A_49] : memref<512xf32, #tpu.memory_space<vmem>> -> memref<128xf32, #tpu.memory_space<vmem>>
    %dma_wait3A_51 = arith.constant 0 : i32
    %dma_wait3A_52 = tpu.memref_slice %arg12[%dma_wait3A, %dma_wait3A_51] : memref<4x128xi32, #tpu.memory_space<vmem>> -> memref<1x128xi32, #tpu.memory_space<vmem>>
    %dma_wait3A_53 = tpu.memref_squeeze %dma_wait3A_52 : memref<1x128xi32, #tpu.memory_space<vmem>> -> memref<128xi32, #tpu.memory_space<vmem>>
    %dma_wait3A_54 = arith.constant 0 : i32
    %dma_wait3A_55 = tpu.memref_slice %arg4[%dma_wait3A_54] : memref<1000000xf32, #tpu.memory_space<hbm>> -> memref<1000000xf32, #tpu.memory_space<hbm>>
    tpu.wait_indirect_dma semaphore(%arg21 : memref<!tpu.dma_semaphore, #tpu.memory_space<semaphore_mem>>) src(%dma_wait3A_55 : memref<1000000xf32, #tpu.memory_space<hbm>>) dst(%dma_wait3A_50 : memref<128xf32, #tpu.memory_space<vmem>>)
    %dma_wait3A_56 = arith.constant 1 : i32
    %dma_wait3A_57 = arith.constant 128 : i32
    %dma_wait3A_58 = tpu.memref_slice %arg17[%dma_wait3A_57] : memref<512xf32, #tpu.memory_space<vmem>> -> memref<128xf32, #tpu.memory_space<vmem>>
    %dma_wait3A_59 = arith.constant 0 : i32
    %dma_wait3A_60 = tpu.memref_slice %arg12[%dma_wait3A_56, %dma_wait3A_59] : memref<4x128xi32, #tpu.memory_space<vmem>> -> memref<1x128xi32, #tpu.memory_space<vmem>>
    %dma_wait3A_61 = tpu.memref_squeeze %dma_wait3A_60 : memref<1x128xi32, #tpu.memory_space<vmem>> -> memref<128xi32, #tpu.memory_space<vmem>>
    %dma_wait3A_62 = arith.constant 0 : i32
    %dma_wait3A_63 = tpu.memref_slice %arg4[%dma_wait3A_62] : memref<1000000xf32, #tpu.memory_space<hbm>> -> memref<1000000xf32, #tpu.memory_space<hbm>>
    tpu.wait_indirect_dma semaphore(%arg21 : memref<!tpu.dma_semaphore, #tpu.memory_space<semaphore_mem>>) src(%dma_wait3A_63 : memref<1000000xf32, #tpu.memory_space<hbm>>) dst(%dma_wait3A_58 : memref<128xf32, #tpu.memory_space<vmem>>)
    %dma_wait3A_64 = arith.constant 2 : i32
    %dma_wait3A_65 = arith.constant 256 : i32
    %dma_wait3A_66 = tpu.memref_slice %arg17[%dma_wait3A_65] : memref<512xf32, #tpu.memory_space<vmem>> -> memref<128xf32, #tpu.memory_space<vmem>>
    %dma_wait3A_67 = arith.constant 0 : i32
    %dma_wait3A_68 = tpu.memref_slice %arg12[%dma_wait3A_64, %dma_wait3A_67] : memref<4x128xi32, #tpu.memory_space<vmem>> -> memref<1x128xi32, #tpu.memory_space<vmem>>
    %dma_wait3A_69 = tpu.memref_squeeze %dma_wait3A_68 : memref<1x128xi32, #tpu.memory_space<vmem>> -> memref<128xi32, #tpu.memory_space<vmem>>
    %dma_wait3A_70 = arith.constant 0 : i32
    %dma_wait3A_71 = tpu.memref_slice %arg4[%dma_wait3A_70] : memref<1000000xf32, #tpu.memory_space<hbm>> -> memref<1000000xf32, #tpu.memory_space<hbm>>
    tpu.wait_indirect_dma semaphore(%arg21 : memref<!tpu.dma_semaphore, #tpu.memory_space<semaphore_mem>>) src(%dma_wait3A_71 : memref<1000000xf32, #tpu.memory_space<hbm>>) dst(%dma_wait3A_66 : memref<128xf32, #tpu.memory_space<vmem>>)
    %dma_wait3A_72 = arith.constant 3 : i32
    %dma_wait3A_73 = arith.constant 384 : i32
    %dma_wait3A_74 = tpu.memref_slice %arg17[%dma_wait3A_73] : memref<512xf32, #tpu.memory_space<vmem>> -> memref<128xf32, #tpu.memory_space<vmem>>
    %dma_wait3A_75 = arith.constant 0 : i32
    %dma_wait3A_76 = tpu.memref_slice %arg12[%dma_wait3A_72, %dma_wait3A_75] : memref<4x128xi32, #tpu.memory_space<vmem>> -> memref<1x128xi32, #tpu.memory_space<vmem>>
    %dma_wait3A_77 = tpu.memref_squeeze %dma_wait3A_76 : memref<1x128xi32, #tpu.memory_space<vmem>> -> memref<128xi32, #tpu.memory_space<vmem>>
    %dma_wait3A_78 = arith.constant 0 : i32
    %dma_wait3A_79 = tpu.memref_slice %arg4[%dma_wait3A_78] : memref<1000000xf32, #tpu.memory_space<hbm>> -> memref<1000000xf32, #tpu.memory_space<hbm>>
    tpu.wait_indirect_dma semaphore(%arg21 : memref<!tpu.dma_semaphore, #tpu.memory_space<semaphore_mem>>) src(%dma_wait3A_79 : memref<1000000xf32, #tpu.memory_space<hbm>>) dst(%dma_wait3A_74 : memref<128xf32, #tpu.memory_space<vmem>>)
    %scan3A = arith.constant 0 : i32
    %scan3A_80 = arith.constant 0 : i32
    %scan3A_81 = arith.constant 32 : i32
    %scan3A_82 = arith.addi %scan3A_80, %scan3A_81 : i32
    %scan3A_83 = arith.constant 1 : i32
    scf.for %scan3A_85 = %scan3A_80 to %scan3A_82 step %scan3A_83  : i32 {
      %jit3A = arith.constant 8 : i32
      %div3A = arith.divsi %scan3A_85, %jit3A : i32
      %sign3A = arith.constant 0 : i32
      %sign3A_86 = arith.cmpi sgt, %scan3A_85, %sign3A : i32
      %sign3A_87 = arith.extui %sign3A_86 : i1 to i32
      %sign3A_88 = arith.constant 0 : i32
      %sign3A_89 = arith.cmpi slt, %scan3A_85, %sign3A_88 : i32
      %sign3A_90 = arith.extui %sign3A_89 : i1 to i32
      %sign3A_91 = arith.subi %sign3A_87, %sign3A_90 : i32
      %sign3A_92 = arith.constant 0 : i32
      %sign3A_93 = arith.cmpi sgt, %jit3A, %sign3A_92 : i32
      %sign3A_94 = arith.extui %sign3A_93 : i1 to i32
      %sign3A_95 = arith.constant 0 : i32
      %sign3A_96 = arith.cmpi slt, %jit3A, %sign3A_95 : i32
      %sign3A_97 = arith.extui %sign3A_96 : i1 to i32
      %sign3A_98 = arith.subi %sign3A_94, %sign3A_97 : i32
      %ne3A = arith.cmpi ne, %sign3A_91, %sign3A_98 : i32
      %rem3A = arith.remsi %scan3A_85, %jit3A : i32
      %ne3A_99 = arith.constant 0 : i32
      %ne3A_100 = arith.cmpi ne, %rem3A, %ne3A_99 : i32
      %and3A = arith.andi %ne3A, %ne3A_100 : i1
      %sub3A = arith.constant 1 : i32
      %sub3A_101 = arith.subi %div3A, %sub3A : i32
      %select_n3A = arith.select %and3A, %sub3A_101, %div3A : i32
      %jit3A_102 = arith.constant 8 : i32
      %eq3A = arith.constant 0 : i32
      %eq3A_103 = arith.cmpi eq, %jit3A_102, %eq3A : i32
      %jit3A_104 = arith.constant 1 : i32
      %select_n3A_105 = arith.select %eq3A_103, %jit3A_104, %jit3A_102 : i32
      %rem3A_106 = arith.remsi %scan3A_85, %select_n3A_105 : i32
      %ne3A_107 = arith.constant 0 : i32
      %ne3A_108 = arith.cmpi ne, %rem3A_106, %ne3A_107 : i32
      %lt3A = arith.constant 0 : i32
      %lt3A_109 = arith.cmpi slt, %rem3A_106, %lt3A : i32
      %lt3A_110 = arith.constant 0 : i32
      %lt3A_111 = arith.cmpi slt, %select_n3A_105, %lt3A_110 : i32
      %ne3A_112 = arith.xori %lt3A_109, %lt3A_111 : i1
      %and3A_113 = arith.andi %ne3A_112, %ne3A_108 : i1
      %add3A_114 = arith.addi %rem3A_106, %select_n3A_105 : i32
      %select_n3A_115 = arith.select %and3A_113, %add3A_114, %rem3A_106 : i32
      %mul3A_116 = arith.constant 16 : i32
      %mul3A_117 = arith.muli %select_n3A_115, %mul3A_116 : i32
      %get3A = arith.index_cast %select_n3A : i32 to index
      %get3A_118 = arith.index_cast %mul3A_117 : i32 to index
      %get3A_119 = tpu.vector_load %arg11[%get3A, %get3A_118] {strides = array<i32>} : memref<4x128xi32, #tpu.memory_space<vmem>>, vector<16xi32>,
      %jit3A_120 = arith.constant 8 : i32
      %div3A_121 = arith.divsi %scan3A_85, %jit3A_120 : i32
      %sign3A_122 = arith.constant 0 : i32
      %sign3A_123 = arith.cmpi sgt, %scan3A_85, %sign3A_122 : i32
      %sign3A_124 = arith.extui %sign3A_123 : i1 to i32
      %sign3A_125 = arith.constant 0 : i32
      %sign3A_126 = arith.cmpi slt, %scan3A_85, %sign3A_125 : i32
      %sign3A_127 = arith.extui %sign3A_126 : i1 to i32
      %sign3A_128 = arith.subi %sign3A_124, %sign3A_127 : i32
      %sign3A_129 = arith.constant 0 : i32
      %sign3A_130 = arith.cmpi sgt, %jit3A_120, %sign3A_129 : i32
      %sign3A_131 = arith.extui %sign3A_130 : i1 to i32
      %sign3A_132 = arith.constant 0 : i32
      %sign3A_133 = arith.cmpi slt, %jit3A_120, %sign3A_132 : i32
      %sign3A_134 = arith.extui %sign3A_133 : i1 to i32
      %sign3A_135 = arith.subi %sign3A_131, %sign3A_134 : i32
      %ne3A_136 = arith.cmpi ne, %sign3A_128, %sign3A_135 : i32
      %rem3A_137 = arith.remsi %scan3A_85, %jit3A_120 : i32
      %ne3A_138 = arith.constant 0 : i32
      %ne3A_139 = arith.cmpi ne, %rem3A_137, %ne3A_138 : i32
      %and3A_140 = arith.andi %ne3A_136, %ne3A_139 : i1
      %sub3A_141 = arith.constant 1 : i32
      %sub3A_142 = arith.subi %div3A_121, %sub3A_141 : i32
      %select_n3A_143 = arith.select %and3A_140, %sub3A_142, %div3A_121 : i32
      %jit3A_144 = arith.constant 8 : i32
      %eq3A_145 = arith.constant 0 : i32
      %eq3A_146 = arith.cmpi eq, %jit3A_144, %eq3A_145 : i32
      %jit3A_147 = arith.constant 1 : i32
      %select_n3A_148 = arith.select %eq3A_146, %jit3A_147, %jit3A_144 : i32
      %rem3A_149 = arith.remsi %scan3A_85, %select_n3A_148 : i32
      %ne3A_150 = arith.constant 0 : i32
      %ne3A_151 = arith.cmpi ne, %rem3A_149, %ne3A_150 : i32
      %lt3A_152 = arith.constant 0 : i32
      %lt3A_153 = arith.cmpi slt, %rem3A_149, %lt3A_152 : i32
      %lt3A_154 = arith.constant 0 : i32
      %lt3A_155 = arith.cmpi slt, %select_n3A_148, %lt3A_154 : i32
      %ne3A_156 = arith.xori %lt3A_153, %lt3A_155 : i1
      %and3A_157 = arith.andi %ne3A_156, %ne3A_151 : i1
      %add3A_158 = arith.addi %rem3A_149, %select_n3A_148 : i32
      %select_n3A_159 = arith.select %and3A_157, %add3A_158, %rem3A_149 : i32
      %mul3A_160 = arith.constant 16 : i32
      %mul3A_161 = arith.muli %select_n3A_159, %mul3A_160 : i32
      %get3A_162 = arith.index_cast %select_n3A_143 : i32 to index
      %get3A_163 = arith.index_cast %mul3A_161 : i32 to index
      %get3A_164 = tpu.vector_load %arg12[%get3A_162, %get3A_163] {strides = array<i32>} : memref<4x128xi32, #tpu.memory_space<vmem>>, vector<16xi32>,
      %slice3A = vector.extract_strided_slice %get3A_119 {offsets = [0], sizes = [1], strides = [1]} : vector<16xi32> to vector<1xi32>
      %squeeze3A = vector.extract %slice3A[0] : i32 from vector<1xi32>
      %jit3A_165 = arith.constant 128 : i32
      %div3A_166 = arith.divsi %squeeze3A, %jit3A_165 : i32
      %sign3A_167 = arith.constant 0 : i32
      %sign3A_168 = arith.cmpi sgt, %squeeze3A, %sign3A_167 : i32
      %sign3A_169 = arith.extui %sign3A_168 : i1 to i32
      %sign3A_170 = arith.constant 0 : i32
      %sign3A_171 = arith.cmpi slt, %squeeze3A, %sign3A_170 : i32
      %sign3A_172 = arith.extui %sign3A_171 : i1 to i32
      %sign3A_173 = arith.subi %sign3A_169, %sign3A_172 : i32
      %sign3A_174 = arith.constant 0 : i32
      %sign3A_175 = arith.cmpi sgt, %jit3A_165, %sign3A_174 : i32
      %sign3A_176 = arith.extui %sign3A_175 : i1 to i32
      %sign3A_177 = arith.constant 0 : i32
      %sign3A_178 = arith.cmpi slt, %jit3A_165, %sign3A_177 : i32
      %sign3A_179 = arith.extui %sign3A_178 : i1 to i32
      %sign3A_180 = arith.subi %sign3A_176, %sign3A_179 : i32
      %ne3A_181 = arith.cmpi ne, %sign3A_173, %sign3A_180 : i32
      %rem3A_182 = arith.remsi %squeeze3A, %jit3A_165 : i32
      %ne3A_183 = arith.constant 0 : i32
      %ne3A_184 = arith.cmpi ne, %rem3A_182, %ne3A_183 : i32
      %and3A_185 = arith.andi %ne3A_181, %ne3A_184 : i1
      %sub3A_186 = arith.constant 1 : i32
      %sub3A_187 = arith.subi %div3A_166, %sub3A_186 : i32
      %select_n3A_188 = arith.select %and3A_185, %sub3A_187, %div3A_166 : i32
      %mul3A_189 = arith.constant 128 : i32
      %mul3A_190 = arith.muli %select_n3A_188, %mul3A_189 : i32
      %multiple_of3A = tpu.assume_multiple %mul3A_190, 128 : i32
      %slice3A_191 = vector.extract_strided_slice %get3A_164 {offsets = [0], sizes = [1], strides = [1]} : vector<16xi32> to vector<1xi32>
      %squeeze3A_192 = vector.extract %slice3A_191[0] : i32 from vector<1xi32>
      %jit3A_193 = arith.constant 128 : i32
      %div3A_194 = arith.divsi %squeeze3A_192, %jit3A_193 : i32
      %sign3A_195 = arith.constant 0 : i32
      %sign3A_196 = arith.cmpi sgt, %squeeze3A_192, %sign3A_195 : i32
      %sign3A_197 = arith.extui %sign3A_196 : i1 to i32
      %sign3A_198 = arith.constant 0 : i32
      %sign3A_199 = arith.cmpi slt, %squeeze3A_192, %sign3A_198 : i32
      %sign3A_200 = arith.extui %sign3A_199 : i1 to i32
      %sign3A_201 = arith.subi %sign3A_197, %sign3A_200 : i32
      %sign3A_202 = arith.constant 0 : i32
      %sign3A_203 = arith.cmpi sgt, %jit3A_193, %sign3A_202 : i32
      %sign3A_204 = arith.extui %sign3A_203 : i1 to i32
      %sign3A_205 = arith.constant 0 : i32
      %sign3A_206 = arith.cmpi slt, %jit3A_193, %sign3A_205 : i32
      %sign3A_207 = arith.extui %sign3A_206 : i1 to i32
      %sign3A_208 = arith.subi %sign3A_204, %sign3A_207 : i32
      %ne3A_209 = arith.cmpi ne, %sign3A_201, %sign3A_208 : i32
      %rem3A_210 = arith.remsi %squeeze3A_192, %jit3A_193 : i32
      %ne3A_211 = arith.constant 0 : i32
      %ne3A_212 = arith.cmpi ne, %rem3A_210, %ne3A_211 : i32
      %and3A_213 = arith.andi %ne3A_209, %ne3A_212 : i1
      %sub3A_214 = arith.constant 1 : i32
      %sub3A_215 = arith.subi %div3A_194, %sub3A_214 : i32
      %select_n3A_216 = arith.select %and3A_213, %sub3A_215, %div3A_194 : i32
      %mul3A_217 = arith.constant 128 : i32
      %mul3A_218 = arith.muli %select_n3A_216, %mul3A_217 : i32
      %multiple_of3A_219 = tpu.assume_multiple %mul3A_218, 128 : i32
      %dma_start3A_220 = arith.constant 0 : i32
      %dma_start3A_221 = arith.constant 0 : i32
      %dma_start3A_222 = arith.constant 0 : i32
      %dma_start3A_223 = tpu.memref_slice %arg13[%dma_start3A_220, %dma_start3A_221, %dma_start3A_222] : memref<16x16x128xf32, #tpu.memory_space<vmem>> -> memref<1x16x128xf32, #tpu.memory_space<vmem>>
      %dma_start3A_224 = tpu.memref_squeeze %dma_start3A_223 : memref<1x16x128xf32, #tpu.memory_space<vmem>> -> memref<16x128xf32, #tpu.memory_space<vmem>>
      %dma_start3A_225 = arith.constant 0 : i32
      %dma_start3A_226 = tpu.memref_slice %arg5[%dma_start3A_225, %multiple_of3A] : memref<16x1000000xf32, #tpu.memory_space<hbm>> -> memref<16x128xf32, #tpu.memory_space<hbm>>
      %dma_start3A_227 = arith.constant 0 : i32
      %dma_start3A_228 = arith.constant 0 : i32
      %dma_start3A_229 = tpu.memref_slice %arg13[%dma_start3A_220, %dma_start3A_227, %dma_start3A_228] : memref<16x16x128xf32, #tpu.memory_space<vmem>> -> memref<1x16x128xf32, #tpu.memory_space<vmem>>
      %dma_start3A_230 = tpu.memref_squeeze %dma_start3A_229 : memref<1x16x128xf32, #tpu.memory_space<vmem>> -> memref<16x128xf32, #tpu.memory_space<vmem>>
      %dma_start3A_231 = arith.constant 0 : i32
      %dma_start3A_232 = tpu.memref_slice %arg5[%dma_start3A_231, %multiple_of3A] : memref<16x1000000xf32, #tpu.memory_space<hbm>> -> memref<16x128xf32, #tpu.memory_space<hbm>>
      tpu.enqueue_dma source(%dma_start3A_232 : memref<16x128xf32, #tpu.memory_space<hbm>>) target(%dma_start3A_230 : memref<16x128xf32, #tpu.memory_space<vmem>>) target_semaphore(%arg19 : memref<!tpu.dma_semaphore, #tpu.memory_space<semaphore_mem>>)
      %dma_start3A_233 = arith.constant 0 : i32
      %dma_start3A_234 = arith.constant 0 : i32
      %dma_start3A_235 = arith.constant 0 : i32
      %dma_start3A_236 = tpu.memref_slice %arg14[%dma_start3A_233, %dma_start3A_234, %dma_start3A_235] : memref<16x16x128xf32, #tpu.memory_space<vmem>> -> memref<1x16x128xf32, #tpu.memory_space<vmem>>
      %dma_start3A_237 = tpu.memref_squeeze %dma_start3A_236 : memref<1x16x128xf32, #tpu.memory_space<vmem>> -> memref<16x128xf32, #tpu.memory_space<vmem>>
      %dma_start3A_238 = arith.constant 0 : i32
      %dma_start3A_239 = tpu.memref_slice %arg6[%dma_start3A_238, %multiple_of3A_219] : memref<16x1000000xf32, #tpu.memory_space<hbm>> -> memref<16x128xf32, #tpu.memory_space<hbm>>
      %dma_start3A_240 = arith.constant 0 : i32
      %dma_start3A_241 = arith.constant 0 : i32
      %dma_start3A_242 = tpu.memref_slice %arg14[%dma_start3A_233, %dma_start3A_240, %dma_start3A_241] : memref<16x16x128xf32, #tpu.memory_space<vmem>> -> memref<1x16x128xf32, #tpu.memory_space<vmem>>
      %dma_start3A_243 = tpu.memref_squeeze %dma_start3A_242 : memref<1x16x128xf32, #tpu.memory_space<vmem>> -> memref<16x128xf32, #tpu.memory_space<vmem>>
      %dma_start3A_244 = arith.constant 0 : i32
      %dma_start3A_245 = tpu.memref_slice %arg6[%dma_start3A_244, %multiple_of3A_219] : memref<16x1000000xf32, #tpu.memory_space<hbm>> -> memref<16x128xf32, #tpu.memory_space<hbm>>
      tpu.enqueue_dma source(%dma_start3A_245 : memref<16x128xf32, #tpu.memory_space<hbm>>) target(%dma_start3A_243 : memref<16x128xf32, #tpu.memory_space<vmem>>) target_semaphore(%arg20 : memref<!tpu.dma_semaphore, #tpu.memory_space<semaphore_mem>>)
      %slice3A_246 = vector.extract_strided_slice %get3A_119 {offsets = [1], sizes = [1], strides = [1]} : vector<16xi32> to vector<1xi32>
      %squeeze3A_247 = vector.extract %slice3A_246[0] : i32 from vector<1xi32>
      %jit3A_248 = arith.constant 128 : i32
      %div3A_249 = arith.divsi %squeeze3A_247, %jit3A_248 : i32
      %sign3A_250 = arith.constant 0 : i32
      %sign3A_251 = arith.cmpi sgt, %squeeze3A_247, %sign3A_250 : i32
      %sign3A_252 = arith.extui %sign3A_251 : i1 to i32
      %sign3A_253 = arith.constant 0 : i32
      %sign3A_254 = arith.cmpi slt, %squeeze3A_247, %sign3A_253 : i32
      %sign3A_255 = arith.extui %sign3A_254 : i1 to i32
      %sign3A_256 = arith.subi %sign3A_252, %sign3A_255 : i32
      %sign3A_257 = arith.constant 0 : i32
      %sign3A_258 = arith.cmpi sgt, %jit3A_248, %sign3A_257 : i32
      %sign3A_259 = arith.extui %sign3A_258 : i1 to i32
      %sign3A_260 = arith.constant 0 : i32
      %sign3A_261 = arith.cmpi slt, %jit3A_248, %sign3A_260 : i32
      %sign3A_262 = arith.extui %sign3A_261 : i1 to i32
      %sign3A_263 = arith.subi %sign3A_259, %sign3A_262 : i32
      %ne3A_264 = arith.cmpi ne, %sign3A_256, %sign3A_263 : i32
      %rem3A_265 = arith.remsi %squeeze3A_247, %jit3A_248 : i32
      %ne3A_266 = arith.constant 0 : i32
      %ne3A_267 = arith.cmpi ne, %rem3A_265, %ne3A_266 : i32
      %and3A_268 = arith.andi %ne3A_264, %ne3A_267 : i1
      %sub3A_269 = arith.constant 1 : i32
      %sub3A_270 = arith.subi %div3A_249, %sub3A_269 : i32
      %select_n3A_271 = arith.select %and3A_268, %sub3A_270, %div3A_249 : i32
      %mul3A_272 = arith.constant 128 : i32
      %mul3A_273 = arith.muli %select_n3A_271, %mul3A_272 : i32
      %multiple_of3A_274 = tpu.assume_multiple %mul3A_273, 128 : i32
      %slice3A_275 = vector.extract_strided_slice %get3A_164 {offsets = [1], sizes = [1], strides = [1]} : vector<16xi32> to vector<1xi32>
      %squeeze3A_276 = vector.extract %slice3A_275[0] : i32 from vector<1xi32>
      %jit3A_277 = arith.constant 128 : i32
      %div3A_278 = arith.divsi %squeeze3A_276, %jit3A_277 : i32
      %sign3A_279 = arith.constant 0 : i32
      %sign3A_280 = arith.cmpi sgt, %squeeze3A_276, %sign3A_279 : i32
      %sign3A_281 = arith.extui %sign3A_280 : i1 to i32
      %sign3A_282 = arith.constant 0 : i32
      %sign3A_283 = arith.cmpi slt, %squeeze3A_276, %sign3A_282 : i32
      %sign3A_284 = arith.extui %sign3A_283 : i1 to i32
      %sign3A_285 = arith.subi %sign3A_281, %sign3A_284 : i32
      %sign3A_286 = arith.constant 0 : i32
      %sign3A_287 = arith.cmpi sgt, %jit3A_277, %sign3A_286 : i32
      %sign3A_288 = arith.extui %sign3A_287 : i1 to i32
      %sign3A_289 = arith.constant 0 : i32
      %sign3A_290 = arith.cmpi slt, %jit3A_277, %sign3A_289 : i32
      %sign3A_291 = arith.extui %sign3A_290 : i1 to i32
      %sign3A_292 = arith.subi %sign3A_288, %sign3A_291 : i32
      %ne3A_293 = arith.cmpi ne, %sign3A_285, %sign3A_292 : i32
      %rem3A_294 = arith.remsi %squeeze3A_276, %jit3A_277 : i32
      %ne3A_295 = arith.constant 0 : i32
      %ne3A_296 = arith.cmpi ne, %rem3A_294, %ne3A_295 : i32
      %and3A_297 = arith.andi %ne3A_293, %ne3A_296 : i1
      %sub3A_298 = arith.constant 1 : i32
      %sub3A_299 = arith.subi %div3A_278, %sub3A_298 : i32
      %select_n3A_300 = arith.select %and3A_297, %sub3A_299, %div3A_278 : i32
      %mul3A_301 = arith.constant 128 : i32
      %mul3A_302 = arith.muli %select_n3A_300, %mul3A_301 : i32
      %multiple_of3A_303 = tpu.assume_multiple %mul3A_302, 128 : i32
      %dma_start3A_304 = arith.constant 1 : i32
      %dma_start3A_305 = arith.constant 0 : i32
      %dma_start3A_306 = arith.constant 0 : i32
      %dma_start3A_307 = tpu.memref_slice %arg13[%dma_start3A_304, %dma_start3A_305, %dma_start3A_306] : memref<16x16x128xf32, #tpu.memory_space<vmem>> -> memref<1x16x128xf32, #tpu.memory_space<vmem>>
      %dma_start3A_308 = tpu.memref_squeeze %dma_start3A_307 : memref<1x16x128xf32, #tpu.memory_space<vmem>> -> memref<16x128xf32, #tpu.memory_space<vmem>>
      %dma_start3A_309 = arith.constant 0 : i32
      %dma_start3A_310 = tpu.memref_slice %arg5[%dma_start3A_309, %multiple_of3A_274] : memref<16x1000000xf32, #tpu.memory_space<hbm>> -> memref<16x128xf32, #tpu.memory_space<hbm>>
      %dma_start3A_311 = arith.constant 0 : i32
      %dma_start3A_312 = arith.constant 0 : i32
      %dma_start3A_313 = tpu.memref_slice %arg13[%dma_start3A_304, %dma_start3A_311, %dma_start3A_312] : memref<16x16x128xf32, #tpu.memory_space<vmem>> -> memref<1x16x128xf32, #tpu.memory_space<vmem>>
      %dma_start3A_314 = tpu.memref_squeeze %dma_start3A_313 : memref<1x16x128xf32, #tpu.memory_space<vmem>> -> memref<16x128xf32, #tpu.memory_space<vmem>>
      %dma_start3A_315 = arith.constant 0 : i32
      %dma_start3A_316 = tpu.memref_slice %arg5[%dma_start3A_315, %multiple_of3A_274] : memref<16x1000000xf32, #tpu.memory_space<hbm>> -> memref<16x128xf32, #tpu.memory_space<hbm>>
      tpu.enqueue_dma source(%dma_start3A_316 : memref<16x128xf32, #tpu.memory_space<hbm>>) target(%dma_start3A_314 : memref<16x128xf32, #tpu.memory_space<vmem>>) target_semaphore(%arg19 : memref<!tpu.dma_semaphore, #tpu.memory_space<semaphore_mem>>)
      %dma_start3A_317 = arith.constant 1 : i32
      %dma_start3A_318 = arith.constant 0 : i32
      %dma_start3A_319 = arith.constant 0 : i32
      %dma_start3A_320 = tpu.memref_slice %arg14[%dma_start3A_317, %dma_start3A_318, %dma_start3A_319] : memref<16x16x128xf32, #tpu.memory_space<vmem>> -> memref<1x16x128xf32, #tpu.memory_space<vmem>>
      %dma_start3A_321 = tpu.memref_squeeze %dma_start3A_320 : memref<1x16x128xf32, #tpu.memory_space<vmem>> -> memref<16x128xf32, #tpu.memory_space<vmem>>
      %dma_start3A_322 = arith.constant 0 : i32
      %dma_start3A_323 = tpu.memref_slice %arg6[%dma_start3A_322, %multiple_of3A_303] : memref<16x1000000xf32, #tpu.memory_space<hbm>> -> memref<16x128xf32, #tpu.memory_space<hbm>>
      %dma_start3A_324 = arith.constant 0 : i32
      %dma_start3A_325 = arith.constant 0 : i32
      %dma_start3A_326 = tpu.memref_slice %arg14[%dma_start3A_317, %dma_start3A_324, %dma_start3A_325] : memref<16x16x128xf32, #tpu.memory_space<vmem>> -> memref<1x16x128xf32, #tpu.memory_space<vmem>>
      %dma_start3A_327 = tpu.memref_squeeze %dma_start3A_326 : memref<1x16x128xf32, #tpu.memory_space<vmem>> -> memref<16x128xf32, #tpu.memory_space<vmem>>
      %dma_start3A_328 = arith.constant 0 : i32
      %dma_start3A_329 = tpu.memref_slice %arg6[%dma_start3A_328, %multiple_of3A_303] : memref<16x1000000xf32, #tpu.memory_space<hbm>> -> memref<16x128xf32, #tpu.memory_space<hbm>>
      tpu.enqueue_dma source(%dma_start3A_329 : memref<16x128xf32, #tpu.memory_space<hbm>>) target(%dma_start3A_327 : memref<16x128xf32, #tpu.memory_space<vmem>>) target_semaphore(%arg20 : memref<!tpu.dma_semaphore, #tpu.memory_space<semaphore_mem>>)
      %slice3A_330 = vector.extract_strided_slice %get3A_119 {offsets = [2], sizes = [1], strides = [1]} : vector<16xi32> to vector<1xi32>
      %squeeze3A_331 = vector.extract %slice3A_330[0] : i32 from vector<1xi32>
      %jit3A_332 = arith.constant 128 : i32
      %div3A_333 = arith.divsi %squeeze3A_331, %jit3A_332 : i32
      %sign3A_334 = arith.constant 0 : i32
      %sign3A_335 = arith.cmpi sgt, %squeeze3A_331, %sign3A_334 : i32
      %sign3A_336 = arith.extui %sign3A_335 : i1 to i32
      %sign3A_337 = arith.constant 0 : i32
      %sign3A_338 = arith.cmpi slt, %squeeze3A_331, %sign3A_337 : i32
      %sign3A_339 = arith.extui %sign3A_338 : i1 to i32
      %sign3A_340 = arith.subi %sign3A_336, %sign3A_339 : i32
      %sign3A_341 = arith.constant 0 : i32
      %sign3A_342 = arith.cmpi sgt, %jit3A_332, %sign3A_341 : i32
      %sign3A_343 = arith.extui %sign3A_342 : i1 to i32
      %sign3A_344 = arith.constant 0 : i32
      %sign3A_345 = arith.cmpi slt, %jit3A_332, %sign3A_344 : i32
      %sign3A_346 = arith.extui %sign3A_345 : i1 to i32
      %sign3A_347 = arith.subi %sign3A_343, %sign3A_346 : i32
      %ne3A_348 = arith.cmpi ne, %sign3A_340, %sign3A_347 : i32
      %rem3A_349 = arith.remsi %squeeze3A_331, %jit3A_332 : i32
      %ne3A_350 = arith.constant 0 : i32
      %ne3A_351 = arith.cmpi ne, %rem3A_349, %ne3A_350 : i32
      %and3A_352 = arith.andi %ne3A_348, %ne3A_351 : i1
      %sub3A_353 = arith.constant 1 : i32
      %sub3A_354 = arith.subi %div3A_333, %sub3A_353 : i32
      %select_n3A_355 = arith.select %and3A_352, %sub3A_354, %div3A_333 : i32
      %mul3A_356 = arith.constant 128 : i32
      %mul3A_357 = arith.muli %select_n3A_355, %mul3A_356 : i32
      %multiple_of3A_358 = tpu.assume_multiple %mul3A_357, 128 : i32
      %slice3A_359 = vector.extract_strided_slice %get3A_164 {offsets = [2], sizes = [1], strides = [1]} : vector<16xi32> to vector<1xi32>
      %squeeze3A_360 = vector.extract %slice3A_359[0] : i32 from vector<1xi32>
      %jit3A_361 = arith.constant 128 : i32
      %div3A_362 = arith.divsi %squeeze3A_360, %jit3A_361 : i32
      %sign3A_363 = arith.constant 0 : i32
      %sign3A_364 = arith.cmpi sgt, %squeeze3A_360, %sign3A_363 : i32
      %sign3A_365 = arith.extui %sign3A_364 : i1 to i32
      %sign3A_366 = arith.constant 0 : i32
      %sign3A_367 = arith.cmpi slt, %squeeze3A_360, %sign3A_366 : i32
      %sign3A_368 = arith.extui %sign3A_367 : i1 to i32
      %sign3A_369 = arith.subi %sign3A_365, %sign3A_368 : i32
      %sign3A_370 = arith.constant 0 : i32
      %sign3A_371 = arith.cmpi sgt, %jit3A_361, %sign3A_370 : i32
      %sign3A_372 = arith.extui %sign3A_371 : i1 to i32
      %sign3A_373 = arith.constant 0 : i32
      %sign3A_374 = arith.cmpi slt, %jit3A_361, %sign3A_373 : i32
      %sign3A_375 = arith.extui %sign3A_374 : i1 to i32
      %sign3A_376 = arith.subi %sign3A_372, %sign3A_375 : i32
      %ne3A_377 = arith.cmpi ne, %sign3A_369, %sign3A_376 : i32
      %rem3A_378 = arith.remsi %squeeze3A_360, %jit3A_361 : i32
      %ne3A_379 = arith.constant 0 : i32
      %ne3A_380 = arith.cmpi ne, %rem3A_378, %ne3A_379 : i32
      %and3A_381 = arith.andi %ne3A_377, %ne3A_380 : i1
      %sub3A_382 = arith.constant 1 : i32
      %sub3A_383 = arith.subi %div3A_362, %sub3A_382 : i32
      %select_n3A_384 = arith.select %and3A_381, %sub3A_383, %div3A_362 : i32
      %mul3A_385 = arith.constant 128 : i32
      %mul3A_386 = arith.muli %select_n3A_384, %mul3A_385 : i32
      %multiple_of3A_387 = tpu.assume_multiple %mul3A_386, 128 : i32
      %dma_start3A_388 = arith.constant 2 : i32
      %dma_start3A_389 = arith.constant 0 : i32
      %dma_start3A_390 = arith.constant 0 : i32
      %dma_start3A_391 = tpu.memref_slice %arg13[%dma_start3A_388, %dma_start3A_389, %dma_start3A_390] : memref<16x16x128xf32, #tpu.memory_space<vmem>> -> memref<1x16x128xf32, #tpu.memory_space<vmem>>
      %dma_start3A_392 = tpu.memref_squeeze %dma_start3A_391 : memref<1x16x128xf32, #tpu.memory_space<vmem>> -> memref<16x128xf32, #tpu.memory_space<vmem>>
      %dma_start3A_393 = arith.constant 0 : i32
      %dma_start3A_394 = tpu.memref_slice %arg5[%dma_start3A_393, %multiple_of3A_358] : memref<16x1000000xf32, #tpu.memory_space<hbm>> -> memref<16x128xf32, #tpu.memory_space<hbm>>
      %dma_start3A_395 = arith.constant 0 : i32
      %dma_start3A_396 = arith.constant 0 : i32
      %dma_start3A_397 = tpu.memref_slice %arg13[%dma_start3A_388, %dma_start3A_395, %dma_start3A_396] : memref<16x16x128xf32, #tpu.memory_space<vmem>> -> memref<1x16x128xf32, #tpu.memory_space<vmem>>
      %dma_start3A_398 = tpu.memref_squeeze %dma_start3A_397 : memref<1x16x128xf32, #tpu.memory_space<vmem>> -> memref<16x128xf32, #tpu.memory_space<vmem>>
      %dma_start3A_399 = arith.constant 0 : i32
      %dma_start3A_400 = tpu.memref_slice %arg5[%dma_start3A_399, %multiple_of3A_358] : memref<16x1000000xf32, #tpu.memory_space<hbm>> -> memref<16x128xf32, #tpu.memory_space<hbm>>
      tpu.enqueue_dma source(%dma_start3A_400 : memref<16x128xf32, #tpu.memory_space<hbm>>) target(%dma_start3A_398 : memref<16x128xf32, #tpu.memory_space<vmem>>) target_semaphore(%arg19 : memref<!tpu.dma_semaphore, #tpu.memory_space<semaphore_mem>>)
      %dma_start3A_401 = arith.constant 2 : i32
      %dma_start3A_402 = arith.constant 0 : i32
      %dma_start3A_403 = arith.constant 0 : i32
      %dma_start3A_404 = tpu.memref_slice %arg14[%dma_start3A_401, %dma_start3A_402, %dma_start3A_403] : memref<16x16x128xf32, #tpu.memory_space<vmem>> -> memref<1x16x128xf32, #tpu.memory_space<vmem>>
      %dma_start3A_405 = tpu.memref_squeeze %dma_start3A_404 : memref<1x16x128xf32, #tpu.memory_space<vmem>> -> memref<16x128xf32, #tpu.memory_space<vmem>>
      %dma_start3A_406 = arith.constant 0 : i32
      %dma_start3A_407 = tpu.memref_slice %arg6[%dma_start3A_406, %multiple_of3A_387] : memref<16x1000000xf32, #tpu.memory_space<hbm>> -> memref<16x128xf32, #tpu.memory_space<hbm>>
      %dma_start3A_408 = arith.constant 0 : i32
      %dma_start3A_409 = arith.constant 0 : i32
      %dma_start3A_410 = tpu.memref_slice %arg14[%dma_start3A_401, %dma_start3A_408, %dma_start3A_409] : memref<16x16x128xf32, #tpu.memory_space<vmem>> -> memref<1x16x128xf32, #tpu.memory_space<vmem>>
      %dma_start3A_411 = tpu.memref_squeeze %dma_start3A_410 : memref<1x16x128xf32, #tpu.memory_space<vmem>> -> memref<16x128xf32, #tpu.memory_space<vmem>>
      %dma_start3A_412 = arith.constant 0 : i32
      %dma_start3A_413 = tpu.memref_slice %arg6[%dma_start3A_412, %multiple_of3A_387] : memref<16x1000000xf32, #tpu.memory_space<hbm>> -> memref<16x128xf32, #tpu.memory_space<hbm>>
      tpu.enqueue_dma source(%dma_start3A_413 : memref<16x128xf32, #tpu.memory_space<hbm>>) target(%dma_start3A_411 : memref<16x128xf32, #tpu.memory_space<vmem>>) target_semaphore(%arg20 : memref<!tpu.dma_semaphore, #tpu.memory_space<semaphore_mem>>)
      %slice3A_414 = vector.extract_strided_slice %get3A_119 {offsets = [3], sizes = [1], strides = [1]} : vector<16xi32> to vector<1xi32>
      %squeeze3A_415 = vector.extract %slice3A_414[0] : i32 from vector<1xi32>
      %jit3A_416 = arith.constant 128 : i32
      %div3A_417 = arith.divsi %squeeze3A_415, %jit3A_416 : i32
      %sign3A_418 = arith.constant 0 : i32
      %sign3A_419 = arith.cmpi sgt, %squeeze3A_415, %sign3A_418 : i32
      %sign3A_420 = arith.extui %sign3A_419 : i1 to i32
      %sign3A_421 = arith.constant 0 : i32
      %sign3A_422 = arith.cmpi slt, %squeeze3A_415, %sign3A_421 : i32
      %sign3A_423 = arith.extui %sign3A_422 : i1 to i32
      %sign3A_424 = arith.subi %sign3A_420, %sign3A_423 : i32
      %sign3A_425 = arith.constant 0 : i32
      %sign3A_426 = arith.cmpi sgt, %jit3A_416, %sign3A_425 : i32
      %sign3A_427 = arith.extui %sign3A_426 : i1 to i32
      %sign3A_428 = arith.constant 0 : i32
      %sign3A_429 = arith.cmpi slt, %jit3A_416, %sign3A_428 : i32
      %sign3A_430 = arith.extui %sign3A_429 : i1 to i32
      %sign3A_431 = arith.subi %sign3A_427, %sign3A_430 : i32
      %ne3A_432 = arith.cmpi ne, %sign3A_424, %sign3A_431 : i32
      %rem3A_433 = arith.remsi %squeeze3A_415, %jit3A_416 : i32
      %ne3A_434 = arith.constant 0 : i32
      %ne3A_435 = arith.cmpi ne, %rem3A_433, %ne3A_434 : i32
      %and3A_436 = arith.andi %ne3A_432, %ne3A_435 : i1
      %sub3A_437 = arith.constant 1 : i32
      %sub3A_438 = arith.subi %div3A_417, %sub3A_437 : i32
      %select_n3A_439 = arith.select %and3A_436, %sub3A_438, %div3A_417 : i32
      %mul3A_440 = arith.constant 128 : i32
      %mul3A_441 = arith.muli %select_n3A_439, %mul3A_440 : i32
      %multiple_of3A_442 = tpu.assume_multiple %mul3A_441, 128 : i32
      %slice3A_443 = vector.extract_strided_slice %get3A_164 {offsets = [3], sizes = [1], strides = [1]} : vector<16xi32> to vector<1xi32>
      %squeeze3A_444 = vector.extract %slice3A_443[0] : i32 from vector<1xi32>
      %jit3A_445 = arith.constant 128 : i32
      %div3A_446 = arith.divsi %squeeze3A_444, %jit3A_445 : i32
      %sign3A_447 = arith.constant 0 : i32
      %sign3A_448 = arith.cmpi sgt, %squeeze3A_444, %sign3A_447 : i32
      %sign3A_449 = arith.extui %sign3A_448 : i1 to i32
      %sign3A_450 = arith.constant 0 : i32
      %sign3A_451 = arith.cmpi slt, %squeeze3A_444, %sign3A_450 : i32
      %sign3A_452 = arith.extui %sign3A_451 : i1 to i32
      %sign3A_453 = arith.subi %sign3A_449, %sign3A_452 : i32
      %sign3A_454 = arith.constant 0 : i32
      %sign3A_455 = arith.cmpi sgt, %jit3A_445, %sign3A_454 : i32
      %sign3A_456 = arith.extui %sign3A_455 : i1 to i32
      %sign3A_457 = arith.constant 0 : i32
      %sign3A_458 = arith.cmpi slt, %jit3A_445, %sign3A_457 : i32
      %sign3A_459 = arith.extui %sign3A_458 : i1 to i32
      %sign3A_460 = arith.subi %sign3A_456, %sign3A_459 : i32
      %ne3A_461 = arith.cmpi ne, %sign3A_453, %sign3A_460 : i32
      %rem3A_462 = arith.remsi %squeeze3A_444, %jit3A_445 : i32
      %ne3A_463 = arith.constant 0 : i32
      %ne3A_464 = arith.cmpi ne, %rem3A_462, %ne3A_463 : i32
      %and3A_465 = arith.andi %ne3A_461, %ne3A_464 : i1
      %sub3A_466 = arith.constant 1 : i32
      %sub3A_467 = arith.subi %div3A_446, %sub3A_466 : i32
      %select_n3A_468 = arith.select %and3A_465, %sub3A_467, %div3A_446 : i32
      %mul3A_469 = arith.constant 128 : i32
      %mul3A_470 = arith.muli %select_n3A_468, %mul3A_469 : i32
      %multiple_of3A_471 = tpu.assume_multiple %mul3A_470, 128 : i32
      %dma_start3A_472 = arith.constant 3 : i32
      %dma_start3A_473 = arith.constant 0 : i32
      %dma_start3A_474 = arith.constant 0 : i32
      %dma_start3A_475 = tpu.memref_slice %arg13[%dma_start3A_472, %dma_start3A_473, %dma_start3A_474] : memref<16x16x128xf32, #tpu.memory_space<vmem>> -> memref<1x16x128xf32, #tpu.memory_space<vmem>>
      %dma_start3A_476 = tpu.memref_squeeze %dma_start3A_475 : memref<1x16x128xf32, #tpu.memory_space<vmem>> -> memref<16x128xf32, #tpu.memory_space<vmem>>
      %dma_start3A_477 = arith.constant 0 : i32
      %dma_start3A_478 = tpu.memref_slice %arg5[%dma_start3A_477, %multiple_of3A_442] : memref<16x1000000xf32, #tpu.memory_space<hbm>> -> memref<16x128xf32, #tpu.memory_space<hbm>>
      %dma_start3A_479 = arith.constant 0 : i32
      %dma_start3A_480 = arith.constant 0 : i32
      %dma_start3A_481 = tpu.memref_slice %arg13[%dma_start3A_472, %dma_start3A_479, %dma_start3A_480] : memref<16x16x128xf32, #tpu.memory_space<vmem>> -> memref<1x16x128xf32, #tpu.memory_space<vmem>>
      %dma_start3A_482 = tpu.memref_squeeze %dma_start3A_481 : memref<1x16x128xf32, #tpu.memory_space<vmem>> -> memref<16x128xf32, #tpu.memory_space<vmem>>
      %dma_start3A_483 = arith.constant 0 : i32
      %dma_start3A_484 = tpu.memref_slice %arg5[%dma_start3A_483, %multiple_of3A_442] : memref<16x1000000xf32, #tpu.memory_space<hbm>> -> memref<16x128xf32, #tpu.memory_space<hbm>>
      tpu.enqueue_dma source(%dma_start3A_484 : memref<16x128xf32, #tpu.memory_space<hbm>>) target(%dma_start3A_482 : memref<16x128xf32, #tpu.memory_space<vmem>>) target_semaphore(%arg19 : memref<!tpu.dma_semaphore, #tpu.memory_space<semaphore_mem>>)
      %dma_start3A_485 = arith.constant 3 : i32
      %dma_start3A_486 = arith.constant 0 : i32
      %dma_start3A_487 = arith.constant 0 : i32
      %dma_start3A_488 = tpu.memref_slice %arg14[%dma_start3A_485, %dma_start3A_486, %dma_start3A_487] : memref<16x16x128xf32, #tpu.memory_space<vmem>> -> memref<1x16x128xf32, #tpu.memory_space<vmem>>
      %dma_start3A_489 = tpu.memref_squeeze %dma_start3A_488 : memref<1x16x128xf32, #tpu.memory_space<vmem>> -> memref<16x128xf32, #tpu.memory_space<vmem>>
      %dma_start3A_490 = arith.constant 0 : i32
      %dma_start3A_491 = tpu.memref_slice %arg6[%dma_start3A_490, %multiple_of3A_471] : memref<16x1000000xf32, #tpu.memory_space<hbm>> -> memref<16x128xf32, #tpu.memory_space<hbm>>
      %dma_start3A_492 = arith.constant 0 : i32
      %dma_start3A_493 = arith.constant 0 : i32
      %dma_start3A_494 = tpu.memref_slice %arg14[%dma_start3A_485, %dma_start3A_492, %dma_start3A_493] : memref<16x16x128xf32, #tpu.memory_space<vmem>> -> memref<1x16x128xf32, #tpu.memory_space<vmem>>
      %dma_start3A_495 = tpu.memref_squeeze %dma_start3A_494 : memref<1x16x128xf32, #tpu.memory_space<vmem>> -> memref<16x128xf32, #tpu.memory_space<vmem>>
      %dma_start3A_496 = arith.constant 0 : i32
      %dma_start3A_497 = tpu.memref_slice %arg6[%dma_start3A_496, %multiple_of3A_471] : memref<16x1000000xf32, #tpu.memory_space<hbm>> -> memref<16x128xf32, #tpu.memory_space<hbm>>
      tpu.enqueue_dma source(%dma_start3A_497 : memref<16x128xf32, #tpu.memory_space<hbm>>) target(%dma_start3A_495 : memref<16x128xf32, #tpu.memory_space<vmem>>) target_semaphore(%arg20 : memref<!tpu.dma_semaphore, #tpu.memory_space<semaphore_mem>>)
      %slice3A_498 = vector.extract_strided_slice %get3A_119 {offsets = [4], sizes = [1], strides = [1]} : vector<16xi32> to vector<1xi32>
      %squeeze3A_499 = vector.extract %slice3A_498[0] : i32 from vector<1xi32>
      %jit3A_500 = arith.constant 128 : i32
      %div3A_501 = arith.divsi %squeeze3A_499, %jit3A_500 : i32
      %sign3A_502 = arith.constant 0 : i32
      %sign3A_503 = arith.cmpi sgt, %squeeze3A_499, %sign3A_502 : i32
      %sign3A_504 = arith.extui %sign3A_503 : i1 to i32
      %sign3A_505 = arith.constant 0 : i32
      %sign3A_506 = arith.cmpi slt, %squeeze3A_499, %sign3A_505 : i32
      %sign3A_507 = arith.extui %sign3A_506 : i1 to i32
      %sign3A_508 = arith.subi %sign3A_504, %sign3A_507 : i32
      %sign3A_509 = arith.constant 0 : i32
      %sign3A_510 = arith.cmpi sgt, %jit3A_500, %sign3A_509 : i32
      %sign3A_511 = arith.extui %sign3A_510 : i1 to i32
      %sign3A_512 = arith.constant 0 : i32
      %sign3A_513 = arith.cmpi slt, %jit3A_500, %sign3A_512 : i32
      %sign3A_514 = arith.extui %sign3A_513 : i1 to i32
      %sign3A_515 = arith.subi %sign3A_511, %sign3A_514 : i32
      %ne3A_516 = arith.cmpi ne, %sign3A_508, %sign3A_515 : i32
      %rem3A_517 = arith.remsi %squeeze3A_499, %jit3A_500 : i32
      %ne3A_518 = arith.constant 0 : i32
      %ne3A_519 = arith.cmpi ne, %rem3A_517, %ne3A_518 : i32
      %and3A_520 = arith.andi %ne3A_516, %ne3A_519 : i1
      %sub3A_521 = arith.constant 1 : i32
      %sub3A_522 = arith.subi %div3A_501, %sub3A_521 : i32
      %select_n3A_523 = arith.select %and3A_520, %sub3A_522, %div3A_501 : i32
      %mul3A_524 = arith.constant 128 : i32
      %mul3A_525 = arith.muli %select_n3A_523, %mul3A_524 : i32
      %multiple_of3A_526 = tpu.assume_multiple %mul3A_525, 128 : i32
      %slice3A_527 = vector.extract_strided_slice %get3A_164 {offsets = [4], sizes = [1], strides = [1]} : vector<16xi32> to vector<1xi32>
      %squeeze3A_528 = vector.extract %slice3A_527[0] : i32 from vector<1xi32>
      %jit3A_529 = arith.constant 128 : i32
      %div3A_530 = arith.divsi %squeeze3A_528, %jit3A_529 : i32
      %sign3A_531 = arith.constant 0 : i32
      %sign3A_532 = arith.cmpi sgt, %squeeze3A_528, %sign3A_531 : i32
      %sign3A_533 = arith.extui %sign3A_532 : i1 to i32
      %sign3A_534 = arith.constant 0 : i32
      %sign3A_535 = arith.cmpi slt, %squeeze3A_528, %sign3A_534 : i32
      %sign3A_536 = arith.extui %sign3A_535 : i1 to i32
      %sign3A_537 = arith.subi %sign3A_533, %sign3A_536 : i32
      %sign3A_538 = arith.constant 0 : i32
      %sign3A_539 = arith.cmpi sgt, %jit3A_529, %sign3A_538 : i32
      %sign3A_540 = arith.extui %sign3A_539 : i1 to i32
      %sign3A_541 = arith.constant 0 : i32
      %sign3A_542 = arith.cmpi slt, %jit3A_529, %sign3A_541 : i32
      %sign3A_543 = arith.extui %sign3A_542 : i1 to i32
      %sign3A_544 = arith.subi %sign3A_540, %sign3A_543 : i32
      %ne3A_545 = arith.cmpi ne, %sign3A_537, %sign3A_544 : i32
      %rem3A_546 = arith.remsi %squeeze3A_528, %jit3A_529 : i32
      %ne3A_547 = arith.constant 0 : i32
      %ne3A_548 = arith.cmpi ne, %rem3A_546, %ne3A_547 : i32
      %and3A_549 = arith.andi %ne3A_545, %ne3A_548 : i1
      %sub3A_550 = arith.constant 1 : i32
      %sub3A_551 = arith.subi %div3A_530, %sub3A_550 : i32
      %select_n3A_552 = arith.select %and3A_549, %sub3A_551, %div3A_530 : i32
      %mul3A_553 = arith.constant 128 : i32
      %mul3A_554 = arith.muli %select_n3A_552, %mul3A_553 : i32
      %multiple_of3A_555 = tpu.assume_multiple %mul3A_554, 128 : i32
      %dma_start3A_556 = arith.constant 4 : i32
      %dma_start3A_557 = arith.constant 0 : i32
      %dma_start3A_558 = arith.constant 0 : i32
      %dma_start3A_559 = tpu.memref_slice %arg13[%dma_start3A_556, %dma_start3A_557, %dma_start3A_558] : memref<16x16x128xf32, #tpu.memory_space<vmem>> -> memref<1x16x128xf32, #tpu.memory_space<vmem>>
      %dma_start3A_560 = tpu.memref_squeeze %dma_start3A_559 : memref<1x16x128xf32, #tpu.memory_space<vmem>> -> memref<16x128xf32, #tpu.memory_space<vmem>>
      %dma_start3A_561 = arith.constant 0 : i32
      %dma_start3A_562 = tpu.memref_slice %arg5[%dma_start3A_561, %multiple_of3A_526] : memref<16x1000000xf32, #tpu.memory_space<hbm>> -> memref<16x128xf32, #tpu.memory_space<hbm>>
      %dma_start3A_563 = arith.constant 0 : i32
      %dma_start3A_564 = arith.constant 0 : i32
      %dma_start3A_565 = tpu.memref_slice %arg13[%dma_start3A_556, %dma_start3A_563, %dma_start3A_564] : memref<16x16x128xf32, #tpu.memory_space<vmem>> -> memref<1x16x128xf32, #tpu.memory_space<vmem>>
      %dma_start3A_566 = tpu.memref_squeeze %dma_start3A_565 : memref<1x16x128xf32, #tpu.memory_space<vmem>> -> memref<16x128xf32, #tpu.memory_space<vmem>>
      %dma_start3A_567 = arith.constant 0 : i32
      %dma_start3A_568 = tpu.memref_slice %arg5[%dma_start3A_567, %multiple_of3A_526] : memref<16x1000000xf32, #tpu.memory_space<hbm>> -> memref<16x128xf32, #tpu.memory_space<hbm>>
      tpu.enqueue_dma source(%dma_start3A_568 : memref<16x128xf32, #tpu.memory_space<hbm>>) target(%dma_start3A_566 : memref<16x128xf32, #tpu.memory_space<vmem>>) target_semaphore(%arg19 : memref<!tpu.dma_semaphore, #tpu.memory_space<semaphore_mem>>)
      %dma_start3A_569 = arith.constant 4 : i32
      %dma_start3A_570 = arith.constant 0 : i32
      %dma_start3A_571 = arith.constant 0 : i32
      %dma_start3A_572 = tpu.memref_slice %arg14[%dma_start3A_569, %dma_start3A_570, %dma_start3A_571] : memref<16x16x128xf32, #tpu.memory_space<vmem>> -> memref<1x16x128xf32, #tpu.memory_space<vmem>>
      %dma_start3A_573 = tpu.memref_squeeze %dma_start3A_572 : memref<1x16x128xf32, #tpu.memory_space<vmem>> -> memref<16x128xf32, #tpu.memory_space<vmem>>
      %dma_start3A_574 = arith.constant 0 : i32
      %dma_start3A_575 = tpu.memref_slice %arg6[%dma_start3A_574, %multiple_of3A_555] : memref<16x1000000xf32, #tpu.memory_space<hbm>> -> memref<16x128xf32, #tpu.memory_space<hbm>>
      %dma_start3A_576 = arith.constant 0 : i32
      %dma_start3A_577 = arith.constant 0 : i32
      %dma_start3A_578 = tpu.memref_slice %arg14[%dma_start3A_569, %dma_start3A_576, %dma_start3A_577] : memref<16x16x128xf32, #tpu.memory_space<vmem>> -> memref<1x16x128xf32, #tpu.memory_space<vmem>>
      %dma_start3A_579 = tpu.memref_squeeze %dma_start3A_578 : memref<1x16x128xf32, #tpu.memory_space<vmem>> -> memref<16x128xf32, #tpu.memory_space<vmem>>
      %dma_start3A_580 = arith.constant 0 : i32
      %dma_start3A_581 = tpu.memref_slice %arg6[%dma_start3A_580, %multiple_of3A_555] : memref<16x1000000xf32, #tpu.memory_space<hbm>> -> memref<16x128xf32, #tpu.memory_space<hbm>>
      tpu.enqueue_dma source(%dma_start3A_581 : memref<16x128xf32, #tpu.memory_space<hbm>>) target(%dma_start3A_579 : memref<16x128xf32, #tpu.memory_space<vmem>>) target_semaphore(%arg20 : memref<!tpu.dma_semaphore, #tpu.memory_space<semaphore_mem>>)
      %slice3A_582 = vector.extract_strided_slice %get3A_119 {offsets = [5], sizes = [1], strides = [1]} : vector<16xi32> to vector<1xi32>
      %squeeze3A_583 = vector.extract %slice3A_582[0] : i32 from vector<1xi32>
      %jit3A_584 = arith.constant 128 : i32
      %div3A_585 = arith.divsi %squeeze3A_583, %jit3A_584 : i32
      %sign3A_586 = arith.constant 0 : i32
      %sign3A_587 = arith.cmpi sgt, %squeeze3A_583, %sign3A_586 : i32
      %sign3A_588 = arith.extui %sign3A_587 : i1 to i32
      %sign3A_589 = arith.constant 0 : i32
      %sign3A_590 = arith.cmpi slt, %squeeze3A_583, %sign3A_589 : i32
      %sign3A_591 = arith.extui %sign3A_590 : i1 to i32
      %sign3A_592 = arith.subi %sign3A_588, %sign3A_591 : i32
      %sign3A_593 = arith.constant 0 : i32
      %sign3A_594 = arith.cmpi sgt, %jit3A_584, %sign3A_593 : i32
      %sign3A_595 = arith.extui %sign3A_594 : i1 to i32
      %sign3A_596 = arith.constant 0 : i32
      %sign3A_597 = arith.cmpi slt, %jit3A_584, %sign3A_596 : i32
      %sign3A_598 = arith.extui %sign3A_597 : i1 to i32
      %sign3A_599 = arith.subi %sign3A_595, %sign3A_598 : i32
      %ne3A_600 = arith.cmpi ne, %sign3A_592, %sign3A_599 : i32
      %rem3A_601 = arith.remsi %squeeze3A_583, %jit3A_584 : i32
      %ne3A_602 = arith.constant 0 : i32
      %ne3A_603 = arith.cmpi ne, %rem3A_601, %ne3A_602 : i32
      %and3A_604 = arith.andi %ne3A_600, %ne3A_603 : i1
      %sub3A_605 = arith.constant 1 : i32
      %sub3A_606 = arith.subi %div3A_585, %sub3A_605 : i32
      %select_n3A_607 = arith.select %and3A_604, %sub3A_606, %div3A_585 : i32
      %mul3A_608 = arith.constant 128 : i32
      %mul3A_609 = arith.muli %select_n3A_607, %mul3A_608 : i32
      %multiple_of3A_610 = tpu.assume_multiple %mul3A_609, 128 : i32
      %slice3A_611 = vector.extract_strided_slice %get3A_164 {offsets = [5], sizes = [1], strides = [1]} : vector<16xi32> to vector<1xi32>
      %squeeze3A_612 = vector.extract %slice3A_611[0] : i32 from vector<1xi32>
      %jit3A_613 = arith.constant 128 : i32
      %div3A_614 = arith.divsi %squeeze3A_612, %jit3A_613 : i32
      %sign3A_615 = arith.constant 0 : i32
      %sign3A_616 = arith.cmpi sgt, %squeeze3A_612, %sign3A_615 : i32
      %sign3A_617 = arith.extui %sign3A_616 : i1 to i32
      %sign3A_618 = arith.constant 0 : i32
      %sign3A_619 = arith.cmpi slt, %squeeze3A_612, %sign3A_618 : i32
      %sign3A_620 = arith.extui %sign3A_619 : i1 to i32
      %sign3A_621 = arith.subi %sign3A_617, %sign3A_620 : i32
      %sign3A_622 = arith.constant 0 : i32
      %sign3A_623 = arith.cmpi sgt, %jit3A_613, %sign3A_622 : i32
      %sign3A_624 = arith.extui %sign3A_623 : i1 to i32
      %sign3A_625 = arith.constant 0 : i32
      %sign3A_626 = arith.cmpi slt, %jit3A_613, %sign3A_625 : i32
      %sign3A_627 = arith.extui %sign3A_626 : i1 to i32
      %sign3A_628 = arith.subi %sign3A_624, %sign3A_627 : i32
      %ne3A_629 = arith.cmpi ne, %sign3A_621, %sign3A_628 : i32
      %rem3A_630 = arith.remsi %squeeze3A_612, %jit3A_613 : i32
      %ne3A_631 = arith.constant 0 : i32
      %ne3A_632 = arith.cmpi ne, %rem3A_630, %ne3A_631 : i32
      %and3A_633 = arith.andi %ne3A_629, %ne3A_632 : i1
      %sub3A_634 = arith.constant 1 : i32
      %sub3A_635 = arith.subi %div3A_614, %sub3A_634 : i32
      %select_n3A_636 = arith.select %and3A_633, %sub3A_635, %div3A_614 : i32
      %mul3A_637 = arith.constant 128 : i32
      %mul3A_638 = arith.muli %select_n3A_636, %mul3A_637 : i32
      %multiple_of3A_639 = tpu.assume_multiple %mul3A_638, 128 : i32
      %dma_start3A_640 = arith.constant 5 : i32
      %dma_start3A_641 = arith.constant 0 : i32
      %dma_start3A_642 = arith.constant 0 : i32
      %dma_start3A_643 = tpu.memref_slice %arg13[%dma_start3A_640, %dma_start3A_641, %dma_start3A_642] : memref<16x16x128xf32, #tpu.memory_space<vmem>> -> memref<1x16x128xf32, #tpu.memory_space<vmem>>
      %dma_start3A_644 = tpu.memref_squeeze %dma_start3A_643 : memref<1x16x128xf32, #tpu.memory_space<vmem>> -> memref<16x128xf32, #tpu.memory_space<vmem>>
      %dma_start3A_645 = arith.constant 0 : i32
      %dma_start3A_646 = tpu.memref_slice %arg5[%dma_start3A_645, %multiple_of3A_610] : memref<16x1000000xf32, #tpu.memory_space<hbm>> -> memref<16x128xf32, #tpu.memory_space<hbm>>
      %dma_start3A_647 = arith.constant 0 : i32
      %dma_start3A_648 = arith.constant 0 : i32
      %dma_start3A_649 = tpu.memref_slice %arg13[%dma_start3A_640, %dma_start3A_647, %dma_start3A_648] : memref<16x16x128xf32, #tpu.memory_space<vmem>> -> memref<1x16x128xf32, #tpu.memory_space<vmem>>
      %dma_start3A_650 = tpu.memref_squeeze %dma_start3A_649 : memref<1x16x128xf32, #tpu.memory_space<vmem>> -> memref<16x128xf32, #tpu.memory_space<vmem>>
      %dma_start3A_651 = arith.constant 0 : i32
      %dma_start3A_652 = tpu.memref_slice %arg5[%dma_start3A_651, %multiple_of3A_610] : memref<16x1000000xf32, #tpu.memory_space<hbm>> -> memref<16x128xf32, #tpu.memory_space<hbm>>
      tpu.enqueue_dma source(%dma_start3A_652 : memref<16x128xf32, #tpu.memory_space<hbm>>) target(%dma_start3A_650 : memref<16x128xf32, #tpu.memory_space<vmem>>) target_semaphore(%arg19 : memref<!tpu.dma_semaphore, #tpu.memory_space<semaphore_mem>>)
      %dma_start3A_653 = arith.constant 5 : i32
      %dma_start3A_654 = arith.constant 0 : i32
      %dma_start3A_655 = arith.constant 0 : i32
      %dma_start3A_656 = tpu.memref_slice %arg14[%dma_start3A_653, %dma_start3A_654, %dma_start3A_655] : memref<16x16x128xf32, #tpu.memory_space<vmem>> -> memref<1x16x128xf32, #tpu.memory_space<vmem>>
      %dma_start3A_657 = tpu.memref_squeeze %dma_start3A_656 : memref<1x16x128xf32, #tpu.memory_space<vmem>> -> memref<16x128xf32, #tpu.memory_space<vmem>>
      %dma_start3A_658 = arith.constant 0 : i32
      %dma_start3A_659 = tpu.memref_slice %arg6[%dma_start3A_658, %multiple_of3A_639] : memref<16x1000000xf32, #tpu.memory_space<hbm>> -> memref<16x128xf32, #tpu.memory_space<hbm>>
      %dma_start3A_660 = arith.constant 0 : i32
      %dma_start3A_661 = arith.constant 0 : i32
      %dma_start3A_662 = tpu.memref_slice %arg14[%dma_start3A_653, %dma_start3A_660, %dma_start3A_661] : memref<16x16x128xf32, #tpu.memory_space<vmem>> -> memref<1x16x128xf32, #tpu.memory_space<vmem>>
      %dma_start3A_663 = tpu.memref_squeeze %dma_start3A_662 : memref<1x16x128xf32, #tpu.memory_space<vmem>> -> memref<16x128xf32, #tpu.memory_space<vmem>>
      %dma_start3A_664 = arith.constant 0 : i32
      %dma_start3A_665 = tpu.memref_slice %arg6[%dma_start3A_664, %multiple_of3A_639] : memref<16x1000000xf32, #tpu.memory_space<hbm>> -> memref<16x128xf32, #tpu.memory_space<hbm>>
      tpu.enqueue_dma source(%dma_start3A_665 : memref<16x128xf32, #tpu.memory_space<hbm>>) target(%dma_start3A_663 : memref<16x128xf32, #tpu.memory_space<vmem>>) target_semaphore(%arg20 : memref<!tpu.dma_semaphore, #tpu.memory_space<semaphore_mem>>)
      %slice3A_666 = vector.extract_strided_slice %get3A_119 {offsets = [6], sizes = [1], strides = [1]} : vector<16xi32> to vector<1xi32>
      %squeeze3A_667 = vector.extract %slice3A_666[0] : i32 from vector<1xi32>
      %jit3A_668 = arith.constant 128 : i32
      %div3A_669 = arith.divsi %squeeze3A_667, %jit3A_668 : i32
      %sign3A_670 = arith.constant 0 : i32
      %sign3A_671 = arith.cmpi sgt, %squeeze3A_667, %sign3A_670 : i32
      %sign3A_672 = arith.extui %sign3A_671 : i1 to i32
      %sign3A_673 = arith.constant 0 : i32
      %sign3A_674 = arith.cmpi slt, %squeeze3A_667, %sign3A_673 : i32
      %sign3A_675 = arith.extui %sign3A_674 : i1 to i32
      %sign3A_676 = arith.subi %sign3A_672, %sign3A_675 : i32
      %sign3A_677 = arith.constant 0 : i32
      %sign3A_678 = arith.cmpi sgt, %jit3A_668, %sign3A_677 : i32
      %sign3A_679 = arith.extui %sign3A_678 : i1 to i32
      %sign3A_680 = arith.constant 0 : i32
      %sign3A_681 = arith.cmpi slt, %jit3A_668, %sign3A_680 : i32
      %sign3A_682 = arith.extui %sign3A_681 : i1 to i32
      %sign3A_683 = arith.subi %sign3A_679, %sign3A_682 : i32
      %ne3A_684 = arith.cmpi ne, %sign3A_676, %sign3A_683 : i32
      %rem3A_685 = arith.remsi %squeeze3A_667, %jit3A_668 : i32
      %ne3A_686 = arith.constant 0 : i32
      %ne3A_687 = arith.cmpi ne, %rem3A_685, %ne3A_686 : i32
      %and3A_688 = arith.andi %ne3A_684, %ne3A_687 : i1
      %sub3A_689 = arith.constant 1 : i32
      %sub3A_690 = arith.subi %div3A_669, %sub3A_689 : i32
      %select_n3A_691 = arith.select %and3A_688, %sub3A_690, %div3A_669 : i32
      %mul3A_692 = arith.constant 128 : i32
      %mul3A_693 = arith.muli %select_n3A_691, %mul3A_692 : i32
      %multiple_of3A_694 = tpu.assume_multiple %mul3A_693, 128 : i32
      %slice3A_695 = vector.extract_strided_slice %get3A_164 {offsets = [6], sizes = [1], strides = [1]} : vector<16xi32> to vector<1xi32>
      %squeeze3A_696 = vector.extract %slice3A_695[0] : i32 from vector<1xi32>
      %jit3A_697 = arith.constant 128 : i32
      %div3A_698 = arith.divsi %squeeze3A_696, %jit3A_697 : i32
      %sign3A_699 = arith.constant 0 : i32
      %sign3A_700 = arith.cmpi sgt, %squeeze3A_696, %sign3A_699 : i32
      %sign3A_701 = arith.extui %sign3A_700 : i1 to i32
      %sign3A_702 = arith.constant 0 : i32
      %sign3A_703 = arith.cmpi slt, %squeeze3A_696, %sign3A_702 : i32
      %sign3A_704 = arith.extui %sign3A_703 : i1 to i32
      %sign3A_705 = arith.subi %sign3A_701, %sign3A_704 : i32
      %sign3A_706 = arith.constant 0 : i32
      %sign3A_707 = arith.cmpi sgt, %jit3A_697, %sign3A_706 : i32
      %sign3A_708 = arith.extui %sign3A_707 : i1 to i32
      %sign3A_709 = arith.constant 0 : i32
      %sign3A_710 = arith.cmpi slt, %jit3A_697, %sign3A_709 : i32
      %sign3A_711 = arith.extui %sign3A_710 : i1 to i32
      %sign3A_712 = arith.subi %sign3A_708, %sign3A_711 : i32
      %ne3A_713 = arith.cmpi ne, %sign3A_705, %sign3A_712 : i32
      %rem3A_714 = arith.remsi %squeeze3A_696, %jit3A_697 : i32
      %ne3A_715 = arith.constant 0 : i32
      %ne3A_716 = arith.cmpi ne, %rem3A_714, %ne3A_715 : i32
      %and3A_717 = arith.andi %ne3A_713, %ne3A_716 : i1
      %sub3A_718 = arith.constant 1 : i32
      %sub3A_719 = arith.subi %div3A_698, %sub3A_718 : i32
      %select_n3A_720 = arith.select %and3A_717, %sub3A_719, %div3A_698 : i32
      %mul3A_721 = arith.constant 128 : i32
      %mul3A_722 = arith.muli %select_n3A_720, %mul3A_721 : i32
      %multiple_of3A_723 = tpu.assume_multiple %mul3A_722, 128 : i32
      %dma_start3A_724 = arith.constant 6 : i32
      %dma_start3A_725 = arith.constant 0 : i32
      %dma_start3A_726 = arith.constant 0 : i32
      %dma_start3A_727 = tpu.memref_slice %arg13[%dma_start3A_724, %dma_start3A_725, %dma_start3A_726] : memref<16x16x128xf32, #tpu.memory_space<vmem>> -> memref<1x16x128xf32, #tpu.memory_space<vmem>>
      %dma_start3A_728 = tpu.memref_squeeze %dma_start3A_727 : memref<1x16x128xf32, #tpu.memory_space<vmem>> -> memref<16x128xf32, #tpu.memory_space<vmem>>
      %dma_start3A_729 = arith.constant 0 : i32
      %dma_start3A_730 = tpu.memref_slice %arg5[%dma_start3A_729, %multiple_of3A_694] : memref<16x1000000xf32, #tpu.memory_space<hbm>> -> memref<16x128xf32, #tpu.memory_space<hbm>>
      %dma_start3A_731 = arith.constant 0 : i32
      %dma_start3A_732 = arith.constant 0 : i32
      %dma_start3A_733 = tpu.memref_slice %arg13[%dma_start3A_724, %dma_start3A_731, %dma_start3A_732] : memref<16x16x128xf32, #tpu.memory_space<vmem>> -> memref<1x16x128xf32, #tpu.memory_space<vmem>>
      %dma_start3A_734 = tpu.memref_squeeze %dma_start3A_733 : memref<1x16x128xf32, #tpu.memory_space<vmem>> -> memref<16x128xf32, #tpu.memory_space<vmem>>
      %dma_start3A_735 = arith.constant 0 : i32
      %dma_start3A_736 = tpu.memref_slice %arg5[%dma_start3A_735, %multiple_of3A_694] : memref<16x1000000xf32, #tpu.memory_space<hbm>> -> memref<16x128xf32, #tpu.memory_space<hbm>>
      tpu.enqueue_dma source(%dma_start3A_736 : memref<16x128xf32, #tpu.memory_space<hbm>>) target(%dma_start3A_734 : memref<16x128xf32, #tpu.memory_space<vmem>>) target_semaphore(%arg19 : memref<!tpu.dma_semaphore, #tpu.memory_space<semaphore_mem>>)
      %dma_start3A_737 = arith.constant 6 : i32
      %dma_start3A_738 = arith.constant 0 : i32
      %dma_start3A_739 = arith.constant 0 : i32
      %dma_start3A_740 = tpu.memref_slice %arg14[%dma_start3A_737, %dma_start3A_738, %dma_start3A_739] : memref<16x16x128xf32, #tpu.memory_space<vmem>> -> memref<1x16x128xf32, #tpu.memory_space<vmem>>
      %dma_start3A_741 = tpu.memref_squeeze %dma_start3A_740 : memref<1x16x128xf32, #tpu.memory_space<vmem>> -> memref<16x128xf32, #tpu.memory_space<vmem>>
      %dma_start3A_742 = arith.constant 0 : i32
      %dma_start3A_743 = tpu.memref_slice %arg6[%dma_start3A_742, %multiple_of3A_723] : memref<16x1000000xf32, #tpu.memory_space<hbm>> -> memref<16x128xf32, #tpu.memory_space<hbm>>
      %dma_start3A_744 = arith.constant 0 : i32
      %dma_start3A_745 = arith.constant 0 : i32
      %dma_start3A_746 = tpu.memref_slice %arg14[%dma_start3A_737, %dma_start3A_744, %dma_start3A_745] : memref<16x16x128xf32, #tpu.memory_space<vmem>> -> memref<1x16x128xf32, #tpu.memory_space<vmem>>
      %dma_start3A_747 = tpu.memref_squeeze %dma_start3A_746 : memref<1x16x128xf32, #tpu.memory_space<vmem>> -> memref<16x128xf32, #tpu.memory_space<vmem>>
      %dma_start3A_748 = arith.constant 0 : i32
      %dma_start3A_749 = tpu.memref_slice %arg6[%dma_start3A_748, %multiple_of3A_723] : memref<16x1000000xf32, #tpu.memory_space<hbm>> -> memref<16x128xf32, #tpu.memory_space<hbm>>
      tpu.enqueue_dma source(%dma_start3A_749 : memref<16x128xf32, #tpu.memory_space<hbm>>) target(%dma_start3A_747 : memref<16x128xf32, #tpu.memory_space<vmem>>) target_semaphore(%arg20 : memref<!tpu.dma_semaphore, #tpu.memory_space<semaphore_mem>>)
      %slice3A_750 = vector.extract_strided_slice %get3A_119 {offsets = [7], sizes = [1], strides = [1]} : vector<16xi32> to vector<1xi32>
      %squeeze3A_751 = vector.extract %slice3A_750[0] : i32 from vector<1xi32>
      %jit3A_752 = arith.constant 128 : i32
      %div3A_753 = arith.divsi %squeeze3A_751, %jit3A_752 : i32
      %sign3A_754 = arith.constant 0 : i32
      %sign3A_755 = arith.cmpi sgt, %squeeze3A_751, %sign3A_754 : i32
      %sign3A_756 = arith.extui %sign3A_755 : i1 to i32
      %sign3A_757 = arith.constant 0 : i32
      %sign3A_758 = arith.cmpi slt, %squeeze3A_751, %sign3A_757 : i32
      %sign3A_759 = arith.extui %sign3A_758 : i1 to i32
      %sign3A_760 = arith.subi %sign3A_756, %sign3A_759 : i32
      %sign3A_761 = arith.constant 0 : i32
      %sign3A_762 = arith.cmpi sgt, %jit3A_752, %sign3A_761 : i32
      %sign3A_763 = arith.extui %sign3A_762 : i1 to i32
      %sign3A_764 = arith.constant 0 : i32
      %sign3A_765 = arith.cmpi slt, %jit3A_752, %sign3A_764 : i32
      %sign3A_766 = arith.extui %sign3A_765 : i1 to i32
      %sign3A_767 = arith.subi %sign3A_763, %sign3A_766 : i32
      %ne3A_768 = arith.cmpi ne, %sign3A_760, %sign3A_767 : i32
      %rem3A_769 = arith.remsi %squeeze3A_751, %jit3A_752 : i32
      %ne3A_770 = arith.constant 0 : i32
      %ne3A_771 = arith.cmpi ne, %rem3A_769, %ne3A_770 : i32
      %and3A_772 = arith.andi %ne3A_768, %ne3A_771 : i1
      %sub3A_773 = arith.constant 1 : i32
      %sub3A_774 = arith.subi %div3A_753, %sub3A_773 : i32
      %select_n3A_775 = arith.select %and3A_772, %sub3A_774, %div3A_753 : i32
      %mul3A_776 = arith.constant 128 : i32
      %mul3A_777 = arith.muli %select_n3A_775, %mul3A_776 : i32
      %multiple_of3A_778 = tpu.assume_multiple %mul3A_777, 128 : i32
      %slice3A_779 = vector.extract_strided_slice %get3A_164 {offsets = [7], sizes = [1], strides = [1]} : vector<16xi32> to vector<1xi32>
      %squeeze3A_780 = vector.extract %slice3A_779[0] : i32 from vector<1xi32>
      %jit3A_781 = arith.constant 128 : i32
      %div3A_782 = arith.divsi %squeeze3A_780, %jit3A_781 : i32
      %sign3A_783 = arith.constant 0 : i32
      %sign3A_784 = arith.cmpi sgt, %squeeze3A_780, %sign3A_783 : i32
      %sign3A_785 = arith.extui %sign3A_784 : i1 to i32
      %sign3A_786 = arith.constant 0 : i32
      %sign3A_787 = arith.cmpi slt, %squeeze3A_780, %sign3A_786 : i32
      %sign3A_788 = arith.extui %sign3A_787 : i1 to i32
      %sign3A_789 = arith.subi %sign3A_785, %sign3A_788 : i32
      %sign3A_790 = arith.constant 0 : i32
      %sign3A_791 = arith.cmpi sgt, %jit3A_781, %sign3A_790 : i32
      %sign3A_792 = arith.extui %sign3A_791 : i1 to i32
      %sign3A_793 = arith.constant 0 : i32
      %sign3A_794 = arith.cmpi slt, %jit3A_781, %sign3A_793 : i32
      %sign3A_795 = arith.extui %sign3A_794 : i1 to i32
      %sign3A_796 = arith.subi %sign3A_792, %sign3A_795 : i32
      %ne3A_797 = arith.cmpi ne, %sign3A_789, %sign3A_796 : i32
      %rem3A_798 = arith.remsi %squeeze3A_780, %jit3A_781 : i32
      %ne3A_799 = arith.constant 0 : i32
      %ne3A_800 = arith.cmpi ne, %rem3A_798, %ne3A_799 : i32
      %and3A_801 = arith.andi %ne3A_797, %ne3A_800 : i1
      %sub3A_802 = arith.constant 1 : i32
      %sub3A_803 = arith.subi %div3A_782, %sub3A_802 : i32
      %select_n3A_804 = arith.select %and3A_801, %sub3A_803, %div3A_782 : i32
      %mul3A_805 = arith.constant 128 : i32
      %mul3A_806 = arith.muli %select_n3A_804, %mul3A_805 : i32
      %multiple_of3A_807 = tpu.assume_multiple %mul3A_806, 128 : i32
      %dma_start3A_808 = arith.constant 7 : i32
      %dma_start3A_809 = arith.constant 0 : i32
      %dma_start3A_810 = arith.constant 0 : i32
      %dma_start3A_811 = tpu.memref_slice %arg13[%dma_start3A_808, %dma_start3A_809, %dma_start3A_810] : memref<16x16x128xf32, #tpu.memory_space<vmem>> -> memref<1x16x128xf32, #tpu.memory_space<vmem>>
      %dma_start3A_812 = tpu.memref_squeeze %dma_start3A_811 : memref<1x16x128xf32, #tpu.memory_space<vmem>> -> memref<16x128xf32, #tpu.memory_space<vmem>>
      %dma_start3A_813 = arith.constant 0 : i32
      %dma_start3A_814 = tpu.memref_slice %arg5[%dma_start3A_813, %multiple_of3A_778] : memref<16x1000000xf32, #tpu.memory_space<hbm>> -> memref<16x128xf32, #tpu.memory_space<hbm>>
      %dma_start3A_815 = arith.constant 0 : i32
      %dma_start3A_816 = arith.constant 0 : i32
      %dma_start3A_817 = tpu.memref_slice %arg13[%dma_start3A_808, %dma_start3A_815, %dma_start3A_816] : memref<16x16x128xf32, #tpu.memory_space<vmem>> -> memref<1x16x128xf32, #tpu.memory_space<vmem>>
      %dma_start3A_818 = tpu.memref_squeeze %dma_start3A_817 : memref<1x16x128xf32, #tpu.memory_space<vmem>> -> memref<16x128xf32, #tpu.memory_space<vmem>>
      %dma_start3A_819 = arith.constant 0 : i32
      %dma_start3A_820 = tpu.memref_slice %arg5[%dma_start3A_819, %multiple_of3A_778] : memref<16x1000000xf32, #tpu.memory_space<hbm>> -> memref<16x128xf32, #tpu.memory_space<hbm>>
      tpu.enqueue_dma source(%dma_start3A_820 : memref<16x128xf32, #tpu.memory_space<hbm>>) target(%dma_start3A_818 : memref<16x128xf32, #tpu.memory_space<vmem>>) target_semaphore(%arg19 : memref<!tpu.dma_semaphore, #tpu.memory_space<semaphore_mem>>)
      %dma_start3A_821 = arith.constant 7 : i32
      %dma_start3A_822 = arith.constant 0 : i32
      %dma_start3A_823 = arith.constant 0 : i32
      %dma_start3A_824 = tpu.memref_slice %arg14[%dma_start3A_821, %dma_start3A_822, %dma_start3A_823] : memref<16x16x128xf32, #tpu.memory_space<vmem>> -> memref<1x16x128xf32, #tpu.memory_space<vmem>>
      %dma_start3A_825 = tpu.memref_squeeze %dma_start3A_824 : memref<1x16x128xf32, #tpu.memory_space<vmem>> -> memref<16x128xf32, #tpu.memory_space<vmem>>
      %dma_start3A_826 = arith.constant 0 : i32
      %dma_start3A_827 = tpu.memref_slice %arg6[%dma_start3A_826, %multiple_of3A_807] : memref<16x1000000xf32, #tpu.memory_space<hbm>> -> memref<16x128xf32, #tpu.memory_space<hbm>>
      %dma_start3A_828 = arith.constant 0 : i32
      %dma_start3A_829 = arith.constant 0 : i32
      %dma_start3A_830 = tpu.memref_slice %arg14[%dma_start3A_821, %dma_start3A_828, %dma_start3A_829] : memref<16x16x128xf32, #tpu.memory_space<vmem>> -> memref<1x16x128xf32, #tpu.memory_space<vmem>>
      %dma_start3A_831 = tpu.memref_squeeze %dma_start3A_830 : memref<1x16x128xf32, #tpu.memory_space<vmem>> -> memref<16x128xf32, #tpu.memory_space<vmem>>
      %dma_start3A_832 = arith.constant 0 : i32
      %dma_start3A_833 = tpu.memref_slice %arg6[%dma_start3A_832, %multiple_of3A_807] : memref<16x1000000xf32, #tpu.memory_space<hbm>> -> memref<16x128xf32, #tpu.memory_space<hbm>>
      tpu.enqueue_dma source(%dma_start3A_833 : memref<16x128xf32, #tpu.memory_space<hbm>>) target(%dma_start3A_831 : memref<16x128xf32, #tpu.memory_space<vmem>>) target_semaphore(%arg20 : memref<!tpu.dma_semaphore, #tpu.memory_space<semaphore_mem>>)
      %slice3A_834 = vector.extract_strided_slice %get3A_119 {offsets = [8], sizes = [1], strides = [1]} : vector<16xi32> to vector<1xi32>
      %squeeze3A_835 = vector.extract %slice3A_834[0] : i32 from vector<1xi32>
      %jit3A_836 = arith.constant 128 : i32
      %div3A_837 = arith.divsi %squeeze3A_835, %jit3A_836 : i32
      %sign3A_838 = arith.constant 0 : i32
      %sign3A_839 = arith.cmpi sgt, %squeeze3A_835, %sign3A_838 : i32
      %sign3A_840 = arith.extui %sign3A_839 : i1 to i32
      %sign3A_841 = arith.constant 0 : i32
      %sign3A_842 = arith.cmpi slt, %squeeze3A_835, %sign3A_841 : i32
      %sign3A_843 = arith.extui %sign3A_842 : i1 to i32
      %sign3A_844 = arith.subi %sign3A_840, %sign3A_843 : i32
      %sign3A_845 = arith.constant 0 : i32
      %sign3A_846 = arith.cmpi sgt, %jit3A_836, %sign3A_845 : i32
      %sign3A_847 = arith.extui %sign3A_846 : i1 to i32
      %sign3A_848 = arith.constant 0 : i32
      %sign3A_849 = arith.cmpi slt, %jit3A_836, %sign3A_848 : i32
      %sign3A_850 = arith.extui %sign3A_849 : i1 to i32
      %sign3A_851 = arith.subi %sign3A_847, %sign3A_850 : i32
      %ne3A_852 = arith.cmpi ne, %sign3A_844, %sign3A_851 : i32
      %rem3A_853 = arith.remsi %squeeze3A_835, %jit3A_836 : i32
      %ne3A_854 = arith.constant 0 : i32
      %ne3A_855 = arith.cmpi ne, %rem3A_853, %ne3A_854 : i32
      %and3A_856 = arith.andi %ne3A_852, %ne3A_855 : i1
      %sub3A_857 = arith.constant 1 : i32
      %sub3A_858 = arith.subi %div3A_837, %sub3A_857 : i32
      %select_n3A_859 = arith.select %and3A_856, %sub3A_858, %div3A_837 : i32
      %mul3A_860 = arith.constant 128 : i32
      %mul3A_861 = arith.muli %select_n3A_859, %mul3A_860 : i32
      %multiple_of3A_862 = tpu.assume_multiple %mul3A_861, 128 : i32
      %slice3A_863 = vector.extract_strided_slice %get3A_164 {offsets = [8], sizes = [1], strides = [1]} : vector<16xi32> to vector<1xi32>
      %squeeze3A_864 = vector.extract %slice3A_863[0] : i32 from vector<1xi32>
      %jit3A_865 = arith.constant 128 : i32
      %div3A_866 = arith.divsi %squeeze3A_864, %jit3A_865 : i32
      %sign3A_867 = arith.constant 0 : i32
      %sign3A_868 = arith.cmpi sgt, %squeeze3A_864, %sign3A_867 : i32
      %sign3A_869 = arith.extui %sign3A_868 : i1 to i32
      %sign3A_870 = arith.constant 0 : i32
      %sign3A_871 = arith.cmpi slt, %squeeze3A_864, %sign3A_870 : i32
      %sign3A_872 = arith.extui %sign3A_871 : i1 to i32
      %sign3A_873 = arith.subi %sign3A_869, %sign3A_872 : i32
      %sign3A_874 = arith.constant 0 : i32
      %sign3A_875 = arith.cmpi sgt, %jit3A_865, %sign3A_874 : i32
      %sign3A_876 = arith.extui %sign3A_875 : i1 to i32
      %sign3A_877 = arith.constant 0 : i32
      %sign3A_878 = arith.cmpi slt, %jit3A_865, %sign3A_877 : i32
      %sign3A_879 = arith.extui %sign3A_878 : i1 to i32
      %sign3A_880 = arith.subi %sign3A_876, %sign3A_879 : i32
      %ne3A_881 = arith.cmpi ne, %sign3A_873, %sign3A_880 : i32
      %rem3A_882 = arith.remsi %squeeze3A_864, %jit3A_865 : i32
      %ne3A_883 = arith.constant 0 : i32
      %ne3A_884 = arith.cmpi ne, %rem3A_882, %ne3A_883 : i32
      %and3A_885 = arith.andi %ne3A_881, %ne3A_884 : i1
      %sub3A_886 = arith.constant 1 : i32
      %sub3A_887 = arith.subi %div3A_866, %sub3A_886 : i32
      %select_n3A_888 = arith.select %and3A_885, %sub3A_887, %div3A_866 : i32
      %mul3A_889 = arith.constant 128 : i32
      %mul3A_890 = arith.muli %select_n3A_888, %mul3A_889 : i32
      %multiple_of3A_891 = tpu.assume_multiple %mul3A_890, 128 : i32
      %dma_start3A_892 = arith.constant 8 : i32
      %dma_start3A_893 = arith.constant 0 : i32
      %dma_start3A_894 = arith.constant 0 : i32
      %dma_start3A_895 = tpu.memref_slice %arg13[%dma_start3A_892, %dma_start3A_893, %dma_start3A_894] : memref<16x16x128xf32, #tpu.memory_space<vmem>> -> memref<1x16x128xf32, #tpu.memory_space<vmem>>
      %dma_start3A_896 = tpu.memref_squeeze %dma_start3A_895 : memref<1x16x128xf32, #tpu.memory_space<vmem>> -> memref<16x128xf32, #tpu.memory_space<vmem>>
      %dma_start3A_897 = arith.constant 0 : i32
      %dma_start3A_898 = tpu.memref_slice %arg5[%dma_start3A_897, %multiple_of3A_862] : memref<16x1000000xf32, #tpu.memory_space<hbm>> -> memref<16x128xf32, #tpu.memory_space<hbm>>
      %dma_start3A_899 = arith.constant 0 : i32
      %dma_start3A_900 = arith.constant 0 : i32
      %dma_start3A_901 = tpu.memref_slice %arg13[%dma_start3A_892, %dma_start3A_899, %dma_start3A_900] : memref<16x16x128xf32, #tpu.memory_space<vmem>> -> memref<1x16x128xf32, #tpu.memory_space<vmem>>
      %dma_start3A_902 = tpu.memref_squeeze %dma_start3A_901 : memref<1x16x128xf32, #tpu.memory_space<vmem>> -> memref<16x128xf32, #tpu.memory_space<vmem>>
      %dma_start3A_903 = arith.constant 0 : i32
      %dma_start3A_904 = tpu.memref_slice %arg5[%dma_start3A_903, %multiple_of3A_862] : memref<16x1000000xf32, #tpu.memory_space<hbm>> -> memref<16x128xf32, #tpu.memory_space<hbm>>
      tpu.enqueue_dma source(%dma_start3A_904 : memref<16x128xf32, #tpu.memory_space<hbm>>) target(%dma_start3A_902 : memref<16x128xf32, #tpu.memory_space<vmem>>) target_semaphore(%arg19 : memref<!tpu.dma_semaphore, #tpu.memory_space<semaphore_mem>>)
      %dma_start3A_905 = arith.constant 8 : i32
      %dma_start3A_906 = arith.constant 0 : i32
      %dma_start3A_907 = arith.constant 0 : i32
      %dma_start3A_908 = tpu.memref_slice %arg14[%dma_start3A_905, %dma_start3A_906, %dma_start3A_907] : memref<16x16x128xf32, #tpu.memory_space<vmem>> -> memref<1x16x128xf32, #tpu.memory_space<vmem>>
      %dma_start3A_909 = tpu.memref_squeeze %dma_start3A_908 : memref<1x16x128xf32, #tpu.memory_space<vmem>> -> memref<16x128xf32, #tpu.memory_space<vmem>>
      %dma_start3A_910 = arith.constant 0 : i32
      %dma_start3A_911 = tpu.memref_slice %arg6[%dma_start3A_910, %multiple_of3A_891] : memref<16x1000000xf32, #tpu.memory_space<hbm>> -> memref<16x128xf32, #tpu.memory_space<hbm>>
      %dma_start3A_912 = arith.constant 0 : i32
      %dma_start3A_913 = arith.constant 0 : i32
      %dma_start3A_914 = tpu.memref_slice %arg14[%dma_start3A_905, %dma_start3A_912, %dma_start3A_913] : memref<16x16x128xf32, #tpu.memory_space<vmem>> -> memref<1x16x128xf32, #tpu.memory_space<vmem>>
      %dma_start3A_915 = tpu.memref_squeeze %dma_start3A_914 : memref<1x16x128xf32, #tpu.memory_space<vmem>> -> memref<16x128xf32, #tpu.memory_space<vmem>>
      %dma_start3A_916 = arith.constant 0 : i32
      %dma_start3A_917 = tpu.memref_slice %arg6[%dma_start3A_916, %multiple_of3A_891] : memref<16x1000000xf32, #tpu.memory_space<hbm>> -> memref<16x128xf32, #tpu.memory_space<hbm>>
      tpu.enqueue_dma source(%dma_start3A_917 : memref<16x128xf32, #tpu.memory_space<hbm>>) target(%dma_start3A_915 : memref<16x128xf32, #tpu.memory_space<vmem>>) target_semaphore(%arg20 : memref<!tpu.dma_semaphore, #tpu.memory_space<semaphore_mem>>)
      %slice3A_918 = vector.extract_strided_slice %get3A_119 {offsets = [9], sizes = [1], strides = [1]} : vector<16xi32> to vector<1xi32>
      %squeeze3A_919 = vector.extract %slice3A_918[0] : i32 from vector<1xi32>
      %jit3A_920 = arith.constant 128 : i32
      %div3A_921 = arith.divsi %squeeze3A_919, %jit3A_920 : i32
      %sign3A_922 = arith.constant 0 : i32
      %sign3A_923 = arith.cmpi sgt, %squeeze3A_919, %sign3A_922 : i32
      %sign3A_924 = arith.extui %sign3A_923 : i1 to i32
      %sign3A_925 = arith.constant 0 : i32
      %sign3A_926 = arith.cmpi slt, %squeeze3A_919, %sign3A_925 : i32
      %sign3A_927 = arith.extui %sign3A_926 : i1 to i32
      %sign3A_928 = arith.subi %sign3A_924, %sign3A_927 : i32
      %sign3A_929 = arith.constant 0 : i32
      %sign3A_930 = arith.cmpi sgt, %jit3A_920, %sign3A_929 : i32
      %sign3A_931 = arith.extui %sign3A_930 : i1 to i32
      %sign3A_932 = arith.constant 0 : i32
      %sign3A_933 = arith.cmpi slt, %jit3A_920, %sign3A_932 : i32
      %sign3A_934 = arith.extui %sign3A_933 : i1 to i32
      %sign3A_935 = arith.subi %sign3A_931, %sign3A_934 : i32
      %ne3A_936 = arith.cmpi ne, %sign3A_928, %sign3A_935 : i32
      %rem3A_937 = arith.remsi %squeeze3A_919, %jit3A_920 : i32
      %ne3A_938 = arith.constant 0 : i32
      %ne3A_939 = arith.cmpi ne, %rem3A_937, %ne3A_938 : i32
      %and3A_940 = arith.andi %ne3A_936, %ne3A_939 : i1
      %sub3A_941 = arith.constant 1 : i32
      %sub3A_942 = arith.subi %div3A_921, %sub3A_941 : i32
      %select_n3A_943 = arith.select %and3A_940, %sub3A_942, %div3A_921 : i32
      %mul3A_944 = arith.constant 128 : i32
      %mul3A_945 = arith.muli %select_n3A_943, %mul3A_944 : i32
      %multiple_of3A_946 = tpu.assume_multiple %mul3A_945, 128 : i32
      %slice3A_947 = vector.extract_strided_slice %get3A_164 {offsets = [9], sizes = [1], strides = [1]} : vector<16xi32> to vector<1xi32>
      %squeeze3A_948 = vector.extract %slice3A_947[0] : i32 from vector<1xi32>
      %jit3A_949 = arith.constant 128 : i32
      %div3A_950 = arith.divsi %squeeze3A_948, %jit3A_949 : i32
      %sign3A_951 = arith.constant 0 : i32
      %sign3A_952 = arith.cmpi sgt, %squeeze3A_948, %sign3A_951 : i32
      %sign3A_953 = arith.extui %sign3A_952 : i1 to i32
      %sign3A_954 = arith.constant 0 : i32
      %sign3A_955 = arith.cmpi slt, %squeeze3A_948, %sign3A_954 : i32
      %sign3A_956 = arith.extui %sign3A_955 : i1 to i32
      %sign3A_957 = arith.subi %sign3A_953, %sign3A_956 : i32
      %sign3A_958 = arith.constant 0 : i32
      %sign3A_959 = arith.cmpi sgt, %jit3A_949, %sign3A_958 : i32
      %sign3A_960 = arith.extui %sign3A_959 : i1 to i32
      %sign3A_961 = arith.constant 0 : i32
      %sign3A_962 = arith.cmpi slt, %jit3A_949, %sign3A_961 : i32
      %sign3A_963 = arith.extui %sign3A_962 : i1 to i32
      %sign3A_964 = arith.subi %sign3A_960, %sign3A_963 : i32
      %ne3A_965 = arith.cmpi ne, %sign3A_957, %sign3A_964 : i32
      %rem3A_966 = arith.remsi %squeeze3A_948, %jit3A_949 : i32
      %ne3A_967 = arith.constant 0 : i32
      %ne3A_968 = arith.cmpi ne, %rem3A_966, %ne3A_967 : i32
      %and3A_969 = arith.andi %ne3A_965, %ne3A_968 : i1
      %sub3A_970 = arith.constant 1 : i32
      %sub3A_971 = arith.subi %div3A_950, %sub3A_970 : i32
      %select_n3A_972 = arith.select %and3A_969, %sub3A_971, %div3A_950 : i32
      %mul3A_973 = arith.constant 128 : i32
      %mul3A_974 = arith.muli %select_n3A_972, %mul3A_973 : i32
      %multiple_of3A_975 = tpu.assume_multiple %mul3A_974, 128 : i32
      %dma_start3A_976 = arith.constant 9 : i32
      %dma_start3A_977 = arith.constant 0 : i32
      %dma_start3A_978 = arith.constant 0 : i32
      %dma_start3A_979 = tpu.memref_slice %arg13[%dma_start3A_976, %dma_start3A_977, %dma_start3A_978] : memref<16x16x128xf32, #tpu.memory_space<vmem>> -> memref<1x16x128xf32, #tpu.memory_space<vmem>>
      %dma_start3A_980 = tpu.memref_squeeze %dma_start3A_979 : memref<1x16x128xf32, #tpu.memory_space<vmem>> -> memref<16x128xf32, #tpu.memory_space<vmem>>
      %dma_start3A_981 = arith.constant 0 : i32
      %dma_start3A_982 = tpu.memref_slice %arg5[%dma_start3A_981, %multiple_of3A_946] : memref<16x1000000xf32, #tpu.memory_space<hbm>> -> memref<16x128xf32, #tpu.memory_space<hbm>>
      %dma_start3A_983 = arith.constant 0 : i32
      %dma_start3A_984 = arith.constant 0 : i32
      %dma_start3A_985 = tpu.memref_slice %arg13[%dma_start3A_976, %dma_start3A_983, %dma_start3A_984] : memref<16x16x128xf32, #tpu.memory_space<vmem>> -> memref<1x16x128xf32, #tpu.memory_space<vmem>>
      %dma_start3A_986 = tpu.memref_squeeze %dma_start3A_985 : memref<1x16x128xf32, #tpu.memory_space<vmem>> -> memref<16x128xf32, #tpu.memory_space<vmem>>
      %dma_start3A_987 = arith.constant 0 : i32
      %dma_start3A_988 = tpu.memref_slice %arg5[%dma_start3A_987, %multiple_of3A_946] : memref<16x1000000xf32, #tpu.memory_space<hbm>> -> memref<16x128xf32, #tpu.memory_space<hbm>>
      tpu.enqueue_dma source(%dma_start3A_988 : memref<16x128xf32, #tpu.memory_space<hbm>>) target(%dma_start3A_986 : memref<16x128xf32, #tpu.memory_space<vmem>>) target_semaphore(%arg19 : memref<!tpu.dma_semaphore, #tpu.memory_space<semaphore_mem>>)
      %dma_start3A_989 = arith.constant 9 : i32
      %dma_start3A_990 = arith.constant 0 : i32
      %dma_start3A_991 = arith.constant 0 : i32
      %dma_start3A_992 = tpu.memref_slice %arg14[%dma_start3A_989, %dma_start3A_990, %dma_start3A_991] : memref<16x16x128xf32, #tpu.memory_space<vmem>> -> memref<1x16x128xf32, #tpu.memory_space<vmem>>
      %dma_start3A_993 = tpu.memref_squeeze %dma_start3A_992 : memref<1x16x128xf32, #tpu.memory_space<vmem>> -> memref<16x128xf32, #tpu.memory_space<vmem>>
      %dma_start3A_994 = arith.constant 0 : i32
      %dma_start3A_995 = tpu.memref_slice %arg6[%dma_start3A_994, %multiple_of3A_975] : memref<16x1000000xf32, #tpu.memory_space<hbm>> -> memref<16x128xf32, #tpu.memory_space<hbm>>
      %dma_start3A_996 = arith.constant 0 : i32
      %dma_start3A_997 = arith.constant 0 : i32
      %dma_start3A_998 = tpu.memref_slice %arg14[%dma_start3A_989, %dma_start3A_996, %dma_start3A_997] : memref<16x16x128xf32, #tpu.memory_space<vmem>> -> memref<1x16x128xf32, #tpu.memory_space<vmem>>
      %dma_start3A_999 = tpu.memref_squeeze %dma_start3A_998 : memref<1x16x128xf32, #tpu.memory_space<vmem>> -> memref<16x128xf32, #tpu.memory_space<vmem>>
      %dma_start3A_1000 = arith.constant 0 : i32
      %dma_start3A_1001 = tpu.memref_slice %arg6[%dma_start3A_1000, %multiple_of3A_975] : memref<16x1000000xf32, #tpu.memory_space<hbm>> -> memref<16x128xf32, #tpu.memory_space<hbm>>
      tpu.enqueue_dma source(%dma_start3A_1001 : memref<16x128xf32, #tpu.memory_space<hbm>>) target(%dma_start3A_999 : memref<16x128xf32, #tpu.memory_space<vmem>>) target_semaphore(%arg20 : memref<!tpu.dma_semaphore, #tpu.memory_space<semaphore_mem>>)
      %slice3A_1002 = vector.extract_strided_slice %get3A_119 {offsets = [10], sizes = [1], strides = [1]} : vector<16xi32> to vector<1xi32>
      %squeeze3A_1003 = vector.extract %slice3A_1002[0] : i32 from vector<1xi32>
      %jit3A_1004 = arith.constant 128 : i32
      %div3A_1005 = arith.divsi %squeeze3A_1003, %jit3A_1004 : i32
      %sign3A_1006 = arith.constant 0 : i32
      %sign3A_1007 = arith.cmpi sgt, %squeeze3A_1003, %sign3A_1006 : i32
      %sign3A_1008 = arith.extui %sign3A_1007 : i1 to i32
      %sign3A_1009 = arith.constant 0 : i32
      %sign3A_1010 = arith.cmpi slt, %squeeze3A_1003, %sign3A_1009 : i32
      %sign3A_1011 = arith.extui %sign3A_1010 : i1 to i32
      %sign3A_1012 = arith.subi %sign3A_1008, %sign3A_1011 : i32
      %sign3A_1013 = arith.constant 0 : i32
      %sign3A_1014 = arith.cmpi sgt, %jit3A_1004, %sign3A_1013 : i32
      %sign3A_1015 = arith.extui %sign3A_1014 : i1 to i32
      %sign3A_1016 = arith.constant 0 : i32
      %sign3A_1017 = arith.cmpi slt, %jit3A_1004, %sign3A_1016 : i32
      %sign3A_1018 = arith.extui %sign3A_1017 : i1 to i32
      %sign3A_1019 = arith.subi %sign3A_1015, %sign3A_1018 : i32
      %ne3A_1020 = arith.cmpi ne, %sign3A_1012, %sign3A_1019 : i32
      %rem3A_1021 = arith.remsi %squeeze3A_1003, %jit3A_1004 : i32
      %ne3A_1022 = arith.constant 0 : i32
      %ne3A_1023 = arith.cmpi ne, %rem3A_1021, %ne3A_1022 : i32
      %and3A_1024 = arith.andi %ne3A_1020, %ne3A_1023 : i1
      %sub3A_1025 = arith.constant 1 : i32
      %sub3A_1026 = arith.subi %div3A_1005, %sub3A_1025 : i32
      %select_n3A_1027 = arith.select %and3A_1024, %sub3A_1026, %div3A_1005 : i32
      %mul3A_1028 = arith.constant 128 : i32
      %mul3A_1029 = arith.muli %select_n3A_1027, %mul3A_1028 : i32
      %multiple_of3A_1030 = tpu.assume_multiple %mul3A_1029, 128 : i32
      %slice3A_1031 = vector.extract_strided_slice %get3A_164 {offsets = [10], sizes = [1], strides = [1]} : vector<16xi32> to vector<1xi32>
      %squeeze3A_1032 = vector.extract %slice3A_1031[0] : i32 from vector<1xi32>
      %jit3A_1033 = arith.constant 128 : i32
      %div3A_1034 = arith.divsi %squeeze3A_1032, %jit3A_1033 : i32
      %sign3A_1035 = arith.constant 0 : i32
      %sign3A_1036 = arith.cmpi sgt, %squeeze3A_1032, %sign3A_1035 : i32
      %sign3A_1037 = arith.extui %sign3A_1036 : i1 to i32
      %sign3A_1038 = arith.constant 0 : i32
      %sign3A_1039 = arith.cmpi slt, %squeeze3A_1032, %sign3A_1038 : i32
      %sign3A_1040 = arith.extui %sign3A_1039 : i1 to i32
      %sign3A_1041 = arith.subi %sign3A_1037, %sign3A_1040 : i32
      %sign3A_1042 = arith.constant 0 : i32
      %sign3A_1043 = arith.cmpi sgt, %jit3A_1033, %sign3A_1042 : i32
      %sign3A_1044 = arith.extui %sign3A_1043 : i1 to i32
      %sign3A_1045 = arith.constant 0 : i32
      %sign3A_1046 = arith.cmpi slt, %jit3A_1033, %sign3A_1045 : i32
      %sign3A_1047 = arith.extui %sign3A_1046 : i1 to i32
      %sign3A_1048 = arith.subi %sign3A_1044, %sign3A_1047 : i32
      %ne3A_1049 = arith.cmpi ne, %sign3A_1041, %sign3A_1048 : i32
      %rem3A_1050 = arith.remsi %squeeze3A_1032, %jit3A_1033 : i32
      %ne3A_1051 = arith.constant 0 : i32
      %ne3A_1052 = arith.cmpi ne, %rem3A_1050, %ne3A_1051 : i32
      %and3A_1053 = arith.andi %ne3A_1049, %ne3A_1052 : i1
      %sub3A_1054 = arith.constant 1 : i32
      %sub3A_1055 = arith.subi %div3A_1034, %sub3A_1054 : i32
      %select_n3A_1056 = arith.select %and3A_1053, %sub3A_1055, %div3A_1034 : i32
      %mul3A_1057 = arith.constant 128 : i32
      %mul3A_1058 = arith.muli %select_n3A_1056, %mul3A_1057 : i32
      %multiple_of3A_1059 = tpu.assume_multiple %mul3A_1058, 128 : i32
      %dma_start3A_1060 = arith.constant 10 : i32
      %dma_start3A_1061 = arith.constant 0 : i32
      %dma_start3A_1062 = arith.constant 0 : i32
      %dma_start3A_1063 = tpu.memref_slice %arg13[%dma_start3A_1060, %dma_start3A_1061, %dma_start3A_1062] : memref<16x16x128xf32, #tpu.memory_space<vmem>> -> memref<1x16x128xf32, #tpu.memory_space<vmem>>
      %dma_start3A_1064 = tpu.memref_squeeze %dma_start3A_1063 : memref<1x16x128xf32, #tpu.memory_space<vmem>> -> memref<16x128xf32, #tpu.memory_space<vmem>>
      %dma_start3A_1065 = arith.constant 0 : i32
      %dma_start3A_1066 = tpu.memref_slice %arg5[%dma_start3A_1065, %multiple_of3A_1030] : memref<16x1000000xf32, #tpu.memory_space<hbm>> -> memref<16x128xf32, #tpu.memory_space<hbm>>
      %dma_start3A_1067 = arith.constant 0 : i32
      %dma_start3A_1068 = arith.constant 0 : i32
      %dma_start3A_1069 = tpu.memref_slice %arg13[%dma_start3A_1060, %dma_start3A_1067, %dma_start3A_1068] : memref<16x16x128xf32, #tpu.memory_space<vmem>> -> memref<1x16x128xf32, #tpu.memory_space<vmem>>
      %dma_start3A_1070 = tpu.memref_squeeze %dma_start3A_1069 : memref<1x16x128xf32, #tpu.memory_space<vmem>> -> memref<16x128xf32, #tpu.memory_space<vmem>>
      %dma_start3A_1071 = arith.constant 0 : i32
      %dma_start3A_1072 = tpu.memref_slice %arg5[%dma_start3A_1071, %multiple_of3A_1030] : memref<16x1000000xf32, #tpu.memory_space<hbm>> -> memref<16x128xf32, #tpu.memory_space<hbm>>
      tpu.enqueue_dma source(%dma_start3A_1072 : memref<16x128xf32, #tpu.memory_space<hbm>>) target(%dma_start3A_1070 : memref<16x128xf32, #tpu.memory_space<vmem>>) target_semaphore(%arg19 : memref<!tpu.dma_semaphore, #tpu.memory_space<semaphore_mem>>)
      %dma_start3A_1073 = arith.constant 10 : i32
      %dma_start3A_1074 = arith.constant 0 : i32
      %dma_start3A_1075 = arith.constant 0 : i32
      %dma_start3A_1076 = tpu.memref_slice %arg14[%dma_start3A_1073, %dma_start3A_1074, %dma_start3A_1075] : memref<16x16x128xf32, #tpu.memory_space<vmem>> -> memref<1x16x128xf32, #tpu.memory_space<vmem>>
      %dma_start3A_1077 = tpu.memref_squeeze %dma_start3A_1076 : memref<1x16x128xf32, #tpu.memory_space<vmem>> -> memref<16x128xf32, #tpu.memory_space<vmem>>
      %dma_start3A_1078 = arith.constant 0 : i32
      %dma_start3A_1079 = tpu.memref_slice %arg6[%dma_start3A_1078, %multiple_of3A_1059] : memref<16x1000000xf32, #tpu.memory_space<hbm>> -> memref<16x128xf32, #tpu.memory_space<hbm>>
      %dma_start3A_1080 = arith.constant 0 : i32
      %dma_start3A_1081 = arith.constant 0 : i32
      %dma_start3A_1082 = tpu.memref_slice %arg14[%dma_start3A_1073, %dma_start3A_1080, %dma_start3A_1081] : memref<16x16x128xf32, #tpu.memory_space<vmem>> -> memref<1x16x128xf32, #tpu.memory_space<vmem>>
      %dma_start3A_1083 = tpu.memref_squeeze %dma_start3A_1082 : memref<1x16x128xf32, #tpu.memory_space<vmem>> -> memref<16x128xf32, #tpu.memory_space<vmem>>
      %dma_start3A_1084 = arith.constant 0 : i32
      %dma_start3A_1085 = tpu.memref_slice %arg6[%dma_start3A_1084, %multiple_of3A_1059] : memref<16x1000000xf32, #tpu.memory_space<hbm>> -> memref<16x128xf32, #tpu.memory_space<hbm>>
      tpu.enqueue_dma source(%dma_start3A_1085 : memref<16x128xf32, #tpu.memory_space<hbm>>) target(%dma_start3A_1083 : memref<16x128xf32, #tpu.memory_space<vmem>>) target_semaphore(%arg20 : memref<!tpu.dma_semaphore, #tpu.memory_space<semaphore_mem>>)
      %slice3A_1086 = vector.extract_strided_slice %get3A_119 {offsets = [11], sizes = [1], strides = [1]} : vector<16xi32> to vector<1xi32>
      %squeeze3A_1087 = vector.extract %slice3A_1086[0] : i32 from vector<1xi32>
      %jit3A_1088 = arith.constant 128 : i32
      %div3A_1089 = arith.divsi %squeeze3A_1087, %jit3A_1088 : i32
      %sign3A_1090 = arith.constant 0 : i32
      %sign3A_1091 = arith.cmpi sgt, %squeeze3A_1087, %sign3A_1090 : i32
      %sign3A_1092 = arith.extui %sign3A_1091 : i1 to i32
      %sign3A_1093 = arith.constant 0 : i32
      %sign3A_1094 = arith.cmpi slt, %squeeze3A_1087, %sign3A_1093 : i32
      %sign3A_1095 = arith.extui %sign3A_1094 : i1 to i32
      %sign3A_1096 = arith.subi %sign3A_1092, %sign3A_1095 : i32
      %sign3A_1097 = arith.constant 0 : i32
      %sign3A_1098 = arith.cmpi sgt, %jit3A_1088, %sign3A_1097 : i32
      %sign3A_1099 = arith.extui %sign3A_1098 : i1 to i32
      %sign3A_1100 = arith.constant 0 : i32
      %sign3A_1101 = arith.cmpi slt, %jit3A_1088, %sign3A_1100 : i32
      %sign3A_1102 = arith.extui %sign3A_1101 : i1 to i32
      %sign3A_1103 = arith.subi %sign3A_1099, %sign3A_1102 : i32
      %ne3A_1104 = arith.cmpi ne, %sign3A_1096, %sign3A_1103 : i32
      %rem3A_1105 = arith.remsi %squeeze3A_1087, %jit3A_1088 : i32
      %ne3A_1106 = arith.constant 0 : i32
      %ne3A_1107 = arith.cmpi ne, %rem3A_1105, %ne3A_1106 : i32
      %and3A_1108 = arith.andi %ne3A_1104, %ne3A_1107 : i1
      %sub3A_1109 = arith.constant 1 : i32
      %sub3A_1110 = arith.subi %div3A_1089, %sub3A_1109 : i32
      %select_n3A_1111 = arith.select %and3A_1108, %sub3A_1110, %div3A_1089 : i32
      %mul3A_1112 = arith.constant 128 : i32
      %mul3A_1113 = arith.muli %select_n3A_1111, %mul3A_1112 : i32
      %multiple_of3A_1114 = tpu.assume_multiple %mul3A_1113, 128 : i32
      %slice3A_1115 = vector.extract_strided_slice %get3A_164 {offsets = [11], sizes = [1], strides = [1]} : vector<16xi32> to vector<1xi32>
      %squeeze3A_1116 = vector.extract %slice3A_1115[0] : i32 from vector<1xi32>
      %jit3A_1117 = arith.constant 128 : i32
      %div3A_1118 = arith.divsi %squeeze3A_1116, %jit3A_1117 : i32
      %sign3A_1119 = arith.constant 0 : i32
      %sign3A_1120 = arith.cmpi sgt, %squeeze3A_1116, %sign3A_1119 : i32
      %sign3A_1121 = arith.extui %sign3A_1120 : i1 to i32
      %sign3A_1122 = arith.constant 0 : i32
      %sign3A_1123 = arith.cmpi slt, %squeeze3A_1116, %sign3A_1122 : i32
      %sign3A_1124 = arith.extui %sign3A_1123 : i1 to i32
      %sign3A_1125 = arith.subi %sign3A_1121, %sign3A_1124 : i32
      %sign3A_1126 = arith.constant 0 : i32
      %sign3A_1127 = arith.cmpi sgt, %jit3A_1117, %sign3A_1126 : i32
      %sign3A_1128 = arith.extui %sign3A_1127 : i1 to i32
      %sign3A_1129 = arith.constant 0 : i32
      %sign3A_1130 = arith.cmpi slt, %jit3A_1117, %sign3A_1129 : i32
      %sign3A_1131 = arith.extui %sign3A_1130 : i1 to i32
      %sign3A_1132 = arith.subi %sign3A_1128, %sign3A_1131 : i32
      %ne3A_1133 = arith.cmpi ne, %sign3A_1125, %sign3A_1132 : i32
      %rem3A_1134 = arith.remsi %squeeze3A_1116, %jit3A_1117 : i32
      %ne3A_1135 = arith.constant 0 : i32
      %ne3A_1136 = arith.cmpi ne, %rem3A_1134, %ne3A_1135 : i32
      %and3A_1137 = arith.andi %ne3A_1133, %ne3A_1136 : i1
      %sub3A_1138 = arith.constant 1 : i32
      %sub3A_1139 = arith.subi %div3A_1118, %sub3A_1138 : i32
      %select_n3A_1140 = arith.select %and3A_1137, %sub3A_1139, %div3A_1118 : i32
      %mul3A_1141 = arith.constant 128 : i32
      %mul3A_1142 = arith.muli %select_n3A_1140, %mul3A_1141 : i32
      %multiple_of3A_1143 = tpu.assume_multiple %mul3A_1142, 128 : i32
      %dma_start3A_1144 = arith.constant 11 : i32
      %dma_start3A_1145 = arith.constant 0 : i32
      %dma_start3A_1146 = arith.constant 0 : i32
      %dma_start3A_1147 = tpu.memref_slice %arg13[%dma_start3A_1144, %dma_start3A_1145, %dma_start3A_1146] : memref<16x16x128xf32, #tpu.memory_space<vmem>> -> memref<1x16x128xf32, #tpu.memory_space<vmem>>
      %dma_start3A_1148 = tpu.memref_squeeze %dma_start3A_1147 : memref<1x16x128xf32, #tpu.memory_space<vmem>> -> memref<16x128xf32, #tpu.memory_space<vmem>>
      %dma_start3A_1149 = arith.constant 0 : i32
      %dma_start3A_1150 = tpu.memref_slice %arg5[%dma_start3A_1149, %multiple_of3A_1114] : memref<16x1000000xf32, #tpu.memory_space<hbm>> -> memref<16x128xf32, #tpu.memory_space<hbm>>
      %dma_start3A_1151 = arith.constant 0 : i32
      %dma_start3A_1152 = arith.constant 0 : i32
      %dma_start3A_1153 = tpu.memref_slice %arg13[%dma_start3A_1144, %dma_start3A_1151, %dma_start3A_1152] : memref<16x16x128xf32, #tpu.memory_space<vmem>> -> memref<1x16x128xf32, #tpu.memory_space<vmem>>
      %dma_start3A_1154 = tpu.memref_squeeze %dma_start3A_1153 : memref<1x16x128xf32, #tpu.memory_space<vmem>> -> memref<16x128xf32, #tpu.memory_space<vmem>>
      %dma_start3A_1155 = arith.constant 0 : i32
      %dma_start3A_1156 = tpu.memref_slice %arg5[%dma_start3A_1155, %multiple_of3A_1114] : memref<16x1000000xf32, #tpu.memory_space<hbm>> -> memref<16x128xf32, #tpu.memory_space<hbm>>
      tpu.enqueue_dma source(%dma_start3A_1156 : memref<16x128xf32, #tpu.memory_space<hbm>>) target(%dma_start3A_1154 : memref<16x128xf32, #tpu.memory_space<vmem>>) target_semaphore(%arg19 : memref<!tpu.dma_semaphore, #tpu.memory_space<semaphore_mem>>)
      %dma_start3A_1157 = arith.constant 11 : i32
      %dma_start3A_1158 = arith.constant 0 : i32
      %dma_start3A_1159 = arith.constant 0 : i32
      %dma_start3A_1160 = tpu.memref_slice %arg14[%dma_start3A_1157, %dma_start3A_1158, %dma_start3A_1159] : memref<16x16x128xf32, #tpu.memory_space<vmem>> -> memref<1x16x128xf32, #tpu.memory_space<vmem>>
      %dma_start3A_1161 = tpu.memref_squeeze %dma_start3A_1160 : memref<1x16x128xf32, #tpu.memory_space<vmem>> -> memref<16x128xf32, #tpu.memory_space<vmem>>
      %dma_start3A_1162 = arith.constant 0 : i32
      %dma_start3A_1163 = tpu.memref_slice %arg6[%dma_start3A_1162, %multiple_of3A_1143] : memref<16x1000000xf32, #tpu.memory_space<hbm>> -> memref<16x128xf32, #tpu.memory_space<hbm>>
      %dma_start3A_1164 = arith.constant 0 : i32
      %dma_start3A_1165 = arith.constant 0 : i32
      %dma_start3A_1166 = tpu.memref_slice %arg14[%dma_start3A_1157, %dma_start3A_1164, %dma_start3A_1165] : memref<16x16x128xf32, #tpu.memory_space<vmem>> -> memref<1x16x128xf32, #tpu.memory_space<vmem>>
      %dma_start3A_1167 = tpu.memref_squeeze %dma_start3A_1166 : memref<1x16x128xf32, #tpu.memory_space<vmem>> -> memref<16x128xf32, #tpu.memory_space<vmem>>
      %dma_start3A_1168 = arith.constant 0 : i32
      %dma_start3A_1169 = tpu.memref_slice %arg6[%dma_start3A_1168, %multiple_of3A_1143] : memref<16x1000000xf32, #tpu.memory_space<hbm>> -> memref<16x128xf32, #tpu.memory_space<hbm>>
      tpu.enqueue_dma source(%dma_start3A_1169 : memref<16x128xf32, #tpu.memory_space<hbm>>) target(%dma_start3A_1167 : memref<16x128xf32, #tpu.memory_space<vmem>>) target_semaphore(%arg20 : memref<!tpu.dma_semaphore, #tpu.memory_space<semaphore_mem>>)
      %slice3A_1170 = vector.extract_strided_slice %get3A_119 {offsets = [12], sizes = [1], strides = [1]} : vector<16xi32> to vector<1xi32>
      %squeeze3A_1171 = vector.extract %slice3A_1170[0] : i32 from vector<1xi32>
      %jit3A_1172 = arith.constant 128 : i32
      %div3A_1173 = arith.divsi %squeeze3A_1171, %jit3A_1172 : i32
      %sign3A_1174 = arith.constant 0 : i32
      %sign3A_1175 = arith.cmpi sgt, %squeeze3A_1171, %sign3A_1174 : i32
      %sign3A_1176 = arith.extui %sign3A_1175 : i1 to i32
      %sign3A_1177 = arith.constant 0 : i32
      %sign3A_1178 = arith.cmpi slt, %squeeze3A_1171, %sign3A_1177 : i32
      %sign3A_1179 = arith.extui %sign3A_1178 : i1 to i32
      %sign3A_1180 = arith.subi %sign3A_1176, %sign3A_1179 : i32
      %sign3A_1181 = arith.constant 0 : i32
      %sign3A_1182 = arith.cmpi sgt, %jit3A_1172, %sign3A_1181 : i32
      %sign3A_1183 = arith.extui %sign3A_1182 : i1 to i32
      %sign3A_1184 = arith.constant 0 : i32
      %sign3A_1185 = arith.cmpi slt, %jit3A_1172, %sign3A_1184 : i32
      %sign3A_1186 = arith.extui %sign3A_1185 : i1 to i32
      %sign3A_1187 = arith.subi %sign3A_1183, %sign3A_1186 : i32
      %ne3A_1188 = arith.cmpi ne, %sign3A_1180, %sign3A_1187 : i32
      %rem3A_1189 = arith.remsi %squeeze3A_1171, %jit3A_1172 : i32
      %ne3A_1190 = arith.constant 0 : i32
      %ne3A_1191 = arith.cmpi ne, %rem3A_1189, %ne3A_1190 : i32
      %and3A_1192 = arith.andi %ne3A_1188, %ne3A_1191 : i1
      %sub3A_1193 = arith.constant 1 : i32
      %sub3A_1194 = arith.subi %div3A_1173, %sub3A_1193 : i32
      %select_n3A_1195 = arith.select %and3A_1192, %sub3A_1194, %div3A_1173 : i32
      %mul3A_1196 = arith.constant 128 : i32
      %mul3A_1197 = arith.muli %select_n3A_1195, %mul3A_1196 : i32
      %multiple_of3A_1198 = tpu.assume_multiple %mul3A_1197, 128 : i32
      %slice3A_1199 = vector.extract_strided_slice %get3A_164 {offsets = [12], sizes = [1], strides = [1]} : vector<16xi32> to vector<1xi32>
      %squeeze3A_1200 = vector.extract %slice3A_1199[0] : i32 from vector<1xi32>
      %jit3A_1201 = arith.constant 128 : i32
      %div3A_1202 = arith.divsi %squeeze3A_1200, %jit3A_1201 : i32
      %sign3A_1203 = arith.constant 0 : i32
      %sign3A_1204 = arith.cmpi sgt, %squeeze3A_1200, %sign3A_1203 : i32
      %sign3A_1205 = arith.extui %sign3A_1204 : i1 to i32
      %sign3A_1206 = arith.constant 0 : i32
      %sign3A_1207 = arith.cmpi slt, %squeeze3A_1200, %sign3A_1206 : i32
      %sign3A_1208 = arith.extui %sign3A_1207 : i1 to i32
      %sign3A_1209 = arith.subi %sign3A_1205, %sign3A_1208 : i32
      %sign3A_1210 = arith.constant 0 : i32
      %sign3A_1211 = arith.cmpi sgt, %jit3A_1201, %sign3A_1210 : i32
      %sign3A_1212 = arith.extui %sign3A_1211 : i1 to i32
      %sign3A_1213 = arith.constant 0 : i32
      %sign3A_1214 = arith.cmpi slt, %jit3A_1201, %sign3A_1213 : i32
      %sign3A_1215 = arith.extui %sign3A_1214 : i1 to i32
      %sign3A_1216 = arith.subi %sign3A_1212, %sign3A_1215 : i32
      %ne3A_1217 = arith.cmpi ne, %sign3A_1209, %sign3A_1216 : i32
      %rem3A_1218 = arith.remsi %squeeze3A_1200, %jit3A_1201 : i32
      %ne3A_1219 = arith.constant 0 : i32
      %ne3A_1220 = arith.cmpi ne, %rem3A_1218, %ne3A_1219 : i32
      %and3A_1221 = arith.andi %ne3A_1217, %ne3A_1220 : i1
      %sub3A_1222 = arith.constant 1 : i32
      %sub3A_1223 = arith.subi %div3A_1202, %sub3A_1222 : i32
      %select_n3A_1224 = arith.select %and3A_1221, %sub3A_1223, %div3A_1202 : i32
      %mul3A_1225 = arith.constant 128 : i32
      %mul3A_1226 = arith.muli %select_n3A_1224, %mul3A_1225 : i32
      %multiple_of3A_1227 = tpu.assume_multiple %mul3A_1226, 128 : i32
      %dma_start3A_1228 = arith.constant 12 : i32
      %dma_start3A_1229 = arith.constant 0 : i32
      %dma_start3A_1230 = arith.constant 0 : i32
      %dma_start3A_1231 = tpu.memref_slice %arg13[%dma_start3A_1228, %dma_start3A_1229, %dma_start3A_1230] : memref<16x16x128xf32, #tpu.memory_space<vmem>> -> memref<1x16x128xf32, #tpu.memory_space<vmem>>
      %dma_start3A_1232 = tpu.memref_squeeze %dma_start3A_1231 : memref<1x16x128xf32, #tpu.memory_space<vmem>> -> memref<16x128xf32, #tpu.memory_space<vmem>>
      %dma_start3A_1233 = arith.constant 0 : i32
      %dma_start3A_1234 = tpu.memref_slice %arg5[%dma_start3A_1233, %multiple_of3A_1198] : memref<16x1000000xf32, #tpu.memory_space<hbm>> -> memref<16x128xf32, #tpu.memory_space<hbm>>
      %dma_start3A_1235 = arith.constant 0 : i32
      %dma_start3A_1236 = arith.constant 0 : i32
      %dma_start3A_1237 = tpu.memref_slice %arg13[%dma_start3A_1228, %dma_start3A_1235, %dma_start3A_1236] : memref<16x16x128xf32, #tpu.memory_space<vmem>> -> memref<1x16x128xf32, #tpu.memory_space<vmem>>
      %dma_start3A_1238 = tpu.memref_squeeze %dma_start3A_1237 : memref<1x16x128xf32, #tpu.memory_space<vmem>> -> memref<16x128xf32, #tpu.memory_space<vmem>>
      %dma_start3A_1239 = arith.constant 0 : i32
      %dma_start3A_1240 = tpu.memref_slice %arg5[%dma_start3A_1239, %multiple_of3A_1198] : memref<16x1000000xf32, #tpu.memory_space<hbm>> -> memref<16x128xf32, #tpu.memory_space<hbm>>
      tpu.enqueue_dma source(%dma_start3A_1240 : memref<16x128xf32, #tpu.memory_space<hbm>>) target(%dma_start3A_1238 : memref<16x128xf32, #tpu.memory_space<vmem>>) target_semaphore(%arg19 : memref<!tpu.dma_semaphore, #tpu.memory_space<semaphore_mem>>)
      %dma_start3A_1241 = arith.constant 12 : i32
      %dma_start3A_1242 = arith.constant 0 : i32
      %dma_start3A_1243 = arith.constant 0 : i32
      %dma_start3A_1244 = tpu.memref_slice %arg14[%dma_start3A_1241, %dma_start3A_1242, %dma_start3A_1243] : memref<16x16x128xf32, #tpu.memory_space<vmem>> -> memref<1x16x128xf32, #tpu.memory_space<vmem>>
      %dma_start3A_1245 = tpu.memref_squeeze %dma_start3A_1244 : memref<1x16x128xf32, #tpu.memory_space<vmem>> -> memref<16x128xf32, #tpu.memory_space<vmem>>
      %dma_start3A_1246 = arith.constant 0 : i32
      %dma_start3A_1247 = tpu.memref_slice %arg6[%dma_start3A_1246, %multiple_of3A_1227] : memref<16x1000000xf32, #tpu.memory_space<hbm>> -> memref<16x128xf32, #tpu.memory_space<hbm>>
      %dma_start3A_1248 = arith.constant 0 : i32
      %dma_start3A_1249 = arith.constant 0 : i32
      %dma_start3A_1250 = tpu.memref_slice %arg14[%dma_start3A_1241, %dma_start3A_1248, %dma_start3A_1249] : memref<16x16x128xf32, #tpu.memory_space<vmem>> -> memref<1x16x128xf32, #tpu.memory_space<vmem>>
      %dma_start3A_1251 = tpu.memref_squeeze %dma_start3A_1250 : memref<1x16x128xf32, #tpu.memory_space<vmem>> -> memref<16x128xf32, #tpu.memory_space<vmem>>
      %dma_start3A_1252 = arith.constant 0 : i32
      %dma_start3A_1253 = tpu.memref_slice %arg6[%dma_start3A_1252, %multiple_of3A_1227] : memref<16x1000000xf32, #tpu.memory_space<hbm>> -> memref<16x128xf32, #tpu.memory_space<hbm>>
      tpu.enqueue_dma source(%dma_start3A_1253 : memref<16x128xf32, #tpu.memory_space<hbm>>) target(%dma_start3A_1251 : memref<16x128xf32, #tpu.memory_space<vmem>>) target_semaphore(%arg20 : memref<!tpu.dma_semaphore, #tpu.memory_space<semaphore_mem>>)
      %slice3A_1254 = vector.extract_strided_slice %get3A_119 {offsets = [13], sizes = [1], strides = [1]} : vector<16xi32> to vector<1xi32>
      %squeeze3A_1255 = vector.extract %slice3A_1254[0] : i32 from vector<1xi32>
      %jit3A_1256 = arith.constant 128 : i32
      %div3A_1257 = arith.divsi %squeeze3A_1255, %jit3A_1256 : i32
      %sign3A_1258 = arith.constant 0 : i32
      %sign3A_1259 = arith.cmpi sgt, %squeeze3A_1255, %sign3A_1258 : i32
      %sign3A_1260 = arith.extui %sign3A_1259 : i1 to i32
      %sign3A_1261 = arith.constant 0 : i32
      %sign3A_1262 = arith.cmpi slt, %squeeze3A_1255, %sign3A_1261 : i32
      %sign3A_1263 = arith.extui %sign3A_1262 : i1 to i32
      %sign3A_1264 = arith.subi %sign3A_1260, %sign3A_1263 : i32
      %sign3A_1265 = arith.constant 0 : i32
      %sign3A_1266 = arith.cmpi sgt, %jit3A_1256, %sign3A_1265 : i32
      %sign3A_1267 = arith.extui %sign3A_1266 : i1 to i32
      %sign3A_1268 = arith.constant 0 : i32
      %sign3A_1269 = arith.cmpi slt, %jit3A_1256, %sign3A_1268 : i32
      %sign3A_1270 = arith.extui %sign3A_1269 : i1 to i32
      %sign3A_1271 = arith.subi %sign3A_1267, %sign3A_1270 : i32
      %ne3A_1272 = arith.cmpi ne, %sign3A_1264, %sign3A_1271 : i32
      %rem3A_1273 = arith.remsi %squeeze3A_1255, %jit3A_1256 : i32
      %ne3A_1274 = arith.constant 0 : i32
      %ne3A_1275 = arith.cmpi ne, %rem3A_1273, %ne3A_1274 : i32
      %and3A_1276 = arith.andi %ne3A_1272, %ne3A_1275 : i1
      %sub3A_1277 = arith.constant 1 : i32
      %sub3A_1278 = arith.subi %div3A_1257, %sub3A_1277 : i32
      %select_n3A_1279 = arith.select %and3A_1276, %sub3A_1278, %div3A_1257 : i32
      %mul3A_1280 = arith.constant 128 : i32
      %mul3A_1281 = arith.muli %select_n3A_1279, %mul3A_1280 : i32
      %multiple_of3A_1282 = tpu.assume_multiple %mul3A_1281, 128 : i32
      %slice3A_1283 = vector.extract_strided_slice %get3A_164 {offsets = [13], sizes = [1], strides = [1]} : vector<16xi32> to vector<1xi32>
      %squeeze3A_1284 = vector.extract %slice3A_1283[0] : i32 from vector<1xi32>
      %jit3A_1285 = arith.constant 128 : i32
      %div3A_1286 = arith.divsi %squeeze3A_1284, %jit3A_1285 : i32
      %sign3A_1287 = arith.constant 0 : i32
      %sign3A_1288 = arith.cmpi sgt, %squeeze3A_1284, %sign3A_1287 : i32
      %sign3A_1289 = arith.extui %sign3A_1288 : i1 to i32
      %sign3A_1290 = arith.constant 0 : i32
      %sign3A_1291 = arith.cmpi slt, %squeeze3A_1284, %sign3A_1290 : i32
      %sign3A_1292 = arith.extui %sign3A_1291 : i1 to i32
      %sign3A_1293 = arith.subi %sign3A_1289, %sign3A_1292 : i32
      %sign3A_1294 = arith.constant 0 : i32
      %sign3A_1295 = arith.cmpi sgt, %jit3A_1285, %sign3A_1294 : i32
      %sign3A_1296 = arith.extui %sign3A_1295 : i1 to i32
      %sign3A_1297 = arith.constant 0 : i32
      %sign3A_1298 = arith.cmpi slt, %jit3A_1285, %sign3A_1297 : i32
      %sign3A_1299 = arith.extui %sign3A_1298 : i1 to i32
      %sign3A_1300 = arith.subi %sign3A_1296, %sign3A_1299 : i32
      %ne3A_1301 = arith.cmpi ne, %sign3A_1293, %sign3A_1300 : i32
      %rem3A_1302 = arith.remsi %squeeze3A_1284, %jit3A_1285 : i32
      %ne3A_1303 = arith.constant 0 : i32
      %ne3A_1304 = arith.cmpi ne, %rem3A_1302, %ne3A_1303 : i32
      %and3A_1305 = arith.andi %ne3A_1301, %ne3A_1304 : i1
      %sub3A_1306 = arith.constant 1 : i32
      %sub3A_1307 = arith.subi %div3A_1286, %sub3A_1306 : i32
      %select_n3A_1308 = arith.select %and3A_1305, %sub3A_1307, %div3A_1286 : i32
      %mul3A_1309 = arith.constant 128 : i32
      %mul3A_1310 = arith.muli %select_n3A_1308, %mul3A_1309 : i32
      %multiple_of3A_1311 = tpu.assume_multiple %mul3A_1310, 128 : i32
      %dma_start3A_1312 = arith.constant 13 : i32
      %dma_start3A_1313 = arith.constant 0 : i32
      %dma_start3A_1314 = arith.constant 0 : i32
      %dma_start3A_1315 = tpu.memref_slice %arg13[%dma_start3A_1312, %dma_start3A_1313, %dma_start3A_1314] : memref<16x16x128xf32, #tpu.memory_space<vmem>> -> memref<1x16x128xf32, #tpu.memory_space<vmem>>
      %dma_start3A_1316 = tpu.memref_squeeze %dma_start3A_1315 : memref<1x16x128xf32, #tpu.memory_space<vmem>> -> memref<16x128xf32, #tpu.memory_space<vmem>>
      %dma_start3A_1317 = arith.constant 0 : i32
      %dma_start3A_1318 = tpu.memref_slice %arg5[%dma_start3A_1317, %multiple_of3A_1282] : memref<16x1000000xf32, #tpu.memory_space<hbm>> -> memref<16x128xf32, #tpu.memory_space<hbm>>
      %dma_start3A_1319 = arith.constant 0 : i32
      %dma_start3A_1320 = arith.constant 0 : i32
      %dma_start3A_1321 = tpu.memref_slice %arg13[%dma_start3A_1312, %dma_start3A_1319, %dma_start3A_1320] : memref<16x16x128xf32, #tpu.memory_space<vmem>> -> memref<1x16x128xf32, #tpu.memory_space<vmem>>
      %dma_start3A_1322 = tpu.memref_squeeze %dma_start3A_1321 : memref<1x16x128xf32, #tpu.memory_space<vmem>> -> memref<16x128xf32, #tpu.memory_space<vmem>>
      %dma_start3A_1323 = arith.constant 0 : i32
      %dma_start3A_1324 = tpu.memref_slice %arg5[%dma_start3A_1323, %multiple_of3A_1282] : memref<16x1000000xf32, #tpu.memory_space<hbm>> -> memref<16x128xf32, #tpu.memory_space<hbm>>
      tpu.enqueue_dma source(%dma_start3A_1324 : memref<16x128xf32, #tpu.memory_space<hbm>>) target(%dma_start3A_1322 : memref<16x128xf32, #tpu.memory_space<vmem>>) target_semaphore(%arg19 : memref<!tpu.dma_semaphore, #tpu.memory_space<semaphore_mem>>)
      %dma_start3A_1325 = arith.constant 13 : i32
      %dma_start3A_1326 = arith.constant 0 : i32
      %dma_start3A_1327 = arith.constant 0 : i32
      %dma_start3A_1328 = tpu.memref_slice %arg14[%dma_start3A_1325, %dma_start3A_1326, %dma_start3A_1327] : memref<16x16x128xf32, #tpu.memory_space<vmem>> -> memref<1x16x128xf32, #tpu.memory_space<vmem>>
      %dma_start3A_1329 = tpu.memref_squeeze %dma_start3A_1328 : memref<1x16x128xf32, #tpu.memory_space<vmem>> -> memref<16x128xf32, #tpu.memory_space<vmem>>
      %dma_start3A_1330 = arith.constant 0 : i32
      %dma_start3A_1331 = tpu.memref_slice %arg6[%dma_start3A_1330, %multiple_of3A_1311] : memref<16x1000000xf32, #tpu.memory_space<hbm>> -> memref<16x128xf32, #tpu.memory_space<hbm>>
      %dma_start3A_1332 = arith.constant 0 : i32
      %dma_start3A_1333 = arith.constant 0 : i32
      %dma_start3A_1334 = tpu.memref_slice %arg14[%dma_start3A_1325, %dma_start3A_1332, %dma_start3A_1333] : memref<16x16x128xf32, #tpu.memory_space<vmem>> -> memref<1x16x128xf32, #tpu.memory_space<vmem>>
      %dma_start3A_1335 = tpu.memref_squeeze %dma_start3A_1334 : memref<1x16x128xf32, #tpu.memory_space<vmem>> -> memref<16x128xf32, #tpu.memory_space<vmem>>
      %dma_start3A_1336 = arith.constant 0 : i32
      %dma_start3A_1337 = tpu.memref_slice %arg6[%dma_start3A_1336, %multiple_of3A_1311] : memref<16x1000000xf32, #tpu.memory_space<hbm>> -> memref<16x128xf32, #tpu.memory_space<hbm>>
      tpu.enqueue_dma source(%dma_start3A_1337 : memref<16x128xf32, #tpu.memory_space<hbm>>) target(%dma_start3A_1335 : memref<16x128xf32, #tpu.memory_space<vmem>>) target_semaphore(%arg20 : memref<!tpu.dma_semaphore, #tpu.memory_space<semaphore_mem>>)
      %slice3A_1338 = vector.extract_strided_slice %get3A_119 {offsets = [14], sizes = [1], strides = [1]} : vector<16xi32> to vector<1xi32>
      %squeeze3A_1339 = vector.extract %slice3A_1338[0] : i32 from vector<1xi32>
      %jit3A_1340 = arith.constant 128 : i32
      %div3A_1341 = arith.divsi %squeeze3A_1339, %jit3A_1340 : i32
      %sign3A_1342 = arith.constant 0 : i32
      %sign3A_1343 = arith.cmpi sgt, %squeeze3A_1339, %sign3A_1342 : i32
      %sign3A_1344 = arith.extui %sign3A_1343 : i1 to i32
      %sign3A_1345 = arith.constant 0 : i32
      %sign3A_1346 = arith.cmpi slt, %squeeze3A_1339, %sign3A_1345 : i32
      %sign3A_1347 = arith.extui %sign3A_1346 : i1 to i32
      %sign3A_1348 = arith.subi %sign3A_1344, %sign3A_1347 : i32
      %sign3A_1349 = arith.constant 0 : i32
      %sign3A_1350 = arith.cmpi sgt, %jit3A_1340, %sign3A_1349 : i32
      %sign3A_1351 = arith.extui %sign3A_1350 : i1 to i32
      %sign3A_1352 = arith.constant 0 : i32
      %sign3A_1353 = arith.cmpi slt, %jit3A_1340, %sign3A_1352 : i32
      %sign3A_1354 = arith.extui %sign3A_1353 : i1 to i32
      %sign3A_1355 = arith.subi %sign3A_1351, %sign3A_1354 : i32
      %ne3A_1356 = arith.cmpi ne, %sign3A_1348, %sign3A_1355 : i32
      %rem3A_1357 = arith.remsi %squeeze3A_1339, %jit3A_1340 : i32
      %ne3A_1358 = arith.constant 0 : i32
      %ne3A_1359 = arith.cmpi ne, %rem3A_1357, %ne3A_1358 : i32
      %and3A_1360 = arith.andi %ne3A_1356, %ne3A_1359 : i1
      %sub3A_1361 = arith.constant 1 : i32
      %sub3A_1362 = arith.subi %div3A_1341, %sub3A_1361 : i32
      %select_n3A_1363 = arith.select %and3A_1360, %sub3A_1362, %div3A_1341 : i32
      %mul3A_1364 = arith.constant 128 : i32
      %mul3A_1365 = arith.muli %select_n3A_1363, %mul3A_1364 : i32
      %multiple_of3A_1366 = tpu.assume_multiple %mul3A_1365, 128 : i32
      %slice3A_1367 = vector.extract_strided_slice %get3A_164 {offsets = [14], sizes = [1], strides = [1]} : vector<16xi32> to vector<1xi32>
      %squeeze3A_1368 = vector.extract %slice3A_1367[0] : i32 from vector<1xi32>
      %jit3A_1369 = arith.constant 128 : i32
      %div3A_1370 = arith.divsi %squeeze3A_1368, %jit3A_1369 : i32
      %sign3A_1371 = arith.constant 0 : i32
      %sign3A_1372 = arith.cmpi sgt, %squeeze3A_1368, %sign3A_1371 : i32
      %sign3A_1373 = arith.extui %sign3A_1372 : i1 to i32
      %sign3A_1374 = arith.constant 0 : i32
      %sign3A_1375 = arith.cmpi slt, %squeeze3A_1368, %sign3A_1374 : i32
      %sign3A_1376 = arith.extui %sign3A_1375 : i1 to i32
      %sign3A_1377 = arith.subi %sign3A_1373, %sign3A_1376 : i32
      %sign3A_1378 = arith.constant 0 : i32
      %sign3A_1379 = arith.cmpi sgt, %jit3A_1369, %sign3A_1378 : i32
      %sign3A_1380 = arith.extui %sign3A_1379 : i1 to i32
      %sign3A_1381 = arith.constant 0 : i32
      %sign3A_1382 = arith.cmpi slt, %jit3A_1369, %sign3A_1381 : i32
      %sign3A_1383 = arith.extui %sign3A_1382 : i1 to i32
      %sign3A_1384 = arith.subi %sign3A_1380, %sign3A_1383 : i32
      %ne3A_1385 = arith.cmpi ne, %sign3A_1377, %sign3A_1384 : i32
      %rem3A_1386 = arith.remsi %squeeze3A_1368, %jit3A_1369 : i32
      %ne3A_1387 = arith.constant 0 : i32
      %ne3A_1388 = arith.cmpi ne, %rem3A_1386, %ne3A_1387 : i32
      %and3A_1389 = arith.andi %ne3A_1385, %ne3A_1388 : i1
      %sub3A_1390 = arith.constant 1 : i32
      %sub3A_1391 = arith.subi %div3A_1370, %sub3A_1390 : i32
      %select_n3A_1392 = arith.select %and3A_1389, %sub3A_1391, %div3A_1370 : i32
      %mul3A_1393 = arith.constant 128 : i32
      %mul3A_1394 = arith.muli %select_n3A_1392, %mul3A_1393 : i32
      %multiple_of3A_1395 = tpu.assume_multiple %mul3A_1394, 128 : i32
      %dma_start3A_1396 = arith.constant 14 : i32
      %dma_start3A_1397 = arith.constant 0 : i32
      %dma_start3A_1398 = arith.constant 0 : i32
      %dma_start3A_1399 = tpu.memref_slice %arg13[%dma_start3A_1396, %dma_start3A_1397, %dma_start3A_1398] : memref<16x16x128xf32, #tpu.memory_space<vmem>> -> memref<1x16x128xf32, #tpu.memory_space<vmem>>
      %dma_start3A_1400 = tpu.memref_squeeze %dma_start3A_1399 : memref<1x16x128xf32, #tpu.memory_space<vmem>> -> memref<16x128xf32, #tpu.memory_space<vmem>>
      %dma_start3A_1401 = arith.constant 0 : i32
      %dma_start3A_1402 = tpu.memref_slice %arg5[%dma_start3A_1401, %multiple_of3A_1366] : memref<16x1000000xf32, #tpu.memory_space<hbm>> -> memref<16x128xf32, #tpu.memory_space<hbm>>
      %dma_start3A_1403 = arith.constant 0 : i32
      %dma_start3A_1404 = arith.constant 0 : i32
      %dma_start3A_1405 = tpu.memref_slice %arg13[%dma_start3A_1396, %dma_start3A_1403, %dma_start3A_1404] : memref<16x16x128xf32, #tpu.memory_space<vmem>> -> memref<1x16x128xf32, #tpu.memory_space<vmem>>
      %dma_start3A_1406 = tpu.memref_squeeze %dma_start3A_1405 : memref<1x16x128xf32, #tpu.memory_space<vmem>> -> memref<16x128xf32, #tpu.memory_space<vmem>>
      %dma_start3A_1407 = arith.constant 0 : i32
      %dma_start3A_1408 = tpu.memref_slice %arg5[%dma_start3A_1407, %multiple_of3A_1366] : memref<16x1000000xf32, #tpu.memory_space<hbm>> -> memref<16x128xf32, #tpu.memory_space<hbm>>
      tpu.enqueue_dma source(%dma_start3A_1408 : memref<16x128xf32, #tpu.memory_space<hbm>>) target(%dma_start3A_1406 : memref<16x128xf32, #tpu.memory_space<vmem>>) target_semaphore(%arg19 : memref<!tpu.dma_semaphore, #tpu.memory_space<semaphore_mem>>)
      %dma_start3A_1409 = arith.constant 14 : i32
      %dma_start3A_1410 = arith.constant 0 : i32
      %dma_start3A_1411 = arith.constant 0 : i32
      %dma_start3A_1412 = tpu.memref_slice %arg14[%dma_start3A_1409, %dma_start3A_1410, %dma_start3A_1411] : memref<16x16x128xf32, #tpu.memory_space<vmem>> -> memref<1x16x128xf32, #tpu.memory_space<vmem>>
      %dma_start3A_1413 = tpu.memref_squeeze %dma_start3A_1412 : memref<1x16x128xf32, #tpu.memory_space<vmem>> -> memref<16x128xf32, #tpu.memory_space<vmem>>
      %dma_start3A_1414 = arith.constant 0 : i32
      %dma_start3A_1415 = tpu.memref_slice %arg6[%dma_start3A_1414, %multiple_of3A_1395] : memref<16x1000000xf32, #tpu.memory_space<hbm>> -> memref<16x128xf32, #tpu.memory_space<hbm>>
      %dma_start3A_1416 = arith.constant 0 : i32
      %dma_start3A_1417 = arith.constant 0 : i32
      %dma_start3A_1418 = tpu.memref_slice %arg14[%dma_start3A_1409, %dma_start3A_1416, %dma_start3A_1417] : memref<16x16x128xf32, #tpu.memory_space<vmem>> -> memref<1x16x128xf32, #tpu.memory_space<vmem>>
      %dma_start3A_1419 = tpu.memref_squeeze %dma_start3A_1418 : memref<1x16x128xf32, #tpu.memory_space<vmem>> -> memref<16x128xf32, #tpu.memory_space<vmem>>
      %dma_start3A_1420 = arith.constant 0 : i32
      %dma_start3A_1421 = tpu.memref_slice %arg6[%dma_start3A_1420, %multiple_of3A_1395] : memref<16x1000000xf32, #tpu.memory_space<hbm>> -> memref<16x128xf32, #tpu.memory_space<hbm>>
      tpu.enqueue_dma source(%dma_start3A_1421 : memref<16x128xf32, #tpu.memory_space<hbm>>) target(%dma_start3A_1419 : memref<16x128xf32, #tpu.memory_space<vmem>>) target_semaphore(%arg20 : memref<!tpu.dma_semaphore, #tpu.memory_space<semaphore_mem>>)
      %slice3A_1422 = vector.extract_strided_slice %get3A_119 {offsets = [15], sizes = [1], strides = [1]} : vector<16xi32> to vector<1xi32>
      %squeeze3A_1423 = vector.extract %slice3A_1422[0] : i32 from vector<1xi32>
      %jit3A_1424 = arith.constant 128 : i32
      %div3A_1425 = arith.divsi %squeeze3A_1423, %jit3A_1424 : i32
      %sign3A_1426 = arith.constant 0 : i32
      %sign3A_1427 = arith.cmpi sgt, %squeeze3A_1423, %sign3A_1426 : i32
      %sign3A_1428 = arith.extui %sign3A_1427 : i1 to i32
      %sign3A_1429 = arith.constant 0 : i32
      %sign3A_1430 = arith.cmpi slt, %squeeze3A_1423, %sign3A_1429 : i32
      %sign3A_1431 = arith.extui %sign3A_1430 : i1 to i32
      %sign3A_1432 = arith.subi %sign3A_1428, %sign3A_1431 : i32
      %sign3A_1433 = arith.constant 0 : i32
      %sign3A_1434 = arith.cmpi sgt, %jit3A_1424, %sign3A_1433 : i32
      %sign3A_1435 = arith.extui %sign3A_1434 : i1 to i32
      %sign3A_1436 = arith.constant 0 : i32
      %sign3A_1437 = arith.cmpi slt, %jit3A_1424, %sign3A_1436 : i32
      %sign3A_1438 = arith.extui %sign3A_1437 : i1 to i32
      %sign3A_1439 = arith.subi %sign3A_1435, %sign3A_1438 : i32
      %ne3A_1440 = arith.cmpi ne, %sign3A_1432, %sign3A_1439 : i32
      %rem3A_1441 = arith.remsi %squeeze3A_1423, %jit3A_1424 : i32
      %ne3A_1442 = arith.constant 0 : i32
      %ne3A_1443 = arith.cmpi ne, %rem3A_1441, %ne3A_1442 : i32
      %and3A_1444 = arith.andi %ne3A_1440, %ne3A_1443 : i1
      %sub3A_1445 = arith.constant 1 : i32
      %sub3A_1446 = arith.subi %div3A_1425, %sub3A_1445 : i32
      %select_n3A_1447 = arith.select %and3A_1444, %sub3A_1446, %div3A_1425 : i32
      %mul3A_1448 = arith.constant 128 : i32
      %mul3A_1449 = arith.muli %select_n3A_1447, %mul3A_1448 : i32
      %multiple_of3A_1450 = tpu.assume_multiple %mul3A_1449, 128 : i32
      %slice3A_1451 = vector.extract_strided_slice %get3A_164 {offsets = [15], sizes = [1], strides = [1]} : vector<16xi32> to vector<1xi32>
      %squeeze3A_1452 = vector.extract %slice3A_1451[0] : i32 from vector<1xi32>
      %jit3A_1453 = arith.constant 128 : i32
      %div3A_1454 = arith.divsi %squeeze3A_1452, %jit3A_1453 : i32
      %sign3A_1455 = arith.constant 0 : i32
      %sign3A_1456 = arith.cmpi sgt, %squeeze3A_1452, %sign3A_1455 : i32
      %sign3A_1457 = arith.extui %sign3A_1456 : i1 to i32
      %sign3A_1458 = arith.constant 0 : i32
      %sign3A_1459 = arith.cmpi slt, %squeeze3A_1452, %sign3A_1458 : i32
      %sign3A_1460 = arith.extui %sign3A_1459 : i1 to i32
      %sign3A_1461 = arith.subi %sign3A_1457, %sign3A_1460 : i32
      %sign3A_1462 = arith.constant 0 : i32
      %sign3A_1463 = arith.cmpi sgt, %jit3A_1453, %sign3A_1462 : i32
      %sign3A_1464 = arith.extui %sign3A_1463 : i1 to i32
      %sign3A_1465 = arith.constant 0 : i32
      %sign3A_1466 = arith.cmpi slt, %jit3A_1453, %sign3A_1465 : i32
      %sign3A_1467 = arith.extui %sign3A_1466 : i1 to i32
      %sign3A_1468 = arith.subi %sign3A_1464, %sign3A_1467 : i32
      %ne3A_1469 = arith.cmpi ne, %sign3A_1461, %sign3A_1468 : i32
      %rem3A_1470 = arith.remsi %squeeze3A_1452, %jit3A_1453 : i32
      %ne3A_1471 = arith.constant 0 : i32
      %ne3A_1472 = arith.cmpi ne, %rem3A_1470, %ne3A_1471 : i32
      %and3A_1473 = arith.andi %ne3A_1469, %ne3A_1472 : i1
      %sub3A_1474 = arith.constant 1 : i32
      %sub3A_1475 = arith.subi %div3A_1454, %sub3A_1474 : i32
      %select_n3A_1476 = arith.select %and3A_1473, %sub3A_1475, %div3A_1454 : i32
      %mul3A_1477 = arith.constant 128 : i32
      %mul3A_1478 = arith.muli %select_n3A_1476, %mul3A_1477 : i32
      %multiple_of3A_1479 = tpu.assume_multiple %mul3A_1478, 128 : i32
      %dma_start3A_1480 = arith.constant 15 : i32
      %dma_start3A_1481 = arith.constant 0 : i32
      %dma_start3A_1482 = arith.constant 0 : i32
      %dma_start3A_1483 = tpu.memref_slice %arg13[%dma_start3A_1480, %dma_start3A_1481, %dma_start3A_1482] : memref<16x16x128xf32, #tpu.memory_space<vmem>> -> memref<1x16x128xf32, #tpu.memory_space<vmem>>
      %dma_start3A_1484 = tpu.memref_squeeze %dma_start3A_1483 : memref<1x16x128xf32, #tpu.memory_space<vmem>> -> memref<16x128xf32, #tpu.memory_space<vmem>>
      %dma_start3A_1485 = arith.constant 0 : i32
      %dma_start3A_1486 = tpu.memref_slice %arg5[%dma_start3A_1485, %multiple_of3A_1450] : memref<16x1000000xf32, #tpu.memory_space<hbm>> -> memref<16x128xf32, #tpu.memory_space<hbm>>
      %dma_start3A_1487 = arith.constant 0 : i32
      %dma_start3A_1488 = arith.constant 0 : i32
      %dma_start3A_1489 = tpu.memref_slice %arg13[%dma_start3A_1480, %dma_start3A_1487, %dma_start3A_1488] : memref<16x16x128xf32, #tpu.memory_space<vmem>> -> memref<1x16x128xf32, #tpu.memory_space<vmem>>
      %dma_start3A_1490 = tpu.memref_squeeze %dma_start3A_1489 : memref<1x16x128xf32, #tpu.memory_space<vmem>> -> memref<16x128xf32, #tpu.memory_space<vmem>>
      %dma_start3A_1491 = arith.constant 0 : i32
      %dma_start3A_1492 = tpu.memref_slice %arg5[%dma_start3A_1491, %multiple_of3A_1450] : memref<16x1000000xf32, #tpu.memory_space<hbm>> -> memref<16x128xf32, #tpu.memory_space<hbm>>
      tpu.enqueue_dma source(%dma_start3A_1492 : memref<16x128xf32, #tpu.memory_space<hbm>>) target(%dma_start3A_1490 : memref<16x128xf32, #tpu.memory_space<vmem>>) target_semaphore(%arg19 : memref<!tpu.dma_semaphore, #tpu.memory_space<semaphore_mem>>)
      %dma_start3A_1493 = arith.constant 15 : i32
      %dma_start3A_1494 = arith.constant 0 : i32
      %dma_start3A_1495 = arith.constant 0 : i32
      %dma_start3A_1496 = tpu.memref_slice %arg14[%dma_start3A_1493, %dma_start3A_1494, %dma_start3A_1495] : memref<16x16x128xf32, #tpu.memory_space<vmem>> -> memref<1x16x128xf32, #tpu.memory_space<vmem>>
      %dma_start3A_1497 = tpu.memref_squeeze %dma_start3A_1496 : memref<1x16x128xf32, #tpu.memory_space<vmem>> -> memref<16x128xf32, #tpu.memory_space<vmem>>
      %dma_start3A_1498 = arith.constant 0 : i32
      %dma_start3A_1499 = tpu.memref_slice %arg6[%dma_start3A_1498, %multiple_of3A_1479] : memref<16x1000000xf32, #tpu.memory_space<hbm>> -> memref<16x128xf32, #tpu.memory_space<hbm>>
      %dma_start3A_1500 = arith.constant 0 : i32
      %dma_start3A_1501 = arith.constant 0 : i32
      %dma_start3A_1502 = tpu.memref_slice %arg14[%dma_start3A_1493, %dma_start3A_1500, %dma_start3A_1501] : memref<16x16x128xf32, #tpu.memory_space<vmem>> -> memref<1x16x128xf32, #tpu.memory_space<vmem>>
      %dma_start3A_1503 = tpu.memref_squeeze %dma_start3A_1502 : memref<1x16x128xf32, #tpu.memory_space<vmem>> -> memref<16x128xf32, #tpu.memory_space<vmem>>
      %dma_start3A_1504 = arith.constant 0 : i32
      %dma_start3A_1505 = tpu.memref_slice %arg6[%dma_start3A_1504, %multiple_of3A_1479] : memref<16x1000000xf32, #tpu.memory_space<hbm>> -> memref<16x128xf32, #tpu.memory_space<hbm>>
      tpu.enqueue_dma source(%dma_start3A_1505 : memref<16x128xf32, #tpu.memory_space<hbm>>) target(%dma_start3A_1503 : memref<16x128xf32, #tpu.memory_space<vmem>>) target_semaphore(%arg20 : memref<!tpu.dma_semaphore, #tpu.memory_space<semaphore_mem>>)
      %dma_wait3A_1506 = arith.constant 0 : i32
      %dma_wait3A_1507 = arith.constant 0 : i32
      %dma_wait3A_1508 = arith.constant 0 : i32
      %dma_wait3A_1509 = tpu.memref_slice %arg13[%dma_wait3A_1506, %dma_wait3A_1507, %dma_wait3A_1508] : memref<16x16x128xf32, #tpu.memory_space<vmem>> -> memref<1x16x128xf32, #tpu.memory_space<vmem>>
      %dma_wait3A_1510 = tpu.memref_squeeze %dma_wait3A_1509 : memref<1x16x128xf32, #tpu.memory_space<vmem>> -> memref<16x128xf32, #tpu.memory_space<vmem>>
      %dma_wait3A_1511 = arith.constant 0 : i32
      %dma_wait3A_1512 = tpu.memref_slice %arg5[%dma_wait3A_1511, %multiple_of3A] : memref<16x1000000xf32, #tpu.memory_space<hbm>> -> memref<16x128xf32, #tpu.memory_space<hbm>>
      %dma_wait3A_1513 = arith.constant 0 : i32
      %dma_wait3A_1514 = arith.constant 0 : i32
      %dma_wait3A_1515 = tpu.memref_slice %arg13[%dma_wait3A_1506, %dma_wait3A_1513, %dma_wait3A_1514] : memref<16x16x128xf32, #tpu.memory_space<vmem>> -> memref<1x16x128xf32, #tpu.memory_space<vmem>>
      %dma_wait3A_1516 = tpu.memref_squeeze %dma_wait3A_1515 : memref<1x16x128xf32, #tpu.memory_space<vmem>> -> memref<16x128xf32, #tpu.memory_space<vmem>>
      %dma_wait3A_1517 = arith.constant 0 : i32
      %dma_wait3A_1518 = tpu.memref_slice %arg5[%dma_wait3A_1517, %multiple_of3A] : memref<16x1000000xf32, #tpu.memory_space<hbm>> -> memref<16x128xf32, #tpu.memory_space<hbm>>
      tpu.wait_dma2 semaphore(%arg19 : memref<!tpu.dma_semaphore, #tpu.memory_space<semaphore_mem>>) src(%dma_wait3A_1518 : memref<16x128xf32, #tpu.memory_space<hbm>>) dst(%dma_wait3A_1516 : memref<16x128xf32, #tpu.memory_space<vmem>>)
      %dma_wait3A_1519 = arith.constant 0 : i32
      %dma_wait3A_1520 = arith.constant 0 : i32
      %dma_wait3A_1521 = arith.constant 0 : i32
      %dma_wait3A_1522 = tpu.memref_slice %arg14[%dma_wait3A_1519, %dma_wait3A_1520, %dma_wait3A_1521] : memref<16x16x128xf32, #tpu.memory_space<vmem>> -> memref<1x16x128xf32, #tpu.memory_space<vmem>>
      %dma_wait3A_1523 = tpu.memref_squeeze %dma_wait3A_1522 : memref<1x16x128xf32, #tpu.memory_space<vmem>> -> memref<16x128xf32, #tpu.memory_space<vmem>>
      %dma_wait3A_1524 = arith.constant 0 : i32
      %dma_wait3A_1525 = tpu.memref_slice %arg6[%dma_wait3A_1524, %multiple_of3A_219] : memref<16x1000000xf32, #tpu.memory_space<hbm>> -> memref<16x128xf32, #tpu.memory_space<hbm>>
      %dma_wait3A_1526 = arith.constant 0 : i32
      %dma_wait3A_1527 = arith.constant 0 : i32
      %dma_wait3A_1528 = tpu.memref_slice %arg14[%dma_wait3A_1519, %dma_wait3A_1526, %dma_wait3A_1527] : memref<16x16x128xf32, #tpu.memory_space<vmem>> -> memref<1x16x128xf32, #tpu.memory_space<vmem>>
      %dma_wait3A_1529 = tpu.memref_squeeze %dma_wait3A_1528 : memref<1x16x128xf32, #tpu.memory_space<vmem>> -> memref<16x128xf32, #tpu.memory_space<vmem>>
      %dma_wait3A_1530 = arith.constant 0 : i32
      %dma_wait3A_1531 = tpu.memref_slice %arg6[%dma_wait3A_1530, %multiple_of3A_219] : memref<16x1000000xf32, #tpu.memory_space<hbm>> -> memref<16x128xf32, #tpu.memory_space<hbm>>
      tpu.wait_dma2 semaphore(%arg20 : memref<!tpu.dma_semaphore, #tpu.memory_space<semaphore_mem>>) src(%dma_wait3A_1531 : memref<16x128xf32, #tpu.memory_space<hbm>>) dst(%dma_wait3A_1529 : memref<16x128xf32, #tpu.memory_space<vmem>>)
      %dma_wait3A_1532 = arith.constant 1 : i32
      %dma_wait3A_1533 = arith.constant 0 : i32
      %dma_wait3A_1534 = arith.constant 0 : i32
      %dma_wait3A_1535 = tpu.memref_slice %arg13[%dma_wait3A_1532, %dma_wait3A_1533, %dma_wait3A_1534] : memref<16x16x128xf32, #tpu.memory_space<vmem>> -> memref<1x16x128xf32, #tpu.memory_space<vmem>>
      %dma_wait3A_1536 = tpu.memref_squeeze %dma_wait3A_1535 : memref<1x16x128xf32, #tpu.memory_space<vmem>> -> memref<16x128xf32, #tpu.memory_space<vmem>>
      %dma_wait3A_1537 = arith.constant 0 : i32
      %dma_wait3A_1538 = tpu.memref_slice %arg5[%dma_wait3A_1537, %multiple_of3A_274] : memref<16x1000000xf32, #tpu.memory_space<hbm>> -> memref<16x128xf32, #tpu.memory_space<hbm>>
      %dma_wait3A_1539 = arith.constant 0 : i32
      %dma_wait3A_1540 = arith.constant 0 : i32
      %dma_wait3A_1541 = tpu.memref_slice %arg13[%dma_wait3A_1532, %dma_wait3A_1539, %dma_wait3A_1540] : memref<16x16x128xf32, #tpu.memory_space<vmem>> -> memref<1x16x128xf32, #tpu.memory_space<vmem>>
      %dma_wait3A_1542 = tpu.memref_squeeze %dma_wait3A_1541 : memref<1x16x128xf32, #tpu.memory_space<vmem>> -> memref<16x128xf32, #tpu.memory_space<vmem>>
      %dma_wait3A_1543 = arith.constant 0 : i32
      %dma_wait3A_1544 = tpu.memref_slice %arg5[%dma_wait3A_1543, %multiple_of3A_274] : memref<16x1000000xf32, #tpu.memory_space<hbm>> -> memref<16x128xf32, #tpu.memory_space<hbm>>
      tpu.wait_dma2 semaphore(%arg19 : memref<!tpu.dma_semaphore, #tpu.memory_space<semaphore_mem>>) src(%dma_wait3A_1544 : memref<16x128xf32, #tpu.memory_space<hbm>>) dst(%dma_wait3A_1542 : memref<16x128xf32, #tpu.memory_space<vmem>>)
      %dma_wait3A_1545 = arith.constant 1 : i32
      %dma_wait3A_1546 = arith.constant 0 : i32
      %dma_wait3A_1547 = arith.constant 0 : i32
      %dma_wait3A_1548 = tpu.memref_slice %arg14[%dma_wait3A_1545, %dma_wait3A_1546, %dma_wait3A_1547] : memref<16x16x128xf32, #tpu.memory_space<vmem>> -> memref<1x16x128xf32, #tpu.memory_space<vmem>>
      %dma_wait3A_1549 = tpu.memref_squeeze %dma_wait3A_1548 : memref<1x16x128xf32, #tpu.memory_space<vmem>> -> memref<16x128xf32, #tpu.memory_space<vmem>>
      %dma_wait3A_1550 = arith.constant 0 : i32
      %dma_wait3A_1551 = tpu.memref_slice %arg6[%dma_wait3A_1550, %multiple_of3A_303] : memref<16x1000000xf32, #tpu.memory_space<hbm>> -> memref<16x128xf32, #tpu.memory_space<hbm>>
      %dma_wait3A_1552 = arith.constant 0 : i32
      %dma_wait3A_1553 = arith.constant 0 : i32
      %dma_wait3A_1554 = tpu.memref_slice %arg14[%dma_wait3A_1545, %dma_wait3A_1552, %dma_wait3A_1553] : memref<16x16x128xf32, #tpu.memory_space<vmem>> -> memref<1x16x128xf32, #tpu.memory_space<vmem>>
      %dma_wait3A_1555 = tpu.memref_squeeze %dma_wait3A_1554 : memref<1x16x128xf32, #tpu.memory_space<vmem>> -> memref<16x128xf32, #tpu.memory_space<vmem>>
      %dma_wait3A_1556 = arith.constant 0 : i32
      %dma_wait3A_1557 = tpu.memref_slice %arg6[%dma_wait3A_1556, %multiple_of3A_303] : memref<16x1000000xf32, #tpu.memory_space<hbm>> -> memref<16x128xf32, #tpu.memory_space<hbm>>
      tpu.wait_dma2 semaphore(%arg20 : memref<!tpu.dma_semaphore, #tpu.memory_space<semaphore_mem>>) src(%dma_wait3A_1557 : memref<16x128xf32, #tpu.memory_space<hbm>>) dst(%dma_wait3A_1555 : memref<16x128xf32, #tpu.memory_space<vmem>>)
      %dma_wait3A_1558 = arith.constant 2 : i32
      %dma_wait3A_1559 = arith.constant 0 : i32
      %dma_wait3A_1560 = arith.constant 0 : i32
      %dma_wait3A_1561 = tpu.memref_slice %arg13[%dma_wait3A_1558, %dma_wait3A_1559, %dma_wait3A_1560] : memref<16x16x128xf32, #tpu.memory_space<vmem>> -> memref<1x16x128xf32, #tpu.memory_space<vmem>>
      %dma_wait3A_1562 = tpu.memref_squeeze %dma_wait3A_1561 : memref<1x16x128xf32, #tpu.memory_space<vmem>> -> memref<16x128xf32, #tpu.memory_space<vmem>>
      %dma_wait3A_1563 = arith.constant 0 : i32
      %dma_wait3A_1564 = tpu.memref_slice %arg5[%dma_wait3A_1563, %multiple_of3A_358] : memref<16x1000000xf32, #tpu.memory_space<hbm>> -> memref<16x128xf32, #tpu.memory_space<hbm>>
      %dma_wait3A_1565 = arith.constant 0 : i32
      %dma_wait3A_1566 = arith.constant 0 : i32
      %dma_wait3A_1567 = tpu.memref_slice %arg13[%dma_wait3A_1558, %dma_wait3A_1565, %dma_wait3A_1566] : memref<16x16x128xf32, #tpu.memory_space<vmem>> -> memref<1x16x128xf32, #tpu.memory_space<vmem>>
      %dma_wait3A_1568 = tpu.memref_squeeze %dma_wait3A_1567 : memref<1x16x128xf32, #tpu.memory_space<vmem>> -> memref<16x128xf32, #tpu.memory_space<vmem>>
      %dma_wait3A_1569 = arith.constant 0 : i32
      %dma_wait3A_1570 = tpu.memref_slice %arg5[%dma_wait3A_1569, %multiple_of3A_358] : memref<16x1000000xf32, #tpu.memory_space<hbm>> -> memref<16x128xf32, #tpu.memory_space<hbm>>
      tpu.wait_dma2 semaphore(%arg19 : memref<!tpu.dma_semaphore, #tpu.memory_space<semaphore_mem>>) src(%dma_wait3A_1570 : memref<16x128xf32, #tpu.memory_space<hbm>>) dst(%dma_wait3A_1568 : memref<16x128xf32, #tpu.memory_space<vmem>>)
      %dma_wait3A_1571 = arith.constant 2 : i32
      %dma_wait3A_1572 = arith.constant 0 : i32
      %dma_wait3A_1573 = arith.constant 0 : i32
      %dma_wait3A_1574 = tpu.memref_slice %arg14[%dma_wait3A_1571, %dma_wait3A_1572, %dma_wait3A_1573] : memref<16x16x128xf32, #tpu.memory_space<vmem>> -> memref<1x16x128xf32, #tpu.memory_space<vmem>>
      %dma_wait3A_1575 = tpu.memref_squeeze %dma_wait3A_1574 : memref<1x16x128xf32, #tpu.memory_space<vmem>> -> memref<16x128xf32, #tpu.memory_space<vmem>>
      %dma_wait3A_1576 = arith.constant 0 : i32
      %dma_wait3A_1577 = tpu.memref_slice %arg6[%dma_wait3A_1576, %multiple_of3A_387] : memref<16x1000000xf32, #tpu.memory_space<hbm>> -> memref<16x128xf32, #tpu.memory_space<hbm>>
      %dma_wait3A_1578 = arith.constant 0 : i32
      %dma_wait3A_1579 = arith.constant 0 : i32
      %dma_wait3A_1580 = tpu.memref_slice %arg14[%dma_wait3A_1571, %dma_wait3A_1578, %dma_wait3A_1579] : memref<16x16x128xf32, #tpu.memory_space<vmem>> -> memref<1x16x128xf32, #tpu.memory_space<vmem>>
      %dma_wait3A_1581 = tpu.memref_squeeze %dma_wait3A_1580 : memref<1x16x128xf32, #tpu.memory_space<vmem>> -> memref<16x128xf32, #tpu.memory_space<vmem>>
      %dma_wait3A_1582 = arith.constant 0 : i32
      %dma_wait3A_1583 = tpu.memref_slice %arg6[%dma_wait3A_1582, %multiple_of3A_387] : memref<16x1000000xf32, #tpu.memory_space<hbm>> -> memref<16x128xf32, #tpu.memory_space<hbm>>
      tpu.wait_dma2 semaphore(%arg20 : memref<!tpu.dma_semaphore, #tpu.memory_space<semaphore_mem>>) src(%dma_wait3A_1583 : memref<16x128xf32, #tpu.memory_space<hbm>>) dst(%dma_wait3A_1581 : memref<16x128xf32, #tpu.memory_space<vmem>>)
      %dma_wait3A_1584 = arith.constant 3 : i32
      %dma_wait3A_1585 = arith.constant 0 : i32
      %dma_wait3A_1586 = arith.constant 0 : i32
      %dma_wait3A_1587 = tpu.memref_slice %arg13[%dma_wait3A_1584, %dma_wait3A_1585, %dma_wait3A_1586] : memref<16x16x128xf32, #tpu.memory_space<vmem>> -> memref<1x16x128xf32, #tpu.memory_space<vmem>>
      %dma_wait3A_1588 = tpu.memref_squeeze %dma_wait3A_1587 : memref<1x16x128xf32, #tpu.memory_space<vmem>> -> memref<16x128xf32, #tpu.memory_space<vmem>>
      %dma_wait3A_1589 = arith.constant 0 : i32
      %dma_wait3A_1590 = tpu.memref_slice %arg5[%dma_wait3A_1589, %multiple_of3A_442] : memref<16x1000000xf32, #tpu.memory_space<hbm>> -> memref<16x128xf32, #tpu.memory_space<hbm>>
      %dma_wait3A_1591 = arith.constant 0 : i32
      %dma_wait3A_1592 = arith.constant 0 : i32
      %dma_wait3A_1593 = tpu.memref_slice %arg13[%dma_wait3A_1584, %dma_wait3A_1591, %dma_wait3A_1592] : memref<16x16x128xf32, #tpu.memory_space<vmem>> -> memref<1x16x128xf32, #tpu.memory_space<vmem>>
      %dma_wait3A_1594 = tpu.memref_squeeze %dma_wait3A_1593 : memref<1x16x128xf32, #tpu.memory_space<vmem>> -> memref<16x128xf32, #tpu.memory_space<vmem>>
      %dma_wait3A_1595 = arith.constant 0 : i32
      %dma_wait3A_1596 = tpu.memref_slice %arg5[%dma_wait3A_1595, %multiple_of3A_442] : memref<16x1000000xf32, #tpu.memory_space<hbm>> -> memref<16x128xf32, #tpu.memory_space<hbm>>
      tpu.wait_dma2 semaphore(%arg19 : memref<!tpu.dma_semaphore, #tpu.memory_space<semaphore_mem>>) src(%dma_wait3A_1596 : memref<16x128xf32, #tpu.memory_space<hbm>>) dst(%dma_wait3A_1594 : memref<16x128xf32, #tpu.memory_space<vmem>>)
      %dma_wait3A_1597 = arith.constant 3 : i32
      %dma_wait3A_1598 = arith.constant 0 : i32
      %dma_wait3A_1599 = arith.constant 0 : i32
      %dma_wait3A_1600 = tpu.memref_slice %arg14[%dma_wait3A_1597, %dma_wait3A_1598, %dma_wait3A_1599] : memref<16x16x128xf32, #tpu.memory_space<vmem>> -> memref<1x16x128xf32, #tpu.memory_space<vmem>>
      %dma_wait3A_1601 = tpu.memref_squeeze %dma_wait3A_1600 : memref<1x16x128xf32, #tpu.memory_space<vmem>> -> memref<16x128xf32, #tpu.memory_space<vmem>>
      %dma_wait3A_1602 = arith.constant 0 : i32
      %dma_wait3A_1603 = tpu.memref_slice %arg6[%dma_wait3A_1602, %multiple_of3A_471] : memref<16x1000000xf32, #tpu.memory_space<hbm>> -> memref<16x128xf32, #tpu.memory_space<hbm>>
      %dma_wait3A_1604 = arith.constant 0 : i32
      %dma_wait3A_1605 = arith.constant 0 : i32
      %dma_wait3A_1606 = tpu.memref_slice %arg14[%dma_wait3A_1597, %dma_wait3A_1604, %dma_wait3A_1605] : memref<16x16x128xf32, #tpu.memory_space<vmem>> -> memref<1x16x128xf32, #tpu.memory_space<vmem>>
      %dma_wait3A_1607 = tpu.memref_squeeze %dma_wait3A_1606 : memref<1x16x128xf32, #tpu.memory_space<vmem>> -> memref<16x128xf32, #tpu.memory_space<vmem>>
      %dma_wait3A_1608 = arith.constant 0 : i32
      %dma_wait3A_1609 = tpu.memref_slice %arg6[%dma_wait3A_1608, %multiple_of3A_471] : memref<16x1000000xf32, #tpu.memory_space<hbm>> -> memref<16x128xf32, #tpu.memory_space<hbm>>
      tpu.wait_dma2 semaphore(%arg20 : memref<!tpu.dma_semaphore, #tpu.memory_space<semaphore_mem>>) src(%dma_wait3A_1609 : memref<16x128xf32, #tpu.memory_space<hbm>>) dst(%dma_wait3A_1607 : memref<16x128xf32, #tpu.memory_space<vmem>>)
      %dma_wait3A_1610 = arith.constant 4 : i32
      %dma_wait3A_1611 = arith.constant 0 : i32
      %dma_wait3A_1612 = arith.constant 0 : i32
      %dma_wait3A_1613 = tpu.memref_slice %arg13[%dma_wait3A_1610, %dma_wait3A_1611, %dma_wait3A_1612] : memref<16x16x128xf32, #tpu.memory_space<vmem>> -> memref<1x16x128xf32, #tpu.memory_space<vmem>>
      %dma_wait3A_1614 = tpu.memref_squeeze %dma_wait3A_1613 : memref<1x16x128xf32, #tpu.memory_space<vmem>> -> memref<16x128xf32, #tpu.memory_space<vmem>>
      %dma_wait3A_1615 = arith.constant 0 : i32
      %dma_wait3A_1616 = tpu.memref_slice %arg5[%dma_wait3A_1615, %multiple_of3A_526] : memref<16x1000000xf32, #tpu.memory_space<hbm>> -> memref<16x128xf32, #tpu.memory_space<hbm>>
      %dma_wait3A_1617 = arith.constant 0 : i32
      %dma_wait3A_1618 = arith.constant 0 : i32
      %dma_wait3A_1619 = tpu.memref_slice %arg13[%dma_wait3A_1610, %dma_wait3A_1617, %dma_wait3A_1618] : memref<16x16x128xf32, #tpu.memory_space<vmem>> -> memref<1x16x128xf32, #tpu.memory_space<vmem>>
      %dma_wait3A_1620 = tpu.memref_squeeze %dma_wait3A_1619 : memref<1x16x128xf32, #tpu.memory_space<vmem>> -> memref<16x128xf32, #tpu.memory_space<vmem>>
      %dma_wait3A_1621 = arith.constant 0 : i32
      %dma_wait3A_1622 = tpu.memref_slice %arg5[%dma_wait3A_1621, %multiple_of3A_526] : memref<16x1000000xf32, #tpu.memory_space<hbm>> -> memref<16x128xf32, #tpu.memory_space<hbm>>
      tpu.wait_dma2 semaphore(%arg19 : memref<!tpu.dma_semaphore, #tpu.memory_space<semaphore_mem>>) src(%dma_wait3A_1622 : memref<16x128xf32, #tpu.memory_space<hbm>>) dst(%dma_wait3A_1620 : memref<16x128xf32, #tpu.memory_space<vmem>>)
      %dma_wait3A_1623 = arith.constant 4 : i32
      %dma_wait3A_1624 = arith.constant 0 : i32
      %dma_wait3A_1625 = arith.constant 0 : i32
      %dma_wait3A_1626 = tpu.memref_slice %arg14[%dma_wait3A_1623, %dma_wait3A_1624, %dma_wait3A_1625] : memref<16x16x128xf32, #tpu.memory_space<vmem>> -> memref<1x16x128xf32, #tpu.memory_space<vmem>>
      %dma_wait3A_1627 = tpu.memref_squeeze %dma_wait3A_1626 : memref<1x16x128xf32, #tpu.memory_space<vmem>> -> memref<16x128xf32, #tpu.memory_space<vmem>>
      %dma_wait3A_1628 = arith.constant 0 : i32
      %dma_wait3A_1629 = tpu.memref_slice %arg6[%dma_wait3A_1628, %multiple_of3A_555] : memref<16x1000000xf32, #tpu.memory_space<hbm>> -> memref<16x128xf32, #tpu.memory_space<hbm>>
      %dma_wait3A_1630 = arith.constant 0 : i32
      %dma_wait3A_1631 = arith.constant 0 : i32
      %dma_wait3A_1632 = tpu.memref_slice %arg14[%dma_wait3A_1623, %dma_wait3A_1630, %dma_wait3A_1631] : memref<16x16x128xf32, #tpu.memory_space<vmem>> -> memref<1x16x128xf32, #tpu.memory_space<vmem>>
      %dma_wait3A_1633 = tpu.memref_squeeze %dma_wait3A_1632 : memref<1x16x128xf32, #tpu.memory_space<vmem>> -> memref<16x128xf32, #tpu.memory_space<vmem>>
      %dma_wait3A_1634 = arith.constant 0 : i32
      %dma_wait3A_1635 = tpu.memref_slice %arg6[%dma_wait3A_1634, %multiple_of3A_555] : memref<16x1000000xf32, #tpu.memory_space<hbm>> -> memref<16x128xf32, #tpu.memory_space<hbm>>
      tpu.wait_dma2 semaphore(%arg20 : memref<!tpu.dma_semaphore, #tpu.memory_space<semaphore_mem>>) src(%dma_wait3A_1635 : memref<16x128xf32, #tpu.memory_space<hbm>>) dst(%dma_wait3A_1633 : memref<16x128xf32, #tpu.memory_space<vmem>>)
      %dma_wait3A_1636 = arith.constant 5 : i32
      %dma_wait3A_1637 = arith.constant 0 : i32
      %dma_wait3A_1638 = arith.constant 0 : i32
      %dma_wait3A_1639 = tpu.memref_slice %arg13[%dma_wait3A_1636, %dma_wait3A_1637, %dma_wait3A_1638] : memref<16x16x128xf32, #tpu.memory_space<vmem>> -> memref<1x16x128xf32, #tpu.memory_space<vmem>>
      %dma_wait3A_1640 = tpu.memref_squeeze %dma_wait3A_1639 : memref<1x16x128xf32, #tpu.memory_space<vmem>> -> memref<16x128xf32, #tpu.memory_space<vmem>>
      %dma_wait3A_1641 = arith.constant 0 : i32
      %dma_wait3A_1642 = tpu.memref_slice %arg5[%dma_wait3A_1641, %multiple_of3A_610] : memref<16x1000000xf32, #tpu.memory_space<hbm>> -> memref<16x128xf32, #tpu.memory_space<hbm>>
      %dma_wait3A_1643 = arith.constant 0 : i32
      %dma_wait3A_1644 = arith.constant 0 : i32
      %dma_wait3A_1645 = tpu.memref_slice %arg13[%dma_wait3A_1636, %dma_wait3A_1643, %dma_wait3A_1644] : memref<16x16x128xf32, #tpu.memory_space<vmem>> -> memref<1x16x128xf32, #tpu.memory_space<vmem>>
      %dma_wait3A_1646 = tpu.memref_squeeze %dma_wait3A_1645 : memref<1x16x128xf32, #tpu.memory_space<vmem>> -> memref<16x128xf32, #tpu.memory_space<vmem>>
      %dma_wait3A_1647 = arith.constant 0 : i32
      %dma_wait3A_1648 = tpu.memref_slice %arg5[%dma_wait3A_1647, %multiple_of3A_610] : memref<16x1000000xf32, #tpu.memory_space<hbm>> -> memref<16x128xf32, #tpu.memory_space<hbm>>
      tpu.wait_dma2 semaphore(%arg19 : memref<!tpu.dma_semaphore, #tpu.memory_space<semaphore_mem>>) src(%dma_wait3A_1648 : memref<16x128xf32, #tpu.memory_space<hbm>>) dst(%dma_wait3A_1646 : memref<16x128xf32, #tpu.memory_space<vmem>>)
      %dma_wait3A_1649 = arith.constant 5 : i32
      %dma_wait3A_1650 = arith.constant 0 : i32
      %dma_wait3A_1651 = arith.constant 0 : i32
      %dma_wait3A_1652 = tpu.memref_slice %arg14[%dma_wait3A_1649, %dma_wait3A_1650, %dma_wait3A_1651] : memref<16x16x128xf32, #tpu.memory_space<vmem>> -> memref<1x16x128xf32, #tpu.memory_space<vmem>>
      %dma_wait3A_1653 = tpu.memref_squeeze %dma_wait3A_1652 : memref<1x16x128xf32, #tpu.memory_space<vmem>> -> memref<16x128xf32, #tpu.memory_space<vmem>>
      %dma_wait3A_1654 = arith.constant 0 : i32
      %dma_wait3A_1655 = tpu.memref_slice %arg6[%dma_wait3A_1654, %multiple_of3A_639] : memref<16x1000000xf32, #tpu.memory_space<hbm>> -> memref<16x128xf32, #tpu.memory_space<hbm>>
      %dma_wait3A_1656 = arith.constant 0 : i32
      %dma_wait3A_1657 = arith.constant 0 : i32
      %dma_wait3A_1658 = tpu.memref_slice %arg14[%dma_wait3A_1649, %dma_wait3A_1656, %dma_wait3A_1657] : memref<16x16x128xf32, #tpu.memory_space<vmem>> -> memref<1x16x128xf32, #tpu.memory_space<vmem>>
      %dma_wait3A_1659 = tpu.memref_squeeze %dma_wait3A_1658 : memref<1x16x128xf32, #tpu.memory_space<vmem>> -> memref<16x128xf32, #tpu.memory_space<vmem>>
      %dma_wait3A_1660 = arith.constant 0 : i32
      %dma_wait3A_1661 = tpu.memref_slice %arg6[%dma_wait3A_1660, %multiple_of3A_639] : memref<16x1000000xf32, #tpu.memory_space<hbm>> -> memref<16x128xf32, #tpu.memory_space<hbm>>
      tpu.wait_dma2 semaphore(%arg20 : memref<!tpu.dma_semaphore, #tpu.memory_space<semaphore_mem>>) src(%dma_wait3A_1661 : memref<16x128xf32, #tpu.memory_space<hbm>>) dst(%dma_wait3A_1659 : memref<16x128xf32, #tpu.memory_space<vmem>>)
      %dma_wait3A_1662 = arith.constant 6 : i32
      %dma_wait3A_1663 = arith.constant 0 : i32
      %dma_wait3A_1664 = arith.constant 0 : i32
      %dma_wait3A_1665 = tpu.memref_slice %arg13[%dma_wait3A_1662, %dma_wait3A_1663, %dma_wait3A_1664] : memref<16x16x128xf32, #tpu.memory_space<vmem>> -> memref<1x16x128xf32, #tpu.memory_space<vmem>>
      %dma_wait3A_1666 = tpu.memref_squeeze %dma_wait3A_1665 : memref<1x16x128xf32, #tpu.memory_space<vmem>> -> memref<16x128xf32, #tpu.memory_space<vmem>>
      %dma_wait3A_1667 = arith.constant 0 : i32
      %dma_wait3A_1668 = tpu.memref_slice %arg5[%dma_wait3A_1667, %multiple_of3A_694] : memref<16x1000000xf32, #tpu.memory_space<hbm>> -> memref<16x128xf32, #tpu.memory_space<hbm>>
      %dma_wait3A_1669 = arith.constant 0 : i32
      %dma_wait3A_1670 = arith.constant 0 : i32
      %dma_wait3A_1671 = tpu.memref_slice %arg13[%dma_wait3A_1662, %dma_wait3A_1669, %dma_wait3A_1670] : memref<16x16x128xf32, #tpu.memory_space<vmem>> -> memref<1x16x128xf32, #tpu.memory_space<vmem>>
      %dma_wait3A_1672 = tpu.memref_squeeze %dma_wait3A_1671 : memref<1x16x128xf32, #tpu.memory_space<vmem>> -> memref<16x128xf32, #tpu.memory_space<vmem>>
      %dma_wait3A_1673 = arith.constant 0 : i32
      %dma_wait3A_1674 = tpu.memref_slice %arg5[%dma_wait3A_1673, %multiple_of3A_694] : memref<16x1000000xf32, #tpu.memory_space<hbm>> -> memref<16x128xf32, #tpu.memory_space<hbm>>
      tpu.wait_dma2 semaphore(%arg19 : memref<!tpu.dma_semaphore, #tpu.memory_space<semaphore_mem>>) src(%dma_wait3A_1674 : memref<16x128xf32, #tpu.memory_space<hbm>>) dst(%dma_wait3A_1672 : memref<16x128xf32, #tpu.memory_space<vmem>>)
      %dma_wait3A_1675 = arith.constant 6 : i32
      %dma_wait3A_1676 = arith.constant 0 : i32
      %dma_wait3A_1677 = arith.constant 0 : i32
      %dma_wait3A_1678 = tpu.memref_slice %arg14[%dma_wait3A_1675, %dma_wait3A_1676, %dma_wait3A_1677] : memref<16x16x128xf32, #tpu.memory_space<vmem>> -> memref<1x16x128xf32, #tpu.memory_space<vmem>>
      %dma_wait3A_1679 = tpu.memref_squeeze %dma_wait3A_1678 : memref<1x16x128xf32, #tpu.memory_space<vmem>> -> memref<16x128xf32, #tpu.memory_space<vmem>>
      %dma_wait3A_1680 = arith.constant 0 : i32
      %dma_wait3A_1681 = tpu.memref_slice %arg6[%dma_wait3A_1680, %multiple_of3A_723] : memref<16x1000000xf32, #tpu.memory_space<hbm>> -> memref<16x128xf32, #tpu.memory_space<hbm>>
      %dma_wait3A_1682 = arith.constant 0 : i32
      %dma_wait3A_1683 = arith.constant 0 : i32
      %dma_wait3A_1684 = tpu.memref_slice %arg14[%dma_wait3A_1675, %dma_wait3A_1682, %dma_wait3A_1683] : memref<16x16x128xf32, #tpu.memory_space<vmem>> -> memref<1x16x128xf32, #tpu.memory_space<vmem>>
      %dma_wait3A_1685 = tpu.memref_squeeze %dma_wait3A_1684 : memref<1x16x128xf32, #tpu.memory_space<vmem>> -> memref<16x128xf32, #tpu.memory_space<vmem>>
      %dma_wait3A_1686 = arith.constant 0 : i32
      %dma_wait3A_1687 = tpu.memref_slice %arg6[%dma_wait3A_1686, %multiple_of3A_723] : memref<16x1000000xf32, #tpu.memory_space<hbm>> -> memref<16x128xf32, #tpu.memory_space<hbm>>
      tpu.wait_dma2 semaphore(%arg20 : memref<!tpu.dma_semaphore, #tpu.memory_space<semaphore_mem>>) src(%dma_wait3A_1687 : memref<16x128xf32, #tpu.memory_space<hbm>>) dst(%dma_wait3A_1685 : memref<16x128xf32, #tpu.memory_space<vmem>>)
      %dma_wait3A_1688 = arith.constant 7 : i32
      %dma_wait3A_1689 = arith.constant 0 : i32
      %dma_wait3A_1690 = arith.constant 0 : i32
      %dma_wait3A_1691 = tpu.memref_slice %arg13[%dma_wait3A_1688, %dma_wait3A_1689, %dma_wait3A_1690] : memref<16x16x128xf32, #tpu.memory_space<vmem>> -> memref<1x16x128xf32, #tpu.memory_space<vmem>>
      %dma_wait3A_1692 = tpu.memref_squeeze %dma_wait3A_1691 : memref<1x16x128xf32, #tpu.memory_space<vmem>> -> memref<16x128xf32, #tpu.memory_space<vmem>>
      %dma_wait3A_1693 = arith.constant 0 : i32
      %dma_wait3A_1694 = tpu.memref_slice %arg5[%dma_wait3A_1693, %multiple_of3A_778] : memref<16x1000000xf32, #tpu.memory_space<hbm>> -> memref<16x128xf32, #tpu.memory_space<hbm>>
      %dma_wait3A_1695 = arith.constant 0 : i32
      %dma_wait3A_1696 = arith.constant 0 : i32
      %dma_wait3A_1697 = tpu.memref_slice %arg13[%dma_wait3A_1688, %dma_wait3A_1695, %dma_wait3A_1696] : memref<16x16x128xf32, #tpu.memory_space<vmem>> -> memref<1x16x128xf32, #tpu.memory_space<vmem>>
      %dma_wait3A_1698 = tpu.memref_squeeze %dma_wait3A_1697 : memref<1x16x128xf32, #tpu.memory_space<vmem>> -> memref<16x128xf32, #tpu.memory_space<vmem>>
      %dma_wait3A_1699 = arith.constant 0 : i32
      %dma_wait3A_1700 = tpu.memref_slice %arg5[%dma_wait3A_1699, %multiple_of3A_778] : memref<16x1000000xf32, #tpu.memory_space<hbm>> -> memref<16x128xf32, #tpu.memory_space<hbm>>
      tpu.wait_dma2 semaphore(%arg19 : memref<!tpu.dma_semaphore, #tpu.memory_space<semaphore_mem>>) src(%dma_wait3A_1700 : memref<16x128xf32, #tpu.memory_space<hbm>>) dst(%dma_wait3A_1698 : memref<16x128xf32, #tpu.memory_space<vmem>>)
      %dma_wait3A_1701 = arith.constant 7 : i32
      %dma_wait3A_1702 = arith.constant 0 : i32
      %dma_wait3A_1703 = arith.constant 0 : i32
      %dma_wait3A_1704 = tpu.memref_slice %arg14[%dma_wait3A_1701, %dma_wait3A_1702, %dma_wait3A_1703] : memref<16x16x128xf32, #tpu.memory_space<vmem>> -> memref<1x16x128xf32, #tpu.memory_space<vmem>>
      %dma_wait3A_1705 = tpu.memref_squeeze %dma_wait3A_1704 : memref<1x16x128xf32, #tpu.memory_space<vmem>> -> memref<16x128xf32, #tpu.memory_space<vmem>>
      %dma_wait3A_1706 = arith.constant 0 : i32
      %dma_wait3A_1707 = tpu.memref_slice %arg6[%dma_wait3A_1706, %multiple_of3A_807] : memref<16x1000000xf32, #tpu.memory_space<hbm>> -> memref<16x128xf32, #tpu.memory_space<hbm>>
      %dma_wait3A_1708 = arith.constant 0 : i32
      %dma_wait3A_1709 = arith.constant 0 : i32
      %dma_wait3A_1710 = tpu.memref_slice %arg14[%dma_wait3A_1701, %dma_wait3A_1708, %dma_wait3A_1709] : memref<16x16x128xf32, #tpu.memory_space<vmem>> -> memref<1x16x128xf32, #tpu.memory_space<vmem>>
      %dma_wait3A_1711 = tpu.memref_squeeze %dma_wait3A_1710 : memref<1x16x128xf32, #tpu.memory_space<vmem>> -> memref<16x128xf32, #tpu.memory_space<vmem>>
      %dma_wait3A_1712 = arith.constant 0 : i32
      %dma_wait3A_1713 = tpu.memref_slice %arg6[%dma_wait3A_1712, %multiple_of3A_807] : memref<16x1000000xf32, #tpu.memory_space<hbm>> -> memref<16x128xf32, #tpu.memory_space<hbm>>
      tpu.wait_dma2 semaphore(%arg20 : memref<!tpu.dma_semaphore, #tpu.memory_space<semaphore_mem>>) src(%dma_wait3A_1713 : memref<16x128xf32, #tpu.memory_space<hbm>>) dst(%dma_wait3A_1711 : memref<16x128xf32, #tpu.memory_space<vmem>>)
      %dma_wait3A_1714 = arith.constant 8 : i32
      %dma_wait3A_1715 = arith.constant 0 : i32
      %dma_wait3A_1716 = arith.constant 0 : i32
      %dma_wait3A_1717 = tpu.memref_slice %arg13[%dma_wait3A_1714, %dma_wait3A_1715, %dma_wait3A_1716] : memref<16x16x128xf32, #tpu.memory_space<vmem>> -> memref<1x16x128xf32, #tpu.memory_space<vmem>>
      %dma_wait3A_1718 = tpu.memref_squeeze %dma_wait3A_1717 : memref<1x16x128xf32, #tpu.memory_space<vmem>> -> memref<16x128xf32, #tpu.memory_space<vmem>>
      %dma_wait3A_1719 = arith.constant 0 : i32
      %dma_wait3A_1720 = tpu.memref_slice %arg5[%dma_wait3A_1719, %multiple_of3A_862] : memref<16x1000000xf32, #tpu.memory_space<hbm>> -> memref<16x128xf32, #tpu.memory_space<hbm>>
      %dma_wait3A_1721 = arith.constant 0 : i32
      %dma_wait3A_1722 = arith.constant 0 : i32
      %dma_wait3A_1723 = tpu.memref_slice %arg13[%dma_wait3A_1714, %dma_wait3A_1721, %dma_wait3A_1722] : memref<16x16x128xf32, #tpu.memory_space<vmem>> -> memref<1x16x128xf32, #tpu.memory_space<vmem>>
      %dma_wait3A_1724 = tpu.memref_squeeze %dma_wait3A_1723 : memref<1x16x128xf32, #tpu.memory_space<vmem>> -> memref<16x128xf32, #tpu.memory_space<vmem>>
      %dma_wait3A_1725 = arith.constant 0 : i32
      %dma_wait3A_1726 = tpu.memref_slice %arg5[%dma_wait3A_1725, %multiple_of3A_862] : memref<16x1000000xf32, #tpu.memory_space<hbm>> -> memref<16x128xf32, #tpu.memory_space<hbm>>
      tpu.wait_dma2 semaphore(%arg19 : memref<!tpu.dma_semaphore, #tpu.memory_space<semaphore_mem>>) src(%dma_wait3A_1726 : memref<16x128xf32, #tpu.memory_space<hbm>>) dst(%dma_wait3A_1724 : memref<16x128xf32, #tpu.memory_space<vmem>>)
      %dma_wait3A_1727 = arith.constant 8 : i32
      %dma_wait3A_1728 = arith.constant 0 : i32
      %dma_wait3A_1729 = arith.constant 0 : i32
      %dma_wait3A_1730 = tpu.memref_slice %arg14[%dma_wait3A_1727, %dma_wait3A_1728, %dma_wait3A_1729] : memref<16x16x128xf32, #tpu.memory_space<vmem>> -> memref<1x16x128xf32, #tpu.memory_space<vmem>>
      %dma_wait3A_1731 = tpu.memref_squeeze %dma_wait3A_1730 : memref<1x16x128xf32, #tpu.memory_space<vmem>> -> memref<16x128xf32, #tpu.memory_space<vmem>>
      %dma_wait3A_1732 = arith.constant 0 : i32
      %dma_wait3A_1733 = tpu.memref_slice %arg6[%dma_wait3A_1732, %multiple_of3A_891] : memref<16x1000000xf32, #tpu.memory_space<hbm>> -> memref<16x128xf32, #tpu.memory_space<hbm>>
      %dma_wait3A_1734 = arith.constant 0 : i32
      %dma_wait3A_1735 = arith.constant 0 : i32
      %dma_wait3A_1736 = tpu.memref_slice %arg14[%dma_wait3A_1727, %dma_wait3A_1734, %dma_wait3A_1735] : memref<16x16x128xf32, #tpu.memory_space<vmem>> -> memref<1x16x128xf32, #tpu.memory_space<vmem>>
      %dma_wait3A_1737 = tpu.memref_squeeze %dma_wait3A_1736 : memref<1x16x128xf32, #tpu.memory_space<vmem>> -> memref<16x128xf32, #tpu.memory_space<vmem>>
      %dma_wait3A_1738 = arith.constant 0 : i32
      %dma_wait3A_1739 = tpu.memref_slice %arg6[%dma_wait3A_1738, %multiple_of3A_891] : memref<16x1000000xf32, #tpu.memory_space<hbm>> -> memref<16x128xf32, #tpu.memory_space<hbm>>
      tpu.wait_dma2 semaphore(%arg20 : memref<!tpu.dma_semaphore, #tpu.memory_space<semaphore_mem>>) src(%dma_wait3A_1739 : memref<16x128xf32, #tpu.memory_space<hbm>>) dst(%dma_wait3A_1737 : memref<16x128xf32, #tpu.memory_space<vmem>>)
      %dma_wait3A_1740 = arith.constant 9 : i32
      %dma_wait3A_1741 = arith.constant 0 : i32
      %dma_wait3A_1742 = arith.constant 0 : i32
      %dma_wait3A_1743 = tpu.memref_slice %arg13[%dma_wait3A_1740, %dma_wait3A_1741, %dma_wait3A_1742] : memref<16x16x128xf32, #tpu.memory_space<vmem>> -> memref<1x16x128xf32, #tpu.memory_space<vmem>>
      %dma_wait3A_1744 = tpu.memref_squeeze %dma_wait3A_1743 : memref<1x16x128xf32, #tpu.memory_space<vmem>> -> memref<16x128xf32, #tpu.memory_space<vmem>>
      %dma_wait3A_1745 = arith.constant 0 : i32
      %dma_wait3A_1746 = tpu.memref_slice %arg5[%dma_wait3A_1745, %multiple_of3A_946] : memref<16x1000000xf32, #tpu.memory_space<hbm>> -> memref<16x128xf32, #tpu.memory_space<hbm>>
      %dma_wait3A_1747 = arith.constant 0 : i32
      %dma_wait3A_1748 = arith.constant 0 : i32
      %dma_wait3A_1749 = tpu.memref_slice %arg13[%dma_wait3A_1740, %dma_wait3A_1747, %dma_wait3A_1748] : memref<16x16x128xf32, #tpu.memory_space<vmem>> -> memref<1x16x128xf32, #tpu.memory_space<vmem>>
      %dma_wait3A_1750 = tpu.memref_squeeze %dma_wait3A_1749 : memref<1x16x128xf32, #tpu.memory_space<vmem>> -> memref<16x128xf32, #tpu.memory_space<vmem>>
      %dma_wait3A_1751 = arith.constant 0 : i32
      %dma_wait3A_1752 = tpu.memref_slice %arg5[%dma_wait3A_1751, %multiple_of3A_946] : memref<16x1000000xf32, #tpu.memory_space<hbm>> -> memref<16x128xf32, #tpu.memory_space<hbm>>
      tpu.wait_dma2 semaphore(%arg19 : memref<!tpu.dma_semaphore, #tpu.memory_space<semaphore_mem>>) src(%dma_wait3A_1752 : memref<16x128xf32, #tpu.memory_space<hbm>>) dst(%dma_wait3A_1750 : memref<16x128xf32, #tpu.memory_space<vmem>>)
      %dma_wait3A_1753 = arith.constant 9 : i32
      %dma_wait3A_1754 = arith.constant 0 : i32
      %dma_wait3A_1755 = arith.constant 0 : i32
      %dma_wait3A_1756 = tpu.memref_slice %arg14[%dma_wait3A_1753, %dma_wait3A_1754, %dma_wait3A_1755] : memref<16x16x128xf32, #tpu.memory_space<vmem>> -> memref<1x16x128xf32, #tpu.memory_space<vmem>>
      %dma_wait3A_1757 = tpu.memref_squeeze %dma_wait3A_1756 : memref<1x16x128xf32, #tpu.memory_space<vmem>> -> memref<16x128xf32, #tpu.memory_space<vmem>>
      %dma_wait3A_1758 = arith.constant 0 : i32
      %dma_wait3A_1759 = tpu.memref_slice %arg6[%dma_wait3A_1758, %multiple_of3A_975] : memref<16x1000000xf32, #tpu.memory_space<hbm>> -> memref<16x128xf32, #tpu.memory_space<hbm>>
      %dma_wait3A_1760 = arith.constant 0 : i32
      %dma_wait3A_1761 = arith.constant 0 : i32
      %dma_wait3A_1762 = tpu.memref_slice %arg14[%dma_wait3A_1753, %dma_wait3A_1760, %dma_wait3A_1761] : memref<16x16x128xf32, #tpu.memory_space<vmem>> -> memref<1x16x128xf32, #tpu.memory_space<vmem>>
      %dma_wait3A_1763 = tpu.memref_squeeze %dma_wait3A_1762 : memref<1x16x128xf32, #tpu.memory_space<vmem>> -> memref<16x128xf32, #tpu.memory_space<vmem>>
      %dma_wait3A_1764 = arith.constant 0 : i32
      %dma_wait3A_1765 = tpu.memref_slice %arg6[%dma_wait3A_1764, %multiple_of3A_975] : memref<16x1000000xf32, #tpu.memory_space<hbm>> -> memref<16x128xf32, #tpu.memory_space<hbm>>
      tpu.wait_dma2 semaphore(%arg20 : memref<!tpu.dma_semaphore, #tpu.memory_space<semaphore_mem>>) src(%dma_wait3A_1765 : memref<16x128xf32, #tpu.memory_space<hbm>>) dst(%dma_wait3A_1763 : memref<16x128xf32, #tpu.memory_space<vmem>>)
      %dma_wait3A_1766 = arith.constant 10 : i32
      %dma_wait3A_1767 = arith.constant 0 : i32
      %dma_wait3A_1768 = arith.constant 0 : i32
      %dma_wait3A_1769 = tpu.memref_slice %arg13[%dma_wait3A_1766, %dma_wait3A_1767, %dma_wait3A_1768] : memref<16x16x128xf32, #tpu.memory_space<vmem>> -> memref<1x16x128xf32, #tpu.memory_space<vmem>>
      %dma_wait3A_1770 = tpu.memref_squeeze %dma_wait3A_1769 : memref<1x16x128xf32, #tpu.memory_space<vmem>> -> memref<16x128xf32, #tpu.memory_space<vmem>>
      %dma_wait3A_1771 = arith.constant 0 : i32
      %dma_wait3A_1772 = tpu.memref_slice %arg5[%dma_wait3A_1771, %multiple_of3A_1030] : memref<16x1000000xf32, #tpu.memory_space<hbm>> -> memref<16x128xf32, #tpu.memory_space<hbm>>
      %dma_wait3A_1773 = arith.constant 0 : i32
      %dma_wait3A_1774 = arith.constant 0 : i32
      %dma_wait3A_1775 = tpu.memref_slice %arg13[%dma_wait3A_1766, %dma_wait3A_1773, %dma_wait3A_1774] : memref<16x16x128xf32, #tpu.memory_space<vmem>> -> memref<1x16x128xf32, #tpu.memory_space<vmem>>
      %dma_wait3A_1776 = tpu.memref_squeeze %dma_wait3A_1775 : memref<1x16x128xf32, #tpu.memory_space<vmem>> -> memref<16x128xf32, #tpu.memory_space<vmem>>
      %dma_wait3A_1777 = arith.constant 0 : i32
      %dma_wait3A_1778 = tpu.memref_slice %arg5[%dma_wait3A_1777, %multiple_of3A_1030] : memref<16x1000000xf32, #tpu.memory_space<hbm>> -> memref<16x128xf32, #tpu.memory_space<hbm>>
      tpu.wait_dma2 semaphore(%arg19 : memref<!tpu.dma_semaphore, #tpu.memory_space<semaphore_mem>>) src(%dma_wait3A_1778 : memref<16x128xf32, #tpu.memory_space<hbm>>) dst(%dma_wait3A_1776 : memref<16x128xf32, #tpu.memory_space<vmem>>)
      %dma_wait3A_1779 = arith.constant 10 : i32
      %dma_wait3A_1780 = arith.constant 0 : i32
      %dma_wait3A_1781 = arith.constant 0 : i32
      %dma_wait3A_1782 = tpu.memref_slice %arg14[%dma_wait3A_1779, %dma_wait3A_1780, %dma_wait3A_1781] : memref<16x16x128xf32, #tpu.memory_space<vmem>> -> memref<1x16x128xf32, #tpu.memory_space<vmem>>
      %dma_wait3A_1783 = tpu.memref_squeeze %dma_wait3A_1782 : memref<1x16x128xf32, #tpu.memory_space<vmem>> -> memref<16x128xf32, #tpu.memory_space<vmem>>
      %dma_wait3A_1784 = arith.constant 0 : i32
      %dma_wait3A_1785 = tpu.memref_slice %arg6[%dma_wait3A_1784, %multiple_of3A_1059] : memref<16x1000000xf32, #tpu.memory_space<hbm>> -> memref<16x128xf32, #tpu.memory_space<hbm>>
      %dma_wait3A_1786 = arith.constant 0 : i32
      %dma_wait3A_1787 = arith.constant 0 : i32
      %dma_wait3A_1788 = tpu.memref_slice %arg14[%dma_wait3A_1779, %dma_wait3A_1786, %dma_wait3A_1787] : memref<16x16x128xf32, #tpu.memory_space<vmem>> -> memref<1x16x128xf32, #tpu.memory_space<vmem>>
      %dma_wait3A_1789 = tpu.memref_squeeze %dma_wait3A_1788 : memref<1x16x128xf32, #tpu.memory_space<vmem>> -> memref<16x128xf32, #tpu.memory_space<vmem>>
      %dma_wait3A_1790 = arith.constant 0 : i32
      %dma_wait3A_1791 = tpu.memref_slice %arg6[%dma_wait3A_1790, %multiple_of3A_1059] : memref<16x1000000xf32, #tpu.memory_space<hbm>> -> memref<16x128xf32, #tpu.memory_space<hbm>>
      tpu.wait_dma2 semaphore(%arg20 : memref<!tpu.dma_semaphore, #tpu.memory_space<semaphore_mem>>) src(%dma_wait3A_1791 : memref<16x128xf32, #tpu.memory_space<hbm>>) dst(%dma_wait3A_1789 : memref<16x128xf32, #tpu.memory_space<vmem>>)
      %dma_wait3A_1792 = arith.constant 11 : i32
      %dma_wait3A_1793 = arith.constant 0 : i32
      %dma_wait3A_1794 = arith.constant 0 : i32
      %dma_wait3A_1795 = tpu.memref_slice %arg13[%dma_wait3A_1792, %dma_wait3A_1793, %dma_wait3A_1794] : memref<16x16x128xf32, #tpu.memory_space<vmem>> -> memref<1x16x128xf32, #tpu.memory_space<vmem>>
      %dma_wait3A_1796 = tpu.memref_squeeze %dma_wait3A_1795 : memref<1x16x128xf32, #tpu.memory_space<vmem>> -> memref<16x128xf32, #tpu.memory_space<vmem>>
      %dma_wait3A_1797 = arith.constant 0 : i32
      %dma_wait3A_1798 = tpu.memref_slice %arg5[%dma_wait3A_1797, %multiple_of3A_1114] : memref<16x1000000xf32, #tpu.memory_space<hbm>> -> memref<16x128xf32, #tpu.memory_space<hbm>>
      %dma_wait3A_1799 = arith.constant 0 : i32
      %dma_wait3A_1800 = arith.constant 0 : i32
      %dma_wait3A_1801 = tpu.memref_slice %arg13[%dma_wait3A_1792, %dma_wait3A_1799, %dma_wait3A_1800] : memref<16x16x128xf32, #tpu.memory_space<vmem>> -> memref<1x16x128xf32, #tpu.memory_space<vmem>>
      %dma_wait3A_1802 = tpu.memref_squeeze %dma_wait3A_1801 : memref<1x16x128xf32, #tpu.memory_space<vmem>> -> memref<16x128xf32, #tpu.memory_space<vmem>>
      %dma_wait3A_1803 = arith.constant 0 : i32
      %dma_wait3A_1804 = tpu.memref_slice %arg5[%dma_wait3A_1803, %multiple_of3A_1114] : memref<16x1000000xf32, #tpu.memory_space<hbm>> -> memref<16x128xf32, #tpu.memory_space<hbm>>
      tpu.wait_dma2 semaphore(%arg19 : memref<!tpu.dma_semaphore, #tpu.memory_space<semaphore_mem>>) src(%dma_wait3A_1804 : memref<16x128xf32, #tpu.memory_space<hbm>>) dst(%dma_wait3A_1802 : memref<16x128xf32, #tpu.memory_space<vmem>>)
      %dma_wait3A_1805 = arith.constant 11 : i32
      %dma_wait3A_1806 = arith.constant 0 : i32
      %dma_wait3A_1807 = arith.constant 0 : i32
      %dma_wait3A_1808 = tpu.memref_slice %arg14[%dma_wait3A_1805, %dma_wait3A_1806, %dma_wait3A_1807] : memref<16x16x128xf32, #tpu.memory_space<vmem>> -> memref<1x16x128xf32, #tpu.memory_space<vmem>>
      %dma_wait3A_1809 = tpu.memref_squeeze %dma_wait3A_1808 : memref<1x16x128xf32, #tpu.memory_space<vmem>> -> memref<16x128xf32, #tpu.memory_space<vmem>>
      %dma_wait3A_1810 = arith.constant 0 : i32
      %dma_wait3A_1811 = tpu.memref_slice %arg6[%dma_wait3A_1810, %multiple_of3A_1143] : memref<16x1000000xf32, #tpu.memory_space<hbm>> -> memref<16x128xf32, #tpu.memory_space<hbm>>
      %dma_wait3A_1812 = arith.constant 0 : i32
      %dma_wait3A_1813 = arith.constant 0 : i32
      %dma_wait3A_1814 = tpu.memref_slice %arg14[%dma_wait3A_1805, %dma_wait3A_1812, %dma_wait3A_1813] : memref<16x16x128xf32, #tpu.memory_space<vmem>> -> memref<1x16x128xf32, #tpu.memory_space<vmem>>
      %dma_wait3A_1815 = tpu.memref_squeeze %dma_wait3A_1814 : memref<1x16x128xf32, #tpu.memory_space<vmem>> -> memref<16x128xf32, #tpu.memory_space<vmem>>
      %dma_wait3A_1816 = arith.constant 0 : i32
      %dma_wait3A_1817 = tpu.memref_slice %arg6[%dma_wait3A_1816, %multiple_of3A_1143] : memref<16x1000000xf32, #tpu.memory_space<hbm>> -> memref<16x128xf32, #tpu.memory_space<hbm>>
      tpu.wait_dma2 semaphore(%arg20 : memref<!tpu.dma_semaphore, #tpu.memory_space<semaphore_mem>>) src(%dma_wait3A_1817 : memref<16x128xf32, #tpu.memory_space<hbm>>) dst(%dma_wait3A_1815 : memref<16x128xf32, #tpu.memory_space<vmem>>)
      %dma_wait3A_1818 = arith.constant 12 : i32
      %dma_wait3A_1819 = arith.constant 0 : i32
      %dma_wait3A_1820 = arith.constant 0 : i32
      %dma_wait3A_1821 = tpu.memref_slice %arg13[%dma_wait3A_1818, %dma_wait3A_1819, %dma_wait3A_1820] : memref<16x16x128xf32, #tpu.memory_space<vmem>> -> memref<1x16x128xf32, #tpu.memory_space<vmem>>
      %dma_wait3A_1822 = tpu.memref_squeeze %dma_wait3A_1821 : memref<1x16x128xf32, #tpu.memory_space<vmem>> -> memref<16x128xf32, #tpu.memory_space<vmem>>
      %dma_wait3A_1823 = arith.constant 0 : i32
      %dma_wait3A_1824 = tpu.memref_slice %arg5[%dma_wait3A_1823, %multiple_of3A_1198] : memref<16x1000000xf32, #tpu.memory_space<hbm>> -> memref<16x128xf32, #tpu.memory_space<hbm>>
      %dma_wait3A_1825 = arith.constant 0 : i32
      %dma_wait3A_1826 = arith.constant 0 : i32
      %dma_wait3A_1827 = tpu.memref_slice %arg13[%dma_wait3A_1818, %dma_wait3A_1825, %dma_wait3A_1826] : memref<16x16x128xf32, #tpu.memory_space<vmem>> -> memref<1x16x128xf32, #tpu.memory_space<vmem>>
      %dma_wait3A_1828 = tpu.memref_squeeze %dma_wait3A_1827 : memref<1x16x128xf32, #tpu.memory_space<vmem>> -> memref<16x128xf32, #tpu.memory_space<vmem>>
      %dma_wait3A_1829 = arith.constant 0 : i32
      %dma_wait3A_1830 = tpu.memref_slice %arg5[%dma_wait3A_1829, %multiple_of3A_1198] : memref<16x1000000xf32, #tpu.memory_space<hbm>> -> memref<16x128xf32, #tpu.memory_space<hbm>>
      tpu.wait_dma2 semaphore(%arg19 : memref<!tpu.dma_semaphore, #tpu.memory_space<semaphore_mem>>) src(%dma_wait3A_1830 : memref<16x128xf32, #tpu.memory_space<hbm>>) dst(%dma_wait3A_1828 : memref<16x128xf32, #tpu.memory_space<vmem>>)
      %dma_wait3A_1831 = arith.constant 12 : i32
      %dma_wait3A_1832 = arith.constant 0 : i32
      %dma_wait3A_1833 = arith.constant 0 : i32
      %dma_wait3A_1834 = tpu.memref_slice %arg14[%dma_wait3A_1831, %dma_wait3A_1832, %dma_wait3A_1833] : memref<16x16x128xf32, #tpu.memory_space<vmem>> -> memref<1x16x128xf32, #tpu.memory_space<vmem>>
      %dma_wait3A_1835 = tpu.memref_squeeze %dma_wait3A_1834 : memref<1x16x128xf32, #tpu.memory_space<vmem>> -> memref<16x128xf32, #tpu.memory_space<vmem>>
      %dma_wait3A_1836 = arith.constant 0 : i32
      %dma_wait3A_1837 = tpu.memref_slice %arg6[%dma_wait3A_1836, %multiple_of3A_1227] : memref<16x1000000xf32, #tpu.memory_space<hbm>> -> memref<16x128xf32, #tpu.memory_space<hbm>>
      %dma_wait3A_1838 = arith.constant 0 : i32
      %dma_wait3A_1839 = arith.constant 0 : i32
      %dma_wait3A_1840 = tpu.memref_slice %arg14[%dma_wait3A_1831, %dma_wait3A_1838, %dma_wait3A_1839] : memref<16x16x128xf32, #tpu.memory_space<vmem>> -> memref<1x16x128xf32, #tpu.memory_space<vmem>>
      %dma_wait3A_1841 = tpu.memref_squeeze %dma_wait3A_1840 : memref<1x16x128xf32, #tpu.memory_space<vmem>> -> memref<16x128xf32, #tpu.memory_space<vmem>>
      %dma_wait3A_1842 = arith.constant 0 : i32
      %dma_wait3A_1843 = tpu.memref_slice %arg6[%dma_wait3A_1842, %multiple_of3A_1227] : memref<16x1000000xf32, #tpu.memory_space<hbm>> -> memref<16x128xf32, #tpu.memory_space<hbm>>
      tpu.wait_dma2 semaphore(%arg20 : memref<!tpu.dma_semaphore, #tpu.memory_space<semaphore_mem>>) src(%dma_wait3A_1843 : memref<16x128xf32, #tpu.memory_space<hbm>>) dst(%dma_wait3A_1841 : memref<16x128xf32, #tpu.memory_space<vmem>>)
      %dma_wait3A_1844 = arith.constant 13 : i32
      %dma_wait3A_1845 = arith.constant 0 : i32
      %dma_wait3A_1846 = arith.constant 0 : i32
      %dma_wait3A_1847 = tpu.memref_slice %arg13[%dma_wait3A_1844, %dma_wait3A_1845, %dma_wait3A_1846] : memref<16x16x128xf32, #tpu.memory_space<vmem>> -> memref<1x16x128xf32, #tpu.memory_space<vmem>>
      %dma_wait3A_1848 = tpu.memref_squeeze %dma_wait3A_1847 : memref<1x16x128xf32, #tpu.memory_space<vmem>> -> memref<16x128xf32, #tpu.memory_space<vmem>>
      %dma_wait3A_1849 = arith.constant 0 : i32
      %dma_wait3A_1850 = tpu.memref_slice %arg5[%dma_wait3A_1849, %multiple_of3A_1282] : memref<16x1000000xf32, #tpu.memory_space<hbm>> -> memref<16x128xf32, #tpu.memory_space<hbm>>
      %dma_wait3A_1851 = arith.constant 0 : i32
      %dma_wait3A_1852 = arith.constant 0 : i32
      %dma_wait3A_1853 = tpu.memref_slice %arg13[%dma_wait3A_1844, %dma_wait3A_1851, %dma_wait3A_1852] : memref<16x16x128xf32, #tpu.memory_space<vmem>> -> memref<1x16x128xf32, #tpu.memory_space<vmem>>
      %dma_wait3A_1854 = tpu.memref_squeeze %dma_wait3A_1853 : memref<1x16x128xf32, #tpu.memory_space<vmem>> -> memref<16x128xf32, #tpu.memory_space<vmem>>
      %dma_wait3A_1855 = arith.constant 0 : i32
      %dma_wait3A_1856 = tpu.memref_slice %arg5[%dma_wait3A_1855, %multiple_of3A_1282] : memref<16x1000000xf32, #tpu.memory_space<hbm>> -> memref<16x128xf32, #tpu.memory_space<hbm>>
      tpu.wait_dma2 semaphore(%arg19 : memref<!tpu.dma_semaphore, #tpu.memory_space<semaphore_mem>>) src(%dma_wait3A_1856 : memref<16x128xf32, #tpu.memory_space<hbm>>) dst(%dma_wait3A_1854 : memref<16x128xf32, #tpu.memory_space<vmem>>)
      %dma_wait3A_1857 = arith.constant 13 : i32
      %dma_wait3A_1858 = arith.constant 0 : i32
      %dma_wait3A_1859 = arith.constant 0 : i32
      %dma_wait3A_1860 = tpu.memref_slice %arg14[%dma_wait3A_1857, %dma_wait3A_1858, %dma_wait3A_1859] : memref<16x16x128xf32, #tpu.memory_space<vmem>> -> memref<1x16x128xf32, #tpu.memory_space<vmem>>
      %dma_wait3A_1861 = tpu.memref_squeeze %dma_wait3A_1860 : memref<1x16x128xf32, #tpu.memory_space<vmem>> -> memref<16x128xf32, #tpu.memory_space<vmem>>
      %dma_wait3A_1862 = arith.constant 0 : i32
      %dma_wait3A_1863 = tpu.memref_slice %arg6[%dma_wait3A_1862, %multiple_of3A_1311] : memref<16x1000000xf32, #tpu.memory_space<hbm>> -> memref<16x128xf32, #tpu.memory_space<hbm>>
      %dma_wait3A_1864 = arith.constant 0 : i32
      %dma_wait3A_1865 = arith.constant 0 : i32
      %dma_wait3A_1866 = tpu.memref_slice %arg14[%dma_wait3A_1857, %dma_wait3A_1864, %dma_wait3A_1865] : memref<16x16x128xf32, #tpu.memory_space<vmem>> -> memref<1x16x128xf32, #tpu.memory_space<vmem>>
      %dma_wait3A_1867 = tpu.memref_squeeze %dma_wait3A_1866 : memref<1x16x128xf32, #tpu.memory_space<vmem>> -> memref<16x128xf32, #tpu.memory_space<vmem>>
      %dma_wait3A_1868 = arith.constant 0 : i32
      %dma_wait3A_1869 = tpu.memref_slice %arg6[%dma_wait3A_1868, %multiple_of3A_1311] : memref<16x1000000xf32, #tpu.memory_space<hbm>> -> memref<16x128xf32, #tpu.memory_space<hbm>>
      tpu.wait_dma2 semaphore(%arg20 : memref<!tpu.dma_semaphore, #tpu.memory_space<semaphore_mem>>) src(%dma_wait3A_1869 : memref<16x128xf32, #tpu.memory_space<hbm>>) dst(%dma_wait3A_1867 : memref<16x128xf32, #tpu.memory_space<vmem>>)
      %dma_wait3A_1870 = arith.constant 14 : i32
      %dma_wait3A_1871 = arith.constant 0 : i32
      %dma_wait3A_1872 = arith.constant 0 : i32
      %dma_wait3A_1873 = tpu.memref_slice %arg13[%dma_wait3A_1870, %dma_wait3A_1871, %dma_wait3A_1872] : memref<16x16x128xf32, #tpu.memory_space<vmem>> -> memref<1x16x128xf32, #tpu.memory_space<vmem>>
      %dma_wait3A_1874 = tpu.memref_squeeze %dma_wait3A_1873 : memref<1x16x128xf32, #tpu.memory_space<vmem>> -> memref<16x128xf32, #tpu.memory_space<vmem>>
      %dma_wait3A_1875 = arith.constant 0 : i32
      %dma_wait3A_1876 = tpu.memref_slice %arg5[%dma_wait3A_1875, %multiple_of3A_1366] : memref<16x1000000xf32, #tpu.memory_space<hbm>> -> memref<16x128xf32, #tpu.memory_space<hbm>>
      %dma_wait3A_1877 = arith.constant 0 : i32
      %dma_wait3A_1878 = arith.constant 0 : i32
      %dma_wait3A_1879 = tpu.memref_slice %arg13[%dma_wait3A_1870, %dma_wait3A_1877, %dma_wait3A_1878] : memref<16x16x128xf32, #tpu.memory_space<vmem>> -> memref<1x16x128xf32, #tpu.memory_space<vmem>>
      %dma_wait3A_1880 = tpu.memref_squeeze %dma_wait3A_1879 : memref<1x16x128xf32, #tpu.memory_space<vmem>> -> memref<16x128xf32, #tpu.memory_space<vmem>>
      %dma_wait3A_1881 = arith.constant 0 : i32
      %dma_wait3A_1882 = tpu.memref_slice %arg5[%dma_wait3A_1881, %multiple_of3A_1366] : memref<16x1000000xf32, #tpu.memory_space<hbm>> -> memref<16x128xf32, #tpu.memory_space<hbm>>
      tpu.wait_dma2 semaphore(%arg19 : memref<!tpu.dma_semaphore, #tpu.memory_space<semaphore_mem>>) src(%dma_wait3A_1882 : memref<16x128xf32, #tpu.memory_space<hbm>>) dst(%dma_wait3A_1880 : memref<16x128xf32, #tpu.memory_space<vmem>>)
      %dma_wait3A_1883 = arith.constant 14 : i32
      %dma_wait3A_1884 = arith.constant 0 : i32
      %dma_wait3A_1885 = arith.constant 0 : i32
      %dma_wait3A_1886 = tpu.memref_slice %arg14[%dma_wait3A_1883, %dma_wait3A_1884, %dma_wait3A_1885] : memref<16x16x128xf32, #tpu.memory_space<vmem>> -> memref<1x16x128xf32, #tpu.memory_space<vmem>>
      %dma_wait3A_1887 = tpu.memref_squeeze %dma_wait3A_1886 : memref<1x16x128xf32, #tpu.memory_space<vmem>> -> memref<16x128xf32, #tpu.memory_space<vmem>>
      %dma_wait3A_1888 = arith.constant 0 : i32
      %dma_wait3A_1889 = tpu.memref_slice %arg6[%dma_wait3A_1888, %multiple_of3A_1395] : memref<16x1000000xf32, #tpu.memory_space<hbm>> -> memref<16x128xf32, #tpu.memory_space<hbm>>
      %dma_wait3A_1890 = arith.constant 0 : i32
      %dma_wait3A_1891 = arith.constant 0 : i32
      %dma_wait3A_1892 = tpu.memref_slice %arg14[%dma_wait3A_1883, %dma_wait3A_1890, %dma_wait3A_1891] : memref<16x16x128xf32, #tpu.memory_space<vmem>> -> memref<1x16x128xf32, #tpu.memory_space<vmem>>
      %dma_wait3A_1893 = tpu.memref_squeeze %dma_wait3A_1892 : memref<1x16x128xf32, #tpu.memory_space<vmem>> -> memref<16x128xf32, #tpu.memory_space<vmem>>
      %dma_wait3A_1894 = arith.constant 0 : i32
      %dma_wait3A_1895 = tpu.memref_slice %arg6[%dma_wait3A_1894, %multiple_of3A_1395] : memref<16x1000000xf32, #tpu.memory_space<hbm>> -> memref<16x128xf32, #tpu.memory_space<hbm>>
      tpu.wait_dma2 semaphore(%arg20 : memref<!tpu.dma_semaphore, #tpu.memory_space<semaphore_mem>>) src(%dma_wait3A_1895 : memref<16x128xf32, #tpu.memory_space<hbm>>) dst(%dma_wait3A_1893 : memref<16x128xf32, #tpu.memory_space<vmem>>)
      %dma_wait3A_1896 = arith.constant 15 : i32
      %dma_wait3A_1897 = arith.constant 0 : i32
      %dma_wait3A_1898 = arith.constant 0 : i32
      %dma_wait3A_1899 = tpu.memref_slice %arg13[%dma_wait3A_1896, %dma_wait3A_1897, %dma_wait3A_1898] : memref<16x16x128xf32, #tpu.memory_space<vmem>> -> memref<1x16x128xf32, #tpu.memory_space<vmem>>
      %dma_wait3A_1900 = tpu.memref_squeeze %dma_wait3A_1899 : memref<1x16x128xf32, #tpu.memory_space<vmem>> -> memref<16x128xf32, #tpu.memory_space<vmem>>
      %dma_wait3A_1901 = arith.constant 0 : i32
      %dma_wait3A_1902 = tpu.memref_slice %arg5[%dma_wait3A_1901, %multiple_of3A_1450] : memref<16x1000000xf32, #tpu.memory_space<hbm>> -> memref<16x128xf32, #tpu.memory_space<hbm>>
      %dma_wait3A_1903 = arith.constant 0 : i32
      %dma_wait3A_1904 = arith.constant 0 : i32
      %dma_wait3A_1905 = tpu.memref_slice %arg13[%dma_wait3A_1896, %dma_wait3A_1903, %dma_wait3A_1904] : memref<16x16x128xf32, #tpu.memory_space<vmem>> -> memref<1x16x128xf32, #tpu.memory_space<vmem>>
      %dma_wait3A_1906 = tpu.memref_squeeze %dma_wait3A_1905 : memref<1x16x128xf32, #tpu.memory_space<vmem>> -> memref<16x128xf32, #tpu.memory_space<vmem>>
      %dma_wait3A_1907 = arith.constant 0 : i32
      %dma_wait3A_1908 = tpu.memref_slice %arg5[%dma_wait3A_1907, %multiple_of3A_1450] : memref<16x1000000xf32, #tpu.memory_space<hbm>> -> memref<16x128xf32, #tpu.memory_space<hbm>>
      tpu.wait_dma2 semaphore(%arg19 : memref<!tpu.dma_semaphore, #tpu.memory_space<semaphore_mem>>) src(%dma_wait3A_1908 : memref<16x128xf32, #tpu.memory_space<hbm>>) dst(%dma_wait3A_1906 : memref<16x128xf32, #tpu.memory_space<vmem>>)
      %dma_wait3A_1909 = arith.constant 15 : i32
      %dma_wait3A_1910 = arith.constant 0 : i32
      %dma_wait3A_1911 = arith.constant 0 : i32
      %dma_wait3A_1912 = tpu.memref_slice %arg14[%dma_wait3A_1909, %dma_wait3A_1910, %dma_wait3A_1911] : memref<16x16x128xf32, #tpu.memory_space<vmem>> -> memref<1x16x128xf32, #tpu.memory_space<vmem>>
      %dma_wait3A_1913 = tpu.memref_squeeze %dma_wait3A_1912 : memref<1x16x128xf32, #tpu.memory_space<vmem>> -> memref<16x128xf32, #tpu.memory_space<vmem>>
      %dma_wait3A_1914 = arith.constant 0 : i32
      %dma_wait3A_1915 = tpu.memref_slice %arg6[%dma_wait3A_1914, %multiple_of3A_1479] : memref<16x1000000xf32, #tpu.memory_space<hbm>> -> memref<16x128xf32, #tpu.memory_space<hbm>>
      %dma_wait3A_1916 = arith.constant 0 : i32
      %dma_wait3A_1917 = arith.constant 0 : i32
      %dma_wait3A_1918 = tpu.memref_slice %arg14[%dma_wait3A_1909, %dma_wait3A_1916, %dma_wait3A_1917] : memref<16x16x128xf32, #tpu.memory_space<vmem>> -> memref<1x16x128xf32, #tpu.memory_space<vmem>>
      %dma_wait3A_1919 = tpu.memref_squeeze %dma_wait3A_1918 : memref<1x16x128xf32, #tpu.memory_space<vmem>> -> memref<16x128xf32, #tpu.memory_space<vmem>>
      %dma_wait3A_1920 = arith.constant 0 : i32
      %dma_wait3A_1921 = tpu.memref_slice %arg6[%dma_wait3A_1920, %multiple_of3A_1479] : memref<16x1000000xf32, #tpu.memory_space<hbm>> -> memref<16x128xf32, #tpu.memory_space<hbm>>
      tpu.wait_dma2 semaphore(%arg20 : memref<!tpu.dma_semaphore, #tpu.memory_space<semaphore_mem>>) src(%dma_wait3A_1921 : memref<16x128xf32, #tpu.memory_space<hbm>>) dst(%dma_wait3A_1919 : memref<16x128xf32, #tpu.memory_space<vmem>>)
      %mul3A_1922 = arith.constant 16 : i32
      %mul3A_1923 = arith.muli %scan3A_85, %mul3A_1922 : i32
      %add3A_1924 = arith.constant 0 : i32
      %add3A_1925 = arith.addi %mul3A_1923, %add3A_1924 : i32
      %broadcast_in_dim3A = vector.broadcast %add3A_1925 : i32 to vector<16xi32>
      %slice3A_1926 = vector.extract_strided_slice %get3A_119 {offsets = [0], sizes = [1], strides = [1]} : vector<16xi32> to vector<1xi32>
      %squeeze3A_1927 = vector.extract %slice3A_1926[0] : i32 from vector<1xi32>
      %jit3A_1928 = arith.constant 128 : i32
      %eq3A_1929 = arith.constant 0 : i32
      %eq3A_1930 = arith.cmpi eq, %jit3A_1928, %eq3A_1929 : i32
      %jit3A_1931 = arith.constant 1 : i32
      %select_n3A_1932 = arith.select %eq3A_1930, %jit3A_1931, %jit3A_1928 : i32
      %rem3A_1933 = arith.remsi %squeeze3A_1927, %select_n3A_1932 : i32
      %ne3A_1934 = arith.constant 0 : i32
      %ne3A_1935 = arith.cmpi ne, %rem3A_1933, %ne3A_1934 : i32
      %lt3A_1936 = arith.constant 0 : i32
      %lt3A_1937 = arith.cmpi slt, %rem3A_1933, %lt3A_1936 : i32
      %lt3A_1938 = arith.constant 0 : i32
      %lt3A_1939 = arith.cmpi slt, %select_n3A_1932, %lt3A_1938 : i32
      %ne3A_1940 = arith.xori %lt3A_1937, %lt3A_1939 : i1
      %and3A_1941 = arith.andi %ne3A_1940, %ne3A_1935 : i1
      %add3A_1942 = arith.addi %rem3A_1933, %select_n3A_1932 : i32
      %select_n3A_1943 = arith.select %and3A_1941, %add3A_1942, %rem3A_1933 : i32
      %broadcast_in_dim3A_1944 = vector.broadcast %select_n3A_1943 : i32 to vector<16xi32>
      %slice3A_1945 = vector.extract_strided_slice %get3A_164 {offsets = [0], sizes = [1], strides = [1]} : vector<16xi32> to vector<1xi32>
      %squeeze3A_1946 = vector.extract %slice3A_1945[0] : i32 from vector<1xi32>
      %jit3A_1947 = arith.constant 128 : i32
      %eq3A_1948 = arith.constant 0 : i32
      %eq3A_1949 = arith.cmpi eq, %jit3A_1947, %eq3A_1948 : i32
      %jit3A_1950 = arith.constant 1 : i32
      %select_n3A_1951 = arith.select %eq3A_1949, %jit3A_1950, %jit3A_1947 : i32
      %rem3A_1952 = arith.remsi %squeeze3A_1946, %select_n3A_1951 : i32
      %ne3A_1953 = arith.constant 0 : i32
      %ne3A_1954 = arith.cmpi ne, %rem3A_1952, %ne3A_1953 : i32
      %lt3A_1955 = arith.constant 0 : i32
      %lt3A_1956 = arith.cmpi slt, %rem3A_1952, %lt3A_1955 : i32
      %lt3A_1957 = arith.constant 0 : i32
      %lt3A_1958 = arith.cmpi slt, %select_n3A_1951, %lt3A_1957 : i32
      %ne3A_1959 = arith.xori %lt3A_1956, %lt3A_1958 : i1
      %and3A_1960 = arith.andi %ne3A_1959, %ne3A_1954 : i1
      %add3A_1961 = arith.addi %rem3A_1952, %select_n3A_1951 : i32
      %select_n3A_1962 = arith.select %and3A_1960, %add3A_1961, %rem3A_1952 : i32
      %broadcast_in_dim3A_1963 = vector.broadcast %select_n3A_1962 : i32 to vector<16xi32>
      %gather3A = arith.constant 0 : i32
      %gather3A_1964 = arith.constant 0 : i32
      %gather3A_1965 = arith.constant 0 : i32
      %gather3A_1966 = tpu.memref_slice %arg13[%gather3A, %gather3A_1964, %gather3A_1965] : memref<16x16x128xf32, #tpu.memory_space<vmem>> -> memref<1x16x128xf32, #tpu.memory_space<vmem>>
      %gather3A_1967 = tpu.memref_squeeze %gather3A_1966 : memref<1x16x128xf32, #tpu.memory_space<vmem>> -> memref<16x128xf32, #tpu.memory_space<vmem>>
      %gather3A_1968 = tpu.vector_load_idx %gather3A_1967[%iota3A, %broadcast_in_dim3A_1944] : memref<16x128xf32, #tpu.memory_space<vmem>>[vector<16xi32>, vector<16xi32>], vector<16xf32>,
      tpu.vector_store_idx %arg15[%iota3A, %broadcast_in_dim3A], %gather3A_1968 : memref<16x512xf32, #tpu.memory_space<vmem>>[vector<16xi32>, vector<16xi32>], vector<16xf32>,
      %gather3A_1969 = arith.constant 0 : i32
      %gather3A_1970 = arith.constant 0 : i32
      %gather3A_1971 = arith.constant 0 : i32
      %gather3A_1972 = tpu.memref_slice %arg14[%gather3A_1969, %gather3A_1970, %gather3A_1971] : memref<16x16x128xf32, #tpu.memory_space<vmem>> -> memref<1x16x128xf32, #tpu.memory_space<vmem>>
      %gather3A_1973 = tpu.memref_squeeze %gather3A_1972 : memref<1x16x128xf32, #tpu.memory_space<vmem>> -> memref<16x128xf32, #tpu.memory_space<vmem>>
      %gather3A_1974 = tpu.vector_load_idx %gather3A_1973[%iota3A, %broadcast_in_dim3A_1963] : memref<16x128xf32, #tpu.memory_space<vmem>>[vector<16xi32>, vector<16xi32>], vector<16xf32>,
      tpu.vector_store_idx %arg16[%iota3A, %broadcast_in_dim3A], %gather3A_1974 : memref<16x512xf32, #tpu.memory_space<vmem>>[vector<16xi32>, vector<16xi32>], vector<16xf32>,
      %mul3A_1975 = arith.constant 16 : i32
      %mul3A_1976 = arith.muli %scan3A_85, %mul3A_1975 : i32
      %add3A_1977 = arith.constant 1 : i32
      %add3A_1978 = arith.addi %mul3A_1976, %add3A_1977 : i32
      %broadcast_in_dim3A_1979 = vector.broadcast %add3A_1978 : i32 to vector<16xi32>
      %slice3A_1980 = vector.extract_strided_slice %get3A_119 {offsets = [1], sizes = [1], strides = [1]} : vector<16xi32> to vector<1xi32>
      %squeeze3A_1981 = vector.extract %slice3A_1980[0] : i32 from vector<1xi32>
      %jit3A_1982 = arith.constant 128 : i32
      %eq3A_1983 = arith.constant 0 : i32
      %eq3A_1984 = arith.cmpi eq, %jit3A_1982, %eq3A_1983 : i32
      %jit3A_1985 = arith.constant 1 : i32
      %select_n3A_1986 = arith.select %eq3A_1984, %jit3A_1985, %jit3A_1982 : i32
      %rem3A_1987 = arith.remsi %squeeze3A_1981, %select_n3A_1986 : i32
      %ne3A_1988 = arith.constant 0 : i32
      %ne3A_1989 = arith.cmpi ne, %rem3A_1987, %ne3A_1988 : i32
      %lt3A_1990 = arith.constant 0 : i32
      %lt3A_1991 = arith.cmpi slt, %rem3A_1987, %lt3A_1990 : i32
      %lt3A_1992 = arith.constant 0 : i32
      %lt3A_1993 = arith.cmpi slt, %select_n3A_1986, %lt3A_1992 : i32
      %ne3A_1994 = arith.xori %lt3A_1991, %lt3A_1993 : i1
      %and3A_1995 = arith.andi %ne3A_1994, %ne3A_1989 : i1
      %add3A_1996 = arith.addi %rem3A_1987, %select_n3A_1986 : i32
      %select_n3A_1997 = arith.select %and3A_1995, %add3A_1996, %rem3A_1987 : i32
      %broadcast_in_dim3A_1998 = vector.broadcast %select_n3A_1997 : i32 to vector<16xi32>
      %slice3A_1999 = vector.extract_strided_slice %get3A_164 {offsets = [1], sizes = [1], strides = [1]} : vector<16xi32> to vector<1xi32>
      %squeeze3A_2000 = vector.extract %slice3A_1999[0] : i32 from vector<1xi32>
      %jit3A_2001 = arith.constant 128 : i32
      %eq3A_2002 = arith.constant 0 : i32
      %eq3A_2003 = arith.cmpi eq, %jit3A_2001, %eq3A_2002 : i32
      %jit3A_2004 = arith.constant 1 : i32
      %select_n3A_2005 = arith.select %eq3A_2003, %jit3A_2004, %jit3A_2001 : i32
      %rem3A_2006 = arith.remsi %squeeze3A_2000, %select_n3A_2005 : i32
      %ne3A_2007 = arith.constant 0 : i32
      %ne3A_2008 = arith.cmpi ne, %rem3A_2006, %ne3A_2007 : i32
      %lt3A_2009 = arith.constant 0 : i32
      %lt3A_2010 = arith.cmpi slt, %rem3A_2006, %lt3A_2009 : i32
      %lt3A_2011 = arith.constant 0 : i32
      %lt3A_2012 = arith.cmpi slt, %select_n3A_2005, %lt3A_2011 : i32
      %ne3A_2013 = arith.xori %lt3A_2010, %lt3A_2012 : i1
      %and3A_2014 = arith.andi %ne3A_2013, %ne3A_2008 : i1
      %add3A_2015 = arith.addi %rem3A_2006, %select_n3A_2005 : i32
      %select_n3A_2016 = arith.select %and3A_2014, %add3A_2015, %rem3A_2006 : i32
      %broadcast_in_dim3A_2017 = vector.broadcast %select_n3A_2016 : i32 to vector<16xi32>
      %gather3A_2018 = arith.constant 1 : i32
      %gather3A_2019 = arith.constant 0 : i32
      %gather3A_2020 = arith.constant 0 : i32
      %gather3A_2021 = tpu.memref_slice %arg13[%gather3A_2018, %gather3A_2019, %gather3A_2020] : memref<16x16x128xf32, #tpu.memory_space<vmem>> -> memref<1x16x128xf32, #tpu.memory_space<vmem>>
      %gather3A_2022 = tpu.memref_squeeze %gather3A_2021 : memref<1x16x128xf32, #tpu.memory_space<vmem>> -> memref<16x128xf32, #tpu.memory_space<vmem>>
      %gather3A_2023 = tpu.vector_load_idx %gather3A_2022[%iota3A, %broadcast_in_dim3A_1998] : memref<16x128xf32, #tpu.memory_space<vmem>>[vector<16xi32>, vector<16xi32>], vector<16xf32>,
      tpu.vector_store_idx %arg15[%iota3A, %broadcast_in_dim3A_1979], %gather3A_2023 : memref<16x512xf32, #tpu.memory_space<vmem>>[vector<16xi32>, vector<16xi32>], vector<16xf32>,
      %gather3A_2024 = arith.constant 1 : i32
      %gather3A_2025 = arith.constant 0 : i32
      %gather3A_2026 = arith.constant 0 : i32
      %gather3A_2027 = tpu.memref_slice %arg14[%gather3A_2024, %gather3A_2025, %gather3A_2026] : memref<16x16x128xf32, #tpu.memory_space<vmem>> -> memref<1x16x128xf32, #tpu.memory_space<vmem>>
      %gather3A_2028 = tpu.memref_squeeze %gather3A_2027 : memref<1x16x128xf32, #tpu.memory_space<vmem>> -> memref<16x128xf32, #tpu.memory_space<vmem>>
      %gather3A_2029 = tpu.vector_load_idx %gather3A_2028[%iota3A, %broadcast_in_dim3A_2017] : memref<16x128xf32, #tpu.memory_space<vmem>>[vector<16xi32>, vector<16xi32>], vector<16xf32>,
      tpu.vector_store_idx %arg16[%iota3A, %broadcast_in_dim3A_1979], %gather3A_2029 : memref<16x512xf32, #tpu.memory_space<vmem>>[vector<16xi32>, vector<16xi32>], vector<16xf32>,
      %mul3A_2030 = arith.constant 16 : i32
      %mul3A_2031 = arith.muli %scan3A_85, %mul3A_2030 : i32
      %add3A_2032 = arith.constant 2 : i32
      %add3A_2033 = arith.addi %mul3A_2031, %add3A_2032 : i32
      %broadcast_in_dim3A_2034 = vector.broadcast %add3A_2033 : i32 to vector<16xi32>
      %slice3A_2035 = vector.extract_strided_slice %get3A_119 {offsets = [2], sizes = [1], strides = [1]} : vector<16xi32> to vector<1xi32>
      %squeeze3A_2036 = vector.extract %slice3A_2035[0] : i32 from vector<1xi32>
      %jit3A_2037 = arith.constant 128 : i32
      %eq3A_2038 = arith.constant 0 : i32
      %eq3A_2039 = arith.cmpi eq, %jit3A_2037, %eq3A_2038 : i32
      %jit3A_2040 = arith.constant 1 : i32
      %select_n3A_2041 = arith.select %eq3A_2039, %jit3A_2040, %jit3A_2037 : i32
      %rem3A_2042 = arith.remsi %squeeze3A_2036, %select_n3A_2041 : i32
      %ne3A_2043 = arith.constant 0 : i32
      %ne3A_2044 = arith.cmpi ne, %rem3A_2042, %ne3A_2043 : i32
      %lt3A_2045 = arith.constant 0 : i32
      %lt3A_2046 = arith.cmpi slt, %rem3A_2042, %lt3A_2045 : i32
      %lt3A_2047 = arith.constant 0 : i32
      %lt3A_2048 = arith.cmpi slt, %select_n3A_2041, %lt3A_2047 : i32
      %ne3A_2049 = arith.xori %lt3A_2046, %lt3A_2048 : i1
      %and3A_2050 = arith.andi %ne3A_2049, %ne3A_2044 : i1
      %add3A_2051 = arith.addi %rem3A_2042, %select_n3A_2041 : i32
      %select_n3A_2052 = arith.select %and3A_2050, %add3A_2051, %rem3A_2042 : i32
      %broadcast_in_dim3A_2053 = vector.broadcast %select_n3A_2052 : i32 to vector<16xi32>
      %slice3A_2054 = vector.extract_strided_slice %get3A_164 {offsets = [2], sizes = [1], strides = [1]} : vector<16xi32> to vector<1xi32>
      %squeeze3A_2055 = vector.extract %slice3A_2054[0] : i32 from vector<1xi32>
      %jit3A_2056 = arith.constant 128 : i32
      %eq3A_2057 = arith.constant 0 : i32
      %eq3A_2058 = arith.cmpi eq, %jit3A_2056, %eq3A_2057 : i32
      %jit3A_2059 = arith.constant 1 : i32
      %select_n3A_2060 = arith.select %eq3A_2058, %jit3A_2059, %jit3A_2056 : i32
      %rem3A_2061 = arith.remsi %squeeze3A_2055, %select_n3A_2060 : i32
      %ne3A_2062 = arith.constant 0 : i32
      %ne3A_2063 = arith.cmpi ne, %rem3A_2061, %ne3A_2062 : i32
      %lt3A_2064 = arith.constant 0 : i32
      %lt3A_2065 = arith.cmpi slt, %rem3A_2061, %lt3A_2064 : i32
      %lt3A_2066 = arith.constant 0 : i32
      %lt3A_2067 = arith.cmpi slt, %select_n3A_2060, %lt3A_2066 : i32
      %ne3A_2068 = arith.xori %lt3A_2065, %lt3A_2067 : i1
      %and3A_2069 = arith.andi %ne3A_2068, %ne3A_2063 : i1
      %add3A_2070 = arith.addi %rem3A_2061, %select_n3A_2060 : i32
      %select_n3A_2071 = arith.select %and3A_2069, %add3A_2070, %rem3A_2061 : i32
      %broadcast_in_dim3A_2072 = vector.broadcast %select_n3A_2071 : i32 to vector<16xi32>
      %gather3A_2073 = arith.constant 2 : i32
      %gather3A_2074 = arith.constant 0 : i32
      %gather3A_2075 = arith.constant 0 : i32
      %gather3A_2076 = tpu.memref_slice %arg13[%gather3A_2073, %gather3A_2074, %gather3A_2075] : memref<16x16x128xf32, #tpu.memory_space<vmem>> -> memref<1x16x128xf32, #tpu.memory_space<vmem>>
      %gather3A_2077 = tpu.memref_squeeze %gather3A_2076 : memref<1x16x128xf32, #tpu.memory_space<vmem>> -> memref<16x128xf32, #tpu.memory_space<vmem>>
      %gather3A_2078 = tpu.vector_load_idx %gather3A_2077[%iota3A, %broadcast_in_dim3A_2053] : memref<16x128xf32, #tpu.memory_space<vmem>>[vector<16xi32>, vector<16xi32>], vector<16xf32>,
      tpu.vector_store_idx %arg15[%iota3A, %broadcast_in_dim3A_2034], %gather3A_2078 : memref<16x512xf32, #tpu.memory_space<vmem>>[vector<16xi32>, vector<16xi32>], vector<16xf32>,
      %gather3A_2079 = arith.constant 2 : i32
      %gather3A_2080 = arith.constant 0 : i32
      %gather3A_2081 = arith.constant 0 : i32
      %gather3A_2082 = tpu.memref_slice %arg14[%gather3A_2079, %gather3A_2080, %gather3A_2081] : memref<16x16x128xf32, #tpu.memory_space<vmem>> -> memref<1x16x128xf32, #tpu.memory_space<vmem>>
      %gather3A_2083 = tpu.memref_squeeze %gather3A_2082 : memref<1x16x128xf32, #tpu.memory_space<vmem>> -> memref<16x128xf32, #tpu.memory_space<vmem>>
      %gather3A_2084 = tpu.vector_load_idx %gather3A_2083[%iota3A, %broadcast_in_dim3A_2072] : memref<16x128xf32, #tpu.memory_space<vmem>>[vector<16xi32>, vector<16xi32>], vector<16xf32>,
      tpu.vector_store_idx %arg16[%iota3A, %broadcast_in_dim3A_2034], %gather3A_2084 : memref<16x512xf32, #tpu.memory_space<vmem>>[vector<16xi32>, vector<16xi32>], vector<16xf32>,
      %mul3A_2085 = arith.constant 16 : i32
      %mul3A_2086 = arith.muli %scan3A_85, %mul3A_2085 : i32
      %add3A_2087 = arith.constant 3 : i32
      %add3A_2088 = arith.addi %mul3A_2086, %add3A_2087 : i32
      %broadcast_in_dim3A_2089 = vector.broadcast %add3A_2088 : i32 to vector<16xi32>
      %slice3A_2090 = vector.extract_strided_slice %get3A_119 {offsets = [3], sizes = [1], strides = [1]} : vector<16xi32> to vector<1xi32>
      %squeeze3A_2091 = vector.extract %slice3A_2090[0] : i32 from vector<1xi32>
      %jit3A_2092 = arith.constant 128 : i32
      %eq3A_2093 = arith.constant 0 : i32
      %eq3A_2094 = arith.cmpi eq, %jit3A_2092, %eq3A_2093 : i32
      %jit3A_2095 = arith.constant 1 : i32
      %select_n3A_2096 = arith.select %eq3A_2094, %jit3A_2095, %jit3A_2092 : i32
      %rem3A_2097 = arith.remsi %squeeze3A_2091, %select_n3A_2096 : i32
      %ne3A_2098 = arith.constant 0 : i32
      %ne3A_2099 = arith.cmpi ne, %rem3A_2097, %ne3A_2098 : i32
      %lt3A_2100 = arith.constant 0 : i32
      %lt3A_2101 = arith.cmpi slt, %rem3A_2097, %lt3A_2100 : i32
      %lt3A_2102 = arith.constant 0 : i32
      %lt3A_2103 = arith.cmpi slt, %select_n3A_2096, %lt3A_2102 : i32
      %ne3A_2104 = arith.xori %lt3A_2101, %lt3A_2103 : i1
      %and3A_2105 = arith.andi %ne3A_2104, %ne3A_2099 : i1
      %add3A_2106 = arith.addi %rem3A_2097, %select_n3A_2096 : i32
      %select_n3A_2107 = arith.select %and3A_2105, %add3A_2106, %rem3A_2097 : i32
      %broadcast_in_dim3A_2108 = vector.broadcast %select_n3A_2107 : i32 to vector<16xi32>
      %slice3A_2109 = vector.extract_strided_slice %get3A_164 {offsets = [3], sizes = [1], strides = [1]} : vector<16xi32> to vector<1xi32>
      %squeeze3A_2110 = vector.extract %slice3A_2109[0] : i32 from vector<1xi32>
      %jit3A_2111 = arith.constant 128 : i32
      %eq3A_2112 = arith.constant 0 : i32
      %eq3A_2113 = arith.cmpi eq, %jit3A_2111, %eq3A_2112 : i32
      %jit3A_2114 = arith.constant 1 : i32
      %select_n3A_2115 = arith.select %eq3A_2113, %jit3A_2114, %jit3A_2111 : i32
      %rem3A_2116 = arith.remsi %squeeze3A_2110, %select_n3A_2115 : i32
      %ne3A_2117 = arith.constant 0 : i32
      %ne3A_2118 = arith.cmpi ne, %rem3A_2116, %ne3A_2117 : i32
      %lt3A_2119 = arith.constant 0 : i32
      %lt3A_2120 = arith.cmpi slt, %rem3A_2116, %lt3A_2119 : i32
      %lt3A_2121 = arith.constant 0 : i32
      %lt3A_2122 = arith.cmpi slt, %select_n3A_2115, %lt3A_2121 : i32
      %ne3A_2123 = arith.xori %lt3A_2120, %lt3A_2122 : i1
      %and3A_2124 = arith.andi %ne3A_2123, %ne3A_2118 : i1
      %add3A_2125 = arith.addi %rem3A_2116, %select_n3A_2115 : i32
      %select_n3A_2126 = arith.select %and3A_2124, %add3A_2125, %rem3A_2116 : i32
      %broadcast_in_dim3A_2127 = vector.broadcast %select_n3A_2126 : i32 to vector<16xi32>
      %gather3A_2128 = arith.constant 3 : i32
      %gather3A_2129 = arith.constant 0 : i32
      %gather3A_2130 = arith.constant 0 : i32
      %gather3A_2131 = tpu.memref_slice %arg13[%gather3A_2128, %gather3A_2129, %gather3A_2130] : memref<16x16x128xf32, #tpu.memory_space<vmem>> -> memref<1x16x128xf32, #tpu.memory_space<vmem>>
      %gather3A_2132 = tpu.memref_squeeze %gather3A_2131 : memref<1x16x128xf32, #tpu.memory_space<vmem>> -> memref<16x128xf32, #tpu.memory_space<vmem>>
      %gather3A_2133 = tpu.vector_load_idx %gather3A_2132[%iota3A, %broadcast_in_dim3A_2108] : memref<16x128xf32, #tpu.memory_space<vmem>>[vector<16xi32>, vector<16xi32>], vector<16xf32>,
      tpu.vector_store_idx %arg15[%iota3A, %broadcast_in_dim3A_2089], %gather3A_2133 : memref<16x512xf32, #tpu.memory_space<vmem>>[vector<16xi32>, vector<16xi32>], vector<16xf32>,
      %gather3A_2134 = arith.constant 3 : i32
      %gather3A_2135 = arith.constant 0 : i32
      %gather3A_2136 = arith.constant 0 : i32
      %gather3A_2137 = tpu.memref_slice %arg14[%gather3A_2134, %gather3A_2135, %gather3A_2136] : memref<16x16x128xf32, #tpu.memory_space<vmem>> -> memref<1x16x128xf32, #tpu.memory_space<vmem>>
      %gather3A_2138 = tpu.memref_squeeze %gather3A_2137 : memref<1x16x128xf32, #tpu.memory_space<vmem>> -> memref<16x128xf32, #tpu.memory_space<vmem>>
      %gather3A_2139 = tpu.vector_load_idx %gather3A_2138[%iota3A, %broadcast_in_dim3A_2127] : memref<16x128xf32, #tpu.memory_space<vmem>>[vector<16xi32>, vector<16xi32>], vector<16xf32>,
      tpu.vector_store_idx %arg16[%iota3A, %broadcast_in_dim3A_2089], %gather3A_2139 : memref<16x512xf32, #tpu.memory_space<vmem>>[vector<16xi32>, vector<16xi32>], vector<16xf32>,
      %mul3A_2140 = arith.constant 16 : i32
      %mul3A_2141 = arith.muli %scan3A_85, %mul3A_2140 : i32
      %add3A_2142 = arith.constant 4 : i32
      %add3A_2143 = arith.addi %mul3A_2141, %add3A_2142 : i32
      %broadcast_in_dim3A_2144 = vector.broadcast %add3A_2143 : i32 to vector<16xi32>
      %slice3A_2145 = vector.extract_strided_slice %get3A_119 {offsets = [4], sizes = [1], strides = [1]} : vector<16xi32> to vector<1xi32>
      %squeeze3A_2146 = vector.extract %slice3A_2145[0] : i32 from vector<1xi32>
      %jit3A_2147 = arith.constant 128 : i32
      %eq3A_2148 = arith.constant 0 : i32
      %eq3A_2149 = arith.cmpi eq, %jit3A_2147, %eq3A_2148 : i32
      %jit3A_2150 = arith.constant 1 : i32
      %select_n3A_2151 = arith.select %eq3A_2149, %jit3A_2150, %jit3A_2147 : i32
      %rem3A_2152 = arith.remsi %squeeze3A_2146, %select_n3A_2151 : i32
      %ne3A_2153 = arith.constant 0 : i32
      %ne3A_2154 = arith.cmpi ne, %rem3A_2152, %ne3A_2153 : i32
      %lt3A_2155 = arith.constant 0 : i32
      %lt3A_2156 = arith.cmpi slt, %rem3A_2152, %lt3A_2155 : i32
      %lt3A_2157 = arith.constant 0 : i32
      %lt3A_2158 = arith.cmpi slt, %select_n3A_2151, %lt3A_2157 : i32
      %ne3A_2159 = arith.xori %lt3A_2156, %lt3A_2158 : i1
      %and3A_2160 = arith.andi %ne3A_2159, %ne3A_2154 : i1
      %add3A_2161 = arith.addi %rem3A_2152, %select_n3A_2151 : i32
      %select_n3A_2162 = arith.select %and3A_2160, %add3A_2161, %rem3A_2152 : i32
      %broadcast_in_dim3A_2163 = vector.broadcast %select_n3A_2162 : i32 to vector<16xi32>
      %slice3A_2164 = vector.extract_strided_slice %get3A_164 {offsets = [4], sizes = [1], strides = [1]} : vector<16xi32> to vector<1xi32>
      %squeeze3A_2165 = vector.extract %slice3A_2164[0] : i32 from vector<1xi32>
      %jit3A_2166 = arith.constant 128 : i32
      %eq3A_2167 = arith.constant 0 : i32
      %eq3A_2168 = arith.cmpi eq, %jit3A_2166, %eq3A_2167 : i32
      %jit3A_2169 = arith.constant 1 : i32
      %select_n3A_2170 = arith.select %eq3A_2168, %jit3A_2169, %jit3A_2166 : i32
      %rem3A_2171 = arith.remsi %squeeze3A_2165, %select_n3A_2170 : i32
      %ne3A_2172 = arith.constant 0 : i32
      %ne3A_2173 = arith.cmpi ne, %rem3A_2171, %ne3A_2172 : i32
      %lt3A_2174 = arith.constant 0 : i32
      %lt3A_2175 = arith.cmpi slt, %rem3A_2171, %lt3A_2174 : i32
      %lt3A_2176 = arith.constant 0 : i32
      %lt3A_2177 = arith.cmpi slt, %select_n3A_2170, %lt3A_2176 : i32
      %ne3A_2178 = arith.xori %lt3A_2175, %lt3A_2177 : i1
      %and3A_2179 = arith.andi %ne3A_2178, %ne3A_2173 : i1
      %add3A_2180 = arith.addi %rem3A_2171, %select_n3A_2170 : i32
      %select_n3A_2181 = arith.select %and3A_2179, %add3A_2180, %rem3A_2171 : i32
      %broadcast_in_dim3A_2182 = vector.broadcast %select_n3A_2181 : i32 to vector<16xi32>
      %gather3A_2183 = arith.constant 4 : i32
      %gather3A_2184 = arith.constant 0 : i32
      %gather3A_2185 = arith.constant 0 : i32
      %gather3A_2186 = tpu.memref_slice %arg13[%gather3A_2183, %gather3A_2184, %gather3A_2185] : memref<16x16x128xf32, #tpu.memory_space<vmem>> -> memref<1x16x128xf32, #tpu.memory_space<vmem>>
      %gather3A_2187 = tpu.memref_squeeze %gather3A_2186 : memref<1x16x128xf32, #tpu.memory_space<vmem>> -> memref<16x128xf32, #tpu.memory_space<vmem>>
      %gather3A_2188 = tpu.vector_load_idx %gather3A_2187[%iota3A, %broadcast_in_dim3A_2163] : memref<16x128xf32, #tpu.memory_space<vmem>>[vector<16xi32>, vector<16xi32>], vector<16xf32>,
      tpu.vector_store_idx %arg15[%iota3A, %broadcast_in_dim3A_2144], %gather3A_2188 : memref<16x512xf32, #tpu.memory_space<vmem>>[vector<16xi32>, vector<16xi32>], vector<16xf32>,
      %gather3A_2189 = arith.constant 4 : i32
      %gather3A_2190 = arith.constant 0 : i32
      %gather3A_2191 = arith.constant 0 : i32
      %gather3A_2192 = tpu.memref_slice %arg14[%gather3A_2189, %gather3A_2190, %gather3A_2191] : memref<16x16x128xf32, #tpu.memory_space<vmem>> -> memref<1x16x128xf32, #tpu.memory_space<vmem>>
      %gather3A_2193 = tpu.memref_squeeze %gather3A_2192 : memref<1x16x128xf32, #tpu.memory_space<vmem>> -> memref<16x128xf32, #tpu.memory_space<vmem>>
      %gather3A_2194 = tpu.vector_load_idx %gather3A_2193[%iota3A, %broadcast_in_dim3A_2182] : memref<16x128xf32, #tpu.memory_space<vmem>>[vector<16xi32>, vector<16xi32>], vector<16xf32>,
      tpu.vector_store_idx %arg16[%iota3A, %broadcast_in_dim3A_2144], %gather3A_2194 : memref<16x512xf32, #tpu.memory_space<vmem>>[vector<16xi32>, vector<16xi32>], vector<16xf32>,
      %mul3A_2195 = arith.constant 16 : i32
      %mul3A_2196 = arith.muli %scan3A_85, %mul3A_2195 : i32
      %add3A_2197 = arith.constant 5 : i32
      %add3A_2198 = arith.addi %mul3A_2196, %add3A_2197 : i32
      %broadcast_in_dim3A_2199 = vector.broadcast %add3A_2198 : i32 to vector<16xi32>
      %slice3A_2200 = vector.extract_strided_slice %get3A_119 {offsets = [5], sizes = [1], strides = [1]} : vector<16xi32> to vector<1xi32>
      %squeeze3A_2201 = vector.extract %slice3A_2200[0] : i32 from vector<1xi32>
      %jit3A_2202 = arith.constant 128 : i32
      %eq3A_2203 = arith.constant 0 : i32
      %eq3A_2204 = arith.cmpi eq, %jit3A_2202, %eq3A_2203 : i32
      %jit3A_2205 = arith.constant 1 : i32
      %select_n3A_2206 = arith.select %eq3A_2204, %jit3A_2205, %jit3A_2202 : i32
      %rem3A_2207 = arith.remsi %squeeze3A_2201, %select_n3A_2206 : i32
      %ne3A_2208 = arith.constant 0 : i32
      %ne3A_2209 = arith.cmpi ne, %rem3A_2207, %ne3A_2208 : i32
      %lt3A_2210 = arith.constant 0 : i32
      %lt3A_2211 = arith.cmpi slt, %rem3A_2207, %lt3A_2210 : i32
      %lt3A_2212 = arith.constant 0 : i32
      %lt3A_2213 = arith.cmpi slt, %select_n3A_2206, %lt3A_2212 : i32
      %ne3A_2214 = arith.xori %lt3A_2211, %lt3A_2213 : i1
      %and3A_2215 = arith.andi %ne3A_2214, %ne3A_2209 : i1
      %add3A_2216 = arith.addi %rem3A_2207, %select_n3A_2206 : i32
      %select_n3A_2217 = arith.select %and3A_2215, %add3A_2216, %rem3A_2207 : i32
      %broadcast_in_dim3A_2218 = vector.broadcast %select_n3A_2217 : i32 to vector<16xi32>
      %slice3A_2219 = vector.extract_strided_slice %get3A_164 {offsets = [5], sizes = [1], strides = [1]} : vector<16xi32> to vector<1xi32>
      %squeeze3A_2220 = vector.extract %slice3A_2219[0] : i32 from vector<1xi32>
      %jit3A_2221 = arith.constant 128 : i32
      %eq3A_2222 = arith.constant 0 : i32
      %eq3A_2223 = arith.cmpi eq, %jit3A_2221, %eq3A_2222 : i32
      %jit3A_2224 = arith.constant 1 : i32
      %select_n3A_2225 = arith.select %eq3A_2223, %jit3A_2224, %jit3A_2221 : i32
      %rem3A_2226 = arith.remsi %squeeze3A_2220, %select_n3A_2225 : i32
      %ne3A_2227 = arith.constant 0 : i32
      %ne3A_2228 = arith.cmpi ne, %rem3A_2226, %ne3A_2227 : i32
      %lt3A_2229 = arith.constant 0 : i32
      %lt3A_2230 = arith.cmpi slt, %rem3A_2226, %lt3A_2229 : i32
      %lt3A_2231 = arith.constant 0 : i32
      %lt3A_2232 = arith.cmpi slt, %select_n3A_2225, %lt3A_2231 : i32
      %ne3A_2233 = arith.xori %lt3A_2230, %lt3A_2232 : i1
      %and3A_2234 = arith.andi %ne3A_2233, %ne3A_2228 : i1
      %add3A_2235 = arith.addi %rem3A_2226, %select_n3A_2225 : i32
      %select_n3A_2236 = arith.select %and3A_2234, %add3A_2235, %rem3A_2226 : i32
      %broadcast_in_dim3A_2237 = vector.broadcast %select_n3A_2236 : i32 to vector<16xi32>
      %gather3A_2238 = arith.constant 5 : i32
      %gather3A_2239 = arith.constant 0 : i32
      %gather3A_2240 = arith.constant 0 : i32
      %gather3A_2241 = tpu.memref_slice %arg13[%gather3A_2238, %gather3A_2239, %gather3A_2240] : memref<16x16x128xf32, #tpu.memory_space<vmem>> -> memref<1x16x128xf32, #tpu.memory_space<vmem>>
      %gather3A_2242 = tpu.memref_squeeze %gather3A_2241 : memref<1x16x128xf32, #tpu.memory_space<vmem>> -> memref<16x128xf32, #tpu.memory_space<vmem>>
      %gather3A_2243 = tpu.vector_load_idx %gather3A_2242[%iota3A, %broadcast_in_dim3A_2218] : memref<16x128xf32, #tpu.memory_space<vmem>>[vector<16xi32>, vector<16xi32>], vector<16xf32>,
      tpu.vector_store_idx %arg15[%iota3A, %broadcast_in_dim3A_2199], %gather3A_2243 : memref<16x512xf32, #tpu.memory_space<vmem>>[vector<16xi32>, vector<16xi32>], vector<16xf32>,
      %gather3A_2244 = arith.constant 5 : i32
      %gather3A_2245 = arith.constant 0 : i32
      %gather3A_2246 = arith.constant 0 : i32
      %gather3A_2247 = tpu.memref_slice %arg14[%gather3A_2244, %gather3A_2245, %gather3A_2246] : memref<16x16x128xf32, #tpu.memory_space<vmem>> -> memref<1x16x128xf32, #tpu.memory_space<vmem>>
      %gather3A_2248 = tpu.memref_squeeze %gather3A_2247 : memref<1x16x128xf32, #tpu.memory_space<vmem>> -> memref<16x128xf32, #tpu.memory_space<vmem>>
      %gather3A_2249 = tpu.vector_load_idx %gather3A_2248[%iota3A, %broadcast_in_dim3A_2237] : memref<16x128xf32, #tpu.memory_space<vmem>>[vector<16xi32>, vector<16xi32>], vector<16xf32>,
      tpu.vector_store_idx %arg16[%iota3A, %broadcast_in_dim3A_2199], %gather3A_2249 : memref<16x512xf32, #tpu.memory_space<vmem>>[vector<16xi32>, vector<16xi32>], vector<16xf32>,
      %mul3A_2250 = arith.constant 16 : i32
      %mul3A_2251 = arith.muli %scan3A_85, %mul3A_2250 : i32
      %add3A_2252 = arith.constant 6 : i32
      %add3A_2253 = arith.addi %mul3A_2251, %add3A_2252 : i32
      %broadcast_in_dim3A_2254 = vector.broadcast %add3A_2253 : i32 to vector<16xi32>
      %slice3A_2255 = vector.extract_strided_slice %get3A_119 {offsets = [6], sizes = [1], strides = [1]} : vector<16xi32> to vector<1xi32>
      %squeeze3A_2256 = vector.extract %slice3A_2255[0] : i32 from vector<1xi32>
      %jit3A_2257 = arith.constant 128 : i32
      %eq3A_2258 = arith.constant 0 : i32
      %eq3A_2259 = arith.cmpi eq, %jit3A_2257, %eq3A_2258 : i32
      %jit3A_2260 = arith.constant 1 : i32
      %select_n3A_2261 = arith.select %eq3A_2259, %jit3A_2260, %jit3A_2257 : i32
      %rem3A_2262 = arith.remsi %squeeze3A_2256, %select_n3A_2261 : i32
      %ne3A_2263 = arith.constant 0 : i32
      %ne3A_2264 = arith.cmpi ne, %rem3A_2262, %ne3A_2263 : i32
      %lt3A_2265 = arith.constant 0 : i32
      %lt3A_2266 = arith.cmpi slt, %rem3A_2262, %lt3A_2265 : i32
      %lt3A_2267 = arith.constant 0 : i32
      %lt3A_2268 = arith.cmpi slt, %select_n3A_2261, %lt3A_2267 : i32
      %ne3A_2269 = arith.xori %lt3A_2266, %lt3A_2268 : i1
      %and3A_2270 = arith.andi %ne3A_2269, %ne3A_2264 : i1
      %add3A_2271 = arith.addi %rem3A_2262, %select_n3A_2261 : i32
      %select_n3A_2272 = arith.select %and3A_2270, %add3A_2271, %rem3A_2262 : i32
      %broadcast_in_dim3A_2273 = vector.broadcast %select_n3A_2272 : i32 to vector<16xi32>
      %slice3A_2274 = vector.extract_strided_slice %get3A_164 {offsets = [6], sizes = [1], strides = [1]} : vector<16xi32> to vector<1xi32>
      %squeeze3A_2275 = vector.extract %slice3A_2274[0] : i32 from vector<1xi32>
      %jit3A_2276 = arith.constant 128 : i32
      %eq3A_2277 = arith.constant 0 : i32
      %eq3A_2278 = arith.cmpi eq, %jit3A_2276, %eq3A_2277 : i32
      %jit3A_2279 = arith.constant 1 : i32
      %select_n3A_2280 = arith.select %eq3A_2278, %jit3A_2279, %jit3A_2276 : i32
      %rem3A_2281 = arith.remsi %squeeze3A_2275, %select_n3A_2280 : i32
      %ne3A_2282 = arith.constant 0 : i32
      %ne3A_2283 = arith.cmpi ne, %rem3A_2281, %ne3A_2282 : i32
      %lt3A_2284 = arith.constant 0 : i32
      %lt3A_2285 = arith.cmpi slt, %rem3A_2281, %lt3A_2284 : i32
      %lt3A_2286 = arith.constant 0 : i32
      %lt3A_2287 = arith.cmpi slt, %select_n3A_2280, %lt3A_2286 : i32
      %ne3A_2288 = arith.xori %lt3A_2285, %lt3A_2287 : i1
      %and3A_2289 = arith.andi %ne3A_2288, %ne3A_2283 : i1
      %add3A_2290 = arith.addi %rem3A_2281, %select_n3A_2280 : i32
      %select_n3A_2291 = arith.select %and3A_2289, %add3A_2290, %rem3A_2281 : i32
      %broadcast_in_dim3A_2292 = vector.broadcast %select_n3A_2291 : i32 to vector<16xi32>
      %gather3A_2293 = arith.constant 6 : i32
      %gather3A_2294 = arith.constant 0 : i32
      %gather3A_2295 = arith.constant 0 : i32
      %gather3A_2296 = tpu.memref_slice %arg13[%gather3A_2293, %gather3A_2294, %gather3A_2295] : memref<16x16x128xf32, #tpu.memory_space<vmem>> -> memref<1x16x128xf32, #tpu.memory_space<vmem>>
      %gather3A_2297 = tpu.memref_squeeze %gather3A_2296 : memref<1x16x128xf32, #tpu.memory_space<vmem>> -> memref<16x128xf32, #tpu.memory_space<vmem>>
      %gather3A_2298 = tpu.vector_load_idx %gather3A_2297[%iota3A, %broadcast_in_dim3A_2273] : memref<16x128xf32, #tpu.memory_space<vmem>>[vector<16xi32>, vector<16xi32>], vector<16xf32>,
      tpu.vector_store_idx %arg15[%iota3A, %broadcast_in_dim3A_2254], %gather3A_2298 : memref<16x512xf32, #tpu.memory_space<vmem>>[vector<16xi32>, vector<16xi32>], vector<16xf32>,
      %gather3A_2299 = arith.constant 6 : i32
      %gather3A_2300 = arith.constant 0 : i32
      %gather3A_2301 = arith.constant 0 : i32
      %gather3A_2302 = tpu.memref_slice %arg14[%gather3A_2299, %gather3A_2300, %gather3A_2301] : memref<16x16x128xf32, #tpu.memory_space<vmem>> -> memref<1x16x128xf32, #tpu.memory_space<vmem>>
      %gather3A_2303 = tpu.memref_squeeze %gather3A_2302 : memref<1x16x128xf32, #tpu.memory_space<vmem>> -> memref<16x128xf32, #tpu.memory_space<vmem>>
      %gather3A_2304 = tpu.vector_load_idx %gather3A_2303[%iota3A, %broadcast_in_dim3A_2292] : memref<16x128xf32, #tpu.memory_space<vmem>>[vector<16xi32>, vector<16xi32>], vector<16xf32>,
      tpu.vector_store_idx %arg16[%iota3A, %broadcast_in_dim3A_2254], %gather3A_2304 : memref<16x512xf32, #tpu.memory_space<vmem>>[vector<16xi32>, vector<16xi32>], vector<16xf32>,
      %mul3A_2305 = arith.constant 16 : i32
      %mul3A_2306 = arith.muli %scan3A_85, %mul3A_2305 : i32
      %add3A_2307 = arith.constant 7 : i32
      %add3A_2308 = arith.addi %mul3A_2306, %add3A_2307 : i32
      %broadcast_in_dim3A_2309 = vector.broadcast %add3A_2308 : i32 to vector<16xi32>
      %slice3A_2310 = vector.extract_strided_slice %get3A_119 {offsets = [7], sizes = [1], strides = [1]} : vector<16xi32> to vector<1xi32>
      %squeeze3A_2311 = vector.extract %slice3A_2310[0] : i32 from vector<1xi32>
      %jit3A_2312 = arith.constant 128 : i32
      %eq3A_2313 = arith.constant 0 : i32
      %eq3A_2314 = arith.cmpi eq, %jit3A_2312, %eq3A_2313 : i32
      %jit3A_2315 = arith.constant 1 : i32
      %select_n3A_2316 = arith.select %eq3A_2314, %jit3A_2315, %jit3A_2312 : i32
      %rem3A_2317 = arith.remsi %squeeze3A_2311, %select_n3A_2316 : i32
      %ne3A_2318 = arith.constant 0 : i32
      %ne3A_2319 = arith.cmpi ne, %rem3A_2317, %ne3A_2318 : i32
      %lt3A_2320 = arith.constant 0 : i32
      %lt3A_2321 = arith.cmpi slt, %rem3A_2317, %lt3A_2320 : i32
      %lt3A_2322 = arith.constant 0 : i32
      %lt3A_2323 = arith.cmpi slt, %select_n3A_2316, %lt3A_2322 : i32
      %ne3A_2324 = arith.xori %lt3A_2321, %lt3A_2323 : i1
      %and3A_2325 = arith.andi %ne3A_2324, %ne3A_2319 : i1
      %add3A_2326 = arith.addi %rem3A_2317, %select_n3A_2316 : i32
      %select_n3A_2327 = arith.select %and3A_2325, %add3A_2326, %rem3A_2317 : i32
      %broadcast_in_dim3A_2328 = vector.broadcast %select_n3A_2327 : i32 to vector<16xi32>
      %slice3A_2329 = vector.extract_strided_slice %get3A_164 {offsets = [7], sizes = [1], strides = [1]} : vector<16xi32> to vector<1xi32>
      %squeeze3A_2330 = vector.extract %slice3A_2329[0] : i32 from vector<1xi32>
      %jit3A_2331 = arith.constant 128 : i32
      %eq3A_2332 = arith.constant 0 : i32
      %eq3A_2333 = arith.cmpi eq, %jit3A_2331, %eq3A_2332 : i32
      %jit3A_2334 = arith.constant 1 : i32
      %select_n3A_2335 = arith.select %eq3A_2333, %jit3A_2334, %jit3A_2331 : i32
      %rem3A_2336 = arith.remsi %squeeze3A_2330, %select_n3A_2335 : i32
      %ne3A_2337 = arith.constant 0 : i32
      %ne3A_2338 = arith.cmpi ne, %rem3A_2336, %ne3A_2337 : i32
      %lt3A_2339 = arith.constant 0 : i32
      %lt3A_2340 = arith.cmpi slt, %rem3A_2336, %lt3A_2339 : i32
      %lt3A_2341 = arith.constant 0 : i32
      %lt3A_2342 = arith.cmpi slt, %select_n3A_2335, %lt3A_2341 : i32
      %ne3A_2343 = arith.xori %lt3A_2340, %lt3A_2342 : i1
      %and3A_2344 = arith.andi %ne3A_2343, %ne3A_2338 : i1
      %add3A_2345 = arith.addi %rem3A_2336, %select_n3A_2335 : i32
      %select_n3A_2346 = arith.select %and3A_2344, %add3A_2345, %rem3A_2336 : i32
      %broadcast_in_dim3A_2347 = vector.broadcast %select_n3A_2346 : i32 to vector<16xi32>
      %gather3A_2348 = arith.constant 7 : i32
      %gather3A_2349 = arith.constant 0 : i32
      %gather3A_2350 = arith.constant 0 : i32
      %gather3A_2351 = tpu.memref_slice %arg13[%gather3A_2348, %gather3A_2349, %gather3A_2350] : memref<16x16x128xf32, #tpu.memory_space<vmem>> -> memref<1x16x128xf32, #tpu.memory_space<vmem>>
      %gather3A_2352 = tpu.memref_squeeze %gather3A_2351 : memref<1x16x128xf32, #tpu.memory_space<vmem>> -> memref<16x128xf32, #tpu.memory_space<vmem>>
      %gather3A_2353 = tpu.vector_load_idx %gather3A_2352[%iota3A, %broadcast_in_dim3A_2328] : memref<16x128xf32, #tpu.memory_space<vmem>>[vector<16xi32>, vector<16xi32>], vector<16xf32>,
      tpu.vector_store_idx %arg15[%iota3A, %broadcast_in_dim3A_2309], %gather3A_2353 : memref<16x512xf32, #tpu.memory_space<vmem>>[vector<16xi32>, vector<16xi32>], vector<16xf32>,
      %gather3A_2354 = arith.constant 7 : i32
      %gather3A_2355 = arith.constant 0 : i32
      %gather3A_2356 = arith.constant 0 : i32
      %gather3A_2357 = tpu.memref_slice %arg14[%gather3A_2354, %gather3A_2355, %gather3A_2356] : memref<16x16x128xf32, #tpu.memory_space<vmem>> -> memref<1x16x128xf32, #tpu.memory_space<vmem>>
      %gather3A_2358 = tpu.memref_squeeze %gather3A_2357 : memref<1x16x128xf32, #tpu.memory_space<vmem>> -> memref<16x128xf32, #tpu.memory_space<vmem>>
      %gather3A_2359 = tpu.vector_load_idx %gather3A_2358[%iota3A, %broadcast_in_dim3A_2347] : memref<16x128xf32, #tpu.memory_space<vmem>>[vector<16xi32>, vector<16xi32>], vector<16xf32>,
      tpu.vector_store_idx %arg16[%iota3A, %broadcast_in_dim3A_2309], %gather3A_2359 : memref<16x512xf32, #tpu.memory_space<vmem>>[vector<16xi32>, vector<16xi32>], vector<16xf32>,
      %mul3A_2360 = arith.constant 16 : i32
      %mul3A_2361 = arith.muli %scan3A_85, %mul3A_2360 : i32
      %add3A_2362 = arith.constant 8 : i32
      %add3A_2363 = arith.addi %mul3A_2361, %add3A_2362 : i32
      %broadcast_in_dim3A_2364 = vector.broadcast %add3A_2363 : i32 to vector<16xi32>
      %slice3A_2365 = vector.extract_strided_slice %get3A_119 {offsets = [8], sizes = [1], strides = [1]} : vector<16xi32> to vector<1xi32>
      %squeeze3A_2366 = vector.extract %slice3A_2365[0] : i32 from vector<1xi32>
      %jit3A_2367 = arith.constant 128 : i32
      %eq3A_2368 = arith.constant 0 : i32
      %eq3A_2369 = arith.cmpi eq, %jit3A_2367, %eq3A_2368 : i32
      %jit3A_2370 = arith.constant 1 : i32
      %select_n3A_2371 = arith.select %eq3A_2369, %jit3A_2370, %jit3A_2367 : i32
      %rem3A_2372 = arith.remsi %squeeze3A_2366, %select_n3A_2371 : i32
      %ne3A_2373 = arith.constant 0 : i32
      %ne3A_2374 = arith.cmpi ne, %rem3A_2372, %ne3A_2373 : i32
      %lt3A_2375 = arith.constant 0 : i32
      %lt3A_2376 = arith.cmpi slt, %rem3A_2372, %lt3A_2375 : i32
      %lt3A_2377 = arith.constant 0 : i32
      %lt3A_2378 = arith.cmpi slt, %select_n3A_2371, %lt3A_2377 : i32
      %ne3A_2379 = arith.xori %lt3A_2376, %lt3A_2378 : i1
      %and3A_2380 = arith.andi %ne3A_2379, %ne3A_2374 : i1
      %add3A_2381 = arith.addi %rem3A_2372, %select_n3A_2371 : i32
      %select_n3A_2382 = arith.select %and3A_2380, %add3A_2381, %rem3A_2372 : i32
      %broadcast_in_dim3A_2383 = vector.broadcast %select_n3A_2382 : i32 to vector<16xi32>
      %slice3A_2384 = vector.extract_strided_slice %get3A_164 {offsets = [8], sizes = [1], strides = [1]} : vector<16xi32> to vector<1xi32>
      %squeeze3A_2385 = vector.extract %slice3A_2384[0] : i32 from vector<1xi32>
      %jit3A_2386 = arith.constant 128 : i32
      %eq3A_2387 = arith.constant 0 : i32
      %eq3A_2388 = arith.cmpi eq, %jit3A_2386, %eq3A_2387 : i32
      %jit3A_2389 = arith.constant 1 : i32
      %select_n3A_2390 = arith.select %eq3A_2388, %jit3A_2389, %jit3A_2386 : i32
      %rem3A_2391 = arith.remsi %squeeze3A_2385, %select_n3A_2390 : i32
      %ne3A_2392 = arith.constant 0 : i32
      %ne3A_2393 = arith.cmpi ne, %rem3A_2391, %ne3A_2392 : i32
      %lt3A_2394 = arith.constant 0 : i32
      %lt3A_2395 = arith.cmpi slt, %rem3A_2391, %lt3A_2394 : i32
      %lt3A_2396 = arith.constant 0 : i32
      %lt3A_2397 = arith.cmpi slt, %select_n3A_2390, %lt3A_2396 : i32
      %ne3A_2398 = arith.xori %lt3A_2395, %lt3A_2397 : i1
      %and3A_2399 = arith.andi %ne3A_2398, %ne3A_2393 : i1
      %add3A_2400 = arith.addi %rem3A_2391, %select_n3A_2390 : i32
      %select_n3A_2401 = arith.select %and3A_2399, %add3A_2400, %rem3A_2391 : i32
      %broadcast_in_dim3A_2402 = vector.broadcast %select_n3A_2401 : i32 to vector<16xi32>
      %gather3A_2403 = arith.constant 8 : i32
      %gather3A_2404 = arith.constant 0 : i32
      %gather3A_2405 = arith.constant 0 : i32
      %gather3A_2406 = tpu.memref_slice %arg13[%gather3A_2403, %gather3A_2404, %gather3A_2405] : memref<16x16x128xf32, #tpu.memory_space<vmem>> -> memref<1x16x128xf32, #tpu.memory_space<vmem>>
      %gather3A_2407 = tpu.memref_squeeze %gather3A_2406 : memref<1x16x128xf32, #tpu.memory_space<vmem>> -> memref<16x128xf32, #tpu.memory_space<vmem>>
      %gather3A_2408 = tpu.vector_load_idx %gather3A_2407[%iota3A, %broadcast_in_dim3A_2383] : memref<16x128xf32, #tpu.memory_space<vmem>>[vector<16xi32>, vector<16xi32>], vector<16xf32>,
      tpu.vector_store_idx %arg15[%iota3A, %broadcast_in_dim3A_2364], %gather3A_2408 : memref<16x512xf32, #tpu.memory_space<vmem>>[vector<16xi32>, vector<16xi32>], vector<16xf32>,
      %gather3A_2409 = arith.constant 8 : i32
      %gather3A_2410 = arith.constant 0 : i32
      %gather3A_2411 = arith.constant 0 : i32
      %gather3A_2412 = tpu.memref_slice %arg14[%gather3A_2409, %gather3A_2410, %gather3A_2411] : memref<16x16x128xf32, #tpu.memory_space<vmem>> -> memref<1x16x128xf32, #tpu.memory_space<vmem>>
      %gather3A_2413 = tpu.memref_squeeze %gather3A_2412 : memref<1x16x128xf32, #tpu.memory_space<vmem>> -> memref<16x128xf32, #tpu.memory_space<vmem>>
      %gather3A_2414 = tpu.vector_load_idx %gather3A_2413[%iota3A, %broadcast_in_dim3A_2402] : memref<16x128xf32, #tpu.memory_space<vmem>>[vector<16xi32>, vector<16xi32>], vector<16xf32>,
      tpu.vector_store_idx %arg16[%iota3A, %broadcast_in_dim3A_2364], %gather3A_2414 : memref<16x512xf32, #tpu.memory_space<vmem>>[vector<16xi32>, vector<16xi32>], vector<16xf32>,
      %mul3A_2415 = arith.constant 16 : i32
      %mul3A_2416 = arith.muli %scan3A_85, %mul3A_2415 : i32
      %add3A_2417 = arith.constant 9 : i32
      %add3A_2418 = arith.addi %mul3A_2416, %add3A_2417 : i32
      %broadcast_in_dim3A_2419 = vector.broadcast %add3A_2418 : i32 to vector<16xi32>
      %slice3A_2420 = vector.extract_strided_slice %get3A_119 {offsets = [9], sizes = [1], strides = [1]} : vector<16xi32> to vector<1xi32>
      %squeeze3A_2421 = vector.extract %slice3A_2420[0] : i32 from vector<1xi32>
      %jit3A_2422 = arith.constant 128 : i32
      %eq3A_2423 = arith.constant 0 : i32
      %eq3A_2424 = arith.cmpi eq, %jit3A_2422, %eq3A_2423 : i32
      %jit3A_2425 = arith.constant 1 : i32
      %select_n3A_2426 = arith.select %eq3A_2424, %jit3A_2425, %jit3A_2422 : i32
      %rem3A_2427 = arith.remsi %squeeze3A_2421, %select_n3A_2426 : i32
      %ne3A_2428 = arith.constant 0 : i32
      %ne3A_2429 = arith.cmpi ne, %rem3A_2427, %ne3A_2428 : i32
      %lt3A_2430 = arith.constant 0 : i32
      %lt3A_2431 = arith.cmpi slt, %rem3A_2427, %lt3A_2430 : i32
      %lt3A_2432 = arith.constant 0 : i32
      %lt3A_2433 = arith.cmpi slt, %select_n3A_2426, %lt3A_2432 : i32
      %ne3A_2434 = arith.xori %lt3A_2431, %lt3A_2433 : i1
      %and3A_2435 = arith.andi %ne3A_2434, %ne3A_2429 : i1
      %add3A_2436 = arith.addi %rem3A_2427, %select_n3A_2426 : i32
      %select_n3A_2437 = arith.select %and3A_2435, %add3A_2436, %rem3A_2427 : i32
      %broadcast_in_dim3A_2438 = vector.broadcast %select_n3A_2437 : i32 to vector<16xi32>
      %slice3A_2439 = vector.extract_strided_slice %get3A_164 {offsets = [9], sizes = [1], strides = [1]} : vector<16xi32> to vector<1xi32>
      %squeeze3A_2440 = vector.extract %slice3A_2439[0] : i32 from vector<1xi32>
      %jit3A_2441 = arith.constant 128 : i32
      %eq3A_2442 = arith.constant 0 : i32
      %eq3A_2443 = arith.cmpi eq, %jit3A_2441, %eq3A_2442 : i32
      %jit3A_2444 = arith.constant 1 : i32
      %select_n3A_2445 = arith.select %eq3A_2443, %jit3A_2444, %jit3A_2441 : i32
      %rem3A_2446 = arith.remsi %squeeze3A_2440, %select_n3A_2445 : i32
      %ne3A_2447 = arith.constant 0 : i32
      %ne3A_2448 = arith.cmpi ne, %rem3A_2446, %ne3A_2447 : i32
      %lt3A_2449 = arith.constant 0 : i32
      %lt3A_2450 = arith.cmpi slt, %rem3A_2446, %lt3A_2449 : i32
      %lt3A_2451 = arith.constant 0 : i32
      %lt3A_2452 = arith.cmpi slt, %select_n3A_2445, %lt3A_2451 : i32
      %ne3A_2453 = arith.xori %lt3A_2450, %lt3A_2452 : i1
      %and3A_2454 = arith.andi %ne3A_2453, %ne3A_2448 : i1
      %add3A_2455 = arith.addi %rem3A_2446, %select_n3A_2445 : i32
      %select_n3A_2456 = arith.select %and3A_2454, %add3A_2455, %rem3A_2446 : i32
      %broadcast_in_dim3A_2457 = vector.broadcast %select_n3A_2456 : i32 to vector<16xi32>
      %gather3A_2458 = arith.constant 9 : i32
      %gather3A_2459 = arith.constant 0 : i32
      %gather3A_2460 = arith.constant 0 : i32
      %gather3A_2461 = tpu.memref_slice %arg13[%gather3A_2458, %gather3A_2459, %gather3A_2460] : memref<16x16x128xf32, #tpu.memory_space<vmem>> -> memref<1x16x128xf32, #tpu.memory_space<vmem>>
      %gather3A_2462 = tpu.memref_squeeze %gather3A_2461 : memref<1x16x128xf32, #tpu.memory_space<vmem>> -> memref<16x128xf32, #tpu.memory_space<vmem>>
      %gather3A_2463 = tpu.vector_load_idx %gather3A_2462[%iota3A, %broadcast_in_dim3A_2438] : memref<16x128xf32, #tpu.memory_space<vmem>>[vector<16xi32>, vector<16xi32>], vector<16xf32>,
      tpu.vector_store_idx %arg15[%iota3A, %broadcast_in_dim3A_2419], %gather3A_2463 : memref<16x512xf32, #tpu.memory_space<vmem>>[vector<16xi32>, vector<16xi32>], vector<16xf32>,
      %gather3A_2464 = arith.constant 9 : i32
      %gather3A_2465 = arith.constant 0 : i32
      %gather3A_2466 = arith.constant 0 : i32
      %gather3A_2467 = tpu.memref_slice %arg14[%gather3A_2464, %gather3A_2465, %gather3A_2466] : memref<16x16x128xf32, #tpu.memory_space<vmem>> -> memref<1x16x128xf32, #tpu.memory_space<vmem>>
      %gather3A_2468 = tpu.memref_squeeze %gather3A_2467 : memref<1x16x128xf32, #tpu.memory_space<vmem>> -> memref<16x128xf32, #tpu.memory_space<vmem>>
      %gather3A_2469 = tpu.vector_load_idx %gather3A_2468[%iota3A, %broadcast_in_dim3A_2457] : memref<16x128xf32, #tpu.memory_space<vmem>>[vector<16xi32>, vector<16xi32>], vector<16xf32>,
      tpu.vector_store_idx %arg16[%iota3A, %broadcast_in_dim3A_2419], %gather3A_2469 : memref<16x512xf32, #tpu.memory_space<vmem>>[vector<16xi32>, vector<16xi32>], vector<16xf32>,
      %mul3A_2470 = arith.constant 16 : i32
      %mul3A_2471 = arith.muli %scan3A_85, %mul3A_2470 : i32
      %add3A_2472 = arith.constant 10 : i32
      %add3A_2473 = arith.addi %mul3A_2471, %add3A_2472 : i32
      %broadcast_in_dim3A_2474 = vector.broadcast %add3A_2473 : i32 to vector<16xi32>
      %slice3A_2475 = vector.extract_strided_slice %get3A_119 {offsets = [10], sizes = [1], strides = [1]} : vector<16xi32> to vector<1xi32>
      %squeeze3A_2476 = vector.extract %slice3A_2475[0] : i32 from vector<1xi32>
      %jit3A_2477 = arith.constant 128 : i32
      %eq3A_2478 = arith.constant 0 : i32
      %eq3A_2479 = arith.cmpi eq, %jit3A_2477, %eq3A_2478 : i32
      %jit3A_2480 = arith.constant 1 : i32
      %select_n3A_2481 = arith.select %eq3A_2479, %jit3A_2480, %jit3A_2477 : i32
      %rem3A_2482 = arith.remsi %squeeze3A_2476, %select_n3A_2481 : i32
      %ne3A_2483 = arith.constant 0 : i32
      %ne3A_2484 = arith.cmpi ne, %rem3A_2482, %ne3A_2483 : i32
      %lt3A_2485 = arith.constant 0 : i32
      %lt3A_2486 = arith.cmpi slt, %rem3A_2482, %lt3A_2485 : i32
      %lt3A_2487 = arith.constant 0 : i32
      %lt3A_2488 = arith.cmpi slt, %select_n3A_2481, %lt3A_2487 : i32
      %ne3A_2489 = arith.xori %lt3A_2486, %lt3A_2488 : i1
      %and3A_2490 = arith.andi %ne3A_2489, %ne3A_2484 : i1
      %add3A_2491 = arith.addi %rem3A_2482, %select_n3A_2481 : i32
      %select_n3A_2492 = arith.select %and3A_2490, %add3A_2491, %rem3A_2482 : i32
      %broadcast_in_dim3A_2493 = vector.broadcast %select_n3A_2492 : i32 to vector<16xi32>
      %slice3A_2494 = vector.extract_strided_slice %get3A_164 {offsets = [10], sizes = [1], strides = [1]} : vector<16xi32> to vector<1xi32>
      %squeeze3A_2495 = vector.extract %slice3A_2494[0] : i32 from vector<1xi32>
      %jit3A_2496 = arith.constant 128 : i32
      %eq3A_2497 = arith.constant 0 : i32
      %eq3A_2498 = arith.cmpi eq, %jit3A_2496, %eq3A_2497 : i32
      %jit3A_2499 = arith.constant 1 : i32
      %select_n3A_2500 = arith.select %eq3A_2498, %jit3A_2499, %jit3A_2496 : i32
      %rem3A_2501 = arith.remsi %squeeze3A_2495, %select_n3A_2500 : i32
      %ne3A_2502 = arith.constant 0 : i32
      %ne3A_2503 = arith.cmpi ne, %rem3A_2501, %ne3A_2502 : i32
      %lt3A_2504 = arith.constant 0 : i32
      %lt3A_2505 = arith.cmpi slt, %rem3A_2501, %lt3A_2504 : i32
      %lt3A_2506 = arith.constant 0 : i32
      %lt3A_2507 = arith.cmpi slt, %select_n3A_2500, %lt3A_2506 : i32
      %ne3A_2508 = arith.xori %lt3A_2505, %lt3A_2507 : i1
      %and3A_2509 = arith.andi %ne3A_2508, %ne3A_2503 : i1
      %add3A_2510 = arith.addi %rem3A_2501, %select_n3A_2500 : i32
      %select_n3A_2511 = arith.select %and3A_2509, %add3A_2510, %rem3A_2501 : i32
      %broadcast_in_dim3A_2512 = vector.broadcast %select_n3A_2511 : i32 to vector<16xi32>
      %gather3A_2513 = arith.constant 10 : i32
      %gather3A_2514 = arith.constant 0 : i32
      %gather3A_2515 = arith.constant 0 : i32
      %gather3A_2516 = tpu.memref_slice %arg13[%gather3A_2513, %gather3A_2514, %gather3A_2515] : memref<16x16x128xf32, #tpu.memory_space<vmem>> -> memref<1x16x128xf32, #tpu.memory_space<vmem>>
      %gather3A_2517 = tpu.memref_squeeze %gather3A_2516 : memref<1x16x128xf32, #tpu.memory_space<vmem>> -> memref<16x128xf32, #tpu.memory_space<vmem>>
      %gather3A_2518 = tpu.vector_load_idx %gather3A_2517[%iota3A, %broadcast_in_dim3A_2493] : memref<16x128xf32, #tpu.memory_space<vmem>>[vector<16xi32>, vector<16xi32>], vector<16xf32>,
      tpu.vector_store_idx %arg15[%iota3A, %broadcast_in_dim3A_2474], %gather3A_2518 : memref<16x512xf32, #tpu.memory_space<vmem>>[vector<16xi32>, vector<16xi32>], vector<16xf32>,
      %gather3A_2519 = arith.constant 10 : i32
      %gather3A_2520 = arith.constant 0 : i32
      %gather3A_2521 = arith.constant 0 : i32
      %gather3A_2522 = tpu.memref_slice %arg14[%gather3A_2519, %gather3A_2520, %gather3A_2521] : memref<16x16x128xf32, #tpu.memory_space<vmem>> -> memref<1x16x128xf32, #tpu.memory_space<vmem>>
      %gather3A_2523 = tpu.memref_squeeze %gather3A_2522 : memref<1x16x128xf32, #tpu.memory_space<vmem>> -> memref<16x128xf32, #tpu.memory_space<vmem>>
      %gather3A_2524 = tpu.vector_load_idx %gather3A_2523[%iota3A, %broadcast_in_dim3A_2512] : memref<16x128xf32, #tpu.memory_space<vmem>>[vector<16xi32>, vector<16xi32>], vector<16xf32>,
      tpu.vector_store_idx %arg16[%iota3A, %broadcast_in_dim3A_2474], %gather3A_2524 : memref<16x512xf32, #tpu.memory_space<vmem>>[vector<16xi32>, vector<16xi32>], vector<16xf32>,
      %mul3A_2525 = arith.constant 16 : i32
      %mul3A_2526 = arith.muli %scan3A_85, %mul3A_2525 : i32
      %add3A_2527 = arith.constant 11 : i32
      %add3A_2528 = arith.addi %mul3A_2526, %add3A_2527 : i32
      %broadcast_in_dim3A_2529 = vector.broadcast %add3A_2528 : i32 to vector<16xi32>
      %slice3A_2530 = vector.extract_strided_slice %get3A_119 {offsets = [11], sizes = [1], strides = [1]} : vector<16xi32> to vector<1xi32>
      %squeeze3A_2531 = vector.extract %slice3A_2530[0] : i32 from vector<1xi32>
      %jit3A_2532 = arith.constant 128 : i32
      %eq3A_2533 = arith.constant 0 : i32
      %eq3A_2534 = arith.cmpi eq, %jit3A_2532, %eq3A_2533 : i32
      %jit3A_2535 = arith.constant 1 : i32
      %select_n3A_2536 = arith.select %eq3A_2534, %jit3A_2535, %jit3A_2532 : i32
      %rem3A_2537 = arith.remsi %squeeze3A_2531, %select_n3A_2536 : i32
      %ne3A_2538 = arith.constant 0 : i32
      %ne3A_2539 = arith.cmpi ne, %rem3A_2537, %ne3A_2538 : i32
      %lt3A_2540 = arith.constant 0 : i32
      %lt3A_2541 = arith.cmpi slt, %rem3A_2537, %lt3A_2540 : i32
      %lt3A_2542 = arith.constant 0 : i32
      %lt3A_2543 = arith.cmpi slt, %select_n3A_2536, %lt3A_2542 : i32
      %ne3A_2544 = arith.xori %lt3A_2541, %lt3A_2543 : i1
      %and3A_2545 = arith.andi %ne3A_2544, %ne3A_2539 : i1
      %add3A_2546 = arith.addi %rem3A_2537, %select_n3A_2536 : i32
      %select_n3A_2547 = arith.select %and3A_2545, %add3A_2546, %rem3A_2537 : i32
      %broadcast_in_dim3A_2548 = vector.broadcast %select_n3A_2547 : i32 to vector<16xi32>
      %slice3A_2549 = vector.extract_strided_slice %get3A_164 {offsets = [11], sizes = [1], strides = [1]} : vector<16xi32> to vector<1xi32>
      %squeeze3A_2550 = vector.extract %slice3A_2549[0] : i32 from vector<1xi32>
      %jit3A_2551 = arith.constant 128 : i32
      %eq3A_2552 = arith.constant 0 : i32
      %eq3A_2553 = arith.cmpi eq, %jit3A_2551, %eq3A_2552 : i32
      %jit3A_2554 = arith.constant 1 : i32
      %select_n3A_2555 = arith.select %eq3A_2553, %jit3A_2554, %jit3A_2551 : i32
      %rem3A_2556 = arith.remsi %squeeze3A_2550, %select_n3A_2555 : i32
      %ne3A_2557 = arith.constant 0 : i32
      %ne3A_2558 = arith.cmpi ne, %rem3A_2556, %ne3A_2557 : i32
      %lt3A_2559 = arith.constant 0 : i32
      %lt3A_2560 = arith.cmpi slt, %rem3A_2556, %lt3A_2559 : i32
      %lt3A_2561 = arith.constant 0 : i32
      %lt3A_2562 = arith.cmpi slt, %select_n3A_2555, %lt3A_2561 : i32
      %ne3A_2563 = arith.xori %lt3A_2560, %lt3A_2562 : i1
      %and3A_2564 = arith.andi %ne3A_2563, %ne3A_2558 : i1
      %add3A_2565 = arith.addi %rem3A_2556, %select_n3A_2555 : i32
      %select_n3A_2566 = arith.select %and3A_2564, %add3A_2565, %rem3A_2556 : i32
      %broadcast_in_dim3A_2567 = vector.broadcast %select_n3A_2566 : i32 to vector<16xi32>
      %gather3A_2568 = arith.constant 11 : i32
      %gather3A_2569 = arith.constant 0 : i32
      %gather3A_2570 = arith.constant 0 : i32
      %gather3A_2571 = tpu.memref_slice %arg13[%gather3A_2568, %gather3A_2569, %gather3A_2570] : memref<16x16x128xf32, #tpu.memory_space<vmem>> -> memref<1x16x128xf32, #tpu.memory_space<vmem>>
      %gather3A_2572 = tpu.memref_squeeze %gather3A_2571 : memref<1x16x128xf32, #tpu.memory_space<vmem>> -> memref<16x128xf32, #tpu.memory_space<vmem>>
      %gather3A_2573 = tpu.vector_load_idx %gather3A_2572[%iota3A, %broadcast_in_dim3A_2548] : memref<16x128xf32, #tpu.memory_space<vmem>>[vector<16xi32>, vector<16xi32>], vector<16xf32>,
      tpu.vector_store_idx %arg15[%iota3A, %broadcast_in_dim3A_2529], %gather3A_2573 : memref<16x512xf32, #tpu.memory_space<vmem>>[vector<16xi32>, vector<16xi32>], vector<16xf32>,
      %gather3A_2574 = arith.constant 11 : i32
      %gather3A_2575 = arith.constant 0 : i32
      %gather3A_2576 = arith.constant 0 : i32
      %gather3A_2577 = tpu.memref_slice %arg14[%gather3A_2574, %gather3A_2575, %gather3A_2576] : memref<16x16x128xf32, #tpu.memory_space<vmem>> -> memref<1x16x128xf32, #tpu.memory_space<vmem>>
      %gather3A_2578 = tpu.memref_squeeze %gather3A_2577 : memref<1x16x128xf32, #tpu.memory_space<vmem>> -> memref<16x128xf32, #tpu.memory_space<vmem>>
      %gather3A_2579 = tpu.vector_load_idx %gather3A_2578[%iota3A, %broadcast_in_dim3A_2567] : memref<16x128xf32, #tpu.memory_space<vmem>>[vector<16xi32>, vector<16xi32>], vector<16xf32>,
      tpu.vector_store_idx %arg16[%iota3A, %broadcast_in_dim3A_2529], %gather3A_2579 : memref<16x512xf32, #tpu.memory_space<vmem>>[vector<16xi32>, vector<16xi32>], vector<16xf32>,
      %mul3A_2580 = arith.constant 16 : i32
      %mul3A_2581 = arith.muli %scan3A_85, %mul3A_2580 : i32
      %add3A_2582 = arith.constant 12 : i32
      %add3A_2583 = arith.addi %mul3A_2581, %add3A_2582 : i32
      %broadcast_in_dim3A_2584 = vector.broadcast %add3A_2583 : i32 to vector<16xi32>
      %slice3A_2585 = vector.extract_strided_slice %get3A_119 {offsets = [12], sizes = [1], strides = [1]} : vector<16xi32> to vector<1xi32>
      %squeeze3A_2586 = vector.extract %slice3A_2585[0] : i32 from vector<1xi32>
      %jit3A_2587 = arith.constant 128 : i32
      %eq3A_2588 = arith.constant 0 : i32
      %eq3A_2589 = arith.cmpi eq, %jit3A_2587, %eq3A_2588 : i32
      %jit3A_2590 = arith.constant 1 : i32
      %select_n3A_2591 = arith.select %eq3A_2589, %jit3A_2590, %jit3A_2587 : i32
      %rem3A_2592 = arith.remsi %squeeze3A_2586, %select_n3A_2591 : i32
      %ne3A_2593 = arith.constant 0 : i32
      %ne3A_2594 = arith.cmpi ne, %rem3A_2592, %ne3A_2593 : i32
      %lt3A_2595 = arith.constant 0 : i32
      %lt3A_2596 = arith.cmpi slt, %rem3A_2592, %lt3A_2595 : i32
      %lt3A_2597 = arith.constant 0 : i32
      %lt3A_2598 = arith.cmpi slt, %select_n3A_2591, %lt3A_2597 : i32
      %ne3A_2599 = arith.xori %lt3A_2596, %lt3A_2598 : i1
      %and3A_2600 = arith.andi %ne3A_2599, %ne3A_2594 : i1
      %add3A_2601 = arith.addi %rem3A_2592, %select_n3A_2591 : i32
      %select_n3A_2602 = arith.select %and3A_2600, %add3A_2601, %rem3A_2592 : i32
      %broadcast_in_dim3A_2603 = vector.broadcast %select_n3A_2602 : i32 to vector<16xi32>
      %slice3A_2604 = vector.extract_strided_slice %get3A_164 {offsets = [12], sizes = [1], strides = [1]} : vector<16xi32> to vector<1xi32>
      %squeeze3A_2605 = vector.extract %slice3A_2604[0] : i32 from vector<1xi32>
      %jit3A_2606 = arith.constant 128 : i32
      %eq3A_2607 = arith.constant 0 : i32
      %eq3A_2608 = arith.cmpi eq, %jit3A_2606, %eq3A_2607 : i32
      %jit3A_2609 = arith.constant 1 : i32
      %select_n3A_2610 = arith.select %eq3A_2608, %jit3A_2609, %jit3A_2606 : i32
      %rem3A_2611 = arith.remsi %squeeze3A_2605, %select_n3A_2610 : i32
      %ne3A_2612 = arith.constant 0 : i32
      %ne3A_2613 = arith.cmpi ne, %rem3A_2611, %ne3A_2612 : i32
      %lt3A_2614 = arith.constant 0 : i32
      %lt3A_2615 = arith.cmpi slt, %rem3A_2611, %lt3A_2614 : i32
      %lt3A_2616 = arith.constant 0 : i32
      %lt3A_2617 = arith.cmpi slt, %select_n3A_2610, %lt3A_2616 : i32
      %ne3A_2618 = arith.xori %lt3A_2615, %lt3A_2617 : i1
      %and3A_2619 = arith.andi %ne3A_2618, %ne3A_2613 : i1
      %add3A_2620 = arith.addi %rem3A_2611, %select_n3A_2610 : i32
      %select_n3A_2621 = arith.select %and3A_2619, %add3A_2620, %rem3A_2611 : i32
      %broadcast_in_dim3A_2622 = vector.broadcast %select_n3A_2621 : i32 to vector<16xi32>
      %gather3A_2623 = arith.constant 12 : i32
      %gather3A_2624 = arith.constant 0 : i32
      %gather3A_2625 = arith.constant 0 : i32
      %gather3A_2626 = tpu.memref_slice %arg13[%gather3A_2623, %gather3A_2624, %gather3A_2625] : memref<16x16x128xf32, #tpu.memory_space<vmem>> -> memref<1x16x128xf32, #tpu.memory_space<vmem>>
      %gather3A_2627 = tpu.memref_squeeze %gather3A_2626 : memref<1x16x128xf32, #tpu.memory_space<vmem>> -> memref<16x128xf32, #tpu.memory_space<vmem>>
      %gather3A_2628 = tpu.vector_load_idx %gather3A_2627[%iota3A, %broadcast_in_dim3A_2603] : memref<16x128xf32, #tpu.memory_space<vmem>>[vector<16xi32>, vector<16xi32>], vector<16xf32>,
      tpu.vector_store_idx %arg15[%iota3A, %broadcast_in_dim3A_2584], %gather3A_2628 : memref<16x512xf32, #tpu.memory_space<vmem>>[vector<16xi32>, vector<16xi32>], vector<16xf32>,
      %gather3A_2629 = arith.constant 12 : i32
      %gather3A_2630 = arith.constant 0 : i32
      %gather3A_2631 = arith.constant 0 : i32
      %gather3A_2632 = tpu.memref_slice %arg14[%gather3A_2629, %gather3A_2630, %gather3A_2631] : memref<16x16x128xf32, #tpu.memory_space<vmem>> -> memref<1x16x128xf32, #tpu.memory_space<vmem>>
      %gather3A_2633 = tpu.memref_squeeze %gather3A_2632 : memref<1x16x128xf32, #tpu.memory_space<vmem>> -> memref<16x128xf32, #tpu.memory_space<vmem>>
      %gather3A_2634 = tpu.vector_load_idx %gather3A_2633[%iota3A, %broadcast_in_dim3A_2622] : memref<16x128xf32, #tpu.memory_space<vmem>>[vector<16xi32>, vector<16xi32>], vector<16xf32>,
      tpu.vector_store_idx %arg16[%iota3A, %broadcast_in_dim3A_2584], %gather3A_2634 : memref<16x512xf32, #tpu.memory_space<vmem>>[vector<16xi32>, vector<16xi32>], vector<16xf32>,
      %mul3A_2635 = arith.constant 16 : i32
      %mul3A_2636 = arith.muli %scan3A_85, %mul3A_2635 : i32
      %add3A_2637 = arith.constant 13 : i32
      %add3A_2638 = arith.addi %mul3A_2636, %add3A_2637 : i32
      %broadcast_in_dim3A_2639 = vector.broadcast %add3A_2638 : i32 to vector<16xi32>
      %slice3A_2640 = vector.extract_strided_slice %get3A_119 {offsets = [13], sizes = [1], strides = [1]} : vector<16xi32> to vector<1xi32>
      %squeeze3A_2641 = vector.extract %slice3A_2640[0] : i32 from vector<1xi32>
      %jit3A_2642 = arith.constant 128 : i32
      %eq3A_2643 = arith.constant 0 : i32
      %eq3A_2644 = arith.cmpi eq, %jit3A_2642, %eq3A_2643 : i32
      %jit3A_2645 = arith.constant 1 : i32
      %select_n3A_2646 = arith.select %eq3A_2644, %jit3A_2645, %jit3A_2642 : i32
      %rem3A_2647 = arith.remsi %squeeze3A_2641, %select_n3A_2646 : i32
      %ne3A_2648 = arith.constant 0 : i32
      %ne3A_2649 = arith.cmpi ne, %rem3A_2647, %ne3A_2648 : i32
      %lt3A_2650 = arith.constant 0 : i32
      %lt3A_2651 = arith.cmpi slt, %rem3A_2647, %lt3A_2650 : i32
      %lt3A_2652 = arith.constant 0 : i32
      %lt3A_2653 = arith.cmpi slt, %select_n3A_2646, %lt3A_2652 : i32
      %ne3A_2654 = arith.xori %lt3A_2651, %lt3A_2653 : i1
      %and3A_2655 = arith.andi %ne3A_2654, %ne3A_2649 : i1
      %add3A_2656 = arith.addi %rem3A_2647, %select_n3A_2646 : i32
      %select_n3A_2657 = arith.select %and3A_2655, %add3A_2656, %rem3A_2647 : i32
      %broadcast_in_dim3A_2658 = vector.broadcast %select_n3A_2657 : i32 to vector<16xi32>
      %slice3A_2659 = vector.extract_strided_slice %get3A_164 {offsets = [13], sizes = [1], strides = [1]} : vector<16xi32> to vector<1xi32>
      %squeeze3A_2660 = vector.extract %slice3A_2659[0] : i32 from vector<1xi32>
      %jit3A_2661 = arith.constant 128 : i32
      %eq3A_2662 = arith.constant 0 : i32
      %eq3A_2663 = arith.cmpi eq, %jit3A_2661, %eq3A_2662 : i32
      %jit3A_2664 = arith.constant 1 : i32
      %select_n3A_2665 = arith.select %eq3A_2663, %jit3A_2664, %jit3A_2661 : i32
      %rem3A_2666 = arith.remsi %squeeze3A_2660, %select_n3A_2665 : i32
      %ne3A_2667 = arith.constant 0 : i32
      %ne3A_2668 = arith.cmpi ne, %rem3A_2666, %ne3A_2667 : i32
      %lt3A_2669 = arith.constant 0 : i32
      %lt3A_2670 = arith.cmpi slt, %rem3A_2666, %lt3A_2669 : i32
      %lt3A_2671 = arith.constant 0 : i32
      %lt3A_2672 = arith.cmpi slt, %select_n3A_2665, %lt3A_2671 : i32
      %ne3A_2673 = arith.xori %lt3A_2670, %lt3A_2672 : i1
      %and3A_2674 = arith.andi %ne3A_2673, %ne3A_2668 : i1
      %add3A_2675 = arith.addi %rem3A_2666, %select_n3A_2665 : i32
      %select_n3A_2676 = arith.select %and3A_2674, %add3A_2675, %rem3A_2666 : i32
      %broadcast_in_dim3A_2677 = vector.broadcast %select_n3A_2676 : i32 to vector<16xi32>
      %gather3A_2678 = arith.constant 13 : i32
      %gather3A_2679 = arith.constant 0 : i32
      %gather3A_2680 = arith.constant 0 : i32
      %gather3A_2681 = tpu.memref_slice %arg13[%gather3A_2678, %gather3A_2679, %gather3A_2680] : memref<16x16x128xf32, #tpu.memory_space<vmem>> -> memref<1x16x128xf32, #tpu.memory_space<vmem>>
      %gather3A_2682 = tpu.memref_squeeze %gather3A_2681 : memref<1x16x128xf32, #tpu.memory_space<vmem>> -> memref<16x128xf32, #tpu.memory_space<vmem>>
      %gather3A_2683 = tpu.vector_load_idx %gather3A_2682[%iota3A, %broadcast_in_dim3A_2658] : memref<16x128xf32, #tpu.memory_space<vmem>>[vector<16xi32>, vector<16xi32>], vector<16xf32>,
      tpu.vector_store_idx %arg15[%iota3A, %broadcast_in_dim3A_2639], %gather3A_2683 : memref<16x512xf32, #tpu.memory_space<vmem>>[vector<16xi32>, vector<16xi32>], vector<16xf32>,
      %gather3A_2684 = arith.constant 13 : i32
      %gather3A_2685 = arith.constant 0 : i32
      %gather3A_2686 = arith.constant 0 : i32
      %gather3A_2687 = tpu.memref_slice %arg14[%gather3A_2684, %gather3A_2685, %gather3A_2686] : memref<16x16x128xf32, #tpu.memory_space<vmem>> -> memref<1x16x128xf32, #tpu.memory_space<vmem>>
      %gather3A_2688 = tpu.memref_squeeze %gather3A_2687 : memref<1x16x128xf32, #tpu.memory_space<vmem>> -> memref<16x128xf32, #tpu.memory_space<vmem>>
      %gather3A_2689 = tpu.vector_load_idx %gather3A_2688[%iota3A, %broadcast_in_dim3A_2677] : memref<16x128xf32, #tpu.memory_space<vmem>>[vector<16xi32>, vector<16xi32>], vector<16xf32>,
      tpu.vector_store_idx %arg16[%iota3A, %broadcast_in_dim3A_2639], %gather3A_2689 : memref<16x512xf32, #tpu.memory_space<vmem>>[vector<16xi32>, vector<16xi32>], vector<16xf32>,
      %mul3A_2690 = arith.constant 16 : i32
      %mul3A_2691 = arith.muli %scan3A_85, %mul3A_2690 : i32
      %add3A_2692 = arith.constant 14 : i32
      %add3A_2693 = arith.addi %mul3A_2691, %add3A_2692 : i32
      %broadcast_in_dim3A_2694 = vector.broadcast %add3A_2693 : i32 to vector<16xi32>
      %slice3A_2695 = vector.extract_strided_slice %get3A_119 {offsets = [14], sizes = [1], strides = [1]} : vector<16xi32> to vector<1xi32>
      %squeeze3A_2696 = vector.extract %slice3A_2695[0] : i32 from vector<1xi32>
      %jit3A_2697 = arith.constant 128 : i32
      %eq3A_2698 = arith.constant 0 : i32
      %eq3A_2699 = arith.cmpi eq, %jit3A_2697, %eq3A_2698 : i32
      %jit3A_2700 = arith.constant 1 : i32
      %select_n3A_2701 = arith.select %eq3A_2699, %jit3A_2700, %jit3A_2697 : i32
      %rem3A_2702 = arith.remsi %squeeze3A_2696, %select_n3A_2701 : i32
      %ne3A_2703 = arith.constant 0 : i32
      %ne3A_2704 = arith.cmpi ne, %rem3A_2702, %ne3A_2703 : i32
      %lt3A_2705 = arith.constant 0 : i32
      %lt3A_2706 = arith.cmpi slt, %rem3A_2702, %lt3A_2705 : i32
      %lt3A_2707 = arith.constant 0 : i32
      %lt3A_2708 = arith.cmpi slt, %select_n3A_2701, %lt3A_2707 : i32
      %ne3A_2709 = arith.xori %lt3A_2706, %lt3A_2708 : i1
      %and3A_2710 = arith.andi %ne3A_2709, %ne3A_2704 : i1
      %add3A_2711 = arith.addi %rem3A_2702, %select_n3A_2701 : i32
      %select_n3A_2712 = arith.select %and3A_2710, %add3A_2711, %rem3A_2702 : i32
      %broadcast_in_dim3A_2713 = vector.broadcast %select_n3A_2712 : i32 to vector<16xi32>
      %slice3A_2714 = vector.extract_strided_slice %get3A_164 {offsets = [14], sizes = [1], strides = [1]} : vector<16xi32> to vector<1xi32>
      %squeeze3A_2715 = vector.extract %slice3A_2714[0] : i32 from vector<1xi32>
      %jit3A_2716 = arith.constant 128 : i32
      %eq3A_2717 = arith.constant 0 : i32
      %eq3A_2718 = arith.cmpi eq, %jit3A_2716, %eq3A_2717 : i32
      %jit3A_2719 = arith.constant 1 : i32
      %select_n3A_2720 = arith.select %eq3A_2718, %jit3A_2719, %jit3A_2716 : i32
      %rem3A_2721 = arith.remsi %squeeze3A_2715, %select_n3A_2720 : i32
      %ne3A_2722 = arith.constant 0 : i32
      %ne3A_2723 = arith.cmpi ne, %rem3A_2721, %ne3A_2722 : i32
      %lt3A_2724 = arith.constant 0 : i32
      %lt3A_2725 = arith.cmpi slt, %rem3A_2721, %lt3A_2724 : i32
      %lt3A_2726 = arith.constant 0 : i32
      %lt3A_2727 = arith.cmpi slt, %select_n3A_2720, %lt3A_2726 : i32
      %ne3A_2728 = arith.xori %lt3A_2725, %lt3A_2727 : i1
      %and3A_2729 = arith.andi %ne3A_2728, %ne3A_2723 : i1
      %add3A_2730 = arith.addi %rem3A_2721, %select_n3A_2720 : i32
      %select_n3A_2731 = arith.select %and3A_2729, %add3A_2730, %rem3A_2721 : i32
      %broadcast_in_dim3A_2732 = vector.broadcast %select_n3A_2731 : i32 to vector<16xi32>
      %gather3A_2733 = arith.constant 14 : i32
      %gather3A_2734 = arith.constant 0 : i32
      %gather3A_2735 = arith.constant 0 : i32
      %gather3A_2736 = tpu.memref_slice %arg13[%gather3A_2733, %gather3A_2734, %gather3A_2735] : memref<16x16x128xf32, #tpu.memory_space<vmem>> -> memref<1x16x128xf32, #tpu.memory_space<vmem>>
      %gather3A_2737 = tpu.memref_squeeze %gather3A_2736 : memref<1x16x128xf32, #tpu.memory_space<vmem>> -> memref<16x128xf32, #tpu.memory_space<vmem>>
      %gather3A_2738 = tpu.vector_load_idx %gather3A_2737[%iota3A, %broadcast_in_dim3A_2713] : memref<16x128xf32, #tpu.memory_space<vmem>>[vector<16xi32>, vector<16xi32>], vector<16xf32>,
      tpu.vector_store_idx %arg15[%iota3A, %broadcast_in_dim3A_2694], %gather3A_2738 : memref<16x512xf32, #tpu.memory_space<vmem>>[vector<16xi32>, vector<16xi32>], vector<16xf32>,
      %gather3A_2739 = arith.constant 14 : i32
      %gather3A_2740 = arith.constant 0 : i32
      %gather3A_2741 = arith.constant 0 : i32
      %gather3A_2742 = tpu.memref_slice %arg14[%gather3A_2739, %gather3A_2740, %gather3A_2741] : memref<16x16x128xf32, #tpu.memory_space<vmem>> -> memref<1x16x128xf32, #tpu.memory_space<vmem>>
      %gather3A_2743 = tpu.memref_squeeze %gather3A_2742 : memref<1x16x128xf32, #tpu.memory_space<vmem>> -> memref<16x128xf32, #tpu.memory_space<vmem>>
      %gather3A_2744 = tpu.vector_load_idx %gather3A_2743[%iota3A, %broadcast_in_dim3A_2732] : memref<16x128xf32, #tpu.memory_space<vmem>>[vector<16xi32>, vector<16xi32>], vector<16xf32>,
      tpu.vector_store_idx %arg16[%iota3A, %broadcast_in_dim3A_2694], %gather3A_2744 : memref<16x512xf32, #tpu.memory_space<vmem>>[vector<16xi32>, vector<16xi32>], vector<16xf32>,
      %mul3A_2745 = arith.constant 16 : i32
      %mul3A_2746 = arith.muli %scan3A_85, %mul3A_2745 : i32
      %add3A_2747 = arith.constant 15 : i32
      %add3A_2748 = arith.addi %mul3A_2746, %add3A_2747 : i32
      %broadcast_in_dim3A_2749 = vector.broadcast %add3A_2748 : i32 to vector<16xi32>
      %slice3A_2750 = vector.extract_strided_slice %get3A_119 {offsets = [15], sizes = [1], strides = [1]} : vector<16xi32> to vector<1xi32>
      %squeeze3A_2751 = vector.extract %slice3A_2750[0] : i32 from vector<1xi32>
      %jit3A_2752 = arith.constant 128 : i32
      %eq3A_2753 = arith.constant 0 : i32
      %eq3A_2754 = arith.cmpi eq, %jit3A_2752, %eq3A_2753 : i32
      %jit3A_2755 = arith.constant 1 : i32
      %select_n3A_2756 = arith.select %eq3A_2754, %jit3A_2755, %jit3A_2752 : i32
      %rem3A_2757 = arith.remsi %squeeze3A_2751, %select_n3A_2756 : i32
      %ne3A_2758 = arith.constant 0 : i32
      %ne3A_2759 = arith.cmpi ne, %rem3A_2757, %ne3A_2758 : i32
      %lt3A_2760 = arith.constant 0 : i32
      %lt3A_2761 = arith.cmpi slt, %rem3A_2757, %lt3A_2760 : i32
      %lt3A_2762 = arith.constant 0 : i32
      %lt3A_2763 = arith.cmpi slt, %select_n3A_2756, %lt3A_2762 : i32
      %ne3A_2764 = arith.xori %lt3A_2761, %lt3A_2763 : i1
      %and3A_2765 = arith.andi %ne3A_2764, %ne3A_2759 : i1
      %add3A_2766 = arith.addi %rem3A_2757, %select_n3A_2756 : i32
      %select_n3A_2767 = arith.select %and3A_2765, %add3A_2766, %rem3A_2757 : i32
      %broadcast_in_dim3A_2768 = vector.broadcast %select_n3A_2767 : i32 to vector<16xi32>
      %slice3A_2769 = vector.extract_strided_slice %get3A_164 {offsets = [15], sizes = [1], strides = [1]} : vector<16xi32> to vector<1xi32>
      %squeeze3A_2770 = vector.extract %slice3A_2769[0] : i32 from vector<1xi32>
      %jit3A_2771 = arith.constant 128 : i32
      %eq3A_2772 = arith.constant 0 : i32
      %eq3A_2773 = arith.cmpi eq, %jit3A_2771, %eq3A_2772 : i32
      %jit3A_2774 = arith.constant 1 : i32
      %select_n3A_2775 = arith.select %eq3A_2773, %jit3A_2774, %jit3A_2771 : i32
      %rem3A_2776 = arith.remsi %squeeze3A_2770, %select_n3A_2775 : i32
      %ne3A_2777 = arith.constant 0 : i32
      %ne3A_2778 = arith.cmpi ne, %rem3A_2776, %ne3A_2777 : i32
      %lt3A_2779 = arith.constant 0 : i32
      %lt3A_2780 = arith.cmpi slt, %rem3A_2776, %lt3A_2779 : i32
      %lt3A_2781 = arith.constant 0 : i32
      %lt3A_2782 = arith.cmpi slt, %select_n3A_2775, %lt3A_2781 : i32
      %ne3A_2783 = arith.xori %lt3A_2780, %lt3A_2782 : i1
      %and3A_2784 = arith.andi %ne3A_2783, %ne3A_2778 : i1
      %add3A_2785 = arith.addi %rem3A_2776, %select_n3A_2775 : i32
      %select_n3A_2786 = arith.select %and3A_2784, %add3A_2785, %rem3A_2776 : i32
      %broadcast_in_dim3A_2787 = vector.broadcast %select_n3A_2786 : i32 to vector<16xi32>
      %gather3A_2788 = arith.constant 15 : i32
      %gather3A_2789 = arith.constant 0 : i32
      %gather3A_2790 = arith.constant 0 : i32
      %gather3A_2791 = tpu.memref_slice %arg13[%gather3A_2788, %gather3A_2789, %gather3A_2790] : memref<16x16x128xf32, #tpu.memory_space<vmem>> -> memref<1x16x128xf32, #tpu.memory_space<vmem>>
      %gather3A_2792 = tpu.memref_squeeze %gather3A_2791 : memref<1x16x128xf32, #tpu.memory_space<vmem>> -> memref<16x128xf32, #tpu.memory_space<vmem>>
      %gather3A_2793 = tpu.vector_load_idx %gather3A_2792[%iota3A, %broadcast_in_dim3A_2768] : memref<16x128xf32, #tpu.memory_space<vmem>>[vector<16xi32>, vector<16xi32>], vector<16xf32>,
      tpu.vector_store_idx %arg15[%iota3A, %broadcast_in_dim3A_2749], %gather3A_2793 : memref<16x512xf32, #tpu.memory_space<vmem>>[vector<16xi32>, vector<16xi32>], vector<16xf32>,
      %gather3A_2794 = arith.constant 15 : i32
      %gather3A_2795 = arith.constant 0 : i32
      %gather3A_2796 = arith.constant 0 : i32
      %gather3A_2797 = tpu.memref_slice %arg14[%gather3A_2794, %gather3A_2795, %gather3A_2796] : memref<16x16x128xf32, #tpu.memory_space<vmem>> -> memref<1x16x128xf32, #tpu.memory_space<vmem>>
      %gather3A_2798 = tpu.memref_squeeze %gather3A_2797 : memref<1x16x128xf32, #tpu.memory_space<vmem>> -> memref<16x128xf32, #tpu.memory_space<vmem>>
      %gather3A_2799 = tpu.vector_load_idx %gather3A_2798[%iota3A, %broadcast_in_dim3A_2787] : memref<16x128xf32, #tpu.memory_space<vmem>>[vector<16xi32>, vector<16xi32>], vector<16xf32>,
      tpu.vector_store_idx %arg16[%iota3A, %broadcast_in_dim3A_2749], %gather3A_2799 : memref<16x512xf32, #tpu.memory_space<vmem>>[vector<16xi32>, vector<16xi32>], vector<16xf32>,
      %mul3A_2800 = arith.constant 16 : i32
      %mul3A_2801 = arith.muli %scan3A_85, %mul3A_2800 : i32
      %get3A_2802 = arith.index_cast %mul3A_2801 : i32 to index
      %get3A_2803 = tpu.vector_load %arg17[%get3A_2802] {strides = array<i32>} : memref<512xf32, #tpu.memory_space<vmem>>, vector<16xf32>,
      %get3A_2804 = arith.constant 0 : i32
      %get3A_2805 = arith.index_cast %get3A_2804 : i32 to index
      %get3A_2806 = arith.index_cast %mul3A_2801 : i32 to index
      %get3A_2807 = tpu.vector_load %arg15[%get3A_2805, %get3A_2806] {strides = array<i32>} : memref<16x512xf32, #tpu.memory_space<vmem>>, vector<16xf32>,
      %get3A_2808 = arith.constant 0 : i32
      %get3A_2809 = arith.index_cast %get3A_2808 : i32 to index
      %get3A_2810 = arith.index_cast %mul3A_2801 : i32 to index
      %get3A_2811 = tpu.vector_load %arg16[%get3A_2809, %get3A_2810] {strides = array<i32>} : memref<16x512xf32, #tpu.memory_space<vmem>>, vector<16xf32>,
      %mul3A_2812 = arith.mulf %get3A_2807, %get3A_2811 : vector<16xf32>
      %add3A_2813 = arith.addf %get3A_2803, %mul3A_2812 : vector<16xf32>
      %get3A_2814 = arith.constant 1 : i32
      %get3A_2815 = arith.index_cast %get3A_2814 : i32 to index
      %get3A_2816 = arith.index_cast %mul3A_2801 : i32 to index
      %get3A_2817 = tpu.vector_load %arg15[%get3A_2815, %get3A_2816] {strides = array<i32>} : memref<16x512xf32, #tpu.memory_space<vmem>>, vector<16xf32>,
      %get3A_2818 = arith.constant 1 : i32
      %get3A_2819 = arith.index_cast %get3A_2818 : i32 to index
      %get3A_2820 = arith.index_cast %mul3A_2801 : i32 to index
      %get3A_2821 = tpu.vector_load %arg16[%get3A_2819, %get3A_2820] {strides = array<i32>} : memref<16x512xf32, #tpu.memory_space<vmem>>, vector<16xf32>,
      %mul3A_2822 = arith.mulf %get3A_2817, %get3A_2821 : vector<16xf32>
      %add3A_2823 = arith.addf %add3A_2813, %mul3A_2822 : vector<16xf32>
      %get3A_2824 = arith.constant 2 : i32
      %get3A_2825 = arith.index_cast %get3A_2824 : i32 to index
      %get3A_2826 = arith.index_cast %mul3A_2801 : i32 to index
      %get3A_2827 = tpu.vector_load %arg15[%get3A_2825, %get3A_2826] {strides = array<i32>} : memref<16x512xf32, #tpu.memory_space<vmem>>, vector<16xf32>,
      %get3A_2828 = arith.constant 2 : i32
      %get3A_2829 = arith.index_cast %get3A_2828 : i32 to index
      %get3A_2830 = arith.index_cast %mul3A_2801 : i32 to index
      %get3A_2831 = tpu.vector_load %arg16[%get3A_2829, %get3A_2830] {strides = array<i32>} : memref<16x512xf32, #tpu.memory_space<vmem>>, vector<16xf32>,
      %mul3A_2832 = arith.mulf %get3A_2827, %get3A_2831 : vector<16xf32>
      %add3A_2833 = arith.addf %add3A_2823, %mul3A_2832 : vector<16xf32>
      %get3A_2834 = arith.constant 3 : i32
      %get3A_2835 = arith.index_cast %get3A_2834 : i32 to index
      %get3A_2836 = arith.index_cast %mul3A_2801 : i32 to index
      %get3A_2837 = tpu.vector_load %arg15[%get3A_2835, %get3A_2836] {strides = array<i32>} : memref<16x512xf32, #tpu.memory_space<vmem>>, vector<16xf32>,
      %get3A_2838 = arith.constant 3 : i32
      %get3A_2839 = arith.index_cast %get3A_2838 : i32 to index
      %get3A_2840 = arith.index_cast %mul3A_2801 : i32 to index
      %get3A_2841 = tpu.vector_load %arg16[%get3A_2839, %get3A_2840] {strides = array<i32>} : memref<16x512xf32, #tpu.memory_space<vmem>>, vector<16xf32>,
      %mul3A_2842 = arith.mulf %get3A_2837, %get3A_2841 : vector<16xf32>
      %add3A_2843 = arith.addf %add3A_2833, %mul3A_2842 : vector<16xf32>
      %get3A_2844 = arith.constant 4 : i32
      %get3A_2845 = arith.index_cast %get3A_2844 : i32 to index
      %get3A_2846 = arith.index_cast %mul3A_2801 : i32 to index
      %get3A_2847 = tpu.vector_load %arg15[%get3A_2845, %get3A_2846] {strides = array<i32>} : memref<16x512xf32, #tpu.memory_space<vmem>>, vector<16xf32>,
      %get3A_2848 = arith.constant 4 : i32
      %get3A_2849 = arith.index_cast %get3A_2848 : i32 to index
      %get3A_2850 = arith.index_cast %mul3A_2801 : i32 to index
      %get3A_2851 = tpu.vector_load %arg16[%get3A_2849, %get3A_2850] {strides = array<i32>} : memref<16x512xf32, #tpu.memory_space<vmem>>, vector<16xf32>,
      %mul3A_2852 = arith.mulf %get3A_2847, %get3A_2851 : vector<16xf32>
      %add3A_2853 = arith.addf %add3A_2843, %mul3A_2852 : vector<16xf32>
      %get3A_2854 = arith.constant 5 : i32
      %get3A_2855 = arith.index_cast %get3A_2854 : i32 to index
      %get3A_2856 = arith.index_cast %mul3A_2801 : i32 to index
      %get3A_2857 = tpu.vector_load %arg15[%get3A_2855, %get3A_2856] {strides = array<i32>} : memref<16x512xf32, #tpu.memory_space<vmem>>, vector<16xf32>,
      %get3A_2858 = arith.constant 5 : i32
      %get3A_2859 = arith.index_cast %get3A_2858 : i32 to index
      %get3A_2860 = arith.index_cast %mul3A_2801 : i32 to index
      %get3A_2861 = tpu.vector_load %arg16[%get3A_2859, %get3A_2860] {strides = array<i32>} : memref<16x512xf32, #tpu.memory_space<vmem>>, vector<16xf32>,
      %mul3A_2862 = arith.mulf %get3A_2857, %get3A_2861 : vector<16xf32>
      %add3A_2863 = arith.addf %add3A_2853, %mul3A_2862 : vector<16xf32>
      %get3A_2864 = arith.constant 6 : i32
      %get3A_2865 = arith.index_cast %get3A_2864 : i32 to index
      %get3A_2866 = arith.index_cast %mul3A_2801 : i32 to index
      %get3A_2867 = tpu.vector_load %arg15[%get3A_2865, %get3A_2866] {strides = array<i32>} : memref<16x512xf32, #tpu.memory_space<vmem>>, vector<16xf32>,
      %get3A_2868 = arith.constant 6 : i32
      %get3A_2869 = arith.index_cast %get3A_2868 : i32 to index
      %get3A_2870 = arith.index_cast %mul3A_2801 : i32 to index
      %get3A_2871 = tpu.vector_load %arg16[%get3A_2869, %get3A_2870] {strides = array<i32>} : memref<16x512xf32, #tpu.memory_space<vmem>>, vector<16xf32>,
      %mul3A_2872 = arith.mulf %get3A_2867, %get3A_2871 : vector<16xf32>
      %add3A_2873 = arith.addf %add3A_2863, %mul3A_2872 : vector<16xf32>
      %get3A_2874 = arith.constant 7 : i32
      %get3A_2875 = arith.index_cast %get3A_2874 : i32 to index
      %get3A_2876 = arith.index_cast %mul3A_2801 : i32 to index
      %get3A_2877 = tpu.vector_load %arg15[%get3A_2875, %get3A_2876] {strides = array<i32>} : memref<16x512xf32, #tpu.memory_space<vmem>>, vector<16xf32>,
      %get3A_2878 = arith.constant 7 : i32
      %get3A_2879 = arith.index_cast %get3A_2878 : i32 to index
      %get3A_2880 = arith.index_cast %mul3A_2801 : i32 to index
      %get3A_2881 = tpu.vector_load %arg16[%get3A_2879, %get3A_2880] {strides = array<i32>} : memref<16x512xf32, #tpu.memory_space<vmem>>, vector<16xf32>,
      %mul3A_2882 = arith.mulf %get3A_2877, %get3A_2881 : vector<16xf32>
      %add3A_2883 = arith.addf %add3A_2873, %mul3A_2882 : vector<16xf32>
      %get3A_2884 = arith.constant 8 : i32
      %get3A_2885 = arith.index_cast %get3A_2884 : i32 to index
      %get3A_2886 = arith.index_cast %mul3A_2801 : i32 to index
      %get3A_2887 = tpu.vector_load %arg15[%get3A_2885, %get3A_2886] {strides = array<i32>} : memref<16x512xf32, #tpu.memory_space<vmem>>, vector<16xf32>,
      %get3A_2888 = arith.constant 8 : i32
      %get3A_2889 = arith.index_cast %get3A_2888 : i32 to index
      %get3A_2890 = arith.index_cast %mul3A_2801 : i32 to index
      %get3A_2891 = tpu.vector_load %arg16[%get3A_2889, %get3A_2890] {strides = array<i32>} : memref<16x512xf32, #tpu.memory_space<vmem>>, vector<16xf32>,
      %mul3A_2892 = arith.mulf %get3A_2887, %get3A_2891 : vector<16xf32>
      %add3A_2893 = arith.addf %add3A_2883, %mul3A_2892 : vector<16xf32>
      %get3A_2894 = arith.constant 9 : i32
      %get3A_2895 = arith.index_cast %get3A_2894 : i32 to index
      %get3A_2896 = arith.index_cast %mul3A_2801 : i32 to index
      %get3A_2897 = tpu.vector_load %arg15[%get3A_2895, %get3A_2896] {strides = array<i32>} : memref<16x512xf32, #tpu.memory_space<vmem>>, vector<16xf32>,
      %get3A_2898 = arith.constant 9 : i32
      %get3A_2899 = arith.index_cast %get3A_2898 : i32 to index
      %get3A_2900 = arith.index_cast %mul3A_2801 : i32 to index
      %get3A_2901 = tpu.vector_load %arg16[%get3A_2899, %get3A_2900] {strides = array<i32>} : memref<16x512xf32, #tpu.memory_space<vmem>>, vector<16xf32>,
      %mul3A_2902 = arith.mulf %get3A_2897, %get3A_2901 : vector<16xf32>
      %add3A_2903 = arith.addf %add3A_2893, %mul3A_2902 : vector<16xf32>
      %get3A_2904 = arith.constant 10 : i32
      %get3A_2905 = arith.index_cast %get3A_2904 : i32 to index
      %get3A_2906 = arith.index_cast %mul3A_2801 : i32 to index
      %get3A_2907 = tpu.vector_load %arg15[%get3A_2905, %get3A_2906] {strides = array<i32>} : memref<16x512xf32, #tpu.memory_space<vmem>>, vector<16xf32>,
      %get3A_2908 = arith.constant 10 : i32
      %get3A_2909 = arith.index_cast %get3A_2908 : i32 to index
      %get3A_2910 = arith.index_cast %mul3A_2801 : i32 to index
      %get3A_2911 = tpu.vector_load %arg16[%get3A_2909, %get3A_2910] {strides = array<i32>} : memref<16x512xf32, #tpu.memory_space<vmem>>, vector<16xf32>,
      %mul3A_2912 = arith.mulf %get3A_2907, %get3A_2911 : vector<16xf32>
      %add3A_2913 = arith.addf %add3A_2903, %mul3A_2912 : vector<16xf32>
      %get3A_2914 = arith.constant 11 : i32
      %get3A_2915 = arith.index_cast %get3A_2914 : i32 to index
      %get3A_2916 = arith.index_cast %mul3A_2801 : i32 to index
      %get3A_2917 = tpu.vector_load %arg15[%get3A_2915, %get3A_2916] {strides = array<i32>} : memref<16x512xf32, #tpu.memory_space<vmem>>, vector<16xf32>,
      %get3A_2918 = arith.constant 11 : i32
      %get3A_2919 = arith.index_cast %get3A_2918 : i32 to index
      %get3A_2920 = arith.index_cast %mul3A_2801 : i32 to index
      %get3A_2921 = tpu.vector_load %arg16[%get3A_2919, %get3A_2920] {strides = array<i32>} : memref<16x512xf32, #tpu.memory_space<vmem>>, vector<16xf32>,
      %mul3A_2922 = arith.mulf %get3A_2917, %get3A_2921 : vector<16xf32>
      %add3A_2923 = arith.addf %add3A_2913, %mul3A_2922 : vector<16xf32>
      %get3A_2924 = arith.constant 12 : i32
      %get3A_2925 = arith.index_cast %get3A_2924 : i32 to index
      %get3A_2926 = arith.index_cast %mul3A_2801 : i32 to index
      %get3A_2927 = tpu.vector_load %arg15[%get3A_2925, %get3A_2926] {strides = array<i32>} : memref<16x512xf32, #tpu.memory_space<vmem>>, vector<16xf32>,
      %get3A_2928 = arith.constant 12 : i32
      %get3A_2929 = arith.index_cast %get3A_2928 : i32 to index
      %get3A_2930 = arith.index_cast %mul3A_2801 : i32 to index
      %get3A_2931 = tpu.vector_load %arg16[%get3A_2929, %get3A_2930] {strides = array<i32>} : memref<16x512xf32, #tpu.memory_space<vmem>>, vector<16xf32>,
      %mul3A_2932 = arith.mulf %get3A_2927, %get3A_2931 : vector<16xf32>
      %add3A_2933 = arith.addf %add3A_2923, %mul3A_2932 : vector<16xf32>
      %get3A_2934 = arith.constant 13 : i32
      %get3A_2935 = arith.index_cast %get3A_2934 : i32 to index
      %get3A_2936 = arith.index_cast %mul3A_2801 : i32 to index
      %get3A_2937 = tpu.vector_load %arg15[%get3A_2935, %get3A_2936] {strides = array<i32>} : memref<16x512xf32, #tpu.memory_space<vmem>>, vector<16xf32>,
      %get3A_2938 = arith.constant 13 : i32
      %get3A_2939 = arith.index_cast %get3A_2938 : i32 to index
      %get3A_2940 = arith.index_cast %mul3A_2801 : i32 to index
      %get3A_2941 = tpu.vector_load %arg16[%get3A_2939, %get3A_2940] {strides = array<i32>} : memref<16x512xf32, #tpu.memory_space<vmem>>, vector<16xf32>,
      %mul3A_2942 = arith.mulf %get3A_2937, %get3A_2941 : vector<16xf32>
      %add3A_2943 = arith.addf %add3A_2933, %mul3A_2942 : vector<16xf32>
      %get3A_2944 = arith.constant 14 : i32
      %get3A_2945 = arith.index_cast %get3A_2944 : i32 to index
      %get3A_2946 = arith.index_cast %mul3A_2801 : i32 to index
      %get3A_2947 = tpu.vector_load %arg15[%get3A_2945, %get3A_2946] {strides = array<i32>} : memref<16x512xf32, #tpu.memory_space<vmem>>, vector<16xf32>,
      %get3A_2948 = arith.constant 14 : i32
      %get3A_2949 = arith.index_cast %get3A_2948 : i32 to index
      %get3A_2950 = arith.index_cast %mul3A_2801 : i32 to index
      %get3A_2951 = tpu.vector_load %arg16[%get3A_2949, %get3A_2950] {strides = array<i32>} : memref<16x512xf32, #tpu.memory_space<vmem>>, vector<16xf32>,
      %mul3A_2952 = arith.mulf %get3A_2947, %get3A_2951 : vector<16xf32>
      %add3A_2953 = arith.addf %add3A_2943, %mul3A_2952 : vector<16xf32>
      %get3A_2954 = arith.constant 15 : i32
      %get3A_2955 = arith.index_cast %get3A_2954 : i32 to index
      %get3A_2956 = arith.index_cast %mul3A_2801 : i32 to index
      %get3A_2957 = tpu.vector_load %arg15[%get3A_2955, %get3A_2956] {strides = array<i32>} : memref<16x512xf32, #tpu.memory_space<vmem>>, vector<16xf32>,
      %get3A_2958 = arith.constant 15 : i32
      %get3A_2959 = arith.index_cast %get3A_2958 : i32 to index
      %get3A_2960 = arith.index_cast %mul3A_2801 : i32 to index
      %get3A_2961 = tpu.vector_load %arg16[%get3A_2959, %get3A_2960] {strides = array<i32>} : memref<16x512xf32, #tpu.memory_space<vmem>>, vector<16xf32>,
      %mul3A_2962 = arith.mulf %get3A_2957, %get3A_2961 : vector<16xf32>
      %add3A_2963 = arith.addf %add3A_2953, %mul3A_2962 : vector<16xf32>
      %swap3A = arith.index_cast %mul3A_2801 : i32 to index
      %swap3A_2964 = tpu.vector_load %arg18[%swap3A] {strides = array<i32>} : memref<512xf32, #tpu.memory_space<vmem>>, vector<16xf32>,
      tpu.vector_store %arg18[%swap3A], %add3A_2963 {strides = array<i32>} : memref<512xf32, #tpu.memory_space<vmem>>, vector<16xf32>,
    }
    %scan3A_84 = arith.constant 32 : i32
    "tpu.region"() ({
      %run_scoped3A_85 = tpu.sem_alloc : memref<!tpu.dma_semaphore, #tpu.memory_space<semaphore_mem>>
      %dma_start3A_86 = arith.constant 0 : i32
      %dma_start3A_87 = tpu.memref_slice %arg9[%dma_start3A_86, %mul3A_2] : memref<16x16384xf32, #tpu.memory_space<hbm>> -> memref<16x512xf32, #tpu.memory_space<hbm>>
      %dma_start3A_88 = arith.constant 0 : i32
      %dma_start3A_89 = tpu.memref_slice %arg9[%dma_start3A_88, %mul3A_2] : memref<16x16384xf32, #tpu.memory_space<hbm>> -> memref<16x512xf32, #tpu.memory_space<hbm>>
      tpu.enqueue_dma source(%arg15 : memref<16x512xf32, #tpu.memory_space<vmem>>) target(%dma_start3A_89 : memref<16x512xf32, #tpu.memory_space<hbm>>) target_semaphore(%run_scoped3A_85 : memref<!tpu.dma_semaphore, #tpu.memory_space<semaphore_mem>>)
      %dma_wait3A_90 = arith.constant 0 : i32
      %dma_wait3A_91 = tpu.memref_slice %arg9[%dma_wait3A_90, %mul3A_2] : memref<16x16384xf32, #tpu.memory_space<hbm>> -> memref<16x512xf32, #tpu.memory_space<hbm>>
      %dma_wait3A_92 = arith.constant 0 : i32
      %dma_wait3A_93 = tpu.memref_slice %arg9[%dma_wait3A_92, %mul3A_2] : memref<16x16384xf32, #tpu.memory_space<hbm>> -> memref<16x512xf32, #tpu.memory_space<hbm>>
      tpu.wait_dma2 semaphore(%run_scoped3A_85 : memref<!tpu.dma_semaphore, #tpu.memory_space<semaphore_mem>>) src(%arg15 : memref<16x512xf32, #tpu.memory_space<vmem>>) dst(%dma_wait3A_93 : memref<16x512xf32, #tpu.memory_space<hbm>>)
      tpu.yield
    }) : () -> ()
    "tpu.region"() ({
      %run_scoped3A_85 = tpu.sem_alloc : memref<!tpu.dma_semaphore, #tpu.memory_space<semaphore_mem>>
      %dma_start3A_86 = arith.constant 0 : i32
      %dma_start3A_87 = tpu.memref_slice %arg10[%dma_start3A_86, %mul3A_2] : memref<16x16384xf32, #tpu.memory_space<hbm>> -> memref<16x512xf32, #tpu.memory_space<hbm>>
      %dma_start3A_88 = arith.constant 0 : i32
      %dma_start3A_89 = tpu.memref_slice %arg10[%dma_start3A_88, %mul3A_2] : memref<16x16384xf32, #tpu.memory_space<hbm>> -> memref<16x512xf32, #tpu.memory_space<hbm>>
      tpu.enqueue_dma source(%arg16 : memref<16x512xf32, #tpu.memory_space<vmem>>) target(%dma_start3A_89 : memref<16x512xf32, #tpu.memory_space<hbm>>) target_semaphore(%run_scoped3A_85 : memref<!tpu.dma_semaphore, #tpu.memory_space<semaphore_mem>>)
      %dma_wait3A_90 = arith.constant 0 : i32
      %dma_wait3A_91 = tpu.memref_slice %arg10[%dma_wait3A_90, %mul3A_2] : memref<16x16384xf32, #tpu.memory_space<hbm>> -> memref<16x512xf32, #tpu.memory_space<hbm>>
      %dma_wait3A_92 = arith.constant 0 : i32
      %dma_wait3A_93 = tpu.memref_slice %arg10[%dma_wait3A_92, %mul3A_2] : memref<16x16384xf32, #tpu.memory_space<hbm>> -> memref<16x512xf32, #tpu.memory_space<hbm>>
      tpu.wait_dma2 semaphore(%run_scoped3A_85 : memref<!tpu.dma_semaphore, #tpu.memory_space<semaphore_mem>>) src(%arg16 : memref<16x512xf32, #tpu.memory_space<vmem>>) dst(%dma_wait3A_93 : memref<16x512xf32, #tpu.memory_space<hbm>>)
      tpu.yield
    }) : () -> ()
    "tpu.region"() ({
      %run_scoped3A_85 = tpu.sem_alloc : memref<!tpu.dma_semaphore, #tpu.memory_space<semaphore_mem>>
      %dma_start3A_86 = tpu.memref_slice %arg8[%mul3A_2] : memref<16384xf32, #tpu.memory_space<hbm>> -> memref<512xf32, #tpu.memory_space<hbm>>
      %dma_start3A_87 = tpu.memref_slice %arg8[%mul3A_2] : memref<16384xf32, #tpu.memory_space<hbm>> -> memref<512xf32, #tpu.memory_space<hbm>>
      tpu.enqueue_dma source(%arg17 : memref<512xf32, #tpu.memory_space<vmem>>) target(%dma_start3A_87 : memref<512xf32, #tpu.memory_space<hbm>>) target_semaphore(%run_scoped3A_85 : memref<!tpu.dma_semaphore, #tpu.memory_space<semaphore_mem>>)
      %dma_wait3A_88 = tpu.memref_slice %arg8[%mul3A_2] : memref<16384xf32, #tpu.memory_space<hbm>> -> memref<512xf32, #tpu.memory_space<hbm>>
      %dma_wait3A_89 = tpu.memref_slice %arg8[%mul3A_2] : memref<16384xf32, #tpu.memory_space<hbm>> -> memref<512xf32, #tpu.memory_space<hbm>>
      tpu.wait_dma2 semaphore(%run_scoped3A_85 : memref<!tpu.dma_semaphore, #tpu.memory_space<semaphore_mem>>) src(%arg17 : memref<512xf32, #tpu.memory_space<vmem>>) dst(%dma_wait3A_89 : memref<512xf32, #tpu.memory_space<hbm>>)
      tpu.yield
    }) : () -> ()
    "tpu.region"() ({
      %run_scoped3A_85 = tpu.sem_alloc : memref<!tpu.dma_semaphore, #tpu.memory_space<semaphore_mem>>
      %dma_start3A_86 = tpu.memref_slice %arg7[%mul3A_2] : memref<16384xf32, #tpu.memory_space<hbm>> -> memref<512xf32, #tpu.memory_space<hbm>>
      %dma_start3A_87 = tpu.memref_slice %arg7[%mul3A_2] : memref<16384xf32, #tpu.memory_space<hbm>> -> memref<512xf32, #tpu.memory_space<hbm>>
      tpu.enqueue_dma source(%arg18 : memref<512xf32, #tpu.memory_space<vmem>>) target(%dma_start3A_87 : memref<512xf32, #tpu.memory_space<hbm>>) target_semaphore(%run_scoped3A_85 : memref<!tpu.dma_semaphore, #tpu.memory_space<semaphore_mem>>)
      %dma_wait3A_88 = tpu.memref_slice %arg7[%mul3A_2] : memref<16384xf32, #tpu.memory_space<hbm>> -> memref<512xf32, #tpu.memory_space<hbm>>
      %dma_wait3A_89 = tpu.memref_slice %arg7[%mul3A_2] : memref<16384xf32, #tpu.memory_space<hbm>> -> memref<512xf32, #tpu.memory_space<hbm>>
      tpu.wait_dma2 semaphore(%run_scoped3A_85 : memref<!tpu.dma_semaphore, #tpu.memory_space<semaphore_mem>>) src(%arg18 : memref<512xf32, #tpu.memory_space<vmem>>) dst(%dma_wait3A_89 : memref<512xf32, #tpu.memory_space<hbm>>)
      tpu.yield
    }) : () -> ()
    return
  }
}

</mosaic_0001>

<sc_bundles>
// kernel: _mf.3.cloned.1.call-start
scs
__scs_entry_jumppad:
0x0: {  	(pc) =	sbr.rel $0x88, $3  }
0x1: {  	(tag) =	ssettag $0x0;
	lr =	simm.s32 $0x1  }
0x2: {  	[smem:$0x3F9C] =	sst lr;
	_ =	strace $0xD0000000  }
0x3: {  	_ = 	snop  }
0x4: {  	_ = 	snop  }
0x5: {  	_ = 	snop  }
0x6: {  	_ = 	snop  }
0x7: {  	_ = 	snop  }
__scs_overlays_trampoline_lowered:
0x8: {  	[smem:$0x3FAB] =	sst s0  }
0x9: {  	[smem:$0x3FAC] =	sst s1  }
0xa: {  	[smem:$0x3FAD] =	sst s2  }
0xb: {  	[smem:$0x3FAE] =	sst s3  }
0xc: {  	[smem:$0x3FAF] =	sst s4  }
0xd: {  	[smem:$0x3FB0] =	sst s5  }
0xe: {  	[smem:$0x3FB1] =	sst s6  }
0xf: {  	[smem:$0x3FB2] =	sst s7  }
0x10: {  	[smem:$0x3FB3] =	sst s8  }
0x11: {  	[smem:$0x3FB4] =	sst s9;
	s0 =	simm.s32 @!p0 $0x0  }
0x12: {  	s1 =	sld [smem:$0x3F9A];
	s0 =	simm.s32 @p0 $0x1  }
0x13: {  	[smem:$0x3FB5] =	sst s0;
	s0 =	simm.s32 @!p1 $0x0  }
0x14: {  	s2 =	sld [smem:$0x3F99];
	s0 =	simm.s32 @p1 $0x1  }
0x15: {  	[smem:$0x3FB6] =	sst s0;
	s0 =	simm.s32 @!p2 $0x0  }
0x16: {  	s3 =	sld [smem:$0x3FDB];
	s0 =	simm.s32 @p2 $0x1  }
0x17: {  	s4 =	simm.s32 $0x1BF5;
	[smem:$0x3FB8] =	sst s0  }
0x18: {  	s0 =	sld [smem:$0x3F9B];
	_ =	swait.ge [sflag:s4], $0x0  }
0x19: {  	s7 =	sld [smem:$0x3F9C]  }
0x1a: {  	s8 =	sadd.s32 $0xFFFFE003, lr  }
0x1b: {  	s9 =	sadd.s32 $0xFFFFFEF7, lr;
	s5 =	simm.s32 $0xFFFFFFFF;
	p2 =	slt.u32 s8, $0xFFFFF086  }
0x1c: {  	p1 =	slt.u32 s9, $0xF7A;
	s5 =	simm.s32 @!p2 $0x0  }
0x1d: {  	s5 =	simm.s32 @p1 $0x1;
	p0 =	seq.s32 s7, s2  }
0x1e: {  	s7 =	smul.u32 @!p0 $0xF7A, s2;
	p2 =	seq.s32 @!p0 s5, $0x0  }
0x1f: {  	s9 =	smul.u32 $0xF7A, s1;
	s8 =	simm.s32 @!p0 $0x1BF5;
	p2 =	por !p2, p0  }
0x20: {  	[sflag:s8] =	ssyncset.s32 @!p0 $0xFFFFF086;
	s6 =	sadd.s32 @!p0 s3, s7;
	s7 =	simm.s32 @!p0 $0x108  }
0x21: {  	s3 =	sadd.s32 s3, s9;
	s6 =	sadd.s32 @!p0 $0x88, s6;
	s7 =	simm.s32 @p2 $0x1082  }
0x22: {  	[simem:s7], [sflag:s8] =	dma.local @!p0 [hbm:s6], $0xF7A  }
0x23: {  	s9 =	sor.u32 $0xD0000000, s2;
	s6 =	simm.s32 $0x108;
	_ =	swait.ge @!p0 [sflag:s8], $0x0  }
0x24: {  	s3 =	sadd.s32 $0x88, s3;
	s6 =	simm.s32 @!p1 $0x1082;
	[sflag:s4] =	ssyncset.s32 $0xFFFFF086  }
0x25: {  	[simem:s6], [sflag:s4] =	dma.local [hbm:s3], $0xF7A  }
0x26: {  	[smem:$0x3F9C] =	sst s1;
	(tag) =	ssettag s2;
	_ =	strace s9  }
0x27: {  	s1 =	sld [smem:$0x3FAC]  }
0x28: {  	s2 =	sld [smem:$0x3FAD]  }
0x29: {  	s4 =	sld [smem:$0x3FAF]  }
0x2a: {  	p0 =	seq.s32 s5, $0x0;
	s5 =	sld [smem:$0x3FB0]  }
0x2b: {  	s6 =	sld [smem:$0x3FB1]  }
0x2c: {  	s7 =	sld [smem:$0x3FB2]  }
0x2d: {  	s3 =	simm.s32 $0x108;
	s8 =	sld [smem:$0x3FB3]  }
0x2e: {  	s3 =	simm.s32 @!p0 $0x1082;
	s9 =	sld [smem:$0x3FB4]  }
0x2f: {  	lr =	sadd.s32 s0, s3;
	s0 =	sld [smem:$0x3FAB]  }
0x30: {  	s3 =	sld [smem:$0x3FAE]  }
0x31: {  	[smem:$0x3FB7] =	sst s10  }
0x32: {  	s10 =	sld [smem:$0x3FB5];
	_ =	sdelay $0x3  }
0x33: {  	p0 =	seq.s32 s10, $0x1;
	s10 =	sld [smem:$0x3FB7];
	_ =	sdelay $0x3  }
0x34: {  	[smem:$0x3FB7] =	sst s10  }
0x35: {  	s10 =	sld [smem:$0x3FB6];
	_ =	sdelay $0x3  }
0x36: {  	p1 =	seq.s32 s10, $0x1;
	s10 =	sld [smem:$0x3FB7];
	_ =	sdelay $0x3  }
0x37: {  	[smem:$0x3FB7] =	sst s10  }
0x38: {  	s10 =	sld [smem:$0x3FB8]  }
0x39: {  	_ = 	snop;
	(pc) =	sbr.ind lr, $3  }
0x3a: {  	_ = 	snop  }
0x3b: {  	_ = 	snop  }
0x3c: {  	p2 =	seq.s32 s10, $0x1;
	s10 =	sld [smem:$0x3FB7]  }
0x3d: {  	_ =	shalt  }
0x3e: {  	_ =	shalt  }
0x3f: {  	_ =	shalt  }
0x40: {  	_ =	shalt  }
0x41: {  	_ =	shalt  }
0x42: {  	_ =	shalt  }
0x43: {  	_ =	shalt  }
0x44: {  	_ =	shalt  }
0x45: {  	_ =	shalt  }
0x46: {  	_ =	shalt  }
0x47: {  	_ =	shalt  }
0x48: {  	_ =	shalt  }
0x49: {  	_ =	shalt  }
0x4a: {  	_ =	shalt  }
0x4b: {  	_ =	shalt  }
0x4c: {  	_ =	shalt  }
0x4d: {  	_ =	shalt  }
0x4e: {  	_ =	shalt  }
0x4f: {  	_ =	shalt  }
0x50: {  	_ =	shalt  }
0x51: {  	_ =	shalt  }
0x52: {  	_ =	shalt  }
0x53: {  	_ =	shalt  }
0x54: {  	_ =	shalt  }
0x55: {  	_ =	shalt  }
0x56: {  	_ =	shalt  }
0x57: {  	_ =	shalt  }
0x58: {  	_ =	shalt  }
0x59: {  	_ =	shalt  }
0x5a: {  	_ =	shalt  }
0x5b: {  	_ =	shalt  }
0x5c: {  	_ =	shalt  }
0x5d: {  	_ =	shalt  }
0x5e: {  	_ =	shalt  }
0x5f: {  	_ =	shalt  }
0x60: {  	_ =	shalt  }
0x61: {  	_ =	shalt  }
0x62: {  	_ =	shalt  }
0x63: {  	_ =	shalt  }
0x64: {  	_ =	shalt  }
0x65: {  	_ =	shalt  }
0x66: {  	_ =	shalt  }
0x67: {  	_ =	shalt  }
0x68: {  	_ =	shalt  }
0x69: {  	_ =	shalt  }
0x6a: {  	_ =	shalt  }
0x6b: {  	_ =	shalt  }
0x6c: {  	_ =	shalt  }
0x6d: {  	_ =	shalt  }
0x6e: {  	_ =	shalt  }
0x6f: {  	_ =	shalt  }
0x70: {  	_ =	shalt  }
0x71: {  	_ =	shalt  }
0x72: {  	_ =	shalt  }
0x73: {  	_ =	shalt  }
0x74: {  	_ =	shalt  }
0x75: {  	_ =	shalt  }
0x76: {  	_ =	shalt  }
0x77: {  	_ =	shalt  }
0x78: {  	_ =	shalt  }
0x79: {  	_ =	shalt  }
0x7a: {  	_ =	shalt  }
0x7b: {  	_ =	shalt  }
0x7c: {  	_ =	shalt  }
0x7d: {  	_ =	shalt  }
0x7e: {  	_ =	shalt  }
0x7f: {  	_ =	shalt  }
0x80: {  	_ =	shalt  }
0x81: {  	_ =	shalt  }
0x82: {  	_ =	shalt  }
0x83: {  	_ =	shalt  }
0x84: {  	_ =	shalt  }
0x85: {  	_ =	shalt  }
0x86: {  	_ =	shalt  }
0x87: {  	_ =	shalt  }
.Lfunc_end0:
.L_simem_size_0:
called_computation_lowered:
.L_overlay_start_0:
0x88: {  	s2 =	sld [smem:$0x3FD9]  }
0x89: {  	s3 =	sld [smem:$0x3FFE];
	_ =	sdelay $0x1  }
0x8a: {  	s1 =	srdreg.scid  }
0x8b: {  	s0 =	sand.u32 $0x1, s1  }
0x8c: {  	s15 =	sshll.u32 s0, $0xA;
	s2 =	sadd.s32 s3, s2  }
0x8d: {  	s2 =	sadd.s32 s2, s15  }
0x8e: {  	[smem:$0x3FC3] =	sst s2  }
0x8f: {  	_ = 	snop  }
0x90: {  	s2 =	sld [smem:$0x3FC9]  }
0x91: {  	s16 =	sld [smem:$0x3FC8]  }
0x92: {  	s4 =	sld [smem:$0x3FD0]  }
0x93: {  	s5 =	sld [smem:$0x3FC7]  }
0x94: {  	s6 =	sld [smem:$0x3FC6]  }
0x95: {  	s8 =	simm.s32 $0xA;
	s9 =	simm.s32 $0x10;
	s7 =	sld [smem:$0x3FC5]  }
0x96: {  	[smem:s9], [sflag:s8] =	dma.local [hbm:s4], $0x1  }
0x97: {  	_ =	swait.eq [sflag:s8], $0x1  }
0x98: {  	s17 =	sld [smem:$0x10]  }
0x99: {  	s18 =	sld [smem:$0x11];
	[sflag:s8] =	ssyncset.done $0x0  }
0x9a: {  	s10 =	sld [smem:$0x12];
	[sflag:s8] =	ssyncadd.s32 $0xFFFFFFFF  }
0x9b: {  	s19 =	sld [smem:$0x13];
	(tm) =	ssettm $0x1  }
0x9c: {  	s11 =	sld [smem:$0x3FFB];
	_ =	sdelay $0x3  }
0x9d: {  	_ =	strace s11  }
0x9e: {  	s11 =	sld [smem:$0x3FFC];
	_ =	sdelay $0x3  }
0x9f: {  	_ =	strace s11  }
0xa0: {  	s11 =	sld [smem:$0x3FFD];
	_ =	sdelay $0x3  }
0xa1: {  	_ =	strace s11  }
0xa2: {  	_ =	strace $0x8FFFFFFF  }
0xa3: {  	s20 =	sld [smem:$0x3FDB];
	_ =	sdelay $0x1  }
0xa4: {  	s12 =	simm.s32 $_scs_section_size  }
0xa5: {  	s13 =	simm.s32 $_size__tile_overlayer_lowered;
	s14 =	simm.s32 $_tile_overlayer_lowered  }
0xa6: {  	s23 =	simm.s32 $0x1BFF;
	s22 =	sshll.u32 s14, $0x1;
	s11 =	sadd.s32 s12, s20  }
0xa7: {  	s21 =	sshll.u32 s13, $0x1;
	s15 =	simm.s32 $0x0;
	s13 =	sadd.s32 s22, s11  }
0xa8: {  	[timem:s15], [sflag:s23] =	dma.local [hbm:s13], s21  }
0xa9: {  	_ =	swait.ge [sflag:s23], s21  }
0xaa: {  	s12 =	ssub.s32 $0x0, s21;
	[sflag:s23] =	ssyncset.done $0x0  }
0xab: {  	[sflag:s23] =	ssyncadd.s32 s12;
	_ =	sdelay $0x1  }
0xac: {  	s24 =	simm.s32 $0x1B8B  }
0xad: {  	_ =	swait.ge [sflag:s24], $0x1  }
0xae: {  	[sflag:s24] =	ssyncset.done $0x0  }
0xaf: {  	s25 =	simm.s32 $0x1B8E;
	[sflag:s24] =	ssyncadd.s32 $0xFFFFFFFF  }
0xb0: {  	s26 =	simm.s32 $execute0_lowered;
	[smem:$0x3FD2] =	sst s25  }
0xb1: {  	s12 =	sshll.u32 s26, $0x1;
	_ =	strace $0x80000046;
	[dreg:$0x1] =	wrdreg $0xFFFFFFFF  }
0xb2: {  	s28 =	simm.s32 $_size_execute0_lowered;
	s11 =	sadd.s32 s11, s12;
	[dreg:$0x0] =	wrdreg $0x0  }
0xb3: {  	s12 =	sshll.u32 s28, $0x1;
	[dreg:$0x2] =	wrdreg s11  }
0xb4: {  	[dreg:$0x3] =	wrdreg s12  }
0xb5: {  	[dreg:$0x4] =	wrdreg $0xC0  }
0xb6: {  	_ =	task [dreg:s15], $0x5FFFF  }
0xb7: {  	[dreg:$0x1] =	wrdreg $0xFFFFFFFF  }
0xb8: {  	[dreg:$0x0] =	wrdreg $0x60  }
0xb9: {  	[dreg:$0x2] =	wrdreg s2  }
0xba: {  	[dreg:$0x3] =	wrdreg s16  }
0xbb: {  	[dreg:$0x4] =	wrdreg s5  }
0xbc: {  	[dreg:$0x5] =	wrdreg s6  }
0xbd: {  	[dreg:$0x6] =	wrdreg s7  }
0xbe: {  	[dreg:$0x7] =	wrdreg s17  }
0xbf: {  	[dreg:$0x8] =	wrdreg s18  }
0xc0: {  	[dreg:$0x9] =	wrdreg s10  }
0xc1: {  	[dreg:$0xa] =	wrdreg s19  }
0xc2: {  	[dreg:$0xb] =	wrdreg $0x9  }
0xc3: {  	_ =	task.clear_ibuf [dreg:s15], $0xCFFFF;
	_ =	strace $0x90000046  }
0xc4: {  	s29 =	simm.s32 $0x9;
	_ =	strace $0x80000048  }
0xc5: {  	_ =	swait.ge [sflag:s29], $0x1  }
0xc6: {  	[sflag:s29] =	ssyncadd.s32 $0xFFFFFFFF  }
0xc7: {  	_ =	strace $0x90000048  }
0xc8: {  	_ =	sfence  }
0xc9: {  	s30 =	sld [smem:$0x0];
	_ =	sdelay $0x2  }
0xca: {  	s31 =	sshll.u32 s1, $0xD;
	s1 =	sshrl.u32 s1, $0x2  }
0xcb: {  	s3 =	sand.u32 $0x4000, s31;
	s1 =	sadd.s32 s1, s30  }
0xcc: {  	s0 =	sor.u32 s3, s0;
	s1 =	sshll.u32 s1, $0x11  }
0xcd: {  	s0 =	sor.u32 s1, s0  }
0xce: {  	s0 =	sadd.s32 $0x8F2B, s0  }
0xcf: {  	[sflag:s0] =	ssyncadd.remote.s32 $0x1  }
0xd0: {  	_ =	sfence.sel $0xFFFF  }
0xd1: {  	[dreg:$0x0] =	wrdreg $0xFFFFFFFF;
	(pc) =	sbr.abs _section_cstart, $3  }
0xd2: {  	[dreg:$0x1] =	wrdreg $0xFFFFFFFF  }
0xd3: {  	_ =	task.clear_ibuf [dreg:s15], $0x2FFFF;
	_ =	strace $0x9FFFFFFF  }
0xd4: {  	(tm) =	ssettm $0x7FFFFFFF  }
0xd5: {  	_ =	shalt  }
tec
execute0_lowered:
.L_overlay_start_1:
0x0: {  	(tag) =	ssettag $0x1  }
0x1: {  	s0 =	rddreg [dreg:$0x0]  }
0x2: {  	s1 =	rddreg [dreg:$0x1]  }
0x3: {  	s20 =	rddreg [dreg:$0x3]  }
0x4: {  	s17 =	rddreg [dreg:$0x4]  }
0x5: {  	s2 =	rddreg [dreg:$0x5]  }
0x6: {  	s3 =	rddreg [dreg:$0x6]  }
0x7: {  	s4 =	rddreg [dreg:$0x7]  }
0x8: {  	s5 =	rddreg [dreg:$0x8];
	s6 =	srdreg.scid;
	s10 =	simm.s32 $0x0  }
0x9: {  	s8 =	stileid.u32;
	s31 =	simm.s32 $0x1;
	s30 =	simm.s32 $0x9400  }
0xa: {  	s14 =	simm.s32 $0x9C00;
	s12 =	simm.s32 $0xA400;
	s6 =	sand.u32 $0x1, s6  }
0xb: {  	s13 =	simm.s32 $0x2C00;
	s8 =	sshll.u32 s8, $0xA;
	s7 =	ssub.s32 $0x2, s6  }
0xc: {  	v0 =	vimm.s32 $0x1380;
	vm0 =	vcmask $0x300;
	[smem:$0x7FF] =	sst s10;
	s6 =	sshll.u32 s6, $0x9;
	s9 =	sshrl.u32 s7, $0x1  }
0xd: {  	vm14 =	vcmask $0x704;
	v0 =	vsel vm0, $0x0, v0;
	_ =	strace $0x80000047;
	s6 =	sor.u32 s6, s8;
	s7 =	ssub.s32 s7, s9  }
0xe: {  	vm15 =	vcmask $0xB08;
	v0 =	vsel vm14, $0x80, v0;
	s8 =	sshrl.u32 s6, $0x3;
	s24 =	sadd.s32 s4, s6;
	s25 =	sadd.s32 s5, s6  }
0xf: {  	vm4 =	vcmask $0xF0C;
	v0 =	vsel vm15, $0x100, v0;
	s4 =	simm.s32 $0x400;
	s15 =	sadd.s32 s0, s8;
	[dreg:$0x12] =	wrdreg s24  }
0x10: {  	vm5 =	vcmask $0x1310;
	v0 =	vsel vm4, $0x180, v0;
	s16 =	sadd.s32 s1, s8;
	s18 =	sor.u32 $0x10, s8;
	[dreg:$0x13] =	wrdreg s25  }
0x11: {  	vm6 =	vcmask $0x1714;
	s19 =	sor.u32 $0x20, s8;
	s22 =	sor.u32 $0x30, s8;
	v0 =	vsel vm5, $0x200, v0;
	[dreg:$0xa] =	wrdreg s15  }
0x12: {  	vm7 =	vcmask $0x1B18;
	s26 =	sadd.s32 s3, s8;
	s28 =	sadd.s32 s2, s8;
	[dreg:$0xb] =	wrdreg s16;
	v0 =	vsel vm6, $0x280, v0  }
0x13: {  	vm8 =	vcmask $0x1F1C;
	s29 =	smax.u32 s7, $0x1;
	s7 =	simm.s32 $0x8C00;
	[dreg:$0x14] =	wrdreg s26;
	v0 =	vsel vm7, $0x300, v0  }
0x14: {  	vm9 =	vcmask $0x2320;
	s8 =	simm.s32 $0x1400;
	s2 =	simm.s32 $0x0;
	[dreg:$0x15] =	wrdreg s28;
	v0 =	vsel vm8, $0x380, v0  }
0x15: {  	vm10 =	vcmask $0x2724;
	s11 =	sadd.s32 s0, s18;
	s9 =	sadd.s32 s1, s18;
	[dreg:$0x16] =	wrdreg s29;
	v0 =	vsel vm9, $0x1000, v0  }
0x16: {  	vm11 =	vcmask $0x2B28;
	s21 =	sadd.s32 s0, s19;
	s0 =	sadd.s32 s0, s22;
	[dreg:$0xc] =	wrdreg s11;
	v0 =	vsel vm10, $0x1080, v0  }
0x17: {  	vm12 =	vcmask $0x2F2C;
	s23 =	sadd.s32 s1, s22;
	s26 =	simm.s32 $0x7A1400;
	[dreg:$0xd] =	wrdreg s9;
	v0 =	vsel vm11, $0x1100, v0  }
0x18: {  	vm13 =	vcmask $0x3330;
	s18 =	simm.s32 $0xAC00;
	s15 =	simm.s32 $0x3400;
	[dreg:$0xe] =	wrdreg s21;
	v0 =	vsel vm12, $0x1180, v0  }
0x19: {  	vm14 =	vcmask $0x3734;
	s16 =	simm.s32 $0xB400;
	s9 =	sadd.s32 s1, s19;
	[dreg:$0x10] =	wrdreg s0;
	v0 =	vsel vm13, $0x1200, v0  }
0x1a: {  	v1 =	vlaneseq.u32;
	vm15 =	vcmask $0x3B38;
	[dreg:$0x11] =	wrdreg s23;
	s1 =	simm.s32 $0x4;
	s21 =	simm.s32 $0x2;
	v2 =	vsel vm14, $0x1280, v0  }
0x1b: {  	s11 =	simm.s32 $0x14400;
	[dreg:$0xf] =	wrdreg s9;
	s9 =	simm.s32 $0x1C00;
	v0 =	vmul.u32 $0x80, v1;
	v1 =	vsel vm15, $0x1300, v2  }
.LBB2_1:
0x1c: {  	[dreg:$0x17] =	wrdreg s2  }
0x1d: {  	s0 =	rddreg [dreg:$0xa]  }
0x1e: {  	[tilespmem:s10], [sflag:$0x4] =	stream.linear.gather [hbm4b:s0+s10], $0x80, $0x38;
	[tilespmem:$0x14800] =	vst v63  }
0x1f: {  	_ =	swait.ge [sflag:s1], $0x80  }
0x20: {  	[sflag:s1] =	ssyncset.done $0x0  }
0x21: {  	s22 =	simm.s32 $0x200;
	s6 =	rddreg [dreg:$0xb];
	[sflag:s1] =	ssyncadd.s32 $0xFFFFFF80  }
0x22: {  	[tilespmem:s22], [sflag:$0x4] =	stream.linear.gather [hbm4b:s6+s10], $0x80, $0x38;
	[tilespmem:$0x14800] =	vst v63  }
0x23: {  	_ =	swait.ge [sflag:s1], $0x80  }
0x24: {  	[sflag:s1] =	ssyncset.done $0x0  }
0x25: {  	s2 =	simm.s32 $0x80;
	s19 =	rddreg [dreg:$0xc];
	[sflag:s1] =	ssyncadd.s32 $0xFFFFFF80  }
0x26: {  	[tilespmem:s2], [sflag:$0x4] =	stream.linear.gather [hbm4b:s19+s10], $0x80, $0x38;
	[tilespmem:$0x14800] =	vst v63  }
0x27: {  	_ =	swait.ge [sflag:s1], $0x80  }
0x28: {  	[sflag:s1] =	ssyncset.done $0x0  }
0x29: {  	s3 =	simm.s32 $0x280;
	s23 =	rddreg [dreg:$0xd];
	[sflag:s1] =	ssyncadd.s32 $0xFFFFFF80  }
0x2a: {  	[tilespmem:s3], [sflag:$0x4] =	stream.linear.gather [hbm4b:s23+s10], $0x80, $0x38;
	[tilespmem:$0x14800] =	vst v63  }
0x2b: {  	_ =	swait.ge [sflag:s1], $0x80  }
0x2c: {  	[sflag:s1] =	ssyncset.done $0x0  }
0x2d: {  	s5 =	simm.s32 $0x100;
	s24 =	rddreg [dreg:$0xe];
	[sflag:s1] =	ssyncadd.s32 $0xFFFFFF80  }
0x2e: {  	[tilespmem:s5], [sflag:$0x4] =	stream.linear.gather [hbm4b:s24+s10], $0x80, $0x38;
	[tilespmem:$0x14800] =	vst v63  }
0x2f: {  	_ =	swait.ge [sflag:s1], $0x80  }
0x30: {  	[sflag:s1] =	ssyncset.done $0x0  }
0x31: {  	s28 =	simm.s32 $0x300;
	s25 =	rddreg [dreg:$0xf];
	[sflag:s1] =	ssyncadd.s32 $0xFFFFFF80  }
0x32: {  	[tilespmem:s28], [sflag:$0x4] =	stream.linear.gather [hbm4b:s25+s10], $0x80, $0x38;
	[tilespmem:$0x14800] =	vst v63  }
0x33: {  	_ =	swait.ge [sflag:s1], $0x80  }
0x34: {  	[sflag:s1] =	ssyncset.done $0x0  }
0x35: {  	s6 =	simm.s32 $0x180;
	s29 =	rddreg [dreg:$0x10];
	[sflag:s1] =	ssyncadd.s32 $0xFFFFFF80  }
0x36: {  	[tilespmem:s6], [sflag:$0x4] =	stream.linear.gather [hbm4b:s29+s10], $0x80, $0x38;
	[tilespmem:$0x14800] =	vst v63  }
0x37: {  	_ =	swait.ge [sflag:s1], $0x80  }
0x38: {  	[sflag:s1] =	ssyncset.done $0x0  }
0x39: {  	s19 =	simm.s32 $0x380;
	s6 =	rddreg [dreg:$0x11];
	[sflag:s1] =	ssyncadd.s32 $0xFFFFFF80  }
0x3a: {  	[tilespmem:s19], [sflag:$0x4] =	stream.linear.gather [hbm4b:s6+s10], $0x80, $0x38;
	[tilespmem:$0x14800] =	vst v63  }
0x3b: {  	_ =	swait.ge [sflag:s1], $0x80  }
0x3c: {  	[sflag:s1] =	ssyncset.done $0x0  }
0x3d: {  	[sflag:s1] =	ssyncadd.s32 $0xFFFFFF80  }
0x3e: {  	s23 =	rddreg [dreg:$0x2]  }
0x3f: {  	[tilespmem:s11], [sflag:$0x3] =	stream.indirect.gather [hbm4b:s23+s2], $0x1, s22, s2, $0xb8;
	[tilespmem:$0x14800] =	vst v63  }
0x40: {  	s24 =	simm.s32 $0x14480  }
0x41: {  	[tilespmem:s24], [sflag:$0x3] =	stream.indirect.gather [hbm4b:s23+s2], $0x1, s3, s2, $0xb8;
	[tilespmem:$0x14800] =	vst v63  }
0x42: {  	s25 =	simm.s32 $0x14500  }
0x43: {  	[tilespmem:s25], [sflag:$0x3] =	stream.indirect.gather [hbm4b:s23+s2], $0x1, s28, s2, $0xb8;
	[tilespmem:$0x14800] =	vst v63  }
0x44: {  	s29 =	simm.s32 $0x3;
	s28 =	simm.s32 $0x14580  }
0x45: {  	[tilespmem:s28], [sflag:$0x3] =	stream.indirect.gather [hbm4b:s23+s2], $0x1, s19, s2, $0xb8;
	[tilespmem:$0x14800] =	vst v63  }
0x46: {  	_ =	swait.ge [sflag:s29], $0x80  }
0x47: {  	[sflag:s29] =	ssyncset.done $0x0  }
0x48: {  	[sflag:s29] =	ssyncadd.s32 $0xFFFFFF80  }
0x49: {  	_ =	swait.ge [sflag:s29], $0x80  }
0x4a: {  	[sflag:s29] =	ssyncset.done $0x0  }
0x4b: {  	[sflag:s29] =	ssyncadd.s32 $0xFFFFFF80  }
0x4c: {  	_ =	swait.ge [sflag:s29], $0x80  }
0x4d: {  	[sflag:s29] =	ssyncset.done $0x0  }
0x4e: {  	[sflag:s29] =	ssyncadd.s32 $0xFFFFFF80  }
0x4f: {  	s0 =	simm.s32 $0x14600;
	_ =	swait.ge [sflag:s29], $0x80  }
0x50: {  	s10 =	simm.s32 $0x14400;
	s1 =	simm.s32 $0x0;
	[sflag:s29] =	ssyncset.done $0x0  }
0x51: {  	s11 =	simm.s32 $0x0;
	s19 =	simm.s32 $0x0;
	[sflag:s29] =	ssyncadd.s32 $0xFFFFFF80  }
.LBB2_2:
0x52: {  	v3 =	vld [tilespmem:s1+$0x0];
	_ =	sdelay $0x1  }
0x53: {  	v2 =	vld [tilespmem:s22+$0x0];
	_ =	sdelay $0x2  }
0x54: {  	(v2sf) =	vpush v3, $0x0;
	_ =	sdelay $0x1  }
0x55: {  	(v2sf) =	vpush v2, $0x0;
	_ =	sdelay $0xc  }
0x56: {  	s24 =	spop (v2sf)  }
0x57: {  	[dreg:$0x1c] =	wrdreg s19;
	s2 =	sshra.s32 s24, $0x1F  }
0x58: {  	[dreg:$0x1a] =	wrdreg s0;
	(v2sf) =	vpush v3, $0x1;
	s19 =	spop (v2sf);
	s0 =	sshrl.u32 s2, $0x19  }
0x59: {  	s2 =	sshra.s32 s19, $0x1F;
	s0 =	sadd.s32 s0, s24  }
0x5a: {  	[dreg:$0x1b] =	wrdreg s1;
	(v2sf) =	vpush v2, $0x1;
	s2 =	sshrl.u32 s2, $0x19;
	s3 =	sand.u32 $0xFFFFFF80, s0  }
0x5b: {  	p0 =	slt.s32 s24, $0x1;
	s5 =	sadd.s32 s2, s19;
	p1 =	sne.s32 s24, s3  }
0x5c: {  	p3 =	slt.s32 s19, $0x1;
	s2 =	sand.u32 $0xFFFFFF80, s5;
	p0 =	por !p0, !p1  }
0x5d: {  	s3 =	simm.s32 $0x1;
	p4 =	sne.s32 s19, s2;
	p0 =	por !p0, !p0  }
0x5e: {  	s0 =	sshrl.u32 s0, $0x7;
	s3 =	simm.s32 @!p0 $0x0;
	p0 =	por !p3, !p4  }
0x5f: {  	s2 =	simm.s32 $0x1;
	s0 =	ssub.s32 s0, s3;
	p0 =	por !p0, !p0  }
0x60: {  	s1 =	sshrl.u32 s5, $0x7;
	s0 =	sshll.u32 s0, $0x7;
	s2 =	simm.s32 @!p0 $0x0  }
0x61: {  	s0 =	sand.u32 $0x1FFFFF80, s0;
	s1 =	ssub.s32 s1, s2  }
0x62: {  	s0 =	sadd.s32 s20, s0;
	s6 =	sshll.u32 s1, $0x7  }
0x63: {  	[tilespmem:s4], [sflag:$0x1] =	stream.strided.gather [hbm4b:s0+s4], $0x800, s26, s4, $0x38;
	[tilespmem:$0x14800] =	vst v63  }
0x64: {  	s0 =	sand.u32 $0x1FFFFF80, s6  }
0x65: {  	[dreg:$0x19] =	wrdreg s10;
	s10 =	simm.s32 $0x8400;
	s0 =	sadd.s32 s17, s0  }
0x66: {  	[tilespmem:s10], [sflag:$0x2] =	stream.strided.gather [hbm4b:s0+s4], $0x800, s26, s4, $0x38;
	[tilespmem:$0x14800] =	vst v63  }
0x67: {  	[dreg:$0x18] =	wrdreg s22;
	s22 =	spop (v2sf)  }
0x68: {  	s23 =	sshra.s32 s22, $0x1F  }
0x69: {  	(v2sf) =	vpush v3, $0x2;
	s5 =	spop (v2sf);
	s0 =	sshrl.u32 s23, $0x19  }
0x6a: {  	s28 =	sshra.s32 s5, $0x1F;
	s0 =	sadd.s32 s0, s22  }
0x6b: {  	(v2sf) =	vpush v2, $0x2;
	s2 =	sshrl.u32 s28, $0x19;
	s25 =	sand.u32 $0xFFFFFF80, s0  }
0x6c: {  	p5 =	slt.s32 s22, $0x1;
	s29 =	sadd.s32 s2, s5;
	p6 =	sne.s32 s22, s25  }
0x6d: {  	s3 =	simm.s32 $0x1;
	s2 =	sand.u32 $0xFFFFFF80, s29;
	p0 =	por !p5, !p6  }
0x6e: {  	p2 =	slt.s32 s5, $0x1;
	p3 =	sne.s32 s5, s2;
	p0 =	por !p0, !p0  }
0x6f: {  	s0 =	sshrl.u32 s0, $0x7;
	s3 =	simm.s32 @!p0 $0x0;
	p0 =	por !p2, !p3  }
0x70: {  	s2 =	simm.s32 $0x1;
	s0 =	ssub.s32 s0, s3;
	p0 =	por !p0, !p0  }
0x71: {  	s1 =	sshrl.u32 s29, $0x7;
	s0 =	sshll.u32 s0, $0x7;
	s2 =	simm.s32 @!p0 $0x0  }
0x72: {  	[dreg:$0x1e] =	wrdreg s5;
	s0 =	sand.u32 $0x1FFFFF80, s0;
	s1 =	ssub.s32 s1, s2  }
0x73: {  	s5 =	simm.s32 $0xC00;
	s0 =	sadd.s32 s20, s0;
	s6 =	sshll.u32 s1, $0x7  }
0x74: {  	[tilespmem:s5], [sflag:$0x1] =	stream.strided.gather [hbm4b:s0+s4], $0x800, s26, s4, $0x38;
	[tilespmem:$0x14800] =	vst v63  }
0x75: {  	s0 =	sand.u32 $0x1FFFFF80, s6  }
0x76: {  	s0 =	sadd.s32 s17, s0  }
0x77: {  	[tilespmem:s7], [sflag:$0x2] =	stream.strided.gather [hbm4b:s0+s4], $0x800, s26, s4, $0x38;
	[tilespmem:$0x14800] =	vst v63  }
0x78: {  	s7 =	spop (v2sf)  }
0x79: {  	s10 =	sshra.s32 s7, $0x1F  }
0x7a: {  	[dreg:$0x1d] =	wrdreg s22;
	(v2sf) =	vpush v3, $0x3;
	s22 =	spop (v2sf);
	s0 =	sshrl.u32 s10, $0x19  }
0x7b: {  	s25 =	sshra.s32 s22, $0x1F;
	s0 =	sadd.s32 s0, s7  }
0x7c: {  	(v2sf) =	vpush v2, $0x3;
	s2 =	sshrl.u32 s25, $0x19;
	s23 =	sand.u32 $0xFFFFFF80, s0  }
0x7d: {  	p4 =	slt.s32 s7, $0x1;
	s28 =	sadd.s32 s2, s22;
	p5 =	sne.s32 s7, s23  }
0x7e: {  	s3 =	simm.s32 $0x1;
	s2 =	sand.u32 $0xFFFFFF80, s28;
	p0 =	por !p4, !p5  }
0x7f: {  	p6 =	slt.s32 s22, $0x1;
	p2 =	sne.s32 s22, s2;
	p0 =	por !p0, !p0  }
0x80: {  	s0 =	sshrl.u32 s0, $0x7;
	s3 =	simm.s32 @!p0 $0x0;
	p0 =	por !p6, !p2  }
0x81: {  	s2 =	simm.s32 $0x1;
	s0 =	ssub.s32 s0, s3;
	p0 =	por !p0, !p0  }
0x82: {  	s1 =	sshrl.u32 s28, $0x7;
	s0 =	sshll.u32 s0, $0x7;
	s2 =	simm.s32 @!p0 $0x0  }
0x83: {  	s0 =	sand.u32 $0x1FFFFF80, s0;
	s1 =	ssub.s32 s1, s2  }
0x84: {  	s0 =	sadd.s32 s20, s0;
	s29 =	sshll.u32 s1, $0x7  }
0x85: {  	[tilespmem:s8], [sflag:$0x1] =	stream.strided.gather [hbm4b:s0+s4], $0x800, s26, s4, $0x38;
	[tilespmem:$0x14800] =	vst v63  }
0x86: {  	s0 =	sand.u32 $0x1FFFFF80, s29  }
0x87: {  	s0 =	sadd.s32 s17, s0  }
0x88: {  	[tilespmem:s30], [sflag:$0x2] =	stream.strided.gather [hbm4b:s0+s4], $0x800, s26, s4, $0x38;
	[tilespmem:$0x14800] =	vst v63  }
0x89: {  	s1 =	spop (v2sf)  }
0x8a: {  	s5 =	sshra.s32 s1, $0x1F  }
0x8b: {  	(v2sf) =	vpush v3, $0x4;
	s6 =	spop (v2sf);
	s0 =	sshrl.u32 s5, $0x19  }
0x8c: {  	[dreg:$0x1f] =	wrdreg s7;
	s8 =	sshra.s32 s6, $0x1F;
	s0 =	sadd.s32 s0, s1  }
0x8d: {  	s3 =	simm.s32 $0x1;
	(v2sf) =	vpush v2, $0x4;
	s2 =	sshrl.u32 s8, $0x19;
	s7 =	sand.u32 $0xFFFFFF80, s0  }
0x8e: {  	p3 =	slt.s32 s1, $0x1;
	s10 =	sadd.s32 s2, s6;
	p4 =	sne.s32 s1, s7  }
0x8f: {  	[smem:$0x7F7] =	sst s1;
	s2 =	sand.u32 $0xFFFFFF80, s10;
	p0 =	por !p3, !p4  }
0x90: {  	p5 =	slt.s32 s6, $0x1;
	p6 =	sne.s32 s6, s2;
	p0 =	por !p0, !p0  }
0x91: {  	s0 =	sshrl.u32 s0, $0x7;
	s3 =	simm.s32 @!p0 $0x0;
	p0 =	por !p5, !p6  }
0x92: {  	s2 =	simm.s32 $0x1;
	s0 =	ssub.s32 s0, s3;
	p0 =	por !p0, !p0  }
0x93: {  	s1 =	sshrl.u32 s10, $0x7;
	s0 =	sshll.u32 s0, $0x7;
	s2 =	simm.s32 @!p0 $0x0  }
0x94: {  	s0 =	sand.u32 $0x1FFFFF80, s0;
	s1 =	ssub.s32 s1, s2  }
0x95: {  	[smem:$0x7F6] =	sst s22;
	s0 =	sadd.s32 s20, s0;
	s22 =	sshll.u32 s1, $0x7  }
0x96: {  	[tilespmem:s9], [sflag:$0x1] =	stream.strided.gather [hbm4b:s0+s4], $0x800, s26, s4, $0x38;
	[tilespmem:$0x14800] =	vst v63  }
0x97: {  	s0 =	sand.u32 $0x1FFFFF80, s22  }
0x98: {  	s0 =	sadd.s32 s17, s0  }
0x99: {  	[tilespmem:s14], [sflag:$0x2] =	stream.strided.gather [hbm4b:s0+s4], $0x800, s26, s4, $0x38;
	[tilespmem:$0x14800] =	vst v63  }
0x9a: {  	s5 =	spop (v2sf)  }
0x9b: {  	s23 =	sshra.s32 s5, $0x1F  }
0x9c: {  	[smem:$0x7F8] =	sst s6;
	(v2sf) =	vpush v3, $0x5;
	s6 =	spop (v2sf);
	s0 =	sshrl.u32 s23, $0x19  }
0x9d: {  	s28 =	sshra.s32 s6, $0x1F;
	s0 =	sadd.s32 s0, s5  }
0x9e: {  	(v2sf) =	vpush v2, $0x5;
	s2 =	sshrl.u32 s28, $0x19;
	s25 =	sand.u32 $0xFFFFFF80, s0  }
0x9f: {  	p1 =	slt.s32 s5, $0x1;
	s29 =	sadd.s32 s2, s6;
	p2 =	sne.s32 s5, s25  }
0xa0: {  	s3 =	simm.s32 $0x1;
	s2 =	sand.u32 $0xFFFFFF80, s29;
	p0 =	por !p1, !p2  }
0xa1: {  	p3 =	slt.s32 s6, $0x1;
	p4 =	sne.s32 s6, s2;
	p0 =	por !p0, !p0  }
0xa2: {  	s0 =	sshrl.u32 s0, $0x7;
	s3 =	simm.s32 @!p0 $0x0;
	p0 =	por !p3, !p4  }
0xa3: {  	s2 =	simm.s32 $0x1;
	s0 =	ssub.s32 s0, s3;
	p0 =	por !p0, !p0  }
0xa4: {  	s1 =	sshrl.u32 s29, $0x7;
	s0 =	sshll.u32 s0, $0x7;
	s2 =	simm.s32 @!p0 $0x0  }
0xa5: {  	[smem:$0x7F9] =	sst s6;
	s0 =	sand.u32 $0x1FFFFF80, s0;
	s1 =	ssub.s32 s1, s2  }
0xa6: {  	s3 =	simm.s32 $0x2400;
	s0 =	sadd.s32 s20, s0;
	s6 =	sshll.u32 s1, $0x7  }
0xa7: {  	[tilespmem:s3], [sflag:$0x1] =	stream.strided.gather [hbm4b:s0+s4], $0x800, s26, s4, $0x38;
	[tilespmem:$0x14800] =	vst v63  }
0xa8: {  	s0 =	sand.u32 $0x1FFFFF80, s6  }
0xa9: {  	s0 =	sadd.s32 s17, s0  }
0xaa: {  	[tilespmem:s12], [sflag:$0x2] =	stream.strided.gather [hbm4b:s0+s4], $0x800, s26, s4, $0x38;
	[tilespmem:$0x14800] =	vst v63  }
0xab: {  	s7 =	spop (v2sf)  }
0xac: {  	s8 =	sshra.s32 s7, $0x1F  }
0xad: {  	(v2sf) =	vpush v3, $0x6;
	s9 =	spop (v2sf);
	s0 =	sshrl.u32 s8, $0x19  }
0xae: {  	s12 =	sshra.s32 s9, $0x1F;
	s0 =	sadd.s32 s0, s7  }
0xaf: {  	(v2sf) =	vpush v2, $0x6;
	s2 =	sshrl.u32 s12, $0x19;
	s10 =	sand.u32 $0xFFFFFF80, s0  }
0xb0: {  	p5 =	slt.s32 s7, $0x1;
	s14 =	sadd.s32 s2, s9;
	p6 =	sne.s32 s7, s10  }
0xb1: {  	s3 =	simm.s32 $0x1;
	s2 =	sand.u32 $0xFFFFFF80, s14;
	p0 =	por !p5, !p6  }
0xb2: {  	p2 =	slt.s32 s9, $0x1;
	p3 =	sne.s32 s9, s2;
	p0 =	por !p0, !p0  }
0xb3: {  	s0 =	sshrl.u32 s0, $0x7;
	s3 =	simm.s32 @!p0 $0x0;
	p0 =	por !p2, !p3  }
0xb4: {  	s2 =	simm.s32 $0x1;
	s0 =	ssub.s32 s0, s3;
	p0 =	por !p0, !p0  }
0xb5: {  	s1 =	sshrl.u32 s14, $0x7;
	s0 =	sshll.u32 s0, $0x7;
	s2 =	simm.s32 @!p0 $0x0  }
0xb6: {  	s0 =	sand.u32 $0x1FFFFF80, s0;
	s1 =	ssub.s32 s1, s2  }
0xb7: {  	s0 =	sadd.s32 s20, s0;
	s22 =	sshll.u32 s1, $0x7  }
0xb8: {  	[tilespmem:s13], [sflag:$0x1] =	stream.strided.gather [hbm4b:s0+s4], $0x800, s26, s4, $0x38;
	[tilespmem:$0x14800] =	vst v63  }
0xb9: {  	s0 =	sand.u32 $0x1FFFFF80, s22  }
0xba: {  	s0 =	sadd.s32 s17, s0  }
0xbb: {  	[tilespmem:s18], [sflag:$0x2] =	stream.strided.gather [hbm4b:s0+s4], $0x800, s26, s4, $0x38;
	[tilespmem:$0x14800] =	vst v63  }
0xbc: {  	s22 =	spop (v2sf)  }
0xbd: {  	s23 =	sshra.s32 s22, $0x1F  }
0xbe: {  	(v2sf) =	vpush v3, $0x7;
	s0 =	sshrl.u32 s23, $0x19;
	s23 =	spop (v2sf)  }
0xbf: {  	s0 =	sadd.s32 s0, s22;
	s28 =	sshra.s32 s23, $0x1F  }
0xc0: {  	(v2sf) =	vpush v2, $0x7;
	s25 =	sand.u32 $0xFFFFFF80, s0;
	s2 =	sshrl.u32 s28, $0x19  }
0xc1: {  	p4 =	slt.s32 s22, $0x1;
	p5 =	sne.s32 s22, s25;
	s29 =	sadd.s32 s2, s23  }
0xc2: {  	s3 =	simm.s32 $0x1;
	p0 =	por !p4, !p5;
	s2 =	sand.u32 $0xFFFFFF80, s29  }
0xc3: {  	p6 =	slt.s32 s23, $0x1;
	p0 =	por !p0, !p0;
	p2 =	sne.s32 s23, s2  }
0xc4: {  	s0 =	sshrl.u32 s0, $0x7;
	s3 =	simm.s32 @!p0 $0x0;
	p0 =	por !p6, !p2  }
0xc5: {  	s2 =	simm.s32 $0x1;
	s0 =	ssub.s32 s0, s3;
	p0 =	por !p0, !p0  }
0xc6: {  	s1 =	sshrl.u32 s29, $0x7;
	s0 =	sshll.u32 s0, $0x7;
	s2 =	simm.s32 @!p0 $0x0  }
0xc7: {  	s0 =	sand.u32 $0x1FFFFF80, s0;
	s1 =	ssub.s32 s1, s2  }
0xc8: {  	s0 =	sadd.s32 s20, s0;
	s3 =	sshll.u32 s1, $0x7  }
0xc9: {  	[tilespmem:s15], [sflag:$0x1] =	stream.strided.gather [hbm4b:s0+s4], $0x800, s26, s4, $0x38;
	[tilespmem:$0x14800] =	vst v63  }
0xca: {  	s0 =	sand.u32 $0x1FFFFF80, s3  }
0xcb: {  	s0 =	sadd.s32 s17, s0  }
0xcc: {  	[tilespmem:s16], [sflag:$0x2] =	stream.strided.gather [hbm4b:s0+s4], $0x800, s26, s4, $0x38;
	[tilespmem:$0x14800] =	vst v63  }
0xcd: {  	s28 =	spop (v2sf)  }
0xce: {  	s15 =	sshra.s32 s28, $0x1F  }
0xcf: {  	(v2sf) =	vpush v3, $0x8;
	s0 =	sshrl.u32 s15, $0x19;
	s16 =	spop (v2sf)  }
0xd0: {  	s0 =	sadd.s32 s0, s28;
	s25 =	sshra.s32 s16, $0x1F  }
0xd1: {  	[smem:$0x7FC] =	sst s23;
	s23 =	sand.u32 $0xFFFFFF80, s0;
	s2 =	sshrl.u32 s25, $0x19  }
0xd2: {  	p3 =	slt.s32 s28, $0x1;
	(v2sf) =	vpush v2, $0x8;
	p4 =	sne.s32 s28, s23;
	s29 =	sadd.s32 s2, s16  }
0xd3: {  	s3 =	simm.s32 $0x1;
	p0 =	por !p3, !p4;
	s2 =	sand.u32 $0xFFFFFF80, s29  }
0xd4: {  	p5 =	slt.s32 s16, $0x1;
	p0 =	por !p0, !p0;
	p6 =	sne.s32 s16, s2  }
0xd5: {  	s0 =	sshrl.u32 s0, $0x7;
	s3 =	simm.s32 @!p0 $0x0;
	p0 =	por !p5, !p6  }
0xd6: {  	s2 =	simm.s32 $0x1;
	s0 =	ssub.s32 s0, s3;
	p0 =	por !p0, !p0  }
0xd7: {  	s1 =	sshrl.u32 s29, $0x7;
	s0 =	sshll.u32 s0, $0x7;
	s2 =	simm.s32 @!p0 $0x0  }
0xd8: {  	s6 =	simm.s32 $0x3C00;
	s0 =	sand.u32 $0x1FFFFF80, s0;
	s1 =	ssub.s32 s1, s2  }
0xd9: {  	[smem:$0x7FD] =	sst s16;
	s0 =	sadd.s32 s20, s0;
	s16 =	sshll.u32 s1, $0x7  }
0xda: {  	[tilespmem:s6], [sflag:$0x1] =	stream.strided.gather [hbm4b:s0+s4], $0x800, s26, s4, $0x38;
	[tilespmem:$0x14800] =	vst v63  }
0xdb: {  	s0 =	sand.u32 $0x1FFFFF80, s16  }
0xdc: {  	[smem:$0x7FA] =	sst s7;
	s7 =	simm.s32 $0xBC00;
	s0 =	sadd.s32 s17, s0  }
0xdd: {  	[tilespmem:s7], [sflag:$0x2] =	stream.strided.gather [hbm4b:s0+s4], $0x800, s26, s4, $0x38;
	[tilespmem:$0x14800] =	vst v63  }
0xde: {  	s2 =	spop (v2sf)  }
0xdf: {  	(v2sf) =	vpush v3, $0x9;
	s23 =	sshra.s32 s2, $0x1F  }
0xe0: {  	s0 =	sshrl.u32 s23, $0x19  }
0xe1: {  	s29 =	spop (v2sf);
	s0 =	sadd.s32 s0, s2  }
0xe2: {  	(v2sf) =	vpush v2, $0x9;
	s6 =	sshra.s32 s29, $0x1F;
	s25 =	sand.u32 $0xFFFFFF80, s0  }
0xe3: {  	p1 =	slt.s32 s2, $0x1;
	s3 =	sshrl.u32 s6, $0x19;
	p2 =	sne.s32 s2, s25  }
0xe4: {  	p3 =	slt.s32 s29, $0x1;
	s7 =	sadd.s32 s3, s29;
	p0 =	por !p1, !p2  }
0xe5: {  	s6 =	simm.s32 $0x1;
	s3 =	sand.u32 $0xFFFFFF80, s7;
	p0 =	por !p0, !p0  }
0xe6: {  	s0 =	sshrl.u32 s0, $0x7;
	p4 =	sne.s32 s29, s3;
	s6 =	simm.s32 @!p0 $0x0  }
0xe7: {  	p0 =	por !p3, !p4;
	s0 =	ssub.s32 s0, s6  }
0xe8: {  	s3 =	simm.s32 $0x1;
	p0 =	por !p0, !p0;
	s0 =	sshll.u32 s0, $0x7  }
0xe9: {  	s1 =	sshrl.u32 s7, $0x7;
	s3 =	simm.s32 @!p0 $0x0;
	s0 =	sand.u32 $0x1FFFFF80, s0  }
0xea: {  	s8 =	simm.s32 $0x4400;
	s1 =	ssub.s32 s1, s3;
	s0 =	sadd.s32 s20, s0  }
0xeb: {  	[tilespmem:s8], [sflag:$0x1] =	stream.strided.gather [hbm4b:s0+s4], $0x800, s26, s4, $0x38;
	[tilespmem:$0x14800] =	vst v63  }
0xec: {  	s8 =	sshll.u32 s1, $0x7  }
0xed: {  	[smem:$0x7FB] =	sst s9;
	s0 =	sand.u32 $0x1FFFFF80, s8  }
0xee: {  	s9 =	simm.s32 $0xC400;
	s0 =	sadd.s32 s17, s0;
	s23 =	spop (v2sf)  }
0xef: {  	[tilespmem:s9], [sflag:$0x2] =	stream.strided.gather [hbm4b:s0+s4], $0x800, s26, s4, $0x38;
	[tilespmem:$0x14800] =	vst v63  }
0xf0: {  	s9 =	sshra.s32 s23, $0x1F  }
0xf1: {  	(v2sf) =	vpush v3, $0xA;
	s0 =	sshrl.u32 s9, $0x19;
	s3 =	spop (v2sf)  }
0xf2: {  	s0 =	sadd.s32 s0, s23;
	s16 =	sshra.s32 s3, $0x1F  }
0xf3: {  	(v2sf) =	vpush v2, $0xA;
	s15 =	sand.u32 $0xFFFFFF80, s0;
	s6 =	sshrl.u32 s16, $0x19  }
0xf4: {  	p5 =	slt.s32 s23, $0x1;
	p6 =	sne.s32 s23, s15;
	s25 =	sadd.s32 s6, s3  }
0xf5: {  	s7 =	simm.s32 $0x1;
	p0 =	por !p5, !p6;
	s6 =	sand.u32 $0xFFFFFF80, s25  }
0xf6: {  	p2 =	slt.s32 s3, $0x1;
	p0 =	por !p0, !p0;
	p3 =	sne.s32 s3, s6  }
0xf7: {  	s0 =	sshrl.u32 s0, $0x7;
	s7 =	simm.s32 @!p0 $0x0;
	p0 =	por !p2, !p3  }
0xf8: {  	s6 =	simm.s32 $0x1;
	s0 =	ssub.s32 s0, s7;
	p0 =	por !p0, !p0  }
0xf9: {  	s1 =	sshrl.u32 s25, $0x7;
	s0 =	sshll.u32 s0, $0x7;
	s6 =	simm.s32 @!p0 $0x0  }
0xfa: {  	s0 =	sand.u32 $0x1FFFFF80, s0;
	s1 =	ssub.s32 s1, s6  }
0xfb: {  	s10 =	simm.s32 $0x4C00;
	s0 =	sadd.s32 s20, s0;
	s8 =	sshll.u32 s1, $0x7  }
0xfc: {  	[tilespmem:s10], [sflag:$0x1] =	stream.strided.gather [hbm4b:s0+s4], $0x800, s26, s4, $0x38;
	[tilespmem:$0x14800] =	vst v63  }
0xfd: {  	s0 =	sand.u32 $0x1FFFFF80, s8  }
0xfe: {  	s12 =	simm.s32 $0xCC00;
	s0 =	sadd.s32 s17, s0  }
0xff: {  	[tilespmem:s12], [sflag:$0x2] =	stream.strided.gather [hbm4b:s0+s4], $0x800, s26, s4, $0x38;
	[tilespmem:$0x14800] =	vst v63  }
0x100: {  	s25 =	spop (v2sf)  }
0x101: {  	s9 =	sshra.s32 s25, $0x1F  }
0x102: {  	(v2sf) =	vpush v3, $0xB;
	s0 =	sshrl.u32 s9, $0x19;
	s8 =	spop (v2sf)  }
0x103: {  	s0 =	sadd.s32 s0, s25;
	s12 =	sshra.s32 s8, $0x1F  }
0x104: {  	(v2sf) =	vpush v2, $0xB;
	s10 =	sand.u32 $0xFFFFFF80, s0;
	s6 =	sshrl.u32 s12, $0x19  }
0x105: {  	p4 =	slt.s32 s25, $0x1;
	p5 =	sne.s32 s25, s10;
	s15 =	sadd.s32 s6, s8  }
0x106: {  	s7 =	simm.s32 $0x1;
	p0 =	por !p4, !p5;
	s6 =	sand.u32 $0xFFFFFF80, s15  }
0x107: {  	p6 =	slt.s32 s8, $0x1;
	p0 =	por !p0, !p0;
	p2 =	sne.s32 s8, s6  }
0x108: {  	s0 =	sshrl.u32 s0, $0x7;
	s7 =	simm.s32 @!p0 $0x0;
	p0 =	por !p6, !p2  }
0x109: {  	s6 =	simm.s32 $0x1;
	s0 =	ssub.s32 s0, s7;
	p0 =	por !p0, !p0  }
0x10a: {  	s1 =	sshrl.u32 s15, $0x7;
	s0 =	sshll.u32 s0, $0x7;
	s6 =	simm.s32 @!p0 $0x0  }
0x10b: {  	s0 =	sand.u32 $0x1FFFFF80, s0;
	s1 =	ssub.s32 s1, s6  }
0x10c: {  	s13 =	simm.s32 $0x5400;
	s0 =	sadd.s32 s20, s0;
	s16 =	sshll.u32 s1, $0x7  }
0x10d: {  	[tilespmem:s13], [sflag:$0x1] =	stream.strided.gather [hbm4b:s0+s4], $0x800, s26, s4, $0x38;
	[tilespmem:$0x14800] =	vst v63  }
0x10e: {  	s0 =	sand.u32 $0x1FFFFF80, s16  }
0x10f: {  	s14 =	simm.s32 $0xD400;
	s0 =	sadd.s32 s17, s0  }
0x110: {  	[tilespmem:s14], [sflag:$0x2] =	stream.strided.gather [hbm4b:s0+s4], $0x800, s26, s4, $0x38;
	[tilespmem:$0x14800] =	vst v63  }
0x111: {  	s6 =	spop (v2sf)  }
0x112: {  	s1 =	sshra.s32 s6, $0x1F  }
0x113: {  	(v2sf) =	vpush v3, $0xC;
	s0 =	sshrl.u32 s1, $0x19;
	s9 =	spop (v2sf)  }
0x114: {  	s0 =	sadd.s32 s0, s6;
	s7 =	sshra.s32 s9, $0x1F  }
0x115: {  	(v2sf) =	vpush v2, $0xC;
	s1 =	sshrl.u32 s7, $0x19;
	s10 =	sand.u32 $0xFFFFFF80, s0  }
0x116: {  	p4 =	slt.s32 s6, $0x1;
	p3 =	sne.s32 s6, s10;
	s1 =	sadd.s32 s1, s9  }
0x117: {  	p6 =	slt.s32 s9, $0x1;
	p0 =	por !p4, !p3;
	s12 =	sand.u32 $0xFFFFFF80, s1  }
0x118: {  	s7 =	simm.s32 $0x1;
	p5 =	sne.s32 s9, s12;
	p0 =	por !p0, !p0  }
0x119: {  	s0 =	sshrl.u32 s0, $0x7;
	s7 =	simm.s32 @!p0 $0x0;
	p0 =	por !p6, !p5  }
0x11a: {  	s0 =	ssub.s32 s0, s7;
	p0 =	por !p0, !p0;
	s7 =	simm.s32 $0x1  }
0x11b: {  	s1 =	sshrl.u32 s1, $0x7;
	s0 =	sshll.u32 s0, $0x7;
	s7 =	simm.s32 @!p0 $0x0  }
0x11c: {  	s0 =	sand.u32 $0x1FFFFF80, s0;
	s1 =	ssub.s32 s1, s7  }
0x11d: {  	s18 =	simm.s32 $0x5C00;
	s0 =	sadd.s32 s20, s0;
	s13 =	sshll.u32 s1, $0x7  }
0x11e: {  	[tilespmem:s18], [sflag:$0x1] =	stream.strided.gather [hbm4b:s0+s4], $0x800, s26, s4, $0x38;
	[tilespmem:$0x14800] =	vst v63  }
0x11f: {  	s0 =	sand.u32 $0x1FFFFF80, s13  }
0x120: {  	s30 =	simm.s32 $0xDC00;
	s0 =	sadd.s32 s17, s0  }
0x121: {  	[tilespmem:s30], [sflag:$0x2] =	stream.strided.gather [hbm4b:s0+s4], $0x800, s26, s4, $0x38;
	[tilespmem:$0x14800] =	vst v63  }
0x122: {  	s10 =	spop (v2sf)  }
0x123: {  	s14 =	sshra.s32 s10, $0x1F  }
0x124: {  	(v2sf) =	vpush v3, $0xD;
	s0 =	sshrl.u32 s14, $0x19;
	s7 =	spop (v2sf)  }
0x125: {  	s0 =	sadd.s32 s0, s10;
	s15 =	sshra.s32 s7, $0x1F  }
0x126: {  	(v2sf) =	vpush v2, $0xD;
	s1 =	sshrl.u32 s15, $0x19;
	s16 =	sand.u32 $0xFFFFFF80, s0  }
0x127: {  	p2 =	slt.s32 s10, $0x1;
	p1 =	sne.s32 s10, s16;
	s1 =	sadd.s32 s1, s7  }
0x128: {  	s12 =	simm.s32 $0x1;
	p0 =	por !p2, !p1;
	s18 =	sand.u32 $0xFFFFFF80, s1  }
0x129: {  	p4 =	slt.s32 s7, $0x1;
	p3 =	sne.s32 s7, s18;
	p0 =	por !p0, !p0  }
0x12a: {  	s0 =	sshrl.u32 s0, $0x7;
	s12 =	simm.s32 @!p0 $0x0;
	p0 =	por !p4, !p3  }
0x12b: {  	s0 =	ssub.s32 s0, s12;
	p0 =	por !p0, !p0;
	s12 =	simm.s32 $0x1  }
0x12c: {  	s1 =	sshrl.u32 s1, $0x7;
	s0 =	sshll.u32 s0, $0x7;
	s12 =	simm.s32 @!p0 $0x0  }
0x12d: {  	s0 =	sand.u32 $0x1FFFFF80, s0;
	s1 =	ssub.s32 s1, s12  }
0x12e: {  	s13 =	simm.s32 $0x6400;
	s0 =	sadd.s32 s20, s0;
	s14 =	sshll.u32 s1, $0x7  }
0x12f: {  	[tilespmem:s13], [sflag:$0x1] =	stream.strided.gather [hbm4b:s0+s4], $0x800, s26, s4, $0x38;
	[tilespmem:$0x14800] =	vst v63  }
0x130: {  	s0 =	sand.u32 $0x1FFFFF80, s14  }
0x131: {  	s15 =	simm.s32 $0xE400;
	s0 =	sadd.s32 s17, s0  }
0x132: {  	[tilespmem:s15], [sflag:$0x2] =	stream.strided.gather [hbm4b:s0+s4], $0x800, s26, s4, $0x38;
	[tilespmem:$0x14800] =	vst v63  }
0x133: {  	s13 =	spop (v2sf)  }
0x134: {  	s16 =	sshra.s32 s13, $0x1F  }
0x135: {  	(v2sf) =	vpush v3, $0xE;
	s0 =	sshrl.u32 s16, $0x19;
	s12 =	spop (v2sf)  }
0x136: {  	s0 =	sadd.s32 s0, s13;
	s18 =	sshra.s32 s12, $0x1F  }
0x137: {  	(v2sf) =	vpush v2, $0xE;
	s1 =	sshrl.u32 s18, $0x19;
	s14 =	sand.u32 $0xFFFFFF80, s0  }
0x138: {  	p6 =	slt.s32 s13, $0x1;
	p5 =	sne.s32 s13, s14;
	s1 =	sadd.s32 s1, s12  }
0x139: {  	s15 =	simm.s32 $0x1;
	p0 =	por !p6, !p5;
	s16 =	sand.u32 $0xFFFFFF80, s1  }
0x13a: {  	p3 =	slt.s32 s12, $0x1;
	p2 =	sne.s32 s12, s16;
	p0 =	por !p0, !p0  }
0x13b: {  	s0 =	sshrl.u32 s0, $0x7;
	s15 =	simm.s32 @!p0 $0x0;
	p0 =	por !p3, !p2  }
0x13c: {  	s0 =	ssub.s32 s0, s15;
	p0 =	por !p0, !p0;
	s15 =	simm.s32 $0x1  }
0x13d: {  	s1 =	sshrl.u32 s1, $0x7;
	s0 =	sshll.u32 s0, $0x7;
	s15 =	simm.s32 @!p0 $0x0  }
0x13e: {  	s0 =	sand.u32 $0x1FFFFF80, s0;
	s1 =	ssub.s32 s1, s15  }
0x13f: {  	s18 =	simm.s32 $0x6C00;
	s0 =	sadd.s32 s20, s0;
	s1 =	sshll.u32 s1, $0x7  }
0x140: {  	[tilespmem:s18], [sflag:$0x1] =	stream.strided.gather [hbm4b:s0+s4], $0x800, s26, s4, $0x38;
	[tilespmem:$0x14800] =	vst v63  }
0x141: {  	s0 =	sand.u32 $0x1FFFFF80, s1  }
0x142: {  	s14 =	simm.s32 $0xEC00;
	s0 =	sadd.s32 s17, s0  }
0x143: {  	[tilespmem:s14], [sflag:$0x2] =	stream.strided.gather [hbm4b:s0+s4], $0x800, s26, s4, $0x38;
	[tilespmem:$0x14800] =	vst v63  }
0x144: {  	s1 =	spop (v2sf)  }
0x145: {  	s15 =	sshra.s32 s1, $0x1F  }
0x146: {  	(v2sf) =	vpush v3, $0xF;
	s16 =	sshrl.u32 s15, $0x19;
	s0 =	spop (v2sf)  }
0x147: {  	s15 =	sadd.s32 s16, s1;
	s18 =	sshra.s32 s0, $0x1F  }
0x148: {  	(v2sf) =	vpush v2, $0xF;
	s16 =	sshrl.u32 s18, $0x19;
	s14 =	sand.u32 $0xFFFFFF80, s15  }
0x149: {  	p5 =	slt.s32 s1, $0x1;
	p4 =	sne.s32 s1, s14;
	s16 =	sadd.s32 s16, s0  }
0x14a: {  	p2 =	slt.s32 s0, $0x1;
	p0 =	por !p5, !p4;
	s14 =	sand.u32 $0xFFFFFF80, s16  }
0x14b: {  	s18 =	simm.s32 $0x1;
	p6 =	sne.s32 s0, s14;
	p0 =	por !p0, !p0  }
0x14c: {  	s15 =	sshrl.u32 s15, $0x7;
	s18 =	simm.s32 @!p0 $0x0;
	p0 =	por !p2, !p6  }
0x14d: {  	s15 =	ssub.s32 s15, s18;
	p0 =	por !p0, !p0;
	s18 =	simm.s32 $0x1  }
0x14e: {  	s16 =	sshrl.u32 s16, $0x7;
	s15 =	sshll.u32 s15, $0x7;
	s18 =	simm.s32 @!p0 $0x0  }
0x14f: {  	s15 =	sand.u32 $0x1FFFFF80, s15;
	s16 =	ssub.s32 s16, s18  }
0x150: {  	s18 =	simm.s32 $0x7400;
	s15 =	sadd.s32 s20, s15;
	s14 =	sshll.u32 s16, $0x7  }
0x151: {  	[tilespmem:s18], [sflag:$0x1] =	stream.strided.gather [hbm4b:s15+s4], $0x800, s26, s4, $0x38;
	[tilespmem:$0x14800] =	vst v63  }
0x152: {  	s15 =	sand.u32 $0x1FFFFF80, s14  }
0x153: {  	s16 =	simm.s32 $0xF400;
	s15 =	sadd.s32 s17, s15  }
0x154: {  	[tilespmem:s16], [sflag:$0x2] =	stream.strided.gather [hbm4b:s15+s4], $0x800, s26, s4, $0x38;
	[tilespmem:$0x14800] =	vst v63  }
0x155: {  	s16 =	spop (v2sf)  }
0x156: {  	s18 =	sshra.s32 s16, $0x1F  }
0x157: {  	s14 =	sshrl.u32 s18, $0x19;
	s15 =	spop (v2sf)  }
0x158: {  	s30 =	smov.u32 s17;
	s18 =	sadd.s32 s14, s16;
	s14 =	sshra.s32 s15, $0x1F  }
0x159: {  	s17 =	smov.u32 s20;
	s14 =	sshrl.u32 s14, $0x19;
	s20 =	sand.u32 $0xFFFFFF80, s18  }
0x15a: {  	p4 =	slt.s32 s16, $0x1;
	p3 =	sne.s32 s16, s20;
	s14 =	sadd.s32 s14, s15  }
0x15b: {  	p0 =	por !p4, !p3;
	s20 =	sand.u32 $0xFFFFFF80, s14  }
0x15c: {  	p5 =	sne.s32 s15, s20;
	p0 =	por !p0, !p0;
	s20 =	simm.s32 $0x1  }
0x15d: {  	p6 =	slt.s32 s15, $0x1;
	s18 =	sshrl.u32 s18, $0x7;
	s20 =	simm.s32 @!p0 $0x0  }
0x15e: {  	p0 =	por !p6, !p5;
	s18 =	ssub.s32 s18, s20  }
0x15f: {  	p0 =	por !p0, !p0;
	s20 =	simm.s32 $0x1;
	s18 =	sshll.u32 s18, $0x7  }
0x160: {  	s14 =	sshrl.u32 s14, $0x7;
	s20 =	simm.s32 @!p0 $0x0;
	s18 =	sand.u32 $0x1FFFFF80, s18  }
0x161: {  	s14 =	ssub.s32 s14, s20;
	s20 =	smov.u32 s17;
	s17 =	smov.u32 s30  }
0x162: {  	s30 =	simm.s32 $0x7C00;
	s18 =	sadd.s32 s20, s18;
	s14 =	sshll.u32 s14, $0x7  }
0x163: {  	[tilespmem:s30], [sflag:$0x1] =	stream.strided.gather [hbm4b:s18+s4], $0x800, s26, s4, $0x38;
	[tilespmem:$0x14800] =	vst v63  }
0x164: {  	s14 =	sand.u32 $0x1FFFFF80, s14  }
0x165: {  	s30 =	simm.s32 $0xFC00;
	s14 =	sadd.s32 s17, s14  }
0x166: {  	[tilespmem:s30], [sflag:$0x2] =	stream.strided.gather [hbm4b:s14+s4], $0x800, s26, s4, $0x38;
	[tilespmem:$0x14800] =	vst v63  }
0x167: {  	_ =	swait.ge [sflag:s31], $0x800  }
0x168: {  	[sflag:s31] =	ssyncset.done $0x0  }
0x169: {  	[sflag:s31] =	ssyncadd.s32 $0xFFFFF800  }
0x16a: {  	_ =	swait.ge [sflag:s21], $0x800  }
0x16b: {  	[sflag:s21] =	ssyncset.done $0x0  }
0x16c: {  	[sflag:s21] =	ssyncadd.s32 $0xFFFFF800  }
0x16d: {  	_ =	swait.ge [sflag:s31], $0x800  }
0x16e: {  	[sflag:s31] =	ssyncset.done $0x0  }
0x16f: {  	[sflag:s31] =	ssyncadd.s32 $0xFFFFF800  }
0x170: {  	_ =	swait.ge [sflag:s21], $0x800  }
0x171: {  	[sflag:s21] =	ssyncset.done $0x0  }
0x172: {  	[sflag:s21] =	ssyncadd.s32 $0xFFFFF800  }
0x173: {  	_ =	swait.ge [sflag:s31], $0x800  }
0x174: {  	[sflag:s31] =	ssyncset.done $0x0  }
0x175: {  	[sflag:s31] =	ssyncadd.s32 $0xFFFFF800  }
0x176: {  	_ =	swait.ge [sflag:s21], $0x800  }
0x177: {  	[sflag:s21] =	ssyncset.done $0x0  }
0x178: {  	[sflag:s21] =	ssyncadd.s32 $0xFFFFF800  }
0x179: {  	_ =	swait.ge [sflag:s31], $0x800  }
0x17a: {  	[sflag:s31] =	ssyncset.done $0x0  }
0x17b: {  	[sflag:s31] =	ssyncadd.s32 $0xFFFFF800  }
0x17c: {  	_ =	swait.ge [sflag:s21], $0x800  }
0x17d: {  	[sflag:s21] =	ssyncset.done $0x0  }
0x17e: {  	[sflag:s21] =	ssyncadd.s32 $0xFFFFF800  }
0x17f: {  	_ =	swait.ge [sflag:s31], $0x800  }
0x180: {  	[sflag:s31] =	ssyncset.done $0x0  }
0x181: {  	[sflag:s31] =	ssyncadd.s32 $0xFFFFF800  }
0x182: {  	_ =	swait.ge [sflag:s21], $0x800  }
0x183: {  	[sflag:s21] =	ssyncset.done $0x0  }
0x184: {  	[sflag:s21] =	ssyncadd.s32 $0xFFFFF800  }
0x185: {  	_ =	swait.ge [sflag:s31], $0x800  }
0x186: {  	[sflag:s31] =	ssyncset.done $0x0  }
0x187: {  	[sflag:s31] =	ssyncadd.s32 $0xFFFFF800  }
0x188: {  	_ =	swait.ge [sflag:s21], $0x800  }
0x189: {  	[sflag:s21] =	ssyncset.done $0x0  }
0x18a: {  	[sflag:s21] =	ssyncadd.s32 $0xFFFFF800  }
0x18b: {  	_ =	swait.ge [sflag:s31], $0x800  }
0x18c: {  	[sflag:s31] =	ssyncset.done $0x0  }
0x18d: {  	[sflag:s31] =	ssyncadd.s32 $0xFFFFF800  }
0x18e: {  	_ =	swait.ge [sflag:s21], $0x800  }
0x18f: {  	[sflag:s21] =	ssyncset.done $0x0  }
0x190: {  	[sflag:s21] =	ssyncadd.s32 $0xFFFFF800  }
0x191: {  	_ =	swait.ge [sflag:s31], $0x800  }
0x192: {  	[sflag:s31] =	ssyncset.done $0x0  }
0x193: {  	[sflag:s31] =	ssyncadd.s32 $0xFFFFF800  }
0x194: {  	_ =	swait.ge [sflag:s21], $0x800  }
0x195: {  	[sflag:s21] =	ssyncset.done $0x0  }
0x196: {  	[sflag:s21] =	ssyncadd.s32 $0xFFFFF800  }
0x197: {  	_ =	swait.ge [sflag:s31], $0x800  }
0x198: {  	[sflag:s31] =	ssyncset.done $0x0  }
0x199: {  	[sflag:s31] =	ssyncadd.s32 $0xFFFFF800  }
0x19a: {  	_ =	swait.ge [sflag:s21], $0x800  }
0x19b: {  	[sflag:s21] =	ssyncset.done $0x0  }
0x19c: {  	[sflag:s21] =	ssyncadd.s32 $0xFFFFF800  }
0x19d: {  	_ =	swait.ge [sflag:s31], $0x800  }
0x19e: {  	[sflag:s31] =	ssyncset.done $0x0  }
0x19f: {  	[sflag:s31] =	ssyncadd.s32 $0xFFFFF800  }
0x1a0: {  	_ =	swait.ge [sflag:s21], $0x800  }
0x1a1: {  	[sflag:s21] =	ssyncset.done $0x0  }
0x1a2: {  	[sflag:s21] =	ssyncadd.s32 $0xFFFFF800  }
0x1a3: {  	_ =	swait.ge [sflag:s31], $0x800  }
0x1a4: {  	[sflag:s31] =	ssyncset.done $0x0  }
0x1a5: {  	[sflag:s31] =	ssyncadd.s32 $0xFFFFF800  }
0x1a6: {  	_ =	swait.ge [sflag:s21], $0x800  }
0x1a7: {  	[sflag:s21] =	ssyncset.done $0x0  }
0x1a8: {  	[sflag:s21] =	ssyncadd.s32 $0xFFFFF800  }
0x1a9: {  	_ =	swait.ge [sflag:s31], $0x800  }
0x1aa: {  	[sflag:s31] =	ssyncset.done $0x0  }
0x1ab: {  	[sflag:s31] =	ssyncadd.s32 $0xFFFFF800  }
0x1ac: {  	_ =	swait.ge [sflag:s21], $0x800  }
0x1ad: {  	[sflag:s21] =	ssyncset.done $0x0  }
0x1ae: {  	[sflag:s21] =	ssyncadd.s32 $0xFFFFF800  }
0x1af: {  	_ =	swait.ge [sflag:s31], $0x800  }
0x1b0: {  	[sflag:s31] =	ssyncset.done $0x0  }
0x1b1: {  	[sflag:s31] =	ssyncadd.s32 $0xFFFFF800  }
0x1b2: {  	_ =	swait.ge [sflag:s21], $0x800  }
0x1b3: {  	[sflag:s21] =	ssyncset.done $0x0  }
0x1b4: {  	[sflag:s21] =	ssyncadd.s32 $0xFFFFF800  }
0x1b5: {  	_ =	swait.ge [sflag:s31], $0x800  }
0x1b6: {  	[sflag:s31] =	ssyncset.done $0x0  }
0x1b7: {  	[sflag:s31] =	ssyncadd.s32 $0xFFFFF800  }
0x1b8: {  	_ =	swait.ge [sflag:s21], $0x800  }
0x1b9: {  	[sflag:s21] =	ssyncset.done $0x0  }
0x1ba: {  	[sflag:s21] =	ssyncadd.s32 $0xFFFFF800  }
0x1bb: {  	_ =	swait.ge [sflag:s31], $0x800  }
0x1bc: {  	[sflag:s31] =	ssyncset.done $0x0  }
0x1bd: {  	[sflag:s31] =	ssyncadd.s32 $0xFFFFF800  }
0x1be: {  	_ =	swait.ge [sflag:s21], $0x800  }
0x1bf: {  	[sflag:s21] =	ssyncset.done $0x0  }
0x1c0: {  	[sflag:s21] =	ssyncadd.s32 $0xFFFFF800  }
0x1c1: {  	s24 =	sand.u32 $0x7F, s24;
	_ =	swait.ge [sflag:s31], $0x800  }
0x1c2: {  	v2 =	vor.u32 s24, v0;
	[sflag:s31] =	ssyncset.done $0x0  }
0x1c3: {  	v3 =	vmov s11;
	[sflag:s31] =	ssyncadd.s32 $0xFFFFF800  }
0x1c4: {  	v4 =	vshll.u32 v3, $0x3;
	_ =	swait.ge [sflag:s21], $0x800  }
0x1c5: {  	v3 =	vand.u32 $0x70, v3;
	v4 =	vand.u32 $0xC00, v4;
	[sflag:s21] =	ssyncset.done $0x0  }
0x1c6: {  	v3 =	vor.u32 v4, v3;
	[sflag:s21] =	ssyncadd.s32 $0xFFFFF800  }
0x1c7: {  	s24 =	sand.u32 $0x7F, s19;
	v3 =	vor.u32 v1, v3;
	v2 =	vld.idx.msk [tilespmem:v2+s4+$0x0], $0xffff  }
0x1c8: {  	v32 =	vor.u32 s24, v0;
	_ =	sdelay $0x2  }
0x1c9: {  	s24 =	simm.s32 $0x10400  }
0x1ca: {  	s18 =	simm.s32 $0x8400;
	[tilespmem:v3+s24+$0x0] =	vst.idx.msk $0xffff, v2  }
0x1cb: {  	v2 =	vld.idx.msk [tilespmem:v32+s18+$0x0], $0xffff;
	s18 =	rddreg [dreg:$0x1d]  }
0x1cc: {  	s14 =	sand.u32 $0x7F, s18  }
0x1cd: {  	s19 =	sadd.s32 $0x1, s11;
	v33 =	vor.u32 s14, v0  }
0x1ce: {  	v5 =	vmov s19  }
0x1cf: {  	v6 =	vshll.u32 v5, $0x3  }
0x1d0: {  	s19 =	simm.s32 $0x12400;
	v5 =	vand.u32 $0x71, v5;
	v6 =	vand.u32 $0xC00, v6;
	s18 =	rddreg [dreg:$0x1e]  }
0x1d1: {  	s14 =	sand.u32 $0x7F, s18;
	s18 =	simm.s32 $0xC00;
	[tilespmem:v3+s19+$0x0] =	vst.idx.msk $0xffff, v2;
	v2 =	vor.u32 v6, v5  }
0x1d2: {  	v2 =	vor.u32 v1, v2;
	v3 =	vld.idx.msk [tilespmem:v33+s18+$0x0], $0xffff  }
0x1d3: {  	v34 =	vor.u32 s14, v0;
	_ =	sdelay $0x3  }
0x1d4: {  	s18 =	simm.s32 $0x8C00;
	[tilespmem:v2+s24+$0x0] =	vst.idx.msk $0xffff, v3  }
0x1d5: {  	v3 =	vld.idx.msk [tilespmem:v34+s18+$0x0], $0xffff;
	s18 =	rddreg [dreg:$0x1f]  }
0x1d6: {  	s14 =	sand.u32 $0x7F, s18  }
0x1d7: {  	s18 =	sadd.s32 $0x2, s11;
	v35 =	vor.u32 s14, v0  }
0x1d8: {  	v36 =	vmov s18  }
0x1d9: {  	s18 =	sld [smem:$0x7F6];
	v37 =	vshll.u32 v36, $0x3  }
0x1da: {  	v5 =	vand.u32 $0x72, v36;
	v6 =	vand.u32 $0xC00, v37  }
0x1db: {  	s30 =	simm.s32 $0x1400;
	[tilespmem:v2+s19+$0x0] =	vst.idx.msk $0xffff, v3;
	v2 =	vor.u32 v6, v5  }
0x1dc: {  	s14 =	sand.u32 $0x7F, s18;
	v2 =	vor.u32 v1, v2;
	v3 =	vld.idx.msk [tilespmem:v35+s30+$0x0], $0xffff  }
0x1dd: {  	v38 =	vor.u32 s14, v0;
	_ =	sdelay $0x1  }
0x1de: {  	s18 =	sld [smem:$0x7F7];
	_ =	sdelay $0x1  }
0x1df: {  	s30 =	simm.s32 $0x9400;
	[tilespmem:v2+s24+$0x0] =	vst.idx.msk $0xffff, v3  }
0x1e0: {  	s14 =	sand.u32 $0x7F, s18;
	v3 =	vld.idx.msk [tilespmem:v38+s30+$0x0], $0xffff  }
0x1e1: {  	s18 =	sadd.s32 $0x3, s11;
	v39 =	vor.u32 s14, v0  }
0x1e2: {  	v40 =	vmov s18;
	s18 =	sld [smem:$0x7F8]  }
0x1e3: {  	v41 =	vshll.u32 v40, $0x3  }
0x1e4: {  	v5 =	vand.u32 $0x73, v40;
	v6 =	vand.u32 $0xC00, v41  }
0x1e5: {  	s14 =	sand.u32 $0x7F, s18;
	s18 =	simm.s32 $0x1C00;
	[tilespmem:v2+s19+$0x0] =	vst.idx.msk $0xffff, v3;
	v2 =	vor.u32 v6, v5  }
0x1e6: {  	v3 =	vld.idx.msk [tilespmem:v39+s18+$0x0], $0xffff;
	v2 =	vor.u32 v1, v2  }
0x1e7: {  	v42 =	vor.u32 s14, v0;
	_ =	sdelay $0x3  }
0x1e8: {  	s14 =	simm.s32 $0x9C00;
	[tilespmem:v2+s24+$0x0] =	vst.idx.msk $0xffff, v3  }
0x1e9: {  	s5 =	sand.u32 $0x7F, s5;
	v3 =	vld.idx.msk [tilespmem:v42+s14+$0x0], $0xffff  }
0x1ea: {  	v43 =	vor.u32 s5, v0;
	s5 =	sadd.s32 $0x4, s11  }
0x1eb: {  	v44 =	vmov s5  }
0x1ec: {  	v45 =	vshll.u32 v44, $0x3;
	s5 =	sld [smem:$0x7F9]  }
0x1ed: {  	v5 =	vand.u32 $0x74, v44;
	v6 =	vand.u32 $0xC00, v45  }
0x1ee: {  	s18 =	simm.s32 $0x2400;
	[tilespmem:v2+s19+$0x0] =	vst.idx.msk $0xffff, v3;
	v2 =	vor.u32 v6, v5  }
0x1ef: {  	s5 =	sand.u32 $0x7F, s5;
	v3 =	vld.idx.msk [tilespmem:v43+s18+$0x0], $0xffff;
	v2 =	vor.u32 v1, v2  }
0x1f0: {  	v46 =	vor.u32 s5, v0;
	_ =	sdelay $0x3  }
0x1f1: {  	s18 =	simm.s32 $0xA400;
	[tilespmem:v2+s24+$0x0] =	vst.idx.msk $0xffff, v3  }
0x1f2: {  	v3 =	vld.idx.msk [tilespmem:v46+s18+$0x0], $0xffff;
	s18 =	sld [smem:$0x7FA];
	_ =	sdelay $0x2  }
0x1f3: {  	s5 =	sand.u32 $0x7F, s18  }
0x1f4: {  	s18 =	sadd.s32 $0x5, s11;
	v47 =	vor.u32 s5, v0  }
0x1f5: {  	v48 =	vmov s18;
	s18 =	sld [smem:$0x7FB]  }
0x1f6: {  	v49 =	vshll.u32 v48, $0x3  }
0x1f7: {  	v5 =	vand.u32 $0x75, v48;
	v6 =	vand.u32 $0xC00, v49  }
0x1f8: {  	[tilespmem:v2+s19+$0x0] =	vst.idx.msk $0xffff, v3;
	v2 =	vor.u32 v6, v5;
	s5 =	sand.u32 $0x7F, s18;
	s18 =	simm.s32 $0x2C00  }
0x1f9: {  	v2 =	vor.u32 v1, v2;
	v3 =	vld.idx.msk [tilespmem:v47+s18+$0x0], $0xffff  }
0x1fa: {  	v50 =	vor.u32 s5, v0;
	_ =	sdelay $0x3  }
0x1fb: {  	s18 =	simm.s32 $0xAC00;
	[tilespmem:v2+s24+$0x0] =	vst.idx.msk $0xffff, v3  }
0x1fc: {  	s22 =	sand.u32 $0x7F, s22;
	v3 =	vld.idx.msk [tilespmem:v50+s18+$0x0], $0xffff  }
0x1fd: {  	v51 =	vor.u32 s22, v0;
	s22 =	sadd.s32 $0x6, s11  }
0x1fe: {  	v52 =	vmov s22;
	s22 =	sld [smem:$0x7FC]  }
0x1ff: {  	v53 =	vshll.u32 v52, $0x3  }
0x200: {  	v5 =	vand.u32 $0x76, v52;
	v6 =	vand.u32 $0xC00, v53  }
0x201: {  	s5 =	sand.u32 $0x7F, s22;
	s22 =	simm.s32 $0x3400;
	[tilespmem:v2+s19+$0x0] =	vst.idx.msk $0xffff, v3;
	v2 =	vor.u32 v6, v5  }
0x202: {  	v3 =	vld.idx.msk [tilespmem:v51+s22+$0x0], $0xffff;
	v2 =	vor.u32 v1, v2  }
0x203: {  	v54 =	vor.u32 s5, v0;
	_ =	sdelay $0x3  }
0x204: {  	s5 =	simm.s32 $0xB400;
	[tilespmem:v2+s24+$0x0] =	vst.idx.msk $0xffff, v3  }
0x205: {  	s28 =	sand.u32 $0x7F, s28;
	v3 =	vld.idx.msk [tilespmem:v54+s5+$0x0], $0xffff  }
0x206: {  	v55 =	vor.u32 s28, v0;
	s28 =	sadd.s32 $0x7, s11  }
0x207: {  	v56 =	vmov s28  }
0x208: {  	v57 =	vshll.u32 v56, $0x3;
	s28 =	sld [smem:$0x7FD]  }
0x209: {  	v5 =	vand.u32 $0x77, v56;
	v6 =	vand.u32 $0xC00, v57  }
0x20a: {  	s22 =	simm.s32 $0x3C00;
	[tilespmem:v2+s19+$0x0] =	vst.idx.msk $0xffff, v3;
	v2 =	vor.u32 v6, v5  }
0x20b: {  	s5 =	sand.u32 $0x7F, s28;
	v3 =	vld.idx.msk [tilespmem:v55+s22+$0x0], $0xffff;
	v2 =	vor.u32 v1, v2  }
0x20c: {  	v58 =	vor.u32 s5, v0;
	_ =	sdelay $0x3  }
0x20d: {  	s28 =	simm.s32 $0xBC00;
	[tilespmem:v2+s24+$0x0] =	vst.idx.msk $0xffff, v3  }
0x20e: {  	s2 =	sand.u32 $0x7F, s2;
	v3 =	vld.idx.msk [tilespmem:v58+s28+$0x0], $0xffff  }
0x20f: {  	v59 =	vor.u32 s2, v0;
	s28 =	sadd.s32 $0x8, s11  }
0x210: {  	v60 =	vmov s28  }
0x211: {  	v61 =	vshll.u32 v60, $0x3  }
0x212: {  	v5 =	vand.u32 $0x78, v60;
	v6 =	vand.u32 $0xC00, v61  }
0x213: {  	s5 =	simm.s32 $0x4400;
	[tilespmem:v2+s19+$0x0] =	vst.idx.msk $0xffff, v3;
	v2 =	vor.u32 v6, v5  }
0x214: {  	s28 =	sand.u32 $0x7F, s29;
	v3 =	vld.idx.msk [tilespmem:v59+s5+$0x0], $0xffff;
	v2 =	vor.u32 v1, v2  }
0x215: {  	v62 =	vor.u32 s28, v0;
	_ =	sdelay $0x3  }
0x216: {  	s22 =	simm.s32 $0xC400;
	[tilespmem:v2+s24+$0x0] =	vst.idx.msk $0xffff, v3  }
0x217: {  	s29 =	sand.u32 $0x7F, s23;
	v3 =	vld.idx.msk [tilespmem:v62+s22+$0x0], $0xffff  }
0x218: {  	s23 =	sadd.s32 $0x9, s11;
	v63 =	vor.u32 s29, v0  }
0x219: {  	v9 =	vmov s23  }
0x21a: {  	v10 =	vshll.u32 v9, $0x3  }
0x21b: {  	v5 =	vand.u32 $0x79, v9;
	v6 =	vand.u32 $0xC00, v10  }
0x21c: {  	s5 =	simm.s32 $0x4C00;
	[tilespmem:v2+s19+$0x0] =	vst.idx.msk $0xffff, v3;
	v2 =	vor.u32 v6, v5  }
0x21d: {  	s28 =	sand.u32 $0x7F, s3;
	v3 =	vld.idx.msk [tilespmem:v63+s5+$0x0], $0xffff;
	v2 =	vor.u32 v1, v2  }
0x21e: {  	v11 =	vor.u32 s28, v0;
	_ =	sdelay $0x3  }
0x21f: {  	s22 =	simm.s32 $0xCC00;
	[tilespmem:v2+s24+$0x0] =	vst.idx.msk $0xffff, v3  }
0x220: {  	s23 =	sand.u32 $0x7F, s25;
	v3 =	vld.idx.msk [tilespmem:v11+s22+$0x0], $0xffff  }
0x221: {  	s25 =	sadd.s32 $0xA, s11;
	v12 =	vor.u32 s23, v0  }
0x222: {  	v13 =	vmov s25  }
0x223: {  	v14 =	vshll.u32 v13, $0x3  }
0x224: {  	v5 =	vand.u32 $0x7A, v13;
	v6 =	vand.u32 $0xC00, v14  }
0x225: {  	s29 =	simm.s32 $0x5400;
	[tilespmem:v2+s19+$0x0] =	vst.idx.msk $0xffff, v3;
	v2 =	vor.u32 v6, v5  }
0x226: {  	s28 =	sand.u32 $0x7F, s8;
	v3 =	vld.idx.msk [tilespmem:v12+s29+$0x0], $0xffff;
	v2 =	vor.u32 v1, v2  }
0x227: {  	v15 =	vor.u32 s28, v0;
	_ =	sdelay $0x3  }
0x228: {  	s5 =	simm.s32 $0xD400;
	[tilespmem:v2+s24+$0x0] =	vst.idx.msk $0xffff, v3  }
0x229: {  	s29 =	sand.u32 $0x7F, s6;
	v3 =	vld.idx.msk [tilespmem:v15+s5+$0x0], $0xffff  }
0x22a: {  	s3 =	sadd.s32 $0xB, s11;
	v16 =	vor.u32 s29, v0  }
0x22b: {  	v17 =	vmov s3  }
0x22c: {  	v18 =	vshll.u32 v17, $0x3  }
0x22d: {  	v5 =	vand.u32 $0x7B, v17;
	v6 =	vand.u32 $0xC00, v18  }
0x22e: {  	s22 =	simm.s32 $0x5C00;
	[tilespmem:v2+s19+$0x0] =	vst.idx.msk $0xffff, v3;
	v2 =	vor.u32 v6, v5  }
0x22f: {  	s5 =	sand.u32 $0x7F, s9;
	v3 =	vld.idx.msk [tilespmem:v16+s22+$0x0], $0xffff;
	v2 =	vor.u32 v1, v2  }
0x230: {  	v19 =	vor.u32 s5, v0;
	_ =	sdelay $0x3  }
0x231: {  	s25 =	simm.s32 $0xDC00;
	[tilespmem:v2+s24+$0x0] =	vst.idx.msk $0xffff, v3  }
0x232: {  	s28 =	sand.u32 $0x7F, s10;
	v3 =	vld.idx.msk [tilespmem:v19+s25+$0x0], $0xffff  }
0x233: {  	v20 =	vor.u32 s28, v0;
	s29 =	sadd.s32 $0xC, s11  }
0x234: {  	v21 =	vmov s29  }
0x235: {  	v22 =	vshll.u32 v21, $0x3  }
0x236: {  	v5 =	vand.u32 $0x7C, v21;
	v6 =	vand.u32 $0xC00, v22  }
0x237: {  	s23 =	simm.s32 $0x6400;
	[tilespmem:v2+s19+$0x0] =	vst.idx.msk $0xffff, v3;
	v2 =	vor.u32 v6, v5  }
0x238: {  	s3 =	sand.u32 $0x7F, s7;
	v3 =	vld.idx.msk [tilespmem:v20+s23+$0x0], $0xffff;
	v2 =	vor.u32 v1, v2  }
0x239: {  	v23 =	vor.u32 s3, v0;
	_ =	sdelay $0x3  }
0x23a: {  	s6 =	simm.s32 $0xE400;
	[tilespmem:v2+s24+$0x0] =	vst.idx.msk $0xffff, v3  }
0x23b: {  	v3 =	vld.idx.msk [tilespmem:v23+s6+$0x0], $0xffff;
	s6 =	sand.u32 $0x7F, s13  }
0x23c: {  	s10 =	sadd.s32 $0xD, s11;
	v24 =	vor.u32 s6, v0  }
0x23d: {  	v25 =	vmov s10  }
0x23e: {  	v26 =	vshll.u32 v25, $0x3  }
0x23f: {  	v5 =	vand.u32 $0x7D, v25;
	v6 =	vand.u32 $0xC00, v26  }
0x240: {  	s22 =	simm.s32 $0x6C00;
	[tilespmem:v2+s19+$0x0] =	vst.idx.msk $0xffff, v3;
	v2 =	vor.u32 v6, v5  }
0x241: {  	s23 =	sand.u32 $0x7F, s12;
	v3 =	vld.idx.msk [tilespmem:v24+s22+$0x0], $0xffff;
	v2 =	vor.u32 v1, v2  }
0x242: {  	v27 =	vor.u32 s23, v0;
	_ =	sdelay $0x3  }
0x243: {  	s29 =	simm.s32 $0xEC00;
	[tilespmem:v2+s24+$0x0] =	vst.idx.msk $0xffff, v3  }
0x244: {  	s1 =	sand.u32 $0x7F, s1;
	v3 =	vld.idx.msk [tilespmem:v27+s29+$0x0], $0xffff  }
0x245: {  	v28 =	vor.u32 s1, v0;
	s3 =	sadd.s32 $0xE, s11  }
0x246: {  	v29 =	vmov s3  }
0x247: {  	v30 =	vshll.u32 v29, $0x3  }
0x248: {  	v5 =	vand.u32 $0x7E, v29;
	v6 =	vand.u32 $0xC00, v30  }
0x249: {  	s28 =	simm.s32 $0x7400;
	[tilespmem:v2+s19+$0x0] =	vst.idx.msk $0xffff, v3;
	v2 =	vor.u32 v6, v5  }
0x24a: {  	s0 =	sand.u32 $0x7F, s0;
	v3 =	vld.idx.msk [tilespmem:v28+s28+$0x0], $0xffff;
	v2 =	vor.u32 v1, v2  }
0x24b: {  	v31 =	vor.u32 s0, v0;
	_ =	sdelay $0x3  }
0x24c: {  	s25 =	simm.s32 $0xF400;
	[tilespmem:v2+s24+$0x0] =	vst.idx.msk $0xffff, v3  }
0x24d: {  	s6 =	sand.u32 $0x7F, s16;
	v3 =	vld.idx.msk [tilespmem:v31+s25+$0x0], $0xffff  }
0x24e: {  	s23 =	sadd.s32 $0xF, s11;
	v32 =	vor.u32 s6, v0  }
0x24f: {  	v33 =	vmov s23  }
0x250: {  	v34 =	vshll.u32 v33, $0x3  }
0x251: {  	v5 =	vand.u32 $0x7F, v33;
	v6 =	vand.u32 $0xC00, v34  }
0x252: {  	s10 =	simm.s32 $0x7C00;
	[tilespmem:v2+s19+$0x0] =	vst.idx.msk $0xffff, v3;
	v2 =	vor.u32 v6, v5  }
0x253: {  	s25 =	sand.u32 $0x7F, s15;
	v3 =	vld.idx.msk [tilespmem:v32+s10+$0x0], $0xffff;
	v2 =	vor.u32 v1, v2  }
0x254: {  	v35 =	vor.u32 s25, v0;
	_ =	sdelay $0x3  }
0x255: {  	s22 =	simm.s32 $0xFC00;
	[tilespmem:v2+s24+$0x0] =	vst.idx.msk $0xffff, v3  }
0x256: {  	v3 =	vld.idx.msk [tilespmem:v35+s22+$0x0], $0xffff;
	_ =	sdelay $0x4  }
0x257: {  	[tilespmem:v2+s19+$0x0] =	vst.idx.msk $0xffff, v3;
	s19 =	rddreg [dreg:$0x1c]  }
0x258: {  	s28 =	sand.u32 $0x70, s11;
	s10 =	rddreg [dreg:$0x19];
	s29 =	sand.u32 $0xC00, s19  }
0x259: {  	v2 =	vld [tilespmem:s10+$0x0];
	s0 =	sor.u32 s28, s29  }
0x25a: {  	v3 =	vld [tilespmem:s0+$0x10400]  }
0x25b: {  	v36 =	vld [tilespmem:s0+$0x12400]  }
0x25c: {  	v37 =	vld [tilespmem:s0+$0x10480]  }
0x25d: {  	s2 =	sand.u32 $0xFFFFFC00, s19;
	v38 =	vld [tilespmem:s0+$0x12480]  }
0x25e: {  	s1 =	sadd.s32 s2, s11;
	v7 =	vld [tilespmem:s0+$0x10500]  }
0x25f: {  	v8 =	vld [tilespmem:s0+$0x12500];
	s3 =	sor.u32 $0x180, s1  }
0x260: {  	v39 =	vld [tilespmem:s3+$0x10400];
	v3 =	vmul.f32 v36, v3  }
0x261: {  	v9 =	vld [tilespmem:s3+$0x12400]  }
0x262: {  	v40 =	vld [tilespmem:s0+$0x10600];
	v2 =	vadd.f32 v3, v2;
	v3 =	vmul.f32 v38, v37  }
0x263: {  	v41 =	vld [tilespmem:s0+$0x12600]  }
0x264: {  	v42 =	vld [tilespmem:s0+$0x10680];
	v2 =	vadd.f32 v3, v2;
	v3 =	vmul.f32 v8, v7  }
0x265: {  	v43 =	vld [tilespmem:s0+$0x12680]  }
0x266: {  	s23 =	sor.u32 s11, s19;
	v44 =	vld [tilespmem:s0+$0x10700];
	v2 =	vadd.f32 v3, v2;
	v3 =	vmul.f32 v9, v39  }
0x267: {  	s24 =	sor.u32 $0x380, s23;
	v45 =	vld [tilespmem:s0+$0x12700]  }
0x268: {  	v46 =	vld [tilespmem:s24+$0x10400];
	v2 =	vadd.f32 v3, v2;
	v3 =	vmul.f32 v41, v40  }
0x269: {  	v47 =	vld [tilespmem:s24+$0x12400]  }
0x26a: {  	v48 =	vld [tilespmem:s0+$0x11400];
	v2 =	vadd.f32 v3, v2;
	v3 =	vmul.f32 v43, v42  }
0x26b: {  	v49 =	vld [tilespmem:s0+$0x13400]  }
0x26c: {  	v50 =	vld [tilespmem:s0+$0x11480];
	v2 =	vadd.f32 v3, v2;
	v3 =	vmul.f32 v45, v44  }
0x26d: {  	v51 =	vld [tilespmem:s0+$0x13480]  }
0x26e: {  	v52 =	vld [tilespmem:s0+$0x11500];
	v2 =	vadd.f32 v3, v2;
	v3 =	vmul.f32 v47, v46  }
0x26f: {  	v53 =	vld [tilespmem:s0+$0x13500];
	s1 =	sor.u32 $0x1180, s1  }
0x270: {  	v54 =	vld [tilespmem:s1+$0x10400];
	v2 =	vadd.f32 v3, v2;
	v3 =	vmul.f32 v49, v48  }
0x271: {  	v55 =	vld [tilespmem:s1+$0x12400]  }
0x272: {  	v56 =	vld [tilespmem:s0+$0x11600];
	v2 =	vadd.f32 v3, v2;
	v3 =	vmul.f32 v51, v50  }
0x273: {  	v57 =	vld [tilespmem:s0+$0x13600]  }
0x274: {  	v58 =	vld [tilespmem:s0+$0x11680];
	v2 =	vadd.f32 v3, v2;
	v3 =	vmul.f32 v53, v52  }
0x275: {  	v59 =	vld [tilespmem:s0+$0x13680]  }
0x276: {  	v60 =	vld [tilespmem:s0+$0x11700];
	v2 =	vadd.f32 v3, v2;
	v3 =	vmul.f32 v55, v54  }
0x277: {  	s28 =	sor.u32 $0x1380, s23;
	v61 =	vld [tilespmem:s0+$0x13700]  }
0x278: {  	v62 =	vld [tilespmem:s28+$0x10400];
	v2 =	vadd.f32 v3, v2;
	v3 =	vmul.f32 v57, v56  }
0x279: {  	v63 =	vld [tilespmem:s28+$0x12400]  }
0x27a: {  	v2 =	vadd.f32 v3, v2;
	v3 =	vmul.f32 v59, v58;
	_ =	sdelay $0x1  }
0x27b: {  	p0 =	sne.s32 s11, $0x1F0;
	s8 =	simm.s32 $0x1400;
	v2 =	vadd.f32 v3, v2;
	v3 =	vmul.f32 v61, v60  }
0x27c: {  	s7 =	simm.s32 $0x8C00;
	s9 =	simm.s32 $0x1C00;
	s5 =	simm.s32 $0x12400  }
.Ltmp0:
0x27d: {  	s12 =	simm.s32 $0xA400;
	s13 =	simm.s32 $0x2C00;
	v2 =	vadd.f32 v3, v2;
	v3 =	vmul.f32 v63, v62;
	(pc) =	sbr.rel @p0 .LBB2_2-.Ltmp0, $4  }
0x27e: {  	s16 =	simm.s32 $0xB400;
	s6 =	simm.s32 $0x10400;
	s22 =	rddreg [dreg:$0x18]  }
0x27f: {  	s15 =	simm.s32 $0x3400;
	s25 =	rddreg [dreg:$0x1b];
	s22 =	sadd.s32 $0x10, s22;
	v2 =	vadd.f32 v3, v2  }
0x280: {  	s19 =	sadd.s32 $0x80, s19;
	s10 =	sadd.s32 $0x10, s10;
	s29 =	rddreg [dreg:$0x1a]  }
0x281: {  	s11 =	sadd.s32 $0x10, s11;
	s0 =	sadd.s32 $0x10, s29;
	s1 =	sadd.s32 $0x10, s25;
	[tilespmem:s29+$0x0] =	vst v2  }
0x282: {  	s0 =	rddreg [dreg:$0x12]  }
0x283: {  	s2 =	simm.s32 $0x1000;
	s3 =	simm.s32 $0x20000;
	s1 =	simm.s32 $0x4  }
0x284: {  	[hbm4b:s0+s2] =	stream.strided.scatter [tilespmem:s6], [sflag:$0x4], $0x2000, s3, s2, $0x38;
	[tilespmem:$0x14800] =	vst v63  }
0x285: {  	_ =	swait.ge [sflag:s1], $0x2000  }
0x286: {  	[sflag:s1] =	ssyncset.done $0x0  }
0x287: {  	s22 =	rddreg [dreg:$0x13];
	[sflag:s1] =	ssyncadd.s32 $0xFFFFE000  }
0x288: {  	[hbm4b:s22+s2] =	stream.strided.scatter [tilespmem:s5], [sflag:$0x4], $0x2000, s3, s2, $0x38;
	[tilespmem:$0x14800] =	vst v63  }
0x289: {  	_ =	swait.ge [sflag:s1], $0x2000  }
0x28a: {  	s10 =	simm.s32 $0x0;
	[sflag:s1] =	ssyncset.done $0x0  }
0x28b: {  	s11 =	simm.s32 $0x14400;
	s23 =	rddreg [dreg:$0x14];
	[sflag:s1] =	ssyncadd.s32 $0xFFFFE000  }
0x28c: {  	[hbm4b:s23+s10] =	stream.linear.scatter [tilespmem:s11], [sflag:$0x4], $0x200, $0x38;
	[tilespmem:$0x14800] =	vst v63  }
0x28d: {  	_ =	swait.ge [sflag:s1], $0x200  }
0x28e: {  	[sflag:s1] =	ssyncset.done $0x0  }
0x28f: {  	s25 =	simm.s32 $0x14600;
	s24 =	rddreg [dreg:$0x15];
	[sflag:s1] =	ssyncadd.s32 $0xFFFFFE00  }
0x290: {  	[hbm4b:s24+s10] =	stream.linear.scatter [tilespmem:s25], [sflag:$0x4], $0x200, $0x38;
	[tilespmem:$0x14800] =	vst v63  }
0x291: {  	_ =	swait.ge [sflag:s1], $0x200  }
0x292: {  	s28 =	rddreg [dreg:$0x17]  }
0x293: {  	s29 =	rddreg [dreg:$0x16];
	s2 =	sadd.s32 $0x1, s28  }
0x294: {  	p0 =	sne.s32 s2, s29  }
.Ltmp1:
0x295: {  	_ = 	snop;
	(pc) =	sbr.rel @p0 .LBB2_1-.Ltmp1, $3  }
0x296: {  	_ =	sdelay $0x1  }
0x297: {  	[sflag:s1] =	ssyncset.done $0x0  }
0x298: {  	[sflag:s1] =	ssyncadd.s32 $0xFFFFFE00  }
0x299: {  	_ =	sfence.sel $0x180000  }
0x29a: {  	[bflag:$0x0] =	sbarrier.arrive $0xFFFF  }
0x29b: {  	_ =	strace $0x90000047  }
0x29c: {  	s0 =	stileid.u32;
	[bflag:$0x2] =	sbarrier.arrive $0xFFFF  }
0x29d: {  	p0 =	sne.s32 s0, $0x0;
	s0 =	rddreg [dreg:$0x9]  }
0x29e: {  	s0 =	sadd.s32 @!p0 $0x100000, s0  }
0x29f: {  	[sflag:s0] =	ssyncadd.tile.s32 @!p0 $0x1;
	_ =	shalt  }
.Lfunc_end2:
_tile_overlayer_lowered:
.L_overlay_start_2:
0x2a0: {  	(tag) =	ssettag $0x2  }
0x2a1: {  	s0 =	rddreg [dreg:$0x0];
	s2 =	stileid.u32  }
0x2a2: {  	s1 =	rddreg [dreg:$0x1];
	p0 =	sne.s32 s2, $0x0  }
0x2a3: {  	s3 =	rddreg [dreg:$0x2];
	[bflag:$0x3] =	sbarrier.arrive $0xFFFF;
	s2 =	simm.s32 @!p0 $0x1C04  }
0x2a4: {  	[timem:s3], [sflag:s2] =	dma.local @!p0 [hbm:s0], s1  }
0x2a5: {  	s0 =	simm.s32 @!p0 $0x4  }
0x2a6: {  	_ =	swait.ge @!p0 [sflag:s0], s1  }
0x2a7: {  	s1 =	ssub.s32 @!p0 $0x0, s1;
	[sflag:s0] =	ssyncset.done @!p0 $0x0  }
0x2a8: {  	[sflag:s0] =	ssyncadd.s32 @!p0 s1  }
0x2a9: {  	[bflag:$0x3] =	sbarrier.arrive $0xFFFF  }
0x2aa: {  	_ =	shalt  }

</sc_bundles>
